<compile_context>
chip_gen: v7x
topology: tpu7x:2x2x1
jax: 0.10.2.dev20260603
libtpu: 0.0.44.dev20260713+nightly
codegen_flags: <defaults>
</compile_context>

<pallas_src>
import dataclasses
import functools

import numpy as np
import jax
import jax.numpy as jnp
from jax import lax
from jax.experimental import pallas as pl
from jax.experimental.pallas import tpu as pltpu
from jax.experimental.pallas import tpu_sc as plsc

NUM_ENT = 10000
NUM_REL = 200
E = 320000
D = 128
NF = 200
KS = 7
K_W = 8
K_H = 16
OWOH = 100
FLAT = NF * OWOH
FLATP = 20480
B = 1024

NPAD = 10240
NTILE = 16
BLK = 32
BLKD = 128
EPT = 20096
EPD = NTILE * EPT
ROWS_PT = NPAD // NTILE

_F32 = jnp.float32
_HI = lax.Precision.DEFAULT


def _sc_compiler_params():
    cp = pltpu.CompilerParams()
    if "needs_layout_passes" in pltpu.CompilerParams.__dataclass_fields__:
        cp = dataclasses.replace(cp, needs_layout_passes=False)
    return cp



def _sc_deg(rows):
    mesh = plsc.VectorSubcoreMesh(core_axis_name="c", subcore_axis_name="s")
    nblk = EPT // BLKD

    @functools.partial(
        pl.kernel,
        out_type=jax.ShapeDtypeStruct((2 * NPAD,), _F32),
        mesh=mesh,
        compiler_params=_sc_compiler_params(),
        scratch_types=[
            pltpu.VMEM((BLKD,), jnp.int32),
            pltpu.VMEM((BLKD,), jnp.int32),
            pltpu.VMEM((BLKD,), jnp.int32),
            pltpu.VMEM((BLKD,), jnp.int32),
            pltpu.VMEM((BLKD,), _F32),
            pltpu.VMEM((ROWS_PT,), _F32),
            pltpu.VMEM_SHARED((NPAD,), _F32),
            pltpu.SemaphoreType.DMA,
        ],
    )
    def k(rows_hbm, deg_hbm, row_b0, row_b1, row_b2, row_b3, ones_b, z_b,
          shared_deg, sem_i):
        c = lax.axis_index("c")
        s = lax.axis_index("s")
        base = c * EPD + s * EPT
        z16 = jnp.zeros((16,), _F32)

        @pl.loop(0, BLKD, step=16)
        def _(i):
            ones_b[pl.ds(i, 16)] = jnp.full((16,), 1.0, _F32)

        @pl.loop(0, ROWS_PT, step=16)
        def _(i):
            z_b[pl.ds(i, 16)] = z16

        pltpu.sync_copy(z_b, shared_deg.at[pl.ds(s * ROWS_PT, ROWS_PT)])
        plsc.subcore_barrier()

        rbs = (row_b0, row_b1, row_b2, row_b3)

        @pl.loop(0, nblk, step=4)
        def _(b):
            nq = jnp.minimum(nblk - b, 4)
            for j in range(4):
                @pl.when(j < nq)
                def _():
                    pltpu.async_copy(
                        rows_hbm.at[pl.ds(base + (b + j) * BLKD, BLKD)],
                        rbs[j], sem_i)
            for j in range(4):
                @pl.when(j < nq)
                def _():
                    pltpu.make_async_copy(
                        rows_hbm.at[pl.ds(base + (b + j) * BLKD, BLKD)],
                        rbs[j], sem_i).wait()
                    pltpu.sync_copy(ones_b, shared_deg.at[rbs[j]], add=True)

        plsc.subcore_barrier()
        pltpu.sync_copy(shared_deg.at[pl.ds(s * ROWS_PT, ROWS_PT)],
                        deg_hbm.at[pl.ds(c * NPAD + s * ROWS_PT, ROWS_PT)])

    return k(rows)


def _sc_msg(rows, cols, ets, ee, xs, rels):
    mesh = plsc.VectorSubcoreMesh(core_axis_name="c", subcore_axis_name="s")
    nblk = EPT // BLK

    nsets = 2

    @functools.partial(
        pl.kernel,
        out_type=jax.ShapeDtypeStruct((2 * NPAD, D), _F32),
        mesh=mesh,
        compiler_params=_sc_compiler_params(),
        scratch_types=(
            [pltpu.VMEM((BLK,), jnp.int32) for _ in range(3 * nsets)]
            + [pltpu.VMEM((BLK,), jnp.int32) for _ in range(nsets)]
            + [pltpu.VMEM((BLK, D), _F32) for _ in range(4 * nsets)]
            + [pltpu.VMEM_SHARED((NPAD, D), _F32)]
            + [pltpu.SemaphoreType.DMA for _ in range(3 * nsets)]
        ),
    )
    def k(rows_hbm, cols_hbm, ets_hbm, ee_hbm, xs_hbm, rels_hbm, agg_hbm,
          row0, col0, et0, row1, col1, et1, colsc0, colsc1,
          xg0, rg0, eg0, xm0, xg1, rg1, eg1, xm1,
          shared_agg,
          sem_i0, sem_i1, sem_g0, sem_g1, sem_s0, sem_s1):
        c = lax.axis_index("c")
        s = lax.axis_index("s")
        base = c * EPD + s * EPT
        sets = ((row0, col0, et0, colsc0, xg0, rg0, eg0, xm0, sem_i0, sem_g0, sem_s0),
                (row1, col1, et1, colsc1, xg1, rg1, eg1, xm1, sem_i1, sem_g1, sem_s1))
        z16 = jnp.zeros((16,), _F32)

        @pl.loop(0, BLK)
        def _(r):
            for dch in range(D // 16):
                xm0[r, pl.ds(dch * 16, 16)] = z16

        for kk in range(ROWS_PT // BLK):
            pltpu.sync_copy(xm0, shared_agg.at[pl.ds(s * ROWS_PT + kk * BLK, BLK)])
        plsc.subcore_barrier()

        def idx_start(q, b):
            row_b, col_b, et_b, _, _, _, _, _, sem_i, _, _ = sets[q]
            off = base + jnp.minimum(b, nblk - 1) * BLK
            pltpu.async_copy(rows_hbm.at[pl.ds(off, BLK)], row_b, sem_i)
            pltpu.async_copy(cols_hbm.at[pl.ds(off, BLK)], col_b, sem_i)
            pltpu.async_copy(ets_hbm.at[pl.ds(off, BLK)], et_b, sem_i)

        def idx_wait(q, b):
            row_b, col_b, et_b, _, _, _, _, _, sem_i, _, _ = sets[q]
            off = base + jnp.minimum(b, nblk - 1) * BLK
            pltpu.make_async_copy(rows_hbm.at[pl.ds(off, BLK)], row_b, sem_i).wait()
            pltpu.make_async_copy(cols_hbm.at[pl.ds(off, BLK)], col_b, sem_i).wait()
            pltpu.make_async_copy(ets_hbm.at[pl.ds(off, BLK)], et_b, sem_i).wait()

        def gather_start(q, b):
            row_b, _, et_b, _, xg, rg, eg, _, _, sem_g, _ = sets[q]
            pltpu.async_copy(xs_hbm.at[row_b], xg, sem_g)
            pltpu.async_copy(rels_hbm.at[et_b], rg, sem_g)
            eoff = c * E + jnp.minimum(s * EPT + b * BLK, E - BLK)
            pltpu.async_copy(ee_hbm.at[pl.ds(eoff, BLK)], eg, sem_g)

        def gather_wait(q, b):
            row_b, _, et_b, _, xg, rg, eg, _, _, sem_g, _ = sets[q]
            pltpu.make_async_copy(xs_hbm.at[row_b], xg, sem_g).wait()
            pltpu.make_async_copy(rels_hbm.at[et_b], rg, sem_g).wait()
            eoff = c * E + jnp.minimum(s * EPT + b * BLK, E - BLK)
            pltpu.make_async_copy(ee_hbm.at[pl.ds(eoff, BLK)], eg, sem_g).wait()

        def colsc_save(q):
            _, col_b, _, colsc, _, _, _, _, _, _, _ = sets[q]
            @pl.loop(0, BLK, step=16)
            def _(i):
                colsc[pl.ds(i, 16)] = col_b[pl.ds(i, 16)]

        def scatter_start(q):
            _, _, _, colsc, _, _, _, xm, _, _, sem_s = sets[q]
            pltpu.async_copy(xm, shared_agg.at[colsc], sem_s, add=True)

        def scatter_wait(q):
            _, _, _, colsc, _, _, _, xm, _, _, sem_s = sets[q]
            pltpu.make_async_copy(xm, shared_agg.at[colsc], sem_s).wait()

        def compute(q):
            _, _, _, _, xg, rg, eg, xm, _, _, _ = sets[q]
            @pl.loop(0, BLK)
            def _(r):
                for dch in range(D // 16):
                    sl = pl.ds(dch * 16, 16)
                    xm[r, sl] = xg[r, sl] * rg[r, sl] * eg[r, sl]

        for q in range(2):
            idx_start(q, q)
            idx_wait(q, q)
            gather_start(q, q)

        @pl.loop(0, nblk // 2)
        def _(bb):
            b0 = 2 * bb
            for q in range(2):
                b = b0 + q

                @pl.when(bb > 0)
                def _():
                    scatter_wait(q)
                colsc_save(q)
                gather_wait(q, b)
                idx_start(q, b + 2)
                compute(q)
                scatter_start(q)
                idx_wait(q, b + 2)

                @pl.when(b + 2 < nblk)
                def _():
                    gather_start(q, b + 2)

        scatter_wait(0)
        scatter_wait(1)

        plsc.subcore_barrier()
        for kk in range(ROWS_PT // BLK):
            r0 = s * ROWS_PT + kk * BLK
            pltpu.sync_copy(shared_agg.at[pl.ds(r0, BLK)],
                            agg_hbm.at[pl.ds(c * NPAD + r0, BLK)])

    return k(rows, cols, ets, ee, xs, rels)



def _sc_gather(all_ent, all_rel, src, rel):
    mesh = plsc.VectorSubcoreMesh(core_axis_name="c", subcore_axis_name="s")
    rows_pw = B // 32

    @functools.partial(
        pl.kernel,
        out_type=(jax.ShapeDtypeStruct((B, D), _F32),
                  jax.ShapeDtypeStruct((B, D), _F32)),
        mesh=mesh,
        scratch_types=[
            pltpu.VMEM((rows_pw,), jnp.int32),
            pltpu.VMEM((rows_pw, D), _F32),
            pltpu.SemaphoreType.DMA,
        ],
    )
    def k(ae_hbm, ar_hbm, src_hbm, rel_hbm, se_hbm, re_hbm, idx_v, rows_v, sem):
        c = lax.axis_index("c")
        s = lax.axis_index("s")
        wid = s * 2 + c
        b0 = wid * rows_pw
        pltpu.sync_copy(src_hbm.at[pl.ds(b0, rows_pw)], idx_v)
        pltpu.async_copy(ae_hbm.at[idx_v], rows_v, sem).wait()
        pltpu.sync_copy(rows_v, se_hbm.at[pl.ds(b0, rows_pw)])
        pltpu.sync_copy(rel_hbm.at[pl.ds(b0, rows_pw)], idx_v)
        pltpu.async_copy(ar_hbm.at[idx_v], rows_v, sem).wait()
        pltpu.sync_copy(rows_v, re_hbm.at[pl.ds(b0, rows_pw)])

    return k(all_ent, all_rel, src, rel)



def _tc_dinvscale(deg2, xp):
    nb = 2 * NPAD // 1024

    def body(deg_ref, x_ref, xs_ref, dv_ref):
        dg = deg_ref[...]
        dv = jnp.where(dg > 0.5, lax.rsqrt(jnp.maximum(dg, 1e-12)), 0.0)
        dv_ref[...] = dv
        xs_ref[...] = x_ref[...] * dv

    return pl.pallas_call(
        body,
        grid=(nb,),
        in_specs=[pl.BlockSpec((1024, 1), lambda i: (i, 0)),
                  pl.BlockSpec((1024, D), lambda i: (i % (NPAD // 1024), 0))],
        out_specs=[pl.BlockSpec((1024, D), lambda i: (i, 0)),
                   pl.BlockSpec((1024, 1), lambda i: (i, 0))],
        out_shape=[jax.ShapeDtypeStruct((2 * NPAD, D), _F32),
                   jax.ShapeDtypeStruct((2 * NPAD, 1), _F32)],
    )(deg2, xp)


def _tc_encoder(agg_in, agg_out, dv0, dv1, xp, coeff, wi, wo, wl):
    nb = NPAD // 1024

    def body(ai_ref, ao_ref, d0_ref, d1_ref, x_ref, cf_ref, wi_ref, wo_ref,
             wl_ref, pre_ref, st_ref):
        i = pl.program_id(0)
        xc = x_ref[...] * cf_ref[...]
        pre = (jnp.dot(ai_ref[...] * d0_ref[...], wi_ref[...],
                       preferred_element_type=_F32, precision=_HI)
               + jnp.dot(ao_ref[...] * d1_ref[...], wo_ref[...],
                         preferred_element_type=_F32, precision=_HI)
               + jnp.dot(xc, wl_ref[...], preferred_element_type=_F32,
                         precision=_HI)) * (1.0 / 3.0)
        pre_ref[...] = pre

        @pl.when(i == 0)
        def _():
            st_ref[...] = jnp.zeros_like(st_ref)

        st_ref[0:1, :] += jnp.sum(pre, axis=0, keepdims=True)
        st_ref[1:2, :] += jnp.sum(pre * pre, axis=0, keepdims=True)

    blk = pl.BlockSpec((1024, D), lambda i: (i, 0))
    dblk = pl.BlockSpec((1024, 1), lambda i: (i, 0))
    wblk = pl.BlockSpec((D, D), lambda i: (0, 0))
    return pl.pallas_call(
        body,
        grid=(nb,),
        in_specs=[blk, blk, dblk, dblk, blk, pl.BlockSpec((1, D), lambda i: (0, 0)),
                  wblk, wblk, wblk],
        out_specs=[blk, pl.BlockSpec((8, D), lambda i: (0, 0))],
        out_shape=[jax.ShapeDtypeStruct((NPAD, D), _F32),
                   jax.ShapeDtypeStruct((8, D), _F32)],
    )(agg_in, agg_out, dv0, dv1, xp, coeff, wi, wo, wl)


def _tc_entnorm(pre, bnpack):
    nb = NPAD // 1024

    def body(pre_ref, bn_ref, ae_ref):
        mean = bn_ref[0:1, :]
        gs = bn_ref[1:2, :]
        bb = bn_ref[2:3, :]
        ae_ref[...] = jnp.tanh((pre_ref[...] - mean) * gs + bb)

    blk = pl.BlockSpec((1024, D), lambda i: (i, 0))
    return pl.pallas_call(
        body,
        grid=(nb,),
        in_specs=[blk, pl.BlockSpec((8, D), lambda i: (0, 0))],
        out_specs=blk,
        out_shape=jax.ShapeDtypeStruct((NPAD, D), _F32),
    )(pre, bnpack)


def _tc_relmm(rels_pad, wr):
    def body(r_ref, w_ref, o_ref):
        o_ref[...] = jnp.dot(r_ref[...], w_ref[...], preferred_element_type=_F32,
                             precision=_HI)

    return pl.pallas_call(
        body,
        out_shape=jax.ShapeDtypeStruct((512, D), _F32),
    )(rels_pad, wr)


def _tc_convmm(cat, wc):
    nb = FLATP // 128

    def body(cat_ref, wc_ref, raw_ref, st_ref, cst_ref):
        j = pl.program_id(0)
        catv = cat_ref[...]
        raw = jnp.dot(catv, wc_ref[...], preferred_element_type=_F32,
                      precision=_HI)
        raw_ref[...] = raw
        st_ref[...] = jnp.concatenate(
            [jnp.sum(raw, axis=0, keepdims=True),
             jnp.sum(raw * raw, axis=0, keepdims=True),
             jnp.zeros((6, 128), _F32)], axis=0)

        @pl.when(j == 0)
        def _():
            cst_ref[...] = jnp.concatenate(
                [jnp.sum(catv, axis=0, keepdims=True),
                 jnp.sum(catv * catv, axis=0, keepdims=True),
                 jnp.zeros((6, 2 * D), _F32)], axis=0)

    return pl.pallas_call(
        body,
        grid=(nb,),
        in_specs=[pl.BlockSpec((B, 2 * D), lambda j: (0, 0)),
                  pl.BlockSpec((2 * D, 128), lambda j: (0, j))],
        out_specs=[pl.BlockSpec((B, 128), lambda j: (0, j)),
                   pl.BlockSpec((8, 128), lambda j: (0, j)),
                   pl.BlockSpec((8, 2 * D), lambda j: (0, 0))],
        out_shape=[jax.ShapeDtypeStruct((B, FLATP), _F32),
                   jax.ShapeDtypeStruct((8, FLATP), _F32),
                   jax.ShapeDtypeStruct((8, 2 * D), _F32)],
    )(cat, wc)


def _tc_fc(raw, ab, fcw2, fcb):
    nb = FLATP // 128

    def body(raw_ref, ab_ref, w_ref, fcb_ref, h_ref, st_ref):
        j = pl.program_id(0)
        h1 = jnp.maximum(raw_ref[...] * ab_ref[0:1, :] + ab_ref[1:2, :], 0.0)

        @pl.when(j == 0)
        def _():
            h_ref[...] = jnp.broadcast_to(fcb_ref[...], (B, D))

        h_ref[...] += jnp.dot(h1, w_ref[...], preferred_element_type=_F32,
                              precision=_HI)

        @pl.when(j == nb - 1)
        def _():
            h = h_ref[...]
            st_ref[...] = jnp.concatenate(
                [jnp.sum(h, axis=0, keepdims=True),
                 jnp.sum(h * h, axis=0, keepdims=True),
                 jnp.zeros((6, D), _F32)], axis=0)

    return pl.pallas_call(
        body,
        grid=(nb,),
        in_specs=[pl.BlockSpec((B, 128), lambda j: (0, j)),
                  pl.BlockSpec((8, 128), lambda j: (0, j)),
                  pl.BlockSpec((128, D), lambda j: (j, 0)),
                  pl.BlockSpec((1, D), lambda j: (0, 0))],
        out_specs=[pl.BlockSpec((B, D), lambda j: (0, 0)),
                   pl.BlockSpec((8, D), lambda j: (0, 0))],
        out_shape=[jax.ShapeDtypeStruct((B, D), _F32),
                   jax.ShapeDtypeStruct((8, D), _F32)],
    )(raw, ab, fcw2, fcb)


def _tc_score(h, bn2pack, all_ent, bias):
    nb = NPAD // 1024

    def body(h_ref, bn_ref, ae_ref, bias_ref, o_ref):
        h2 = jnp.maximum((h_ref[...] - bn_ref[0:1, :]) * bn_ref[1:2, :]
                         + bn_ref[2:3, :], 0.0)
        logits = lax.dot_general(h2, ae_ref[...], (((1,), (1,)), ((), ())),
                                 preferred_element_type=_F32, precision=_HI)
        o_ref[...] = jax.nn.sigmoid(logits + bias_ref[...])

    return pl.pallas_call(
        body,
        grid=(nb,),
        in_specs=[pl.BlockSpec((B, D), lambda j: (0, 0)),
                  pl.BlockSpec((8, D), lambda j: (0, 0)),
                  pl.BlockSpec((1024, D), lambda j: (j, 0)),
                  pl.BlockSpec((1, 1024), lambda j: (0, j))],
        out_specs=pl.BlockSpec((B, 1024), lambda j: (0, j)),
        out_shape=jax.ShapeDtypeStruct((B, NPAD), _F32),
    )(h, bn2pack, all_ent, bias)



def _conv_qidx():
    qidx = np.full((2 * D, OWOH), KS * KS, np.int32)
    for rowcat in range(2 * D):
        c, dd = rowcat // D, rowcat % D
        p = 2 * dd + c
        pi, pj = p // K_H, p % K_H
        for ij in range(OWOH):
            i, j = ij // 10, ij % 10
            ki, kj = pi - i, pj - j
            if 0 <= ki < KS and 0 <= kj < KS:
                qidx[rowcat, ij] = ki * KS + kj
    return qidx.reshape(-1)

_QIDX = _conv_qidx()



def kernel(src, rel, entity, edge_index, edge_norm, edge_type, edge_ids,
           entity_embedding, relation_embedding, edge_embeddings,
           in_weight, out_weight, loop_weight, rels_weight, loop_rel, loop_edge,
           ent_bn_g, ent_bn_b, bn0_g, bn0_b, bn1_g, bn1_b, bn2_g, bn2_b,
           conv_w, fc_w, fc_b, ent_bias):
    f32 = _F32
    half = E

    ei = edge_index.astype(jnp.int32)
    et = edge_type.astype(jnp.int32)

    def _pad_edges(v, fill):
        return jnp.pad(v, (0, EPD - E), constant_values=fill)

    rows_in = _pad_edges(ei[0, :half], NPAD - 1)
    rows_out = _pad_edges(ei[0, half:], NPAD - 1)
    rows = jnp.concatenate([rows_in, rows_out])
    rows_off = jnp.concatenate([rows_in, rows_out + NPAD])
    cols = jnp.concatenate([_pad_edges(ei[1, :half], NPAD - 1),
                            _pad_edges(ei[1, half:], NPAD - 1)])
    ets = jnp.concatenate([_pad_edges(et[:half], 0), _pad_edges(et[half:], 0)])

    xp = jnp.pad(entity_embedding.astype(f32), ((0, NPAD - NUM_ENT), (0, 0)))
    rels = jnp.concatenate([relation_embedding, loop_rel], axis=0).astype(f32)
    rels_pad = jnp.pad(rels, ((0, 512 - rels.shape[0]), (0, 0)))

    deg = _sc_deg(rows)
    xs, dvc = _tc_dinvscale(deg.reshape(2 * NPAD, 1), xp)

    agg = _sc_msg(rows_off, cols, ets, edge_embeddings.astype(f32), xs, rels_pad)
    agg_in, agg_out = agg[:NPAD], agg[NPAD:]

    coeff = (loop_rel * loop_edge).astype(f32)
    pre, st = _tc_encoder(agg_in, agg_out, dvc[:NPAD], dvc[NPAD:], xp, coeff,
                          in_weight.astype(f32), out_weight.astype(f32),
                          loop_weight.astype(f32))
    m = st[0] / NUM_ENT
    v = st[1] / NUM_ENT - m * m
    gs = ent_bn_g / jnp.sqrt(v + 1e-5)
    bnpack = jnp.zeros((8, D), f32).at[0].set(m).at[1].set(gs).at[2].set(ent_bn_b)
    all_ent = _tc_entnorm(pre, bnpack)

    all_rel = _tc_relmm(rels_pad, rels_weight.astype(f32))

    src_emb, rel_emb = _sc_gather(all_ent, all_rel, src.astype(jnp.int32),
                                  rel.astype(jnp.int32))
    cat = jnp.concatenate([src_emb, rel_emb], axis=1)

    cwT = conv_w.reshape(NF, KS * KS).T.astype(f32)
    cwT_ext = jnp.concatenate([cwT, jnp.zeros((1, NF), f32)], axis=0)
    wc = jnp.take(cwT_ext, jnp.asarray(_QIDX), axis=0).reshape(2 * D, FLAT)
    wc = jnp.pad(wc, ((0, 0), (0, FLATP - FLAT)))
    wsum = jnp.sum(wc, axis=0)

    raw, rst, cst = _tc_convmm(cat, wc)

    n0 = B * 2 * D
    s0 = jnp.sum(cst[0])
    s0sq = jnp.sum(cst[1])
    m0 = s0 / n0
    v0 = s0sq / n0 - m0 * m0
    a0 = bn0_g[0] / jnp.sqrt(v0 + 1e-5)
    c0 = bn0_b[0] - m0 * a0

    csum, csumsq = rst[0], rst[1]
    co_sum = a0 * csum + B * c0 * wsum
    co_sumsq = (a0 * a0 * csumsq + 2 * a0 * c0 * wsum * csum
                + B * (c0 * wsum) ** 2)
    g_sum = co_sum[:FLAT].reshape(OWOH, NF).sum(0)
    g_sumsq = co_sumsq[:FLAT].reshape(OWOH, NF).sum(0)
    n1 = B * OWOH
    m1 = g_sum / n1
    v1 = g_sumsq / n1 - m1 * m1
    alpha_f = bn1_g / jnp.sqrt(v1 + 1e-5)
    beta_f = bn1_b - m1 * alpha_f
    alpha = jnp.pad(jnp.tile(alpha_f * a0, OWOH), (0, FLATP - FLAT))
    beta = jnp.pad(jnp.tile(alpha_f, OWOH) * c0 * wsum[:FLAT]
                   + jnp.tile(beta_f, OWOH), (0, FLATP - FLAT))
    ab = jnp.zeros((8, FLATP), f32).at[0].set(alpha).at[1].set(beta)

    fc_w2 = fc_w.reshape(NF, OWOH, D).transpose(1, 0, 2).reshape(FLAT, D)
    fc_w2 = jnp.pad(fc_w2.astype(f32), ((0, FLATP - FLAT), (0, 0)))

    h, hst = _tc_fc(raw, ab, fc_w2, fc_b.reshape(1, D).astype(f32))

    m2 = hst[0] / B
    v2 = hst[1] / B - m2 * m2
    g2s = bn2_g / jnp.sqrt(v2 + 1e-5)
    bn2pack = jnp.zeros((8, D), f32).at[0].set(m2).at[1].set(g2s).at[2].set(bn2_b)

    bias = jnp.pad(ent_bias.reshape(1, NUM_ENT).astype(f32),
                   ((0, 0), (0, NPAD - NUM_ENT)))
    score = _tc_score(h, bn2pack, all_ent, bias)
    return score[:, :NUM_ENT]

# --- scband reference (transcript-rebuilt; emitter-appended) ---
"""Pipeline reference for scband-mgcn-50087908606117 (READ-ONLY COPY).

The authoritative reference and input builder live on the scoring server;
editing this copy changes nothing except your own understanding.
"""

import jax, jax.numpy as jnp
import numpy as np

NUM_ENT = 10000
NUM_REL = 200
NUM_EDGES = 320000
D = 128
NUM_FILTER = 200
KS = 7
K_W = 8
K_H = 16
FLAT_SZ = (2 * K_W - KS + 1) * (K_H - KS + 1) * NUM_FILTER
B = 1024
E2 = 2 * NUM_EDGES


def _bn(x, g, b, axes, shape):
    m = jnp.mean(x, axis=axes, keepdims=True)
    v = jnp.var(x, axis=axes, keepdims=True)
    return (x - m) / jnp.sqrt(v + 1e-5) * g.reshape(shape) + b.reshape(shape)


def setup_inputs(seed: int = 0):
    key = jax.random.key(seed)
    ks = jax.random.split(key, 24)
    return {
        "src": jax.random.randint(ks[0], (B,), 0, NUM_ENT),
        "rel": jax.random.randint(ks[1], (B,), 0, 2 * NUM_REL),
        "entity": jnp.arange(NUM_ENT),
        "edge_index": jax.random.randint(ks[2], (2, E2), 0, NUM_ENT),
        "edge_norm": jax.random.uniform(ks[3], (E2,)),
        "edge_type": jax.random.randint(ks[4], (E2,), 0, 2 * NUM_REL),
        "edge_ids": jnp.arange(E2),
        "entity_embedding": jax.random.normal(ks[5], (NUM_ENT, D)) * 0.1,
        "relation_embedding": jax.random.normal(ks[6], (2 * NUM_REL, D)) * 0.1,
        "edge_embeddings": jax.random.normal(ks[7], (E2, D)) * 0.1,
        "in_weight": jax.random.normal(ks[8], (D, D)) * 0.1,
        "out_weight": jax.random.normal(ks[9], (D, D)) * 0.1,
        "loop_weight": jax.random.normal(ks[10], (D, D)) * 0.1,
        "rels_weight": jax.random.normal(ks[11], (D, D)) * 0.1,
        "loop_rel": jax.random.normal(ks[12], (1, D)) * 0.1,
        "loop_edge": jax.random.normal(ks[13], (1, D)) * 0.1,
        "ent_bn_g": jnp.ones((D,)), "ent_bn_b": jnp.zeros((D,)),
        "bn0_g": jnp.ones((1,)), "bn0_b": jnp.zeros((1,)),
        "bn1_g": jnp.ones((NUM_FILTER,)), "bn1_b": jnp.zeros((NUM_FILTER,)),
        "bn2_g": jnp.ones((D,)), "bn2_b": jnp.zeros((D,)),
        "conv_w": jax.random.normal(ks[14], (NUM_FILTER, 1, KS, KS)) * 0.1,
        "fc_w": jax.random.normal(ks[15], (FLAT_SZ, D)) * 0.01,
        "fc_b": jnp.zeros((D,)),
        "ent_bias": jnp.zeros((NUM_ENT,)),
    }


def reference(src, rel, entity, edge_index, edge_norm, edge_type, edge_ids,
              entity_embedding, relation_embedding, edge_embeddings,
              in_weight, out_weight, loop_weight, rels_weight, loop_rel, loop_edge,
              ent_bn_g, ent_bn_b, bn0_g, bn0_b, bn1_g, bn1_b, bn2_g, bn2_b,
              conv_w, fc_w, fc_b, ent_bias):
    # MGCN forward (eval: dropouts are identity; batchnorm uses batch stats as in train-mode forward)
    x = entity_embedding[entity]
    eembs = edge_embeddings[edge_ids]
    rels = jnp.concatenate([relation_embedding, loop_rel], axis=0)
    half = edge_type.shape[0] // 2
    n = x.shape[0]

    def compute_norm(ei):
        row, col = ei[0], ei[1]
        deg = jax.ops.segment_sum(jnp.ones((row.shape[0],), jnp.float32), row, num_segments=n)
        dinv = jnp.where(deg > 0, 1.0 / jnp.sqrt(jnp.maximum(deg, 1e-12)), 0.0)
        return dinv[row] * dinv[col]

    def prop(ei, etype, ee, w, norm):
        m = (x[ei[0]] * rels[etype] * ee) @ w
        return jax.ops.segment_sum(m * norm[:, None], ei[1], num_segments=n)

    in_ei = edge_index[:, :half]
    out_ei = edge_index[:, half:]
    in_res = prop(in_ei, edge_type[:half], eembs[:half], in_weight, compute_norm(in_ei))
    out_res = prop(out_ei, edge_type[half:], eembs[half:], out_weight, compute_norm(out_ei))
    loop_res = (x * rels[-1] * loop_edge) @ loop_weight
    out = (in_res + out_res + loop_res) / 3.0
    all_ent = jnp.tanh(_bn(out, ent_bn_g, ent_bn_b, 0, (1, D)))
    all_rel = (rels @ rels_weight)[:-1]

    src_emb = all_ent[src]
    rel_emb = all_rel[rel]
    # ConvE decoder
    stack = jnp.stack([src_emb, rel_emb], axis=1)              # [B, 2, D]
    stack = jnp.transpose(stack, (0, 2, 1)).reshape(-1, 1, 2 * K_W, K_H)
    h = _bn(stack, bn0_g, bn0_b, (0, 2, 3), (1, 1, 1, 1))
    h = jax.lax.conv_general_dilated(h, conv_w, (1, 1), 'VALID',
                                     dimension_numbers=('NCHW', 'OIHW', 'NCHW'))
    h = _bn(h, bn1_g, bn1_b, (0, 2, 3), (1, NUM_FILTER, 1, 1))
    h = jax.nn.relu(h)
    h = h.reshape(-1, FLAT_SZ)
    h = h @ fc_w + fc_b
    h = _bn(h, bn2_g, bn2_b, 0, (1, D))
    h = jax.nn.relu(h)
    score = jax.nn.sigmoid(h @ all_ent.T + ent_bias[None, :])
    return score

if __name__ == "__main__":
    import jax
    _d = setup_inputs()
    print(jax.jit(kernel)(*tuple(_d.values())))

</pallas_src>

<mosaic_0001>
#map = affine_map<(d0, d1) -> (0)>
#map1 = affine_map<(d0, d1) -> (0, 0)>
module attributes {stable_mosaic.version = 14 : i64} {
  func.func @k(%arg0: i32, %arg1: i32, %arg2: memref<643072xi32, #tpu.memory_space<hbm>>, %arg3: memref<643072xi32, #tpu.memory_space<hbm>>, %arg4: memref<643072xi32, #tpu.memory_space<hbm>>, %arg5: memref<640000x128xf32, #tpu.memory_space<hbm>>, %arg6: memref<20480x128xf32, #tpu.memory_space<hbm>>, %arg7: memref<512x128xf32, #tpu.memory_space<hbm>>, %arg8: memref<20480x128xf32, #tpu.memory_space<hbm>>, %arg9: memref<32xi32, #tpu.memory_space<vmem>>, %arg10: memref<32xi32, #tpu.memory_space<vmem>>, %arg11: memref<32xi32, #tpu.memory_space<vmem>>, %arg12: memref<32xi32, #tpu.memory_space<vmem>>, %arg13: memref<32xi32, #tpu.memory_space<vmem>>, %arg14: memref<32xi32, #tpu.memory_space<vmem>>, %arg15: memref<32xi32, #tpu.memory_space<vmem>>, %arg16: memref<32xi32, #tpu.memory_space<vmem>>, %arg17: memref<32x128xf32, #tpu.memory_space<vmem>>, %arg18: memref<32x128xf32, #tpu.memory_space<vmem>>, %arg19: memref<32x128xf32, #tpu.memory_space<vmem>>, %arg20: memref<32x128xf32, #tpu.memory_space<vmem>>, %arg21: memref<32x128xf32, #tpu.memory_space<vmem>>, %arg22: memref<32x128xf32, #tpu.memory_space<vmem>>, %arg23: memref<32x128xf32, #tpu.memory_space<vmem>>, %arg24: memref<32x128xf32, #tpu.memory_space<vmem>>, %arg25: memref<10240x128xf32, #tpu.memory_space<vmem_shared>>, %arg26: memref<!tpu.dma_semaphore, #tpu.memory_space<semaphore_mem>>, %arg27: memref<!tpu.dma_semaphore, #tpu.memory_space<semaphore_mem>>, %arg28: memref<!tpu.dma_semaphore, #tpu.memory_space<semaphore_mem>>, %arg29: memref<!tpu.dma_semaphore, #tpu.memory_space<semaphore_mem>>, %arg30: memref<!tpu.dma_semaphore, #tpu.memory_space<semaphore_mem>>, %arg31: memref<!tpu.dma_semaphore, #tpu.memory_space<semaphore_mem>>) attributes {dimension_semantics = [#tpu.dimension_semantics<core_parallel>, #tpu.dimension_semantics<subcore_parallel>], iteration_bounds = array<i64: 2, 16>, scalar_prefetch = 0 : i64, scratch_operands = 23 : i64, tpu.core_type = #tpu.core_type<sc_vector_subcore>, window_params = [{transform_indices = #map}, {transform_indices = #map}, {transform_indices = #map}, {transform_indices = #map1}, {transform_indices = #map1}, {transform_indices = #map1}, {transform_indices = #map1}]} {
    %mul3A = arith.constant 321536 : i32
    %mul3A_0 = arith.muli %arg0, %mul3A : i32
    %mul3A_1 = arith.constant 20096 : i32
    %mul3A_2 = arith.muli %arg1, %mul3A_1 : i32
    %add3A = arith.addi %mul3A_0, %mul3A_2 : i32
    %broadcast_in_dim3A = arith.constant 0.000000e+00 : f32
    %broadcast_in_dim3A_3 = vector.broadcast %broadcast_in_dim3A : f32 to vector<16xf32>
    %scan3A = arith.constant 0 : i32
    %scan3A_4 = arith.constant 32 : i32
    %scan3A_5 = arith.addi %scan3A, %scan3A_4 : i32
    %scan3A_6 = arith.constant 1 : i32
    scf.for %scan3A_323 = %scan3A to %scan3A_5 step %scan3A_6  : i32 {
      %mul3A_324 = arith.constant 1 : i32
      %mul3A_325 = arith.muli %scan3A_323, %mul3A_324 : i32
      %add3A_326 = arith.constant 0 : i32
      %add3A_327 = arith.addi %add3A_326, %mul3A_325 : i32
      %swap3A = arith.index_cast %add3A_327 : i32 to index
      %swap3A_328 = arith.constant 0 : index
      %swap3A_329 = tpu.vector_load %arg20[%swap3A, %swap3A_328] {strides = array<i32>} : memref<32x128xf32, #tpu.memory_space<vmem>>, vector<16xf32>,
      tpu.vector_store %arg20[%swap3A, %swap3A_328], %broadcast_in_dim3A_3 {strides = array<i32>} : memref<32x128xf32, #tpu.memory_space<vmem>>, vector<16xf32>,
      %swap3A_330 = arith.index_cast %add3A_327 : i32 to index
      %swap3A_331 = arith.constant 16 : index
      %swap3A_332 = tpu.vector_load %arg20[%swap3A_330, %swap3A_331] {strides = array<i32>} : memref<32x128xf32, #tpu.memory_space<vmem>>, vector<16xf32>,
      tpu.vector_store %arg20[%swap3A_330, %swap3A_331], %broadcast_in_dim3A_3 {strides = array<i32>} : memref<32x128xf32, #tpu.memory_space<vmem>>, vector<16xf32>,
      %swap3A_333 = arith.index_cast %add3A_327 : i32 to index
      %swap3A_334 = arith.constant 32 : index
      %swap3A_335 = tpu.vector_load %arg20[%swap3A_333, %swap3A_334] {strides = array<i32>} : memref<32x128xf32, #tpu.memory_space<vmem>>, vector<16xf32>,
      tpu.vector_store %arg20[%swap3A_333, %swap3A_334], %broadcast_in_dim3A_3 {strides = array<i32>} : memref<32x128xf32, #tpu.memory_space<vmem>>, vector<16xf32>,
      %swap3A_336 = arith.index_cast %add3A_327 : i32 to index
      %swap3A_337 = arith.constant 48 : index
      %swap3A_338 = tpu.vector_load %arg20[%swap3A_336, %swap3A_337] {strides = array<i32>} : memref<32x128xf32, #tpu.memory_space<vmem>>, vector<16xf32>,
      tpu.vector_store %arg20[%swap3A_336, %swap3A_337], %broadcast_in_dim3A_3 {strides = array<i32>} : memref<32x128xf32, #tpu.memory_space<vmem>>, vector<16xf32>,
      %swap3A_339 = arith.index_cast %add3A_327 : i32 to index
      %swap3A_340 = arith.constant 64 : index
      %swap3A_341 = tpu.vector_load %arg20[%swap3A_339, %swap3A_340] {strides = array<i32>} : memref<32x128xf32, #tpu.memory_space<vmem>>, vector<16xf32>,
      tpu.vector_store %arg20[%swap3A_339, %swap3A_340], %broadcast_in_dim3A_3 {strides = array<i32>} : memref<32x128xf32, #tpu.memory_space<vmem>>, vector<16xf32>,
      %swap3A_342 = arith.index_cast %add3A_327 : i32 to index
      %swap3A_343 = arith.constant 80 : index
      %swap3A_344 = tpu.vector_load %arg20[%swap3A_342, %swap3A_343] {strides = array<i32>} : memref<32x128xf32, #tpu.memory_space<vmem>>, vector<16xf32>,
      tpu.vector_store %arg20[%swap3A_342, %swap3A_343], %broadcast_in_dim3A_3 {strides = array<i32>} : memref<32x128xf32, #tpu.memory_space<vmem>>, vector<16xf32>,
      %swap3A_345 = arith.index_cast %add3A_327 : i32 to index
      %swap3A_346 = arith.constant 96 : index
      %swap3A_347 = tpu.vector_load %arg20[%swap3A_345, %swap3A_346] {strides = array<i32>} : memref<32x128xf32, #tpu.memory_space<vmem>>, vector<16xf32>,
      tpu.vector_store %arg20[%swap3A_345, %swap3A_346], %broadcast_in_dim3A_3 {strides = array<i32>} : memref<32x128xf32, #tpu.memory_space<vmem>>, vector<16xf32>,
      %swap3A_348 = arith.index_cast %add3A_327 : i32 to index
      %swap3A_349 = arith.constant 112 : index
      %swap3A_350 = tpu.vector_load %arg20[%swap3A_348, %swap3A_349] {strides = array<i32>} : memref<32x128xf32, #tpu.memory_space<vmem>>, vector<16xf32>,
      tpu.vector_store %arg20[%swap3A_348, %swap3A_349], %broadcast_in_dim3A_3 {strides = array<i32>} : memref<32x128xf32, #tpu.memory_space<vmem>>, vector<16xf32>,
    }
    %scan3A_7 = arith.constant 32 : i32
    %mul3A_8 = arith.constant 640 : i32
    %mul3A_9 = arith.muli %arg1, %mul3A_8 : i32
    %add3A_10 = arith.constant 0 : i32
    %add3A_11 = arith.addi %mul3A_9, %add3A_10 : i32
    "tpu.region"() ({
      %run_scoped3A = tpu.sem_alloc : memref<!tpu.dma_semaphore, #tpu.memory_space<semaphore_mem>>
      %dma_start3A_323 = arith.constant 0 : i32
      %dma_start3A_324 = tpu.memref_slice %arg25[%add3A_11, %dma_start3A_323] : memref<10240x128xf32, #tpu.memory_space<vmem_shared>> -> memref<32x128xf32, #tpu.memory_space<vmem_shared>>
      %dma_start3A_325 = arith.constant 0 : i32
      %dma_start3A_326 = tpu.memref_slice %arg25[%add3A_11, %dma_start3A_325] : memref<10240x128xf32, #tpu.memory_space<vmem_shared>> -> memref<32x128xf32, #tpu.memory_space<vmem_shared>>
      tpu.enqueue_dma source(%arg20 : memref<32x128xf32, #tpu.memory_space<vmem>>) target(%dma_start3A_326 : memref<32x128xf32, #tpu.memory_space<vmem_shared>>) target_semaphore(%run_scoped3A : memref<!tpu.dma_semaphore, #tpu.memory_space<semaphore_mem>>)
      %dma_wait3A_327 = arith.constant 0 : i32
      %dma_wait3A_328 = tpu.memref_slice %arg25[%add3A_11, %dma_wait3A_327] : memref<10240x128xf32, #tpu.memory_space<vmem_shared>> -> memref<32x128xf32, #tpu.memory_space<vmem_shared>>
      %dma_wait3A_329 = arith.constant 0 : i32
      %dma_wait3A_330 = tpu.memref_slice %arg25[%add3A_11, %dma_wait3A_329] : memref<10240x128xf32, #tpu.memory_space<vmem_shared>> -> memref<32x128xf32, #tpu.memory_space<vmem_shared>>
      tpu.wait_dma2 semaphore(%run_scoped3A : memref<!tpu.dma_semaphore, #tpu.memory_space<semaphore_mem>>) src(%arg20 : memref<32x128xf32, #tpu.memory_space<vmem>>) dst(%dma_wait3A_330 : memref<32x128xf32, #tpu.memory_space<vmem_shared>>)
      tpu.yield
    }) : () -> ()
    %mul3A_12 = arith.constant 640 : i32
    %mul3A_13 = arith.muli %arg1, %mul3A_12 : i32
    %add3A_14 = arith.constant 32 : i32
    %add3A_15 = arith.addi %mul3A_13, %add3A_14 : i32
    "tpu.region"() ({
      %run_scoped3A = tpu.sem_alloc : memref<!tpu.dma_semaphore, #tpu.memory_space<semaphore_mem>>
      %dma_start3A_323 = arith.constant 0 : i32
      %dma_start3A_324 = tpu.memref_slice %arg25[%add3A_15, %dma_start3A_323] : memref<10240x128xf32, #tpu.memory_space<vmem_shared>> -> memref<32x128xf32, #tpu.memory_space<vmem_shared>>
      %dma_start3A_325 = arith.constant 0 : i32
      %dma_start3A_326 = tpu.memref_slice %arg25[%add3A_15, %dma_start3A_325] : memref<10240x128xf32, #tpu.memory_space<vmem_shared>> -> memref<32x128xf32, #tpu.memory_space<vmem_shared>>
      tpu.enqueue_dma source(%arg20 : memref<32x128xf32, #tpu.memory_space<vmem>>) target(%dma_start3A_326 : memref<32x128xf32, #tpu.memory_space<vmem_shared>>) target_semaphore(%run_scoped3A : memref<!tpu.dma_semaphore, #tpu.memory_space<semaphore_mem>>)
      %dma_wait3A_327 = arith.constant 0 : i32
      %dma_wait3A_328 = tpu.memref_slice %arg25[%add3A_15, %dma_wait3A_327] : memref<10240x128xf32, #tpu.memory_space<vmem_shared>> -> memref<32x128xf32, #tpu.memory_space<vmem_shared>>
      %dma_wait3A_329 = arith.constant 0 : i32
      %dma_wait3A_330 = tpu.memref_slice %arg25[%add3A_15, %dma_wait3A_329] : memref<10240x128xf32, #tpu.memory_space<vmem_shared>> -> memref<32x128xf32, #tpu.memory_space<vmem_shared>>
      tpu.wait_dma2 semaphore(%run_scoped3A : memref<!tpu.dma_semaphore, #tpu.memory_space<semaphore_mem>>) src(%arg20 : memref<32x128xf32, #tpu.memory_space<vmem>>) dst(%dma_wait3A_330 : memref<32x128xf32, #tpu.memory_space<vmem_shared>>)
      tpu.yield
    }) : () -> ()
    %mul3A_16 = arith.constant 640 : i32
    %mul3A_17 = arith.muli %arg1, %mul3A_16 : i32
    %add3A_18 = arith.constant 64 : i32
    %add3A_19 = arith.addi %mul3A_17, %add3A_18 : i32
    "tpu.region"() ({
      %run_scoped3A = tpu.sem_alloc : memref<!tpu.dma_semaphore, #tpu.memory_space<semaphore_mem>>
      %dma_start3A_323 = arith.constant 0 : i32
      %dma_start3A_324 = tpu.memref_slice %arg25[%add3A_19, %dma_start3A_323] : memref<10240x128xf32, #tpu.memory_space<vmem_shared>> -> memref<32x128xf32, #tpu.memory_space<vmem_shared>>
      %dma_start3A_325 = arith.constant 0 : i32
      %dma_start3A_326 = tpu.memref_slice %arg25[%add3A_19, %dma_start3A_325] : memref<10240x128xf32, #tpu.memory_space<vmem_shared>> -> memref<32x128xf32, #tpu.memory_space<vmem_shared>>
      tpu.enqueue_dma source(%arg20 : memref<32x128xf32, #tpu.memory_space<vmem>>) target(%dma_start3A_326 : memref<32x128xf32, #tpu.memory_space<vmem_shared>>) target_semaphore(%run_scoped3A : memref<!tpu.dma_semaphore, #tpu.memory_space<semaphore_mem>>)
      %dma_wait3A_327 = arith.constant 0 : i32
      %dma_wait3A_328 = tpu.memref_slice %arg25[%add3A_19, %dma_wait3A_327] : memref<10240x128xf32, #tpu.memory_space<vmem_shared>> -> memref<32x128xf32, #tpu.memory_space<vmem_shared>>
      %dma_wait3A_329 = arith.constant 0 : i32
      %dma_wait3A_330 = tpu.memref_slice %arg25[%add3A_19, %dma_wait3A_329] : memref<10240x128xf32, #tpu.memory_space<vmem_shared>> -> memref<32x128xf32, #tpu.memory_space<vmem_shared>>
      tpu.wait_dma2 semaphore(%run_scoped3A : memref<!tpu.dma_semaphore, #tpu.memory_space<semaphore_mem>>) src(%arg20 : memref<32x128xf32, #tpu.memory_space<vmem>>) dst(%dma_wait3A_330 : memref<32x128xf32, #tpu.memory_space<vmem_shared>>)
      tpu.yield
    }) : () -> ()
    %mul3A_20 = arith.constant 640 : i32
    %mul3A_21 = arith.muli %arg1, %mul3A_20 : i32
    %add3A_22 = arith.constant 96 : i32
    %add3A_23 = arith.addi %mul3A_21, %add3A_22 : i32
    "tpu.region"() ({
      %run_scoped3A = tpu.sem_alloc : memref<!tpu.dma_semaphore, #tpu.memory_space<semaphore_mem>>
      %dma_start3A_323 = arith.constant 0 : i32
      %dma_start3A_324 = tpu.memref_slice %arg25[%add3A_23, %dma_start3A_323] : memref<10240x128xf32, #tpu.memory_space<vmem_shared>> -> memref<32x128xf32, #tpu.memory_space<vmem_shared>>
      %dma_start3A_325 = arith.constant 0 : i32
      %dma_start3A_326 = tpu.memref_slice %arg25[%add3A_23, %dma_start3A_325] : memref<10240x128xf32, #tpu.memory_space<vmem_shared>> -> memref<32x128xf32, #tpu.memory_space<vmem_shared>>
      tpu.enqueue_dma source(%arg20 : memref<32x128xf32, #tpu.memory_space<vmem>>) target(%dma_start3A_326 : memref<32x128xf32, #tpu.memory_space<vmem_shared>>) target_semaphore(%run_scoped3A : memref<!tpu.dma_semaphore, #tpu.memory_space<semaphore_mem>>)
      %dma_wait3A_327 = arith.constant 0 : i32
      %dma_wait3A_328 = tpu.memref_slice %arg25[%add3A_23, %dma_wait3A_327] : memref<10240x128xf32, #tpu.memory_space<vmem_shared>> -> memref<32x128xf32, #tpu.memory_space<vmem_shared>>
      %dma_wait3A_329 = arith.constant 0 : i32
      %dma_wait3A_330 = tpu.memref_slice %arg25[%add3A_23, %dma_wait3A_329] : memref<10240x128xf32, #tpu.memory_space<vmem_shared>> -> memref<32x128xf32, #tpu.memory_space<vmem_shared>>
      tpu.wait_dma2 semaphore(%run_scoped3A : memref<!tpu.dma_semaphore, #tpu.memory_space<semaphore_mem>>) src(%arg20 : memref<32x128xf32, #tpu.memory_space<vmem>>) dst(%dma_wait3A_330 : memref<32x128xf32, #tpu.memory_space<vmem_shared>>)
      tpu.yield
    }) : () -> ()
    %mul3A_24 = arith.constant 640 : i32
    %mul3A_25 = arith.muli %arg1, %mul3A_24 : i32
    %add3A_26 = arith.constant 128 : i32
    %add3A_27 = arith.addi %mul3A_25, %add3A_26 : i32
    "tpu.region"() ({
      %run_scoped3A = tpu.sem_alloc : memref<!tpu.dma_semaphore, #tpu.memory_space<semaphore_mem>>
      %dma_start3A_323 = arith.constant 0 : i32
      %dma_start3A_324 = tpu.memref_slice %arg25[%add3A_27, %dma_start3A_323] : memref<10240x128xf32, #tpu.memory_space<vmem_shared>> -> memref<32x128xf32, #tpu.memory_space<vmem_shared>>
      %dma_start3A_325 = arith.constant 0 : i32
      %dma_start3A_326 = tpu.memref_slice %arg25[%add3A_27, %dma_start3A_325] : memref<10240x128xf32, #tpu.memory_space<vmem_shared>> -> memref<32x128xf32, #tpu.memory_space<vmem_shared>>
      tpu.enqueue_dma source(%arg20 : memref<32x128xf32, #tpu.memory_space<vmem>>) target(%dma_start3A_326 : memref<32x128xf32, #tpu.memory_space<vmem_shared>>) target_semaphore(%run_scoped3A : memref<!tpu.dma_semaphore, #tpu.memory_space<semaphore_mem>>)
      %dma_wait3A_327 = arith.constant 0 : i32
      %dma_wait3A_328 = tpu.memref_slice %arg25[%add3A_27, %dma_wait3A_327] : memref<10240x128xf32, #tpu.memory_space<vmem_shared>> -> memref<32x128xf32, #tpu.memory_space<vmem_shared>>
      %dma_wait3A_329 = arith.constant 0 : i32
      %dma_wait3A_330 = tpu.memref_slice %arg25[%add3A_27, %dma_wait3A_329] : memref<10240x128xf32, #tpu.memory_space<vmem_shared>> -> memref<32x128xf32, #tpu.memory_space<vmem_shared>>
      tpu.wait_dma2 semaphore(%run_scoped3A : memref<!tpu.dma_semaphore, #tpu.memory_space<semaphore_mem>>) src(%arg20 : memref<32x128xf32, #tpu.memory_space<vmem>>) dst(%dma_wait3A_330 : memref<32x128xf32, #tpu.memory_space<vmem_shared>>)
      tpu.yield
    }) : () -> ()
    %mul3A_28 = arith.constant 640 : i32
    %mul3A_29 = arith.muli %arg1, %mul3A_28 : i32
    %add3A_30 = arith.constant 160 : i32
    %add3A_31 = arith.addi %mul3A_29, %add3A_30 : i32
    "tpu.region"() ({
      %run_scoped3A = tpu.sem_alloc : memref<!tpu.dma_semaphore, #tpu.memory_space<semaphore_mem>>
      %dma_start3A_323 = arith.constant 0 : i32
      %dma_start3A_324 = tpu.memref_slice %arg25[%add3A_31, %dma_start3A_323] : memref<10240x128xf32, #tpu.memory_space<vmem_shared>> -> memref<32x128xf32, #tpu.memory_space<vmem_shared>>
      %dma_start3A_325 = arith.constant 0 : i32
      %dma_start3A_326 = tpu.memref_slice %arg25[%add3A_31, %dma_start3A_325] : memref<10240x128xf32, #tpu.memory_space<vmem_shared>> -> memref<32x128xf32, #tpu.memory_space<vmem_shared>>
      tpu.enqueue_dma source(%arg20 : memref<32x128xf32, #tpu.memory_space<vmem>>) target(%dma_start3A_326 : memref<32x128xf32, #tpu.memory_space<vmem_shared>>) target_semaphore(%run_scoped3A : memref<!tpu.dma_semaphore, #tpu.memory_space<semaphore_mem>>)
      %dma_wait3A_327 = arith.constant 0 : i32
      %dma_wait3A_328 = tpu.memref_slice %arg25[%add3A_31, %dma_wait3A_327] : memref<10240x128xf32, #tpu.memory_space<vmem_shared>> -> memref<32x128xf32, #tpu.memory_space<vmem_shared>>
      %dma_wait3A_329 = arith.constant 0 : i32
      %dma_wait3A_330 = tpu.memref_slice %arg25[%add3A_31, %dma_wait3A_329] : memref<10240x128xf32, #tpu.memory_space<vmem_shared>> -> memref<32x128xf32, #tpu.memory_space<vmem_shared>>
      tpu.wait_dma2 semaphore(%run_scoped3A : memref<!tpu.dma_semaphore, #tpu.memory_space<semaphore_mem>>) src(%arg20 : memref<32x128xf32, #tpu.memory_space<vmem>>) dst(%dma_wait3A_330 : memref<32x128xf32, #tpu.memory_space<vmem_shared>>)
      tpu.yield
    }) : () -> ()
    %mul3A_32 = arith.constant 640 : i32
    %mul3A_33 = arith.muli %arg1, %mul3A_32 : i32
    %add3A_34 = arith.constant 192 : i32
    %add3A_35 = arith.addi %mul3A_33, %add3A_34 : i32
    "tpu.region"() ({
      %run_scoped3A = tpu.sem_alloc : memref<!tpu.dma_semaphore, #tpu.memory_space<semaphore_mem>>
      %dma_start3A_323 = arith.constant 0 : i32
      %dma_start3A_324 = tpu.memref_slice %arg25[%add3A_35, %dma_start3A_323] : memref<10240x128xf32, #tpu.memory_space<vmem_shared>> -> memref<32x128xf32, #tpu.memory_space<vmem_shared>>
      %dma_start3A_325 = arith.constant 0 : i32
      %dma_start3A_326 = tpu.memref_slice %arg25[%add3A_35, %dma_start3A_325] : memref<10240x128xf32, #tpu.memory_space<vmem_shared>> -> memref<32x128xf32, #tpu.memory_space<vmem_shared>>
      tpu.enqueue_dma source(%arg20 : memref<32x128xf32, #tpu.memory_space<vmem>>) target(%dma_start3A_326 : memref<32x128xf32, #tpu.memory_space<vmem_shared>>) target_semaphore(%run_scoped3A : memref<!tpu.dma_semaphore, #tpu.memory_space<semaphore_mem>>)
      %dma_wait3A_327 = arith.constant 0 : i32
      %dma_wait3A_328 = tpu.memref_slice %arg25[%add3A_35, %dma_wait3A_327] : memref<10240x128xf32, #tpu.memory_space<vmem_shared>> -> memref<32x128xf32, #tpu.memory_space<vmem_shared>>
      %dma_wait3A_329 = arith.constant 0 : i32
      %dma_wait3A_330 = tpu.memref_slice %arg25[%add3A_35, %dma_wait3A_329] : memref<10240x128xf32, #tpu.memory_space<vmem_shared>> -> memref<32x128xf32, #tpu.memory_space<vmem_shared>>
      tpu.wait_dma2 semaphore(%run_scoped3A : memref<!tpu.dma_semaphore, #tpu.memory_space<semaphore_mem>>) src(%arg20 : memref<32x128xf32, #tpu.memory_space<vmem>>) dst(%dma_wait3A_330 : memref<32x128xf32, #tpu.memory_space<vmem_shared>>)
      tpu.yield
    }) : () -> ()
    %mul3A_36 = arith.constant 640 : i32
    %mul3A_37 = arith.muli %arg1, %mul3A_36 : i32
    %add3A_38 = arith.constant 224 : i32
    %add3A_39 = arith.addi %mul3A_37, %add3A_38 : i32
    "tpu.region"() ({
      %run_scoped3A = tpu.sem_alloc : memref<!tpu.dma_semaphore, #tpu.memory_space<semaphore_mem>>
      %dma_start3A_323 = arith.constant 0 : i32
      %dma_start3A_324 = tpu.memref_slice %arg25[%add3A_39, %dma_start3A_323] : memref<10240x128xf32, #tpu.memory_space<vmem_shared>> -> memref<32x128xf32, #tpu.memory_space<vmem_shared>>
      %dma_start3A_325 = arith.constant 0 : i32
      %dma_start3A_326 = tpu.memref_slice %arg25[%add3A_39, %dma_start3A_325] : memref<10240x128xf32, #tpu.memory_space<vmem_shared>> -> memref<32x128xf32, #tpu.memory_space<vmem_shared>>
      tpu.enqueue_dma source(%arg20 : memref<32x128xf32, #tpu.memory_space<vmem>>) target(%dma_start3A_326 : memref<32x128xf32, #tpu.memory_space<vmem_shared>>) target_semaphore(%run_scoped3A : memref<!tpu.dma_semaphore, #tpu.memory_space<semaphore_mem>>)
      %dma_wait3A_327 = arith.constant 0 : i32
      %dma_wait3A_328 = tpu.memref_slice %arg25[%add3A_39, %dma_wait3A_327] : memref<10240x128xf32, #tpu.memory_space<vmem_shared>> -> memref<32x128xf32, #tpu.memory_space<vmem_shared>>
      %dma_wait3A_329 = arith.constant 0 : i32
      %dma_wait3A_330 = tpu.memref_slice %arg25[%add3A_39, %dma_wait3A_329] : memref<10240x128xf32, #tpu.memory_space<vmem_shared>> -> memref<32x128xf32, #tpu.memory_space<vmem_shared>>
      tpu.wait_dma2 semaphore(%run_scoped3A : memref<!tpu.dma_semaphore, #tpu.memory_space<semaphore_mem>>) src(%arg20 : memref<32x128xf32, #tpu.memory_space<vmem>>) dst(%dma_wait3A_330 : memref<32x128xf32, #tpu.memory_space<vmem_shared>>)
      tpu.yield
    }) : () -> ()
    %mul3A_40 = arith.constant 640 : i32
    %mul3A_41 = arith.muli %arg1, %mul3A_40 : i32
    %add3A_42 = arith.constant 256 : i32
    %add3A_43 = arith.addi %mul3A_41, %add3A_42 : i32
    "tpu.region"() ({
      %run_scoped3A = tpu.sem_alloc : memref<!tpu.dma_semaphore, #tpu.memory_space<semaphore_mem>>
      %dma_start3A_323 = arith.constant 0 : i32
      %dma_start3A_324 = tpu.memref_slice %arg25[%add3A_43, %dma_start3A_323] : memref<10240x128xf32, #tpu.memory_space<vmem_shared>> -> memref<32x128xf32, #tpu.memory_space<vmem_shared>>
      %dma_start3A_325 = arith.constant 0 : i32
      %dma_start3A_326 = tpu.memref_slice %arg25[%add3A_43, %dma_start3A_325] : memref<10240x128xf32, #tpu.memory_space<vmem_shared>> -> memref<32x128xf32, #tpu.memory_space<vmem_shared>>
      tpu.enqueue_dma source(%arg20 : memref<32x128xf32, #tpu.memory_space<vmem>>) target(%dma_start3A_326 : memref<32x128xf32, #tpu.memory_space<vmem_shared>>) target_semaphore(%run_scoped3A : memref<!tpu.dma_semaphore, #tpu.memory_space<semaphore_mem>>)
      %dma_wait3A_327 = arith.constant 0 : i32
      %dma_wait3A_328 = tpu.memref_slice %arg25[%add3A_43, %dma_wait3A_327] : memref<10240x128xf32, #tpu.memory_space<vmem_shared>> -> memref<32x128xf32, #tpu.memory_space<vmem_shared>>
      %dma_wait3A_329 = arith.constant 0 : i32
      %dma_wait3A_330 = tpu.memref_slice %arg25[%add3A_43, %dma_wait3A_329] : memref<10240x128xf32, #tpu.memory_space<vmem_shared>> -> memref<32x128xf32, #tpu.memory_space<vmem_shared>>
      tpu.wait_dma2 semaphore(%run_scoped3A : memref<!tpu.dma_semaphore, #tpu.memory_space<semaphore_mem>>) src(%arg20 : memref<32x128xf32, #tpu.memory_space<vmem>>) dst(%dma_wait3A_330 : memref<32x128xf32, #tpu.memory_space<vmem_shared>>)
      tpu.yield
    }) : () -> ()
    %mul3A_44 = arith.constant 640 : i32
    %mul3A_45 = arith.muli %arg1, %mul3A_44 : i32
    %add3A_46 = arith.constant 288 : i32
    %add3A_47 = arith.addi %mul3A_45, %add3A_46 : i32
    "tpu.region"() ({
      %run_scoped3A = tpu.sem_alloc : memref<!tpu.dma_semaphore, #tpu.memory_space<semaphore_mem>>
      %dma_start3A_323 = arith.constant 0 : i32
      %dma_start3A_324 = tpu.memref_slice %arg25[%add3A_47, %dma_start3A_323] : memref<10240x128xf32, #tpu.memory_space<vmem_shared>> -> memref<32x128xf32, #tpu.memory_space<vmem_shared>>
      %dma_start3A_325 = arith.constant 0 : i32
      %dma_start3A_326 = tpu.memref_slice %arg25[%add3A_47, %dma_start3A_325] : memref<10240x128xf32, #tpu.memory_space<vmem_shared>> -> memref<32x128xf32, #tpu.memory_space<vmem_shared>>
      tpu.enqueue_dma source(%arg20 : memref<32x128xf32, #tpu.memory_space<vmem>>) target(%dma_start3A_326 : memref<32x128xf32, #tpu.memory_space<vmem_shared>>) target_semaphore(%run_scoped3A : memref<!tpu.dma_semaphore, #tpu.memory_space<semaphore_mem>>)
      %dma_wait3A_327 = arith.constant 0 : i32
      %dma_wait3A_328 = tpu.memref_slice %arg25[%add3A_47, %dma_wait3A_327] : memref<10240x128xf32, #tpu.memory_space<vmem_shared>> -> memref<32x128xf32, #tpu.memory_space<vmem_shared>>
      %dma_wait3A_329 = arith.constant 0 : i32
      %dma_wait3A_330 = tpu.memref_slice %arg25[%add3A_47, %dma_wait3A_329] : memref<10240x128xf32, #tpu.memory_space<vmem_shared>> -> memref<32x128xf32, #tpu.memory_space<vmem_shared>>
      tpu.wait_dma2 semaphore(%run_scoped3A : memref<!tpu.dma_semaphore, #tpu.memory_space<semaphore_mem>>) src(%arg20 : memref<32x128xf32, #tpu.memory_space<vmem>>) dst(%dma_wait3A_330 : memref<32x128xf32, #tpu.memory_space<vmem_shared>>)
      tpu.yield
    }) : () -> ()
    %mul3A_48 = arith.constant 640 : i32
    %mul3A_49 = arith.muli %arg1, %mul3A_48 : i32
    %add3A_50 = arith.constant 320 : i32
    %add3A_51 = arith.addi %mul3A_49, %add3A_50 : i32
    "tpu.region"() ({
      %run_scoped3A = tpu.sem_alloc : memref<!tpu.dma_semaphore, #tpu.memory_space<semaphore_mem>>
      %dma_start3A_323 = arith.constant 0 : i32
      %dma_start3A_324 = tpu.memref_slice %arg25[%add3A_51, %dma_start3A_323] : memref<10240x128xf32, #tpu.memory_space<vmem_shared>> -> memref<32x128xf32, #tpu.memory_space<vmem_shared>>
      %dma_start3A_325 = arith.constant 0 : i32
      %dma_start3A_326 = tpu.memref_slice %arg25[%add3A_51, %dma_start3A_325] : memref<10240x128xf32, #tpu.memory_space<vmem_shared>> -> memref<32x128xf32, #tpu.memory_space<vmem_shared>>
      tpu.enqueue_dma source(%arg20 : memref<32x128xf32, #tpu.memory_space<vmem>>) target(%dma_start3A_326 : memref<32x128xf32, #tpu.memory_space<vmem_shared>>) target_semaphore(%run_scoped3A : memref<!tpu.dma_semaphore, #tpu.memory_space<semaphore_mem>>)
      %dma_wait3A_327 = arith.constant 0 : i32
      %dma_wait3A_328 = tpu.memref_slice %arg25[%add3A_51, %dma_wait3A_327] : memref<10240x128xf32, #tpu.memory_space<vmem_shared>> -> memref<32x128xf32, #tpu.memory_space<vmem_shared>>
      %dma_wait3A_329 = arith.constant 0 : i32
      %dma_wait3A_330 = tpu.memref_slice %arg25[%add3A_51, %dma_wait3A_329] : memref<10240x128xf32, #tpu.memory_space<vmem_shared>> -> memref<32x128xf32, #tpu.memory_space<vmem_shared>>
      tpu.wait_dma2 semaphore(%run_scoped3A : memref<!tpu.dma_semaphore, #tpu.memory_space<semaphore_mem>>) src(%arg20 : memref<32x128xf32, #tpu.memory_space<vmem>>) dst(%dma_wait3A_330 : memref<32x128xf32, #tpu.memory_space<vmem_shared>>)
      tpu.yield
    }) : () -> ()
    %mul3A_52 = arith.constant 640 : i32
    %mul3A_53 = arith.muli %arg1, %mul3A_52 : i32
    %add3A_54 = arith.constant 352 : i32
    %add3A_55 = arith.addi %mul3A_53, %add3A_54 : i32
    "tpu.region"() ({
      %run_scoped3A = tpu.sem_alloc : memref<!tpu.dma_semaphore, #tpu.memory_space<semaphore_mem>>
      %dma_start3A_323 = arith.constant 0 : i32
      %dma_start3A_324 = tpu.memref_slice %arg25[%add3A_55, %dma_start3A_323] : memref<10240x128xf32, #tpu.memory_space<vmem_shared>> -> memref<32x128xf32, #tpu.memory_space<vmem_shared>>
      %dma_start3A_325 = arith.constant 0 : i32
      %dma_start3A_326 = tpu.memref_slice %arg25[%add3A_55, %dma_start3A_325] : memref<10240x128xf32, #tpu.memory_space<vmem_shared>> -> memref<32x128xf32, #tpu.memory_space<vmem_shared>>
      tpu.enqueue_dma source(%arg20 : memref<32x128xf32, #tpu.memory_space<vmem>>) target(%dma_start3A_326 : memref<32x128xf32, #tpu.memory_space<vmem_shared>>) target_semaphore(%run_scoped3A : memref<!tpu.dma_semaphore, #tpu.memory_space<semaphore_mem>>)
      %dma_wait3A_327 = arith.constant 0 : i32
      %dma_wait3A_328 = tpu.memref_slice %arg25[%add3A_55, %dma_wait3A_327] : memref<10240x128xf32, #tpu.memory_space<vmem_shared>> -> memref<32x128xf32, #tpu.memory_space<vmem_shared>>
      %dma_wait3A_329 = arith.constant 0 : i32
      %dma_wait3A_330 = tpu.memref_slice %arg25[%add3A_55, %dma_wait3A_329] : memref<10240x128xf32, #tpu.memory_space<vmem_shared>> -> memref<32x128xf32, #tpu.memory_space<vmem_shared>>
      tpu.wait_dma2 semaphore(%run_scoped3A : memref<!tpu.dma_semaphore, #tpu.memory_space<semaphore_mem>>) src(%arg20 : memref<32x128xf32, #tpu.memory_space<vmem>>) dst(%dma_wait3A_330 : memref<32x128xf32, #tpu.memory_space<vmem_shared>>)
      tpu.yield
    }) : () -> ()
    %mul3A_56 = arith.constant 640 : i32
    %mul3A_57 = arith.muli %arg1, %mul3A_56 : i32
    %add3A_58 = arith.constant 384 : i32
    %add3A_59 = arith.addi %mul3A_57, %add3A_58 : i32
    "tpu.region"() ({
      %run_scoped3A = tpu.sem_alloc : memref<!tpu.dma_semaphore, #tpu.memory_space<semaphore_mem>>
      %dma_start3A_323 = arith.constant 0 : i32
      %dma_start3A_324 = tpu.memref_slice %arg25[%add3A_59, %dma_start3A_323] : memref<10240x128xf32, #tpu.memory_space<vmem_shared>> -> memref<32x128xf32, #tpu.memory_space<vmem_shared>>
      %dma_start3A_325 = arith.constant 0 : i32
      %dma_start3A_326 = tpu.memref_slice %arg25[%add3A_59, %dma_start3A_325] : memref<10240x128xf32, #tpu.memory_space<vmem_shared>> -> memref<32x128xf32, #tpu.memory_space<vmem_shared>>
      tpu.enqueue_dma source(%arg20 : memref<32x128xf32, #tpu.memory_space<vmem>>) target(%dma_start3A_326 : memref<32x128xf32, #tpu.memory_space<vmem_shared>>) target_semaphore(%run_scoped3A : memref<!tpu.dma_semaphore, #tpu.memory_space<semaphore_mem>>)
      %dma_wait3A_327 = arith.constant 0 : i32
      %dma_wait3A_328 = tpu.memref_slice %arg25[%add3A_59, %dma_wait3A_327] : memref<10240x128xf32, #tpu.memory_space<vmem_shared>> -> memref<32x128xf32, #tpu.memory_space<vmem_shared>>
      %dma_wait3A_329 = arith.constant 0 : i32
      %dma_wait3A_330 = tpu.memref_slice %arg25[%add3A_59, %dma_wait3A_329] : memref<10240x128xf32, #tpu.memory_space<vmem_shared>> -> memref<32x128xf32, #tpu.memory_space<vmem_shared>>
      tpu.wait_dma2 semaphore(%run_scoped3A : memref<!tpu.dma_semaphore, #tpu.memory_space<semaphore_mem>>) src(%arg20 : memref<32x128xf32, #tpu.memory_space<vmem>>) dst(%dma_wait3A_330 : memref<32x128xf32, #tpu.memory_space<vmem_shared>>)
      tpu.yield
    }) : () -> ()
    %mul3A_60 = arith.constant 640 : i32
    %mul3A_61 = arith.muli %arg1, %mul3A_60 : i32
    %add3A_62 = arith.constant 416 : i32
    %add3A_63 = arith.addi %mul3A_61, %add3A_62 : i32
    "tpu.region"() ({
      %run_scoped3A = tpu.sem_alloc : memref<!tpu.dma_semaphore, #tpu.memory_space<semaphore_mem>>
      %dma_start3A_323 = arith.constant 0 : i32
      %dma_start3A_324 = tpu.memref_slice %arg25[%add3A_63, %dma_start3A_323] : memref<10240x128xf32, #tpu.memory_space<vmem_shared>> -> memref<32x128xf32, #tpu.memory_space<vmem_shared>>
      %dma_start3A_325 = arith.constant 0 : i32
      %dma_start3A_326 = tpu.memref_slice %arg25[%add3A_63, %dma_start3A_325] : memref<10240x128xf32, #tpu.memory_space<vmem_shared>> -> memref<32x128xf32, #tpu.memory_space<vmem_shared>>
      tpu.enqueue_dma source(%arg20 : memref<32x128xf32, #tpu.memory_space<vmem>>) target(%dma_start3A_326 : memref<32x128xf32, #tpu.memory_space<vmem_shared>>) target_semaphore(%run_scoped3A : memref<!tpu.dma_semaphore, #tpu.memory_space<semaphore_mem>>)
      %dma_wait3A_327 = arith.constant 0 : i32
      %dma_wait3A_328 = tpu.memref_slice %arg25[%add3A_63, %dma_wait3A_327] : memref<10240x128xf32, #tpu.memory_space<vmem_shared>> -> memref<32x128xf32, #tpu.memory_space<vmem_shared>>
      %dma_wait3A_329 = arith.constant 0 : i32
      %dma_wait3A_330 = tpu.memref_slice %arg25[%add3A_63, %dma_wait3A_329] : memref<10240x128xf32, #tpu.memory_space<vmem_shared>> -> memref<32x128xf32, #tpu.memory_space<vmem_shared>>
      tpu.wait_dma2 semaphore(%run_scoped3A : memref<!tpu.dma_semaphore, #tpu.memory_space<semaphore_mem>>) src(%arg20 : memref<32x128xf32, #tpu.memory_space<vmem>>) dst(%dma_wait3A_330 : memref<32x128xf32, #tpu.memory_space<vmem_shared>>)
      tpu.yield
    }) : () -> ()
    %mul3A_64 = arith.constant 640 : i32
    %mul3A_65 = arith.muli %arg1, %mul3A_64 : i32
    %add3A_66 = arith.constant 448 : i32
    %add3A_67 = arith.addi %mul3A_65, %add3A_66 : i32
    "tpu.region"() ({
      %run_scoped3A = tpu.sem_alloc : memref<!tpu.dma_semaphore, #tpu.memory_space<semaphore_mem>>
      %dma_start3A_323 = arith.constant 0 : i32
      %dma_start3A_324 = tpu.memref_slice %arg25[%add3A_67, %dma_start3A_323] : memref<10240x128xf32, #tpu.memory_space<vmem_shared>> -> memref<32x128xf32, #tpu.memory_space<vmem_shared>>
      %dma_start3A_325 = arith.constant 0 : i32
      %dma_start3A_326 = tpu.memref_slice %arg25[%add3A_67, %dma_start3A_325] : memref<10240x128xf32, #tpu.memory_space<vmem_shared>> -> memref<32x128xf32, #tpu.memory_space<vmem_shared>>
      tpu.enqueue_dma source(%arg20 : memref<32x128xf32, #tpu.memory_space<vmem>>) target(%dma_start3A_326 : memref<32x128xf32, #tpu.memory_space<vmem_shared>>) target_semaphore(%run_scoped3A : memref<!tpu.dma_semaphore, #tpu.memory_space<semaphore_mem>>)
      %dma_wait3A_327 = arith.constant 0 : i32
      %dma_wait3A_328 = tpu.memref_slice %arg25[%add3A_67, %dma_wait3A_327] : memref<10240x128xf32, #tpu.memory_space<vmem_shared>> -> memref<32x128xf32, #tpu.memory_space<vmem_shared>>
      %dma_wait3A_329 = arith.constant 0 : i32
      %dma_wait3A_330 = tpu.memref_slice %arg25[%add3A_67, %dma_wait3A_329] : memref<10240x128xf32, #tpu.memory_space<vmem_shared>> -> memref<32x128xf32, #tpu.memory_space<vmem_shared>>
      tpu.wait_dma2 semaphore(%run_scoped3A : memref<!tpu.dma_semaphore, #tpu.memory_space<semaphore_mem>>) src(%arg20 : memref<32x128xf32, #tpu.memory_space<vmem>>) dst(%dma_wait3A_330 : memref<32x128xf32, #tpu.memory_space<vmem_shared>>)
      tpu.yield
    }) : () -> ()
    %mul3A_68 = arith.constant 640 : i32
    %mul3A_69 = arith.muli %arg1, %mul3A_68 : i32
    %add3A_70 = arith.constant 480 : i32
    %add3A_71 = arith.addi %mul3A_69, %add3A_70 : i32
    "tpu.region"() ({
      %run_scoped3A = tpu.sem_alloc : memref<!tpu.dma_semaphore, #tpu.memory_space<semaphore_mem>>
      %dma_start3A_323 = arith.constant 0 : i32
      %dma_start3A_324 = tpu.memref_slice %arg25[%add3A_71, %dma_start3A_323] : memref<10240x128xf32, #tpu.memory_space<vmem_shared>> -> memref<32x128xf32, #tpu.memory_space<vmem_shared>>
      %dma_start3A_325 = arith.constant 0 : i32
      %dma_start3A_326 = tpu.memref_slice %arg25[%add3A_71, %dma_start3A_325] : memref<10240x128xf32, #tpu.memory_space<vmem_shared>> -> memref<32x128xf32, #tpu.memory_space<vmem_shared>>
      tpu.enqueue_dma source(%arg20 : memref<32x128xf32, #tpu.memory_space<vmem>>) target(%dma_start3A_326 : memref<32x128xf32, #tpu.memory_space<vmem_shared>>) target_semaphore(%run_scoped3A : memref<!tpu.dma_semaphore, #tpu.memory_space<semaphore_mem>>)
      %dma_wait3A_327 = arith.constant 0 : i32
      %dma_wait3A_328 = tpu.memref_slice %arg25[%add3A_71, %dma_wait3A_327] : memref<10240x128xf32, #tpu.memory_space<vmem_shared>> -> memref<32x128xf32, #tpu.memory_space<vmem_shared>>
      %dma_wait3A_329 = arith.constant 0 : i32
      %dma_wait3A_330 = tpu.memref_slice %arg25[%add3A_71, %dma_wait3A_329] : memref<10240x128xf32, #tpu.memory_space<vmem_shared>> -> memref<32x128xf32, #tpu.memory_space<vmem_shared>>
      tpu.wait_dma2 semaphore(%run_scoped3A : memref<!tpu.dma_semaphore, #tpu.memory_space<semaphore_mem>>) src(%arg20 : memref<32x128xf32, #tpu.memory_space<vmem>>) dst(%dma_wait3A_330 : memref<32x128xf32, #tpu.memory_space<vmem_shared>>)
      tpu.yield
    }) : () -> ()
    %mul3A_72 = arith.constant 640 : i32
    %mul3A_73 = arith.muli %arg1, %mul3A_72 : i32
    %add3A_74 = arith.constant 512 : i32
    %add3A_75 = arith.addi %mul3A_73, %add3A_74 : i32
    "tpu.region"() ({
      %run_scoped3A = tpu.sem_alloc : memref<!tpu.dma_semaphore, #tpu.memory_space<semaphore_mem>>
      %dma_start3A_323 = arith.constant 0 : i32
      %dma_start3A_324 = tpu.memref_slice %arg25[%add3A_75, %dma_start3A_323] : memref<10240x128xf32, #tpu.memory_space<vmem_shared>> -> memref<32x128xf32, #tpu.memory_space<vmem_shared>>
      %dma_start3A_325 = arith.constant 0 : i32
      %dma_start3A_326 = tpu.memref_slice %arg25[%add3A_75, %dma_start3A_325] : memref<10240x128xf32, #tpu.memory_space<vmem_shared>> -> memref<32x128xf32, #tpu.memory_space<vmem_shared>>
      tpu.enqueue_dma source(%arg20 : memref<32x128xf32, #tpu.memory_space<vmem>>) target(%dma_start3A_326 : memref<32x128xf32, #tpu.memory_space<vmem_shared>>) target_semaphore(%run_scoped3A : memref<!tpu.dma_semaphore, #tpu.memory_space<semaphore_mem>>)
      %dma_wait3A_327 = arith.constant 0 : i32
      %dma_wait3A_328 = tpu.memref_slice %arg25[%add3A_75, %dma_wait3A_327] : memref<10240x128xf32, #tpu.memory_space<vmem_shared>> -> memref<32x128xf32, #tpu.memory_space<vmem_shared>>
      %dma_wait3A_329 = arith.constant 0 : i32
      %dma_wait3A_330 = tpu.memref_slice %arg25[%add3A_75, %dma_wait3A_329] : memref<10240x128xf32, #tpu.memory_space<vmem_shared>> -> memref<32x128xf32, #tpu.memory_space<vmem_shared>>
      tpu.wait_dma2 semaphore(%run_scoped3A : memref<!tpu.dma_semaphore, #tpu.memory_space<semaphore_mem>>) src(%arg20 : memref<32x128xf32, #tpu.memory_space<vmem>>) dst(%dma_wait3A_330 : memref<32x128xf32, #tpu.memory_space<vmem_shared>>)
      tpu.yield
    }) : () -> ()
    %mul3A_76 = arith.constant 640 : i32
    %mul3A_77 = arith.muli %arg1, %mul3A_76 : i32
    %add3A_78 = arith.constant 544 : i32
    %add3A_79 = arith.addi %mul3A_77, %add3A_78 : i32
    "tpu.region"() ({
      %run_scoped3A = tpu.sem_alloc : memref<!tpu.dma_semaphore, #tpu.memory_space<semaphore_mem>>
      %dma_start3A_323 = arith.constant 0 : i32
      %dma_start3A_324 = tpu.memref_slice %arg25[%add3A_79, %dma_start3A_323] : memref<10240x128xf32, #tpu.memory_space<vmem_shared>> -> memref<32x128xf32, #tpu.memory_space<vmem_shared>>
      %dma_start3A_325 = arith.constant 0 : i32
      %dma_start3A_326 = tpu.memref_slice %arg25[%add3A_79, %dma_start3A_325] : memref<10240x128xf32, #tpu.memory_space<vmem_shared>> -> memref<32x128xf32, #tpu.memory_space<vmem_shared>>
      tpu.enqueue_dma source(%arg20 : memref<32x128xf32, #tpu.memory_space<vmem>>) target(%dma_start3A_326 : memref<32x128xf32, #tpu.memory_space<vmem_shared>>) target_semaphore(%run_scoped3A : memref<!tpu.dma_semaphore, #tpu.memory_space<semaphore_mem>>)
      %dma_wait3A_327 = arith.constant 0 : i32
      %dma_wait3A_328 = tpu.memref_slice %arg25[%add3A_79, %dma_wait3A_327] : memref<10240x128xf32, #tpu.memory_space<vmem_shared>> -> memref<32x128xf32, #tpu.memory_space<vmem_shared>>
      %dma_wait3A_329 = arith.constant 0 : i32
      %dma_wait3A_330 = tpu.memref_slice %arg25[%add3A_79, %dma_wait3A_329] : memref<10240x128xf32, #tpu.memory_space<vmem_shared>> -> memref<32x128xf32, #tpu.memory_space<vmem_shared>>
      tpu.wait_dma2 semaphore(%run_scoped3A : memref<!tpu.dma_semaphore, #tpu.memory_space<semaphore_mem>>) src(%arg20 : memref<32x128xf32, #tpu.memory_space<vmem>>) dst(%dma_wait3A_330 : memref<32x128xf32, #tpu.memory_space<vmem_shared>>)
      tpu.yield
    }) : () -> ()
    %mul3A_80 = arith.constant 640 : i32
    %mul3A_81 = arith.muli %arg1, %mul3A_80 : i32
    %add3A_82 = arith.constant 576 : i32
    %add3A_83 = arith.addi %mul3A_81, %add3A_82 : i32
    "tpu.region"() ({
      %run_scoped3A = tpu.sem_alloc : memref<!tpu.dma_semaphore, #tpu.memory_space<semaphore_mem>>
      %dma_start3A_323 = arith.constant 0 : i32
      %dma_start3A_324 = tpu.memref_slice %arg25[%add3A_83, %dma_start3A_323] : memref<10240x128xf32, #tpu.memory_space<vmem_shared>> -> memref<32x128xf32, #tpu.memory_space<vmem_shared>>
      %dma_start3A_325 = arith.constant 0 : i32
      %dma_start3A_326 = tpu.memref_slice %arg25[%add3A_83, %dma_start3A_325] : memref<10240x128xf32, #tpu.memory_space<vmem_shared>> -> memref<32x128xf32, #tpu.memory_space<vmem_shared>>
      tpu.enqueue_dma source(%arg20 : memref<32x128xf32, #tpu.memory_space<vmem>>) target(%dma_start3A_326 : memref<32x128xf32, #tpu.memory_space<vmem_shared>>) target_semaphore(%run_scoped3A : memref<!tpu.dma_semaphore, #tpu.memory_space<semaphore_mem>>)
      %dma_wait3A_327 = arith.constant 0 : i32
      %dma_wait3A_328 = tpu.memref_slice %arg25[%add3A_83, %dma_wait3A_327] : memref<10240x128xf32, #tpu.memory_space<vmem_shared>> -> memref<32x128xf32, #tpu.memory_space<vmem_shared>>
      %dma_wait3A_329 = arith.constant 0 : i32
      %dma_wait3A_330 = tpu.memref_slice %arg25[%add3A_83, %dma_wait3A_329] : memref<10240x128xf32, #tpu.memory_space<vmem_shared>> -> memref<32x128xf32, #tpu.memory_space<vmem_shared>>
      tpu.wait_dma2 semaphore(%run_scoped3A : memref<!tpu.dma_semaphore, #tpu.memory_space<semaphore_mem>>) src(%arg20 : memref<32x128xf32, #tpu.memory_space<vmem>>) dst(%dma_wait3A_330 : memref<32x128xf32, #tpu.memory_space<vmem_shared>>)
      tpu.yield
    }) : () -> ()
    %mul3A_84 = arith.constant 640 : i32
    %mul3A_85 = arith.muli %arg1, %mul3A_84 : i32
    %add3A_86 = arith.constant 608 : i32
    %add3A_87 = arith.addi %mul3A_85, %add3A_86 : i32
    "tpu.region"() ({
      %run_scoped3A = tpu.sem_alloc : memref<!tpu.dma_semaphore, #tpu.memory_space<semaphore_mem>>
      %dma_start3A_323 = arith.constant 0 : i32
      %dma_start3A_324 = tpu.memref_slice %arg25[%add3A_87, %dma_start3A_323] : memref<10240x128xf32, #tpu.memory_space<vmem_shared>> -> memref<32x128xf32, #tpu.memory_space<vmem_shared>>
      %dma_start3A_325 = arith.constant 0 : i32
      %dma_start3A_326 = tpu.memref_slice %arg25[%add3A_87, %dma_start3A_325] : memref<10240x128xf32, #tpu.memory_space<vmem_shared>> -> memref<32x128xf32, #tpu.memory_space<vmem_shared>>
      tpu.enqueue_dma source(%arg20 : memref<32x128xf32, #tpu.memory_space<vmem>>) target(%dma_start3A_326 : memref<32x128xf32, #tpu.memory_space<vmem_shared>>) target_semaphore(%run_scoped3A : memref<!tpu.dma_semaphore, #tpu.memory_space<semaphore_mem>>)
      %dma_wait3A_327 = arith.constant 0 : i32
      %dma_wait3A_328 = tpu.memref_slice %arg25[%add3A_87, %dma_wait3A_327] : memref<10240x128xf32, #tpu.memory_space<vmem_shared>> -> memref<32x128xf32, #tpu.memory_space<vmem_shared>>
      %dma_wait3A_329 = arith.constant 0 : i32
      %dma_wait3A_330 = tpu.memref_slice %arg25[%add3A_87, %dma_wait3A_329] : memref<10240x128xf32, #tpu.memory_space<vmem_shared>> -> memref<32x128xf32, #tpu.memory_space<vmem_shared>>
      tpu.wait_dma2 semaphore(%run_scoped3A : memref<!tpu.dma_semaphore, #tpu.memory_space<semaphore_mem>>) src(%arg20 : memref<32x128xf32, #tpu.memory_space<vmem>>) dst(%dma_wait3A_330 : memref<32x128xf32, #tpu.memory_space<vmem_shared>>)
      tpu.yield
    }) : () -> ()
    %barrier3A = arith.constant 0 : index
    tpu.barrier barrier_id(%barrier3A)
    %min3A = arith.constant 0 : i32
    %min3A_88 = arith.constant 627 : i32
    %min3A_89 = arith.minsi %min3A, %min3A_88 : i32
    %mul3A_90 = arith.constant 32 : i32
    %mul3A_91 = arith.muli %min3A_89, %mul3A_90 : i32
    %add3A_92 = arith.addi %add3A, %mul3A_91 : i32
    %dma_start3A = tpu.memref_slice %arg2[%add3A_92] : memref<643072xi32, #tpu.memory_space<hbm>> -> memref<32xi32, #tpu.memory_space<hbm>>
    %dma_start3A_93 = tpu.memref_slice %arg2[%add3A_92] : memref<643072xi32, #tpu.memory_space<hbm>> -> memref<32xi32, #tpu.memory_space<hbm>>
    tpu.enqueue_dma source(%dma_start3A_93 : memref<32xi32, #tpu.memory_space<hbm>>) target(%arg9 : memref<32xi32, #tpu.memory_space<vmem>>) target_semaphore(%arg26 : memref<!tpu.dma_semaphore, #tpu.memory_space<semaphore_mem>>)
    %dma_start3A_94 = tpu.memref_slice %arg3[%add3A_92] : memref<643072xi32, #tpu.memory_space<hbm>> -> memref<32xi32, #tpu.memory_space<hbm>>
    %dma_start3A_95 = tpu.memref_slice %arg3[%add3A_92] : memref<643072xi32, #tpu.memory_space<hbm>> -> memref<32xi32, #tpu.memory_space<hbm>>
    tpu.enqueue_dma source(%dma_start3A_95 : memref<32xi32, #tpu.memory_space<hbm>>) target(%arg10 : memref<32xi32, #tpu.memory_space<vmem>>) target_semaphore(%arg26 : memref<!tpu.dma_semaphore, #tpu.memory_space<semaphore_mem>>)
    %dma_start3A_96 = tpu.memref_slice %arg4[%add3A_92] : memref<643072xi32, #tpu.memory_space<hbm>> -> memref<32xi32, #tpu.memory_space<hbm>>
    %dma_start3A_97 = tpu.memref_slice %arg4[%add3A_92] : memref<643072xi32, #tpu.memory_space<hbm>> -> memref<32xi32, #tpu.memory_space<hbm>>
    tpu.enqueue_dma source(%dma_start3A_97 : memref<32xi32, #tpu.memory_space<hbm>>) target(%arg11 : memref<32xi32, #tpu.memory_space<vmem>>) target_semaphore(%arg26 : memref<!tpu.dma_semaphore, #tpu.memory_space<semaphore_mem>>)
    %min3A_98 = arith.constant 0 : i32
    %min3A_99 = arith.constant 627 : i32
    %min3A_100 = arith.minsi %min3A_98, %min3A_99 : i32
    %mul3A_101 = arith.constant 32 : i32
    %mul3A_102 = arith.muli %min3A_100, %mul3A_101 : i32
    %add3A_103 = arith.addi %add3A, %mul3A_102 : i32
    %dma_wait3A = tpu.memref_slice %arg2[%add3A_103] : memref<643072xi32, #tpu.memory_space<hbm>> -> memref<32xi32, #tpu.memory_space<hbm>>
    %dma_wait3A_104 = tpu.memref_slice %arg2[%add3A_103] : memref<643072xi32, #tpu.memory_space<hbm>> -> memref<32xi32, #tpu.memory_space<hbm>>
    tpu.wait_dma2 semaphore(%arg26 : memref<!tpu.dma_semaphore, #tpu.memory_space<semaphore_mem>>) src(%dma_wait3A_104 : memref<32xi32, #tpu.memory_space<hbm>>) dst(%arg9 : memref<32xi32, #tpu.memory_space<vmem>>)
    %dma_wait3A_105 = tpu.memref_slice %arg3[%add3A_103] : memref<643072xi32, #tpu.memory_space<hbm>> -> memref<32xi32, #tpu.memory_space<hbm>>
    %dma_wait3A_106 = tpu.memref_slice %arg3[%add3A_103] : memref<643072xi32, #tpu.memory_space<hbm>> -> memref<32xi32, #tpu.memory_space<hbm>>
    tpu.wait_dma2 semaphore(%arg26 : memref<!tpu.dma_semaphore, #tpu.memory_space<semaphore_mem>>) src(%dma_wait3A_106 : memref<32xi32, #tpu.memory_space<hbm>>) dst(%arg10 : memref<32xi32, #tpu.memory_space<vmem>>)
    %dma_wait3A_107 = tpu.memref_slice %arg4[%add3A_103] : memref<643072xi32, #tpu.memory_space<hbm>> -> memref<32xi32, #tpu.memory_space<hbm>>
    %dma_wait3A_108 = tpu.memref_slice %arg4[%add3A_103] : memref<643072xi32, #tpu.memory_space<hbm>> -> memref<32xi32, #tpu.memory_space<hbm>>
    tpu.wait_dma2 semaphore(%arg26 : memref<!tpu.dma_semaphore, #tpu.memory_space<semaphore_mem>>) src(%dma_wait3A_108 : memref<32xi32, #tpu.memory_space<hbm>>) dst(%arg11 : memref<32xi32, #tpu.memory_space<vmem>>)
    %dma_start3A_109 = arith.constant 0 : i32
    %dma_start3A_110 = arith.constant 0 : i32
    %dma_start3A_111 = tpu.memref_slice %arg6[%dma_start3A_109, %dma_start3A_110] : memref<20480x128xf32, #tpu.memory_space<hbm>> -> memref<20480x128xf32, #tpu.memory_space<hbm>>
    tpu.enqueue_indirect_dma source(%dma_start3A_111 : memref<20480x128xf32, #tpu.memory_space<hbm>>) target(%arg17 : memref<32x128xf32, #tpu.memory_space<vmem>>) offsets(%arg9 : memref<32xi32, #tpu.memory_space<vmem>>) semaphore(%arg28 : memref<!tpu.dma_semaphore, #tpu.memory_space<semaphore_mem>>)
    %dma_start3A_112 = arith.constant 0 : i32
    %dma_start3A_113 = arith.constant 0 : i32
    %dma_start3A_114 = tpu.memref_slice %arg7[%dma_start3A_112, %dma_start3A_113] : memref<512x128xf32, #tpu.memory_space<hbm>> -> memref<512x128xf32, #tpu.memory_space<hbm>>
    tpu.enqueue_indirect_dma source(%dma_start3A_114 : memref<512x128xf32, #tpu.memory_space<hbm>>) target(%arg18 : memref<32x128xf32, #tpu.memory_space<vmem>>) offsets(%arg11 : memref<32xi32, #tpu.memory_space<vmem>>) semaphore(%arg28 : memref<!tpu.dma_semaphore, #tpu.memory_space<semaphore_mem>>)
    %mul3A_115 = arith.constant 320000 : i32
    %mul3A_116 = arith.muli %arg0, %mul3A_115 : i32
    %mul3A_117 = arith.constant 20096 : i32
    %mul3A_118 = arith.muli %arg1, %mul3A_117 : i32
    %add3A_119 = arith.constant 0 : i32
    %add3A_120 = arith.addi %mul3A_118, %add3A_119 : i32
    %min3A_121 = arith.constant 319968 : i32
    %min3A_122 = arith.minsi %add3A_120, %min3A_121 : i32
    %add3A_123 = arith.addi %mul3A_116, %min3A_122 : i32
    %dma_start3A_124 = arith.constant 0 : i32
    %dma_start3A_125 = tpu.memref_slice %arg5[%add3A_123, %dma_start3A_124] : memref<640000x128xf32, #tpu.memory_space<hbm>> -> memref<32x128xf32, #tpu.memory_space<hbm>>
    %dma_start3A_126 = arith.constant 0 : i32
    %dma_start3A_127 = tpu.memref_slice %arg5[%add3A_123, %dma_start3A_126] : memref<640000x128xf32, #tpu.memory_space<hbm>> -> memref<32x128xf32, #tpu.memory_space<hbm>>
    tpu.enqueue_dma source(%dma_start3A_127 : memref<32x128xf32, #tpu.memory_space<hbm>>) target(%arg19 : memref<32x128xf32, #tpu.memory_space<vmem>>) target_semaphore(%arg28 : memref<!tpu.dma_semaphore, #tpu.memory_space<semaphore_mem>>)
    %min3A_128 = arith.constant 1 : i32
    %min3A_129 = arith.constant 627 : i32
    %min3A_130 = arith.minsi %min3A_128, %min3A_129 : i32
    %mul3A_131 = arith.constant 32 : i32
    %mul3A_132 = arith.muli %min3A_130, %mul3A_131 : i32
    %add3A_133 = arith.addi %add3A, %mul3A_132 : i32
    %dma_start3A_134 = tpu.memref_slice %arg2[%add3A_133] : memref<643072xi32, #tpu.memory_space<hbm>> -> memref<32xi32, #tpu.memory_space<hbm>>
    %dma_start3A_135 = tpu.memref_slice %arg2[%add3A_133] : memref<643072xi32, #tpu.memory_space<hbm>> -> memref<32xi32, #tpu.memory_space<hbm>>
    tpu.enqueue_dma source(%dma_start3A_135 : memref<32xi32, #tpu.memory_space<hbm>>) target(%arg12 : memref<32xi32, #tpu.memory_space<vmem>>) target_semaphore(%arg27 : memref<!tpu.dma_semaphore, #tpu.memory_space<semaphore_mem>>)
    %dma_start3A_136 = tpu.memref_slice %arg3[%add3A_133] : memref<643072xi32, #tpu.memory_space<hbm>> -> memref<32xi32, #tpu.memory_space<hbm>>
    %dma_start3A_137 = tpu.memref_slice %arg3[%add3A_133] : memref<643072xi32, #tpu.memory_space<hbm>> -> memref<32xi32, #tpu.memory_space<hbm>>
    tpu.enqueue_dma source(%dma_start3A_137 : memref<32xi32, #tpu.memory_space<hbm>>) target(%arg13 : memref<32xi32, #tpu.memory_space<vmem>>) target_semaphore(%arg27 : memref<!tpu.dma_semaphore, #tpu.memory_space<semaphore_mem>>)
    %dma_start3A_138 = tpu.memref_slice %arg4[%add3A_133] : memref<643072xi32, #tpu.memory_space<hbm>> -> memref<32xi32, #tpu.memory_space<hbm>>
    %dma_start3A_139 = tpu.memref_slice %arg4[%add3A_133] : memref<643072xi32, #tpu.memory_space<hbm>> -> memref<32xi32, #tpu.memory_space<hbm>>
    tpu.enqueue_dma source(%dma_start3A_139 : memref<32xi32, #tpu.memory_space<hbm>>) target(%arg14 : memref<32xi32, #tpu.memory_space<vmem>>) target_semaphore(%arg27 : memref<!tpu.dma_semaphore, #tpu.memory_space<semaphore_mem>>)
    %min3A_140 = arith.constant 1 : i32
    %min3A_141 = arith.constant 627 : i32
    %min3A_142 = arith.minsi %min3A_140, %min3A_141 : i32
    %mul3A_143 = arith.constant 32 : i32
    %mul3A_144 = arith.muli %min3A_142, %mul3A_143 : i32
    %add3A_145 = arith.addi %add3A, %mul3A_144 : i32
    %dma_wait3A_146 = tpu.memref_slice %arg2[%add3A_145] : memref<643072xi32, #tpu.memory_space<hbm>> -> memref<32xi32, #tpu.memory_space<hbm>>
    %dma_wait3A_147 = tpu.memref_slice %arg2[%add3A_145] : memref<643072xi32, #tpu.memory_space<hbm>> -> memref<32xi32, #tpu.memory_space<hbm>>
    tpu.wait_dma2 semaphore(%arg27 : memref<!tpu.dma_semaphore, #tpu.memory_space<semaphore_mem>>) src(%dma_wait3A_147 : memref<32xi32, #tpu.memory_space<hbm>>) dst(%arg12 : memref<32xi32, #tpu.memory_space<vmem>>)
    %dma_wait3A_148 = tpu.memref_slice %arg3[%add3A_145] : memref<643072xi32, #tpu.memory_space<hbm>> -> memref<32xi32, #tpu.memory_space<hbm>>
    %dma_wait3A_149 = tpu.memref_slice %arg3[%add3A_145] : memref<643072xi32, #tpu.memory_space<hbm>> -> memref<32xi32, #tpu.memory_space<hbm>>
    tpu.wait_dma2 semaphore(%arg27 : memref<!tpu.dma_semaphore, #tpu.memory_space<semaphore_mem>>) src(%dma_wait3A_149 : memref<32xi32, #tpu.memory_space<hbm>>) dst(%arg13 : memref<32xi32, #tpu.memory_space<vmem>>)
    %dma_wait3A_150 = tpu.memref_slice %arg4[%add3A_145] : memref<643072xi32, #tpu.memory_space<hbm>> -> memref<32xi32, #tpu.memory_space<hbm>>
    %dma_wait3A_151 = tpu.memref_slice %arg4[%add3A_145] : memref<643072xi32, #tpu.memory_space<hbm>> -> memref<32xi32, #tpu.memory_space<hbm>>
    tpu.wait_dma2 semaphore(%arg27 : memref<!tpu.dma_semaphore, #tpu.memory_space<semaphore_mem>>) src(%dma_wait3A_151 : memref<32xi32, #tpu.memory_space<hbm>>) dst(%arg14 : memref<32xi32, #tpu.memory_space<vmem>>)
    %dma_start3A_152 = arith.constant 0 : i32
    %dma_start3A_153 = arith.constant 0 : i32
    %dma_start3A_154 = tpu.memref_slice %arg6[%dma_start3A_152, %dma_start3A_153] : memref<20480x128xf32, #tpu.memory_space<hbm>> -> memref<20480x128xf32, #tpu.memory_space<hbm>>
    tpu.enqueue_indirect_dma source(%dma_start3A_154 : memref<20480x128xf32, #tpu.memory_space<hbm>>) target(%arg21 : memref<32x128xf32, #tpu.memory_space<vmem>>) offsets(%arg12 : memref<32xi32, #tpu.memory_space<vmem>>) semaphore(%arg29 : memref<!tpu.dma_semaphore, #tpu.memory_space<semaphore_mem>>)
    %dma_start3A_155 = arith.constant 0 : i32
    %dma_start3A_156 = arith.constant 0 : i32
    %dma_start3A_157 = tpu.memref_slice %arg7[%dma_start3A_155, %dma_start3A_156] : memref<512x128xf32, #tpu.memory_space<hbm>> -> memref<512x128xf32, #tpu.memory_space<hbm>>
    tpu.enqueue_indirect_dma source(%dma_start3A_157 : memref<512x128xf32, #tpu.memory_space<hbm>>) target(%arg22 : memref<32x128xf32, #tpu.memory_space<vmem>>) offsets(%arg14 : memref<32xi32, #tpu.memory_space<vmem>>) semaphore(%arg29 : memref<!tpu.dma_semaphore, #tpu.memory_space<semaphore_mem>>)
    %mul3A_158 = arith.constant 320000 : i32
    %mul3A_159 = arith.muli %arg0, %mul3A_158 : i32
    %mul3A_160 = arith.constant 20096 : i32
    %mul3A_161 = arith.muli %arg1, %mul3A_160 : i32
    %add3A_162 = arith.constant 32 : i32
    %add3A_163 = arith.addi %mul3A_161, %add3A_162 : i32
    %min3A_164 = arith.constant 319968 : i32
    %min3A_165 = arith.minsi %add3A_163, %min3A_164 : i32
    %add3A_166 = arith.addi %mul3A_159, %min3A_165 : i32
    %dma_start3A_167 = arith.constant 0 : i32
    %dma_start3A_168 = tpu.memref_slice %arg5[%add3A_166, %dma_start3A_167] : memref<640000x128xf32, #tpu.memory_space<hbm>> -> memref<32x128xf32, #tpu.memory_space<hbm>>
    %dma_start3A_169 = arith.constant 0 : i32
    %dma_start3A_170 = tpu.memref_slice %arg5[%add3A_166, %dma_start3A_169] : memref<640000x128xf32, #tpu.memory_space<hbm>> -> memref<32x128xf32, #tpu.memory_space<hbm>>
    tpu.enqueue_dma source(%dma_start3A_170 : memref<32x128xf32, #tpu.memory_space<hbm>>) target(%arg23 : memref<32x128xf32, #tpu.memory_space<vmem>>) target_semaphore(%arg29 : memref<!tpu.dma_semaphore, #tpu.memory_space<semaphore_mem>>)
    %scan3A_171 = arith.constant 0 : i32
    %scan3A_172 = arith.constant 314 : i32
    %scan3A_173 = arith.addi %scan3A_171, %scan3A_172 : i32
    %scan3A_174 = arith.constant 1 : i32
    scf.for %scan3A_323 = %scan3A_171 to %scan3A_173 step %scan3A_174  : i32 {
      %mul3A_324 = arith.constant 1 : i32
      %mul3A_325 = arith.muli %scan3A_323, %mul3A_324 : i32
      %add3A_326 = arith.constant 0 : i32
      %add3A_327 = arith.addi %add3A_326, %mul3A_325 : i32
      %mul3A_328 = arith.constant 2 : i32
      %mul3A_329 = arith.muli %mul3A_328, %add3A_327 : i32
      %add3A_330 = arith.constant 0 : i32
      %add3A_331 = arith.addi %mul3A_329, %add3A_330 : i32
      %gt3A = arith.constant 0 : i32
      %gt3A_332 = arith.cmpi sgt, %add3A_327, %gt3A : i32
      %convert_element_type3A = arith.extui %gt3A_332 : i1 to i32
      %cond3A = arith.constant 0 : i32
      %cond3A_333 = arith.cmpi ne, %convert_element_type3A, %cond3A : i32
      scf.if %cond3A_333 {
        %dma_wait3A_472 = arith.constant 0 : i32
        %dma_wait3A_473 = arith.constant 0 : i32
        %dma_wait3A_474 = tpu.memref_slice %arg25[%dma_wait3A_472, %dma_wait3A_473] : memref<10240x128xf32, #tpu.memory_space<vmem_shared>> -> memref<10240x128xf32, #tpu.memory_space<vmem_shared>>
        tpu.wait_indirect_dma semaphore(%arg30 : memref<!tpu.dma_semaphore, #tpu.memory_space<semaphore_mem>>) src(%arg20 : memref<32x128xf32, #tpu.memory_space<vmem>>) dst(%dma_wait3A_474 : memref<10240x128xf32, #tpu.memory_space<vmem_shared>>)
      } else {
      }
      %scan3A_334 = arith.constant 0 : i32
      %scan3A_335 = arith.constant 2 : i32
      %scan3A_336 = arith.addi %scan3A_334, %scan3A_335 : i32
      %scan3A_337 = arith.constant 1 : i32
      scf.for %scan3A_472 = %scan3A_334 to %scan3A_336 step %scan3A_337  : i32 {
        %mul3A_473 = arith.constant 16 : i32
        %mul3A_474 = arith.muli %scan3A_472, %mul3A_473 : i32
        %add3A_475 = arith.constant 0 : i32
        %add3A_476 = arith.addi %add3A_475, %mul3A_474 : i32
        %get3A = arith.index_cast %add3A_476 : i32 to index
        %get3A_477 = tpu.vector_load %arg10[%get3A] {strides = array<i32>} : memref<32xi32, #tpu.memory_space<vmem>>, vector<16xi32>,
        %swap3A = arith.index_cast %add3A_476 : i32 to index
        %swap3A_478 = tpu.vector_load %arg15[%swap3A] {strides = array<i32>} : memref<32xi32, #tpu.memory_space<vmem>>, vector<16xi32>,
        tpu.vector_store %arg15[%swap3A], %get3A_477 {strides = array<i32>} : memref<32xi32, #tpu.memory_space<vmem>>, vector<16xi32>,
      }
      %scan3A_338 = arith.constant 2 : i32
      %dma_wait3A_339 = arith.constant 0 : i32
      %dma_wait3A_340 = arith.constant 0 : i32
      %dma_wait3A_341 = tpu.memref_slice %arg6[%dma_wait3A_339, %dma_wait3A_340] : memref<20480x128xf32, #tpu.memory_space<hbm>> -> memref<20480x128xf32, #tpu.memory_space<hbm>>
      tpu.wait_indirect_dma semaphore(%arg28 : memref<!tpu.dma_semaphore, #tpu.memory_space<semaphore_mem>>) src(%dma_wait3A_341 : memref<20480x128xf32, #tpu.memory_space<hbm>>) dst(%arg17 : memref<32x128xf32, #tpu.memory_space<vmem>>)
      %dma_wait3A_342 = arith.constant 0 : i32
      %dma_wait3A_343 = arith.constant 0 : i32
      %dma_wait3A_344 = tpu.memref_slice %arg7[%dma_wait3A_342, %dma_wait3A_343] : memref<512x128xf32, #tpu.memory_space<hbm>> -> memref<512x128xf32, #tpu.memory_space<hbm>>
      tpu.wait_indirect_dma semaphore(%arg28 : memref<!tpu.dma_semaphore, #tpu.memory_space<semaphore_mem>>) src(%dma_wait3A_344 : memref<512x128xf32, #tpu.memory_space<hbm>>) dst(%arg18 : memref<32x128xf32, #tpu.memory_space<vmem>>)
      %mul3A_345 = arith.constant 320000 : i32
      %mul3A_346 = arith.muli %arg0, %mul3A_345 : i32
      %mul3A_347 = arith.constant 20096 : i32
      %mul3A_348 = arith.muli %arg1, %mul3A_347 : i32
      %mul3A_349 = arith.constant 32 : i32
      %mul3A_350 = arith.muli %add3A_331, %mul3A_349 : i32
      %add3A_351 = arith.addi %mul3A_348, %mul3A_350 : i32
      %min3A_352 = arith.constant 319968 : i32
      %min3A_353 = arith.minsi %add3A_351, %min3A_352 : i32
      %add3A_354 = arith.addi %mul3A_346, %min3A_353 : i32
      %dma_wait3A_355 = arith.constant 0 : i32
      %dma_wait3A_356 = tpu.memref_slice %arg5[%add3A_354, %dma_wait3A_355] : memref<640000x128xf32, #tpu.memory_space<hbm>> -> memref<32x128xf32, #tpu.memory_space<hbm>>
      %dma_wait3A_357 = arith.constant 0 : i32
      %dma_wait3A_358 = tpu.memref_slice %arg5[%add3A_354, %dma_wait3A_357] : memref<640000x128xf32, #tpu.memory_space<hbm>> -> memref<32x128xf32, #tpu.memory_space<hbm>>
      tpu.wait_dma2 semaphore(%arg28 : memref<!tpu.dma_semaphore, #tpu.memory_space<semaphore_mem>>) src(%dma_wait3A_358 : memref<32x128xf32, #tpu.memory_space<hbm>>) dst(%arg19 : memref<32x128xf32, #tpu.memory_space<vmem>>)
      %add3A_359 = arith.constant 2 : i32
      %add3A_360 = arith.addi %add3A_331, %add3A_359 : i32
      %min3A_361 = arith.constant 627 : i32
      %min3A_362 = arith.minsi %add3A_360, %min3A_361 : i32
      %mul3A_363 = arith.constant 32 : i32
      %mul3A_364 = arith.muli %min3A_362, %mul3A_363 : i32
      %add3A_365 = arith.addi %add3A, %mul3A_364 : i32
      %dma_start3A_366 = tpu.memref_slice %arg2[%add3A_365] : memref<643072xi32, #tpu.memory_space<hbm>> -> memref<32xi32, #tpu.memory_space<hbm>>
      %dma_start3A_367 = tpu.memref_slice %arg2[%add3A_365] : memref<643072xi32, #tpu.memory_space<hbm>> -> memref<32xi32, #tpu.memory_space<hbm>>
      tpu.enqueue_dma source(%dma_start3A_367 : memref<32xi32, #tpu.memory_space<hbm>>) target(%arg9 : memref<32xi32, #tpu.memory_space<vmem>>) target_semaphore(%arg26 : memref<!tpu.dma_semaphore, #tpu.memory_space<semaphore_mem>>)
      %dma_start3A_368 = tpu.memref_slice %arg3[%add3A_365] : memref<643072xi32, #tpu.memory_space<hbm>> -> memref<32xi32, #tpu.memory_space<hbm>>
      %dma_start3A_369 = tpu.memref_slice %arg3[%add3A_365] : memref<643072xi32, #tpu.memory_space<hbm>> -> memref<32xi32, #tpu.memory_space<hbm>>
      tpu.enqueue_dma source(%dma_start3A_369 : memref<32xi32, #tpu.memory_space<hbm>>) target(%arg10 : memref<32xi32, #tpu.memory_space<vmem>>) target_semaphore(%arg26 : memref<!tpu.dma_semaphore, #tpu.memory_space<semaphore_mem>>)
      %dma_start3A_370 = tpu.memref_slice %arg4[%add3A_365] : memref<643072xi32, #tpu.memory_space<hbm>> -> memref<32xi32, #tpu.memory_space<hbm>>
      %dma_start3A_371 = tpu.memref_slice %arg4[%add3A_365] : memref<643072xi32, #tpu.memory_space<hbm>> -> memref<32xi32, #tpu.memory_space<hbm>>
      tpu.enqueue_dma source(%dma_start3A_371 : memref<32xi32, #tpu.memory_space<hbm>>) target(%arg11 : memref<32xi32, #tpu.memory_space<vmem>>) target_semaphore(%arg26 : memref<!tpu.dma_semaphore, #tpu.memory_space<semaphore_mem>>)
      %scan3A_372 = arith.constant 0 : i32
      %scan3A_373 = arith.constant 32 : i32
      %scan3A_374 = arith.addi %scan3A_372, %scan3A_373 : i32
      %scan3A_375 = arith.constant 1 : i32
      scf.for %scan3A_472 = %scan3A_372 to %scan3A_374 step %scan3A_375  : i32 {
        %mul3A_473 = arith.constant 1 : i32
        %mul3A_474 = arith.muli %scan3A_472, %mul3A_473 : i32
        %add3A_475 = arith.constant 0 : i32
        %add3A_476 = arith.addi %add3A_475, %mul3A_474 : i32
        %get3A = arith.index_cast %add3A_476 : i32 to index
        %get3A_477 = arith.constant 0 : index
        %get3A_478 = tpu.vector_load %arg17[%get3A, %get3A_477] {strides = array<i32>} : memref<32x128xf32, #tpu.memory_space<vmem>>, vector<16xf32>,
        %get3A_479 = arith.index_cast %add3A_476 : i32 to index
        %get3A_480 = arith.constant 0 : index
        %get3A_481 = tpu.vector_load %arg18[%get3A_479, %get3A_480] {strides = array<i32>} : memref<32x128xf32, #tpu.memory_space<vmem>>, vector<16xf32>,
        %mul3A_482 = arith.mulf %get3A_478, %get3A_481 : vector<16xf32>
        %get3A_483 = arith.index_cast %add3A_476 : i32 to index
        %get3A_484 = arith.constant 0 : index
        %get3A_485 = tpu.vector_load %arg19[%get3A_483, %get3A_484] {strides = array<i32>} : memref<32x128xf32, #tpu.memory_space<vmem>>, vector<16xf32>,
        %mul3A_486 = arith.mulf %mul3A_482, %get3A_485 : vector<16xf32>
        %swap3A = arith.index_cast %add3A_476 : i32 to index
        %swap3A_487 = arith.constant 0 : index
        %swap3A_488 = tpu.vector_load %arg20[%swap3A, %swap3A_487] {strides = array<i32>} : memref<32x128xf32, #tpu.memory_space<vmem>>, vector<16xf32>,
        tpu.vector_store %arg20[%swap3A, %swap3A_487], %mul3A_486 {strides = array<i32>} : memref<32x128xf32, #tpu.memory_space<vmem>>, vector<16xf32>,
        %get3A_489 = arith.index_cast %add3A_476 : i32 to index
        %get3A_490 = arith.constant 16 : index
        %get3A_491 = tpu.vector_load %arg17[%get3A_489, %get3A_490] {strides = array<i32>} : memref<32x128xf32, #tpu.memory_space<vmem>>, vector<16xf32>,
        %get3A_492 = arith.index_cast %add3A_476 : i32 to index
        %get3A_493 = arith.constant 16 : index
        %get3A_494 = tpu.vector_load %arg18[%get3A_492, %get3A_493] {strides = array<i32>} : memref<32x128xf32, #tpu.memory_space<vmem>>, vector<16xf32>,
        %mul3A_495 = arith.mulf %get3A_491, %get3A_494 : vector<16xf32>
        %get3A_496 = arith.index_cast %add3A_476 : i32 to index
        %get3A_497 = arith.constant 16 : index
        %get3A_498 = tpu.vector_load %arg19[%get3A_496, %get3A_497] {strides = array<i32>} : memref<32x128xf32, #tpu.memory_space<vmem>>, vector<16xf32>,
        %mul3A_499 = arith.mulf %mul3A_495, %get3A_498 : vector<16xf32>
        %swap3A_500 = arith.index_cast %add3A_476 : i32 to index
        %swap3A_501 = arith.constant 16 : index
        %swap3A_502 = tpu.vector_load %arg20[%swap3A_500, %swap3A_501] {strides = array<i32>} : memref<32x128xf32, #tpu.memory_space<vmem>>, vector<16xf32>,
        tpu.vector_store %arg20[%swap3A_500, %swap3A_501], %mul3A_499 {strides = array<i32>} : memref<32x128xf32, #tpu.memory_space<vmem>>, vector<16xf32>,
        %get3A_503 = arith.index_cast %add3A_476 : i32 to index
        %get3A_504 = arith.constant 32 : index
        %get3A_505 = tpu.vector_load %arg17[%get3A_503, %get3A_504] {strides = array<i32>} : memref<32x128xf32, #tpu.memory_space<vmem>>, vector<16xf32>,
        %get3A_506 = arith.index_cast %add3A_476 : i32 to index
        %get3A_507 = arith.constant 32 : index
        %get3A_508 = tpu.vector_load %arg18[%get3A_506, %get3A_507] {strides = array<i32>} : memref<32x128xf32, #tpu.memory_space<vmem>>, vector<16xf32>,
        %mul3A_509 = arith.mulf %get3A_505, %get3A_508 : vector<16xf32>
        %get3A_510 = arith.index_cast %add3A_476 : i32 to index
        %get3A_511 = arith.constant 32 : index
        %get3A_512 = tpu.vector_load %arg19[%get3A_510, %get3A_511] {strides = array<i32>} : memref<32x128xf32, #tpu.memory_space<vmem>>, vector<16xf32>,
        %mul3A_513 = arith.mulf %mul3A_509, %get3A_512 : vector<16xf32>
        %swap3A_514 = arith.index_cast %add3A_476 : i32 to index
        %swap3A_515 = arith.constant 32 : index
        %swap3A_516 = tpu.vector_load %arg20[%swap3A_514, %swap3A_515] {strides = array<i32>} : memref<32x128xf32, #tpu.memory_space<vmem>>, vector<16xf32>,
        tpu.vector_store %arg20[%swap3A_514, %swap3A_515], %mul3A_513 {strides = array<i32>} : memref<32x128xf32, #tpu.memory_space<vmem>>, vector<16xf32>,
        %get3A_517 = arith.index_cast %add3A_476 : i32 to index
        %get3A_518 = arith.constant 48 : index
        %get3A_519 = tpu.vector_load %arg17[%get3A_517, %get3A_518] {strides = array<i32>} : memref<32x128xf32, #tpu.memory_space<vmem>>, vector<16xf32>,
        %get3A_520 = arith.index_cast %add3A_476 : i32 to index
        %get3A_521 = arith.constant 48 : index
        %get3A_522 = tpu.vector_load %arg18[%get3A_520, %get3A_521] {strides = array<i32>} : memref<32x128xf32, #tpu.memory_space<vmem>>, vector<16xf32>,
        %mul3A_523 = arith.mulf %get3A_519, %get3A_522 : vector<16xf32>
        %get3A_524 = arith.index_cast %add3A_476 : i32 to index
        %get3A_525 = arith.constant 48 : index
        %get3A_526 = tpu.vector_load %arg19[%get3A_524, %get3A_525] {strides = array<i32>} : memref<32x128xf32, #tpu.memory_space<vmem>>, vector<16xf32>,
        %mul3A_527 = arith.mulf %mul3A_523, %get3A_526 : vector<16xf32>
        %swap3A_528 = arith.index_cast %add3A_476 : i32 to index
        %swap3A_529 = arith.constant 48 : index
        %swap3A_530 = tpu.vector_load %arg20[%swap3A_528, %swap3A_529] {strides = array<i32>} : memref<32x128xf32, #tpu.memory_space<vmem>>, vector<16xf32>,
        tpu.vector_store %arg20[%swap3A_528, %swap3A_529], %mul3A_527 {strides = array<i32>} : memref<32x128xf32, #tpu.memory_space<vmem>>, vector<16xf32>,
        %get3A_531 = arith.index_cast %add3A_476 : i32 to index
        %get3A_532 = arith.constant 64 : index
        %get3A_533 = tpu.vector_load %arg17[%get3A_531, %get3A_532] {strides = array<i32>} : memref<32x128xf32, #tpu.memory_space<vmem>>, vector<16xf32>,
        %get3A_534 = arith.index_cast %add3A_476 : i32 to index
        %get3A_535 = arith.constant 64 : index
        %get3A_536 = tpu.vector_load %arg18[%get3A_534, %get3A_535] {strides = array<i32>} : memref<32x128xf32, #tpu.memory_space<vmem>>, vector<16xf32>,
        %mul3A_537 = arith.mulf %get3A_533, %get3A_536 : vector<16xf32>
        %get3A_538 = arith.index_cast %add3A_476 : i32 to index
        %get3A_539 = arith.constant 64 : index
        %get3A_540 = tpu.vector_load %arg19[%get3A_538, %get3A_539] {strides = array<i32>} : memref<32x128xf32, #tpu.memory_space<vmem>>, vector<16xf32>,
        %mul3A_541 = arith.mulf %mul3A_537, %get3A_540 : vector<16xf32>
        %swap3A_542 = arith.index_cast %add3A_476 : i32 to index
        %swap3A_543 = arith.constant 64 : index
        %swap3A_544 = tpu.vector_load %arg20[%swap3A_542, %swap3A_543] {strides = array<i32>} : memref<32x128xf32, #tpu.memory_space<vmem>>, vector<16xf32>,
        tpu.vector_store %arg20[%swap3A_542, %swap3A_543], %mul3A_541 {strides = array<i32>} : memref<32x128xf32, #tpu.memory_space<vmem>>, vector<16xf32>,
        %get3A_545 = arith.index_cast %add3A_476 : i32 to index
        %get3A_546 = arith.constant 80 : index
        %get3A_547 = tpu.vector_load %arg17[%get3A_545, %get3A_546] {strides = array<i32>} : memref<32x128xf32, #tpu.memory_space<vmem>>, vector<16xf32>,
        %get3A_548 = arith.index_cast %add3A_476 : i32 to index
        %get3A_549 = arith.constant 80 : index
        %get3A_550 = tpu.vector_load %arg18[%get3A_548, %get3A_549] {strides = array<i32>} : memref<32x128xf32, #tpu.memory_space<vmem>>, vector<16xf32>,
        %mul3A_551 = arith.mulf %get3A_547, %get3A_550 : vector<16xf32>
        %get3A_552 = arith.index_cast %add3A_476 : i32 to index
        %get3A_553 = arith.constant 80 : index
        %get3A_554 = tpu.vector_load %arg19[%get3A_552, %get3A_553] {strides = array<i32>} : memref<32x128xf32, #tpu.memory_space<vmem>>, vector<16xf32>,
        %mul3A_555 = arith.mulf %mul3A_551, %get3A_554 : vector<16xf32>
        %swap3A_556 = arith.index_cast %add3A_476 : i32 to index
        %swap3A_557 = arith.constant 80 : index
        %swap3A_558 = tpu.vector_load %arg20[%swap3A_556, %swap3A_557] {strides = array<i32>} : memref<32x128xf32, #tpu.memory_space<vmem>>, vector<16xf32>,
        tpu.vector_store %arg20[%swap3A_556, %swap3A_557], %mul3A_555 {strides = array<i32>} : memref<32x128xf32, #tpu.memory_space<vmem>>, vector<16xf32>,
        %get3A_559 = arith.index_cast %add3A_476 : i32 to index
        %get3A_560 = arith.constant 96 : index
        %get3A_561 = tpu.vector_load %arg17[%get3A_559, %get3A_560] {strides = array<i32>} : memref<32x128xf32, #tpu.memory_space<vmem>>, vector<16xf32>,
        %get3A_562 = arith.index_cast %add3A_476 : i32 to index
        %get3A_563 = arith.constant 96 : index
        %get3A_564 = tpu.vector_load %arg18[%get3A_562, %get3A_563] {strides = array<i32>} : memref<32x128xf32, #tpu.memory_space<vmem>>, vector<16xf32>,
        %mul3A_565 = arith.mulf %get3A_561, %get3A_564 : vector<16xf32>
        %get3A_566 = arith.index_cast %add3A_476 : i32 to index
        %get3A_567 = arith.constant 96 : index
        %get3A_568 = tpu.vector_load %arg19[%get3A_566, %get3A_567] {strides = array<i32>} : memref<32x128xf32, #tpu.memory_space<vmem>>, vector<16xf32>,
        %mul3A_569 = arith.mulf %mul3A_565, %get3A_568 : vector<16xf32>
        %swap3A_570 = arith.index_cast %add3A_476 : i32 to index
        %swap3A_571 = arith.constant 96 : index
        %swap3A_572 = tpu.vector_load %arg20[%swap3A_570, %swap3A_571] {strides = array<i32>} : memref<32x128xf32, #tpu.memory_space<vmem>>, vector<16xf32>,
        tpu.vector_store %arg20[%swap3A_570, %swap3A_571], %mul3A_569 {strides = array<i32>} : memref<32x128xf32, #tpu.memory_space<vmem>>, vector<16xf32>,
        %get3A_573 = arith.index_cast %add3A_476 : i32 to index
        %get3A_574 = arith.constant 112 : index
        %get3A_575 = tpu.vector_load %arg17[%get3A_573, %get3A_574] {strides = array<i32>} : memref<32x128xf32, #tpu.memory_space<vmem>>, vector<16xf32>,
        %get3A_576 = arith.index_cast %add3A_476 : i32 to index
        %get3A_577 = arith.constant 112 : index
        %get3A_578 = tpu.vector_load %arg18[%get3A_576, %get3A_577] {strides = array<i32>} : memref<32x128xf32, #tpu.memory_space<vmem>>, vector<16xf32>,
        %mul3A_579 = arith.mulf %get3A_575, %get3A_578 : vector<16xf32>
        %get3A_580 = arith.index_cast %add3A_476 : i32 to index
        %get3A_581 = arith.constant 112 : index
        %get3A_582 = tpu.vector_load %arg19[%get3A_580, %get3A_581] {strides = array<i32>} : memref<32x128xf32, #tpu.memory_space<vmem>>, vector<16xf32>,
        %mul3A_583 = arith.mulf %mul3A_579, %get3A_582 : vector<16xf32>
        %swap3A_584 = arith.index_cast %add3A_476 : i32 to index
        %swap3A_585 = arith.constant 112 : index
        %swap3A_586 = tpu.vector_load %arg20[%swap3A_584, %swap3A_585] {strides = array<i32>} : memref<32x128xf32, #tpu.memory_space<vmem>>, vector<16xf32>,
        tpu.vector_store %arg20[%swap3A_584, %swap3A_585], %mul3A_583 {strides = array<i32>} : memref<32x128xf32, #tpu.memory_space<vmem>>, vector<16xf32>,
      }
      %scan3A_376 = arith.constant 32 : i32
      %dma_start3A_377 = arith.constant 0 : i32
      %dma_start3A_378 = arith.constant 0 : i32
      %dma_start3A_379 = tpu.memref_slice %arg25[%dma_start3A_377, %dma_start3A_378] : memref<10240x128xf32, #tpu.memory_space<vmem_shared>> -> memref<10240x128xf32, #tpu.memory_space<vmem_shared>>
      tpu.enqueue_indirect_dma source(%arg20 : memref<32x128xf32, #tpu.memory_space<vmem>>) target(%dma_start3A_379 : memref<10240x128xf32, #tpu.memory_space<vmem_shared>>) offsets(%arg15 : memref<32xi32, #tpu.memory_space<vmem>>) semaphore(%arg30 : memref<!tpu.dma_semaphore, #tpu.memory_space<semaphore_mem>>) {add = true}
      %add3A_380 = arith.constant 2 : i32
      %add3A_381 = arith.addi %add3A_331, %add3A_380 : i32
      %min3A_382 = arith.constant 627 : i32
      %min3A_383 = arith.minsi %add3A_381, %min3A_382 : i32
      %mul3A_384 = arith.constant 32 : i32
      %mul3A_385 = arith.muli %min3A_383, %mul3A_384 : i32
      %add3A_386 = arith.addi %add3A, %mul3A_385 : i32
      %dma_wait3A_387 = tpu.memref_slice %arg2[%add3A_386] : memref<643072xi32, #tpu.memory_space<hbm>> -> memref<32xi32, #tpu.memory_space<hbm>>
      %dma_wait3A_388 = tpu.memref_slice %arg2[%add3A_386] : memref<643072xi32, #tpu.memory_space<hbm>> -> memref<32xi32, #tpu.memory_space<hbm>>
      tpu.wait_dma2 semaphore(%arg26 : memref<!tpu.dma_semaphore, #tpu.memory_space<semaphore_mem>>) src(%dma_wait3A_388 : memref<32xi32, #tpu.memory_space<hbm>>) dst(%arg9 : memref<32xi32, #tpu.memory_space<vmem>>)
      %dma_wait3A_389 = tpu.memref_slice %arg3[%add3A_386] : memref<643072xi32, #tpu.memory_space<hbm>> -> memref<32xi32, #tpu.memory_space<hbm>>
      %dma_wait3A_390 = tpu.memref_slice %arg3[%add3A_386] : memref<643072xi32, #tpu.memory_space<hbm>> -> memref<32xi32, #tpu.memory_space<hbm>>
      tpu.wait_dma2 semaphore(%arg26 : memref<!tpu.dma_semaphore, #tpu.memory_space<semaphore_mem>>) src(%dma_wait3A_390 : memref<32xi32, #tpu.memory_space<hbm>>) dst(%arg10 : memref<32xi32, #tpu.memory_space<vmem>>)
      %dma_wait3A_391 = tpu.memref_slice %arg4[%add3A_386] : memref<643072xi32, #tpu.memory_space<hbm>> -> memref<32xi32, #tpu.memory_space<hbm>>
      %dma_wait3A_392 = tpu.memref_slice %arg4[%add3A_386] : memref<643072xi32, #tpu.memory_space<hbm>> -> memref<32xi32, #tpu.memory_space<hbm>>
      tpu.wait_dma2 semaphore(%arg26 : memref<!tpu.dma_semaphore, #tpu.memory_space<semaphore_mem>>) src(%dma_wait3A_392 : memref<32xi32, #tpu.memory_space<hbm>>) dst(%arg11 : memref<32xi32, #tpu.memory_space<vmem>>)
      %add3A_393 = arith.constant 2 : i32
      %add3A_394 = arith.addi %add3A_331, %add3A_393 : i32
      %lt3A = arith.constant 628 : i32
      %lt3A_395 = arith.cmpi slt, %add3A_394, %lt3A : i32
      %convert_element_type3A_396 = arith.extui %lt3A_395 : i1 to i32
      %cond3A_397 = arith.constant 0 : i32
      %cond3A_398 = arith.cmpi ne, %convert_element_type3A_396, %cond3A_397 : i32
      scf.if %cond3A_398 {
        %add3A_472 = arith.constant 2 : i32
        %add3A_473 = arith.addi %add3A_331, %add3A_472 : i32
        %dma_start3A_474 = arith.constant 0 : i32
        %dma_start3A_475 = arith.constant 0 : i32
        %dma_start3A_476 = tpu.memref_slice %arg6[%dma_start3A_474, %dma_start3A_475] : memref<20480x128xf32, #tpu.memory_space<hbm>> -> memref<20480x128xf32, #tpu.memory_space<hbm>>
        tpu.enqueue_indirect_dma source(%dma_start3A_476 : memref<20480x128xf32, #tpu.memory_space<hbm>>) target(%arg17 : memref<32x128xf32, #tpu.memory_space<vmem>>) offsets(%arg9 : memref<32xi32, #tpu.memory_space<vmem>>) semaphore(%arg28 : memref<!tpu.dma_semaphore, #tpu.memory_space<semaphore_mem>>)
        %dma_start3A_477 = arith.constant 0 : i32
        %dma_start3A_478 = arith.constant 0 : i32
        %dma_start3A_479 = tpu.memref_slice %arg7[%dma_start3A_477, %dma_start3A_478] : memref<512x128xf32, #tpu.memory_space<hbm>> -> memref<512x128xf32, #tpu.memory_space<hbm>>
        tpu.enqueue_indirect_dma source(%dma_start3A_479 : memref<512x128xf32, #tpu.memory_space<hbm>>) target(%arg18 : memref<32x128xf32, #tpu.memory_space<vmem>>) offsets(%arg11 : memref<32xi32, #tpu.memory_space<vmem>>) semaphore(%arg28 : memref<!tpu.dma_semaphore, #tpu.memory_space<semaphore_mem>>)
        %mul3A_480 = arith.constant 320000 : i32
        %mul3A_481 = arith.muli %arg0, %mul3A_480 : i32
        %mul3A_482 = arith.constant 20096 : i32
        %mul3A_483 = arith.muli %arg1, %mul3A_482 : i32
        %mul3A_484 = arith.constant 32 : i32
        %mul3A_485 = arith.muli %add3A_473, %mul3A_484 : i32
        %add3A_486 = arith.addi %mul3A_483, %mul3A_485 : i32
        %min3A_487 = arith.constant 319968 : i32
        %min3A_488 = arith.minsi %add3A_486, %min3A_487 : i32
        %add3A_489 = arith.addi %mul3A_481, %min3A_488 : i32
        %dma_start3A_490 = arith.constant 0 : i32
        %dma_start3A_491 = tpu.memref_slice %arg5[%add3A_489, %dma_start3A_490] : memref<640000x128xf32, #tpu.memory_space<hbm>> -> memref<32x128xf32, #tpu.memory_space<hbm>>
        %dma_start3A_492 = arith.constant 0 : i32
        %dma_start3A_493 = tpu.memref_slice %arg5[%add3A_489, %dma_start3A_492] : memref<640000x128xf32, #tpu.memory_space<hbm>> -> memref<32x128xf32, #tpu.memory_space<hbm>>
        tpu.enqueue_dma source(%dma_start3A_493 : memref<32x128xf32, #tpu.memory_space<hbm>>) target(%arg19 : memref<32x128xf32, #tpu.memory_space<vmem>>) target_semaphore(%arg28 : memref<!tpu.dma_semaphore, #tpu.memory_space<semaphore_mem>>)
      } else {
      }
      %add3A_399 = arith.constant 1 : i32
      %add3A_400 = arith.addi %mul3A_329, %add3A_399 : i32
      %gt3A_401 = arith.constant 0 : i32
      %gt3A_402 = arith.cmpi sgt, %add3A_327, %gt3A_401 : i32
      %convert_element_type3A_403 = arith.extui %gt3A_402 : i1 to i32
      %cond3A_404 = arith.constant 0 : i32
      %cond3A_405 = arith.cmpi ne, %convert_element_type3A_403, %cond3A_404 : i32
      scf.if %cond3A_405 {
        %dma_wait3A_472 = arith.constant 0 : i32
        %dma_wait3A_473 = arith.constant 0 : i32
        %dma_wait3A_474 = tpu.memref_slice %arg25[%dma_wait3A_472, %dma_wait3A_473] : memref<10240x128xf32, #tpu.memory_space<vmem_shared>> -> memref<10240x128xf32, #tpu.memory_space<vmem_shared>>
        tpu.wait_indirect_dma semaphore(%arg31 : memref<!tpu.dma_semaphore, #tpu.memory_space<semaphore_mem>>) src(%arg24 : memref<32x128xf32, #tpu.memory_space<vmem>>) dst(%dma_wait3A_474 : memref<10240x128xf32, #tpu.memory_space<vmem_shared>>)
      } else {
      }
      %scan3A_406 = arith.constant 0 : i32
      %scan3A_407 = arith.constant 2 : i32
      %scan3A_408 = arith.addi %scan3A_406, %scan3A_407 : i32
      %scan3A_409 = arith.constant 1 : i32
      scf.for %scan3A_472 = %scan3A_406 to %scan3A_408 step %scan3A_409  : i32 {
        %mul3A_473 = arith.constant 16 : i32
        %mul3A_474 = arith.muli %scan3A_472, %mul3A_473 : i32
        %add3A_475 = arith.constant 0 : i32
        %add3A_476 = arith.addi %add3A_475, %mul3A_474 : i32
        %get3A = arith.index_cast %add3A_476 : i32 to index
        %get3A_477 = tpu.vector_load %arg13[%get3A] {strides = array<i32>} : memref<32xi32, #tpu.memory_space<vmem>>, vector<16xi32>,
        %swap3A = arith.index_cast %add3A_476 : i32 to index
        %swap3A_478 = tpu.vector_load %arg16[%swap3A] {strides = array<i32>} : memref<32xi32, #tpu.memory_space<vmem>>, vector<16xi32>,
        tpu.vector_store %arg16[%swap3A], %get3A_477 {strides = array<i32>} : memref<32xi32, #tpu.memory_space<vmem>>, vector<16xi32>,
      }
      %scan3A_410 = arith.constant 2 : i32
      %dma_wait3A_411 = arith.constant 0 : i32
      %dma_wait3A_412 = arith.constant 0 : i32
      %dma_wait3A_413 = tpu.memref_slice %arg6[%dma_wait3A_411, %dma_wait3A_412] : memref<20480x128xf32, #tpu.memory_space<hbm>> -> memref<20480x128xf32, #tpu.memory_space<hbm>>
      tpu.wait_indirect_dma semaphore(%arg29 : memref<!tpu.dma_semaphore, #tpu.memory_space<semaphore_mem>>) src(%dma_wait3A_413 : memref<20480x128xf32, #tpu.memory_space<hbm>>) dst(%arg21 : memref<32x128xf32, #tpu.memory_space<vmem>>)
      %dma_wait3A_414 = arith.constant 0 : i32
      %dma_wait3A_415 = arith.constant 0 : i32
      %dma_wait3A_416 = tpu.memref_slice %arg7[%dma_wait3A_414, %dma_wait3A_415] : memref<512x128xf32, #tpu.memory_space<hbm>> -> memref<512x128xf32, #tpu.memory_space<hbm>>
      tpu.wait_indirect_dma semaphore(%arg29 : memref<!tpu.dma_semaphore, #tpu.memory_space<semaphore_mem>>) src(%dma_wait3A_416 : memref<512x128xf32, #tpu.memory_space<hbm>>) dst(%arg22 : memref<32x128xf32, #tpu.memory_space<vmem>>)
      %mul3A_417 = arith.constant 320000 : i32
      %mul3A_418 = arith.muli %arg0, %mul3A_417 : i32
      %mul3A_419 = arith.constant 20096 : i32
      %mul3A_420 = arith.muli %arg1, %mul3A_419 : i32
      %mul3A_421 = arith.constant 32 : i32
      %mul3A_422 = arith.muli %add3A_400, %mul3A_421 : i32
      %add3A_423 = arith.addi %mul3A_420, %mul3A_422 : i32
      %min3A_424 = arith.constant 319968 : i32
      %min3A_425 = arith.minsi %add3A_423, %min3A_424 : i32
      %add3A_426 = arith.addi %mul3A_418, %min3A_425 : i32
      %dma_wait3A_427 = arith.constant 0 : i32
      %dma_wait3A_428 = tpu.memref_slice %arg5[%add3A_426, %dma_wait3A_427] : memref<640000x128xf32, #tpu.memory_space<hbm>> -> memref<32x128xf32, #tpu.memory_space<hbm>>
      %dma_wait3A_429 = arith.constant 0 : i32
      %dma_wait3A_430 = tpu.memref_slice %arg5[%add3A_426, %dma_wait3A_429] : memref<640000x128xf32, #tpu.memory_space<hbm>> -> memref<32x128xf32, #tpu.memory_space<hbm>>
      tpu.wait_dma2 semaphore(%arg29 : memref<!tpu.dma_semaphore, #tpu.memory_space<semaphore_mem>>) src(%dma_wait3A_430 : memref<32x128xf32, #tpu.memory_space<hbm>>) dst(%arg23 : memref<32x128xf32, #tpu.memory_space<vmem>>)
      %add3A_431 = arith.constant 2 : i32
      %add3A_432 = arith.addi %add3A_400, %add3A_431 : i32
      %min3A_433 = arith.constant 627 : i32
      %min3A_434 = arith.minsi %add3A_432, %min3A_433 : i32
      %mul3A_435 = arith.constant 32 : i32
      %mul3A_436 = arith.muli %min3A_434, %mul3A_435 : i32
      %add3A_437 = arith.addi %add3A, %mul3A_436 : i32
      %dma_start3A_438 = tpu.memref_slice %arg2[%add3A_437] : memref<643072xi32, #tpu.memory_space<hbm>> -> memref<32xi32, #tpu.memory_space<hbm>>
      %dma_start3A_439 = tpu.memref_slice %arg2[%add3A_437] : memref<643072xi32, #tpu.memory_space<hbm>> -> memref<32xi32, #tpu.memory_space<hbm>>
      tpu.enqueue_dma source(%dma_start3A_439 : memref<32xi32, #tpu.memory_space<hbm>>) target(%arg12 : memref<32xi32, #tpu.memory_space<vmem>>) target_semaphore(%arg27 : memref<!tpu.dma_semaphore, #tpu.memory_space<semaphore_mem>>)
      %dma_start3A_440 = tpu.memref_slice %arg3[%add3A_437] : memref<643072xi32, #tpu.memory_space<hbm>> -> memref<32xi32, #tpu.memory_space<hbm>>
      %dma_start3A_441 = tpu.memref_slice %arg3[%add3A_437] : memref<643072xi32, #tpu.memory_space<hbm>> -> memref<32xi32, #tpu.memory_space<hbm>>
      tpu.enqueue_dma source(%dma_start3A_441 : memref<32xi32, #tpu.memory_space<hbm>>) target(%arg13 : memref<32xi32, #tpu.memory_space<vmem>>) target_semaphore(%arg27 : memref<!tpu.dma_semaphore, #tpu.memory_space<semaphore_mem>>)
      %dma_start3A_442 = tpu.memref_slice %arg4[%add3A_437] : memref<643072xi32, #tpu.memory_space<hbm>> -> memref<32xi32, #tpu.memory_space<hbm>>
      %dma_start3A_443 = tpu.memref_slice %arg4[%add3A_437] : memref<643072xi32, #tpu.memory_space<hbm>> -> memref<32xi32, #tpu.memory_space<hbm>>
      tpu.enqueue_dma source(%dma_start3A_443 : memref<32xi32, #tpu.memory_space<hbm>>) target(%arg14 : memref<32xi32, #tpu.memory_space<vmem>>) target_semaphore(%arg27 : memref<!tpu.dma_semaphore, #tpu.memory_space<semaphore_mem>>)
      %scan3A_444 = arith.constant 0 : i32
      %scan3A_445 = arith.constant 32 : i32
      %scan3A_446 = arith.addi %scan3A_444, %scan3A_445 : i32
      %scan3A_447 = arith.constant 1 : i32
      scf.for %scan3A_472 = %scan3A_444 to %scan3A_446 step %scan3A_447  : i32 {
        %mul3A_473 = arith.constant 1 : i32
        %mul3A_474 = arith.muli %scan3A_472, %mul3A_473 : i32
        %add3A_475 = arith.constant 0 : i32
        %add3A_476 = arith.addi %add3A_475, %mul3A_474 : i32
        %get3A = arith.index_cast %add3A_476 : i32 to index
        %get3A_477 = arith.constant 0 : index
        %get3A_478 = tpu.vector_load %arg21[%get3A, %get3A_477] {strides = array<i32>} : memref<32x128xf32, #tpu.memory_space<vmem>>, vector<16xf32>,
        %get3A_479 = arith.index_cast %add3A_476 : i32 to index
        %get3A_480 = arith.constant 0 : index
        %get3A_481 = tpu.vector_load %arg22[%get3A_479, %get3A_480] {strides = array<i32>} : memref<32x128xf32, #tpu.memory_space<vmem>>, vector<16xf32>,
        %mul3A_482 = arith.mulf %get3A_478, %get3A_481 : vector<16xf32>
        %get3A_483 = arith.index_cast %add3A_476 : i32 to index
        %get3A_484 = arith.constant 0 : index
        %get3A_485 = tpu.vector_load %arg23[%get3A_483, %get3A_484] {strides = array<i32>} : memref<32x128xf32, #tpu.memory_space<vmem>>, vector<16xf32>,
        %mul3A_486 = arith.mulf %mul3A_482, %get3A_485 : vector<16xf32>
        %swap3A = arith.index_cast %add3A_476 : i32 to index
        %swap3A_487 = arith.constant 0 : index
        %swap3A_488 = tpu.vector_load %arg24[%swap3A, %swap3A_487] {strides = array<i32>} : memref<32x128xf32, #tpu.memory_space<vmem>>, vector<16xf32>,
        tpu.vector_store %arg24[%swap3A, %swap3A_487], %mul3A_486 {strides = array<i32>} : memref<32x128xf32, #tpu.memory_space<vmem>>, vector<16xf32>,
        %get3A_489 = arith.index_cast %add3A_476 : i32 to index
        %get3A_490 = arith.constant 16 : index
        %get3A_491 = tpu.vector_load %arg21[%get3A_489, %get3A_490] {strides = array<i32>} : memref<32x128xf32, #tpu.memory_space<vmem>>, vector<16xf32>,
        %get3A_492 = arith.index_cast %add3A_476 : i32 to index
        %get3A_493 = arith.constant 16 : index
        %get3A_494 = tpu.vector_load %arg22[%get3A_492, %get3A_493] {strides = array<i32>} : memref<32x128xf32, #tpu.memory_space<vmem>>, vector<16xf32>,
        %mul3A_495 = arith.mulf %get3A_491, %get3A_494 : vector<16xf32>
        %get3A_496 = arith.index_cast %add3A_476 : i32 to index
        %get3A_497 = arith.constant 16 : index
        %get3A_498 = tpu.vector_load %arg23[%get3A_496, %get3A_497] {strides = array<i32>} : memref<32x128xf32, #tpu.memory_space<vmem>>, vector<16xf32>,
        %mul3A_499 = arith.mulf %mul3A_495, %get3A_498 : vector<16xf32>
        %swap3A_500 = arith.index_cast %add3A_476 : i32 to index
        %swap3A_501 = arith.constant 16 : index
        %swap3A_502 = tpu.vector_load %arg24[%swap3A_500, %swap3A_501] {strides = array<i32>} : memref<32x128xf32, #tpu.memory_space<vmem>>, vector<16xf32>,
        tpu.vector_store %arg24[%swap3A_500, %swap3A_501], %mul3A_499 {strides = array<i32>} : memref<32x128xf32, #tpu.memory_space<vmem>>, vector<16xf32>,
        %get3A_503 = arith.index_cast %add3A_476 : i32 to index
        %get3A_504 = arith.constant 32 : index
        %get3A_505 = tpu.vector_load %arg21[%get3A_503, %get3A_504] {strides = array<i32>} : memref<32x128xf32, #tpu.memory_space<vmem>>, vector<16xf32>,
        %get3A_506 = arith.index_cast %add3A_476 : i32 to index
        %get3A_507 = arith.constant 32 : index
        %get3A_508 = tpu.vector_load %arg22[%get3A_506, %get3A_507] {strides = array<i32>} : memref<32x128xf32, #tpu.memory_space<vmem>>, vector<16xf32>,
        %mul3A_509 = arith.mulf %get3A_505, %get3A_508 : vector<16xf32>
        %get3A_510 = arith.index_cast %add3A_476 : i32 to index
        %get3A_511 = arith.constant 32 : index
        %get3A_512 = tpu.vector_load %arg23[%get3A_510, %get3A_511] {strides = array<i32>} : memref<32x128xf32, #tpu.memory_space<vmem>>, vector<16xf32>,
        %mul3A_513 = arith.mulf %mul3A_509, %get3A_512 : vector<16xf32>
        %swap3A_514 = arith.index_cast %add3A_476 : i32 to index
        %swap3A_515 = arith.constant 32 : index
        %swap3A_516 = tpu.vector_load %arg24[%swap3A_514, %swap3A_515] {strides = array<i32>} : memref<32x128xf32, #tpu.memory_space<vmem>>, vector<16xf32>,
        tpu.vector_store %arg24[%swap3A_514, %swap3A_515], %mul3A_513 {strides = array<i32>} : memref<32x128xf32, #tpu.memory_space<vmem>>, vector<16xf32>,
        %get3A_517 = arith.index_cast %add3A_476 : i32 to index
        %get3A_518 = arith.constant 48 : index
        %get3A_519 = tpu.vector_load %arg21[%get3A_517, %get3A_518] {strides = array<i32>} : memref<32x128xf32, #tpu.memory_space<vmem>>, vector<16xf32>,
        %get3A_520 = arith.index_cast %add3A_476 : i32 to index
        %get3A_521 = arith.constant 48 : index
        %get3A_522 = tpu.vector_load %arg22[%get3A_520, %get3A_521] {strides = array<i32>} : memref<32x128xf32, #tpu.memory_space<vmem>>, vector<16xf32>,
        %mul3A_523 = arith.mulf %get3A_519, %get3A_522 : vector<16xf32>
        %get3A_524 = arith.index_cast %add3A_476 : i32 to index
        %get3A_525 = arith.constant 48 : index
        %get3A_526 = tpu.vector_load %arg23[%get3A_524, %get3A_525] {strides = array<i32>} : memref<32x128xf32, #tpu.memory_space<vmem>>, vector<16xf32>,
        %mul3A_527 = arith.mulf %mul3A_523, %get3A_526 : vector<16xf32>
        %swap3A_528 = arith.index_cast %add3A_476 : i32 to index
        %swap3A_529 = arith.constant 48 : index
        %swap3A_530 = tpu.vector_load %arg24[%swap3A_528, %swap3A_529] {strides = array<i32>} : memref<32x128xf32, #tpu.memory_space<vmem>>, vector<16xf32>,
        tpu.vector_store %arg24[%swap3A_528, %swap3A_529], %mul3A_527 {strides = array<i32>} : memref<32x128xf32, #tpu.memory_space<vmem>>, vector<16xf32>,
        %get3A_531 = arith.index_cast %add3A_476 : i32 to index
        %get3A_532 = arith.constant 64 : index
        %get3A_533 = tpu.vector_load %arg21[%get3A_531, %get3A_532] {strides = array<i32>} : memref<32x128xf32, #tpu.memory_space<vmem>>, vector<16xf32>,
        %get3A_534 = arith.index_cast %add3A_476 : i32 to index
        %get3A_535 = arith.constant 64 : index
        %get3A_536 = tpu.vector_load %arg22[%get3A_534, %get3A_535] {strides = array<i32>} : memref<32x128xf32, #tpu.memory_space<vmem>>, vector<16xf32>,
        %mul3A_537 = arith.mulf %get3A_533, %get3A_536 : vector<16xf32>
        %get3A_538 = arith.index_cast %add3A_476 : i32 to index
        %get3A_539 = arith.constant 64 : index
        %get3A_540 = tpu.vector_load %arg23[%get3A_538, %get3A_539] {strides = array<i32>} : memref<32x128xf32, #tpu.memory_space<vmem>>, vector<16xf32>,
        %mul3A_541 = arith.mulf %mul3A_537, %get3A_540 : vector<16xf32>
        %swap3A_542 = arith.index_cast %add3A_476 : i32 to index
        %swap3A_543 = arith.constant 64 : index
        %swap3A_544 = tpu.vector_load %arg24[%swap3A_542, %swap3A_543] {strides = array<i32>} : memref<32x128xf32, #tpu.memory_space<vmem>>, vector<16xf32>,
        tpu.vector_store %arg24[%swap3A_542, %swap3A_543], %mul3A_541 {strides = array<i32>} : memref<32x128xf32, #tpu.memory_space<vmem>>, vector<16xf32>,
        %get3A_545 = arith.index_cast %add3A_476 : i32 to index
        %get3A_546 = arith.constant 80 : index
        %get3A_547 = tpu.vector_load %arg21[%get3A_545, %get3A_546] {strides = array<i32>} : memref<32x128xf32, #tpu.memory_space<vmem>>, vector<16xf32>,
        %get3A_548 = arith.index_cast %add3A_476 : i32 to index
        %get3A_549 = arith.constant 80 : index
        %get3A_550 = tpu.vector_load %arg22[%get3A_548, %get3A_549] {strides = array<i32>} : memref<32x128xf32, #tpu.memory_space<vmem>>, vector<16xf32>,
        %mul3A_551 = arith.mulf %get3A_547, %get3A_550 : vector<16xf32>
        %get3A_552 = arith.index_cast %add3A_476 : i32 to index
        %get3A_553 = arith.constant 80 : index
        %get3A_554 = tpu.vector_load %arg23[%get3A_552, %get3A_553] {strides = array<i32>} : memref<32x128xf32, #tpu.memory_space<vmem>>, vector<16xf32>,
        %mul3A_555 = arith.mulf %mul3A_551, %get3A_554 : vector<16xf32>
        %swap3A_556 = arith.index_cast %add3A_476 : i32 to index
        %swap3A_557 = arith.constant 80 : index
        %swap3A_558 = tpu.vector_load %arg24[%swap3A_556, %swap3A_557] {strides = array<i32>} : memref<32x128xf32, #tpu.memory_space<vmem>>, vector<16xf32>,
        tpu.vector_store %arg24[%swap3A_556, %swap3A_557], %mul3A_555 {strides = array<i32>} : memref<32x128xf32, #tpu.memory_space<vmem>>, vector<16xf32>,
        %get3A_559 = arith.index_cast %add3A_476 : i32 to index
        %get3A_560 = arith.constant 96 : index
        %get3A_561 = tpu.vector_load %arg21[%get3A_559, %get3A_560] {strides = array<i32>} : memref<32x128xf32, #tpu.memory_space<vmem>>, vector<16xf32>,
        %get3A_562 = arith.index_cast %add3A_476 : i32 to index
        %get3A_563 = arith.constant 96 : index
        %get3A_564 = tpu.vector_load %arg22[%get3A_562, %get3A_563] {strides = array<i32>} : memref<32x128xf32, #tpu.memory_space<vmem>>, vector<16xf32>,
        %mul3A_565 = arith.mulf %get3A_561, %get3A_564 : vector<16xf32>
        %get3A_566 = arith.index_cast %add3A_476 : i32 to index
        %get3A_567 = arith.constant 96 : index
        %get3A_568 = tpu.vector_load %arg23[%get3A_566, %get3A_567] {strides = array<i32>} : memref<32x128xf32, #tpu.memory_space<vmem>>, vector<16xf32>,
        %mul3A_569 = arith.mulf %mul3A_565, %get3A_568 : vector<16xf32>
        %swap3A_570 = arith.index_cast %add3A_476 : i32 to index
        %swap3A_571 = arith.constant 96 : index
        %swap3A_572 = tpu.vector_load %arg24[%swap3A_570, %swap3A_571] {strides = array<i32>} : memref<32x128xf32, #tpu.memory_space<vmem>>, vector<16xf32>,
        tpu.vector_store %arg24[%swap3A_570, %swap3A_571], %mul3A_569 {strides = array<i32>} : memref<32x128xf32, #tpu.memory_space<vmem>>, vector<16xf32>,
        %get3A_573 = arith.index_cast %add3A_476 : i32 to index
        %get3A_574 = arith.constant 112 : index
        %get3A_575 = tpu.vector_load %arg21[%get3A_573, %get3A_574] {strides = array<i32>} : memref<32x128xf32, #tpu.memory_space<vmem>>, vector<16xf32>,
        %get3A_576 = arith.index_cast %add3A_476 : i32 to index
        %get3A_577 = arith.constant 112 : index
        %get3A_578 = tpu.vector_load %arg22[%get3A_576, %get3A_577] {strides = array<i32>} : memref<32x128xf32, #tpu.memory_space<vmem>>, vector<16xf32>,
        %mul3A_579 = arith.mulf %get3A_575, %get3A_578 : vector<16xf32>
        %get3A_580 = arith.index_cast %add3A_476 : i32 to index
        %get3A_581 = arith.constant 112 : index
        %get3A_582 = tpu.vector_load %arg23[%get3A_580, %get3A_581] {strides = array<i32>} : memref<32x128xf32, #tpu.memory_space<vmem>>, vector<16xf32>,
        %mul3A_583 = arith.mulf %mul3A_579, %get3A_582 : vector<16xf32>
        %swap3A_584 = arith.index_cast %add3A_476 : i32 to index
        %swap3A_585 = arith.constant 112 : index
        %swap3A_586 = tpu.vector_load %arg24[%swap3A_584, %swap3A_585] {strides = array<i32>} : memref<32x128xf32, #tpu.memory_space<vmem>>, vector<16xf32>,
        tpu.vector_store %arg24[%swap3A_584, %swap3A_585], %mul3A_583 {strides = array<i32>} : memref<32x128xf32, #tpu.memory_space<vmem>>, vector<16xf32>,
      }
      %scan3A_448 = arith.constant 32 : i32
      %dma_start3A_449 = arith.constant 0 : i32
      %dma_start3A_450 = arith.constant 0 : i32
      %dma_start3A_451 = tpu.memref_slice %arg25[%dma_start3A_449, %dma_start3A_450] : memref<10240x128xf32, #tpu.memory_space<vmem_shared>> -> memref<10240x128xf32, #tpu.memory_space<vmem_shared>>
      tpu.enqueue_indirect_dma source(%arg24 : memref<32x128xf32, #tpu.memory_space<vmem>>) target(%dma_start3A_451 : memref<10240x128xf32, #tpu.memory_space<vmem_shared>>) offsets(%arg16 : memref<32xi32, #tpu.memory_space<vmem>>) semaphore(%arg31 : memref<!tpu.dma_semaphore, #tpu.memory_space<semaphore_mem>>) {add = true}
      %add3A_452 = arith.constant 2 : i32
      %add3A_453 = arith.addi %add3A_400, %add3A_452 : i32
      %min3A_454 = arith.constant 627 : i32
      %min3A_455 = arith.minsi %add3A_453, %min3A_454 : i32
      %mul3A_456 = arith.constant 32 : i32
      %mul3A_457 = arith.muli %min3A_455, %mul3A_456 : i32
      %add3A_458 = arith.addi %add3A, %mul3A_457 : i32
      %dma_wait3A_459 = tpu.memref_slice %arg2[%add3A_458] : memref<643072xi32, #tpu.memory_space<hbm>> -> memref<32xi32, #tpu.memory_space<hbm>>
      %dma_wait3A_460 = tpu.memref_slice %arg2[%add3A_458] : memref<643072xi32, #tpu.memory_space<hbm>> -> memref<32xi32, #tpu.memory_space<hbm>>
      tpu.wait_dma2 semaphore(%arg27 : memref<!tpu.dma_semaphore, #tpu.memory_space<semaphore_mem>>) src(%dma_wait3A_460 : memref<32xi32, #tpu.memory_space<hbm>>) dst(%arg12 : memref<32xi32, #tpu.memory_space<vmem>>)
      %dma_wait3A_461 = tpu.memref_slice %arg3[%add3A_458] : memref<643072xi32, #tpu.memory_space<hbm>> -> memref<32xi32, #tpu.memory_space<hbm>>
      %dma_wait3A_462 = tpu.memref_slice %arg3[%add3A_458] : memref<643072xi32, #tpu.memory_space<hbm>> -> memref<32xi32, #tpu.memory_space<hbm>>
      tpu.wait_dma2 semaphore(%arg27 : memref<!tpu.dma_semaphore, #tpu.memory_space<semaphore_mem>>) src(%dma_wait3A_462 : memref<32xi32, #tpu.memory_space<hbm>>) dst(%arg13 : memref<32xi32, #tpu.memory_space<vmem>>)
      %dma_wait3A_463 = tpu.memref_slice %arg4[%add3A_458] : memref<643072xi32, #tpu.memory_space<hbm>> -> memref<32xi32, #tpu.memory_space<hbm>>
      %dma_wait3A_464 = tpu.memref_slice %arg4[%add3A_458] : memref<643072xi32, #tpu.memory_space<hbm>> -> memref<32xi32, #tpu.memory_space<hbm>>
      tpu.wait_dma2 semaphore(%arg27 : memref<!tpu.dma_semaphore, #tpu.memory_space<semaphore_mem>>) src(%dma_wait3A_464 : memref<32xi32, #tpu.memory_space<hbm>>) dst(%arg14 : memref<32xi32, #tpu.memory_space<vmem>>)
      %add3A_465 = arith.constant 2 : i32
      %add3A_466 = arith.addi %add3A_400, %add3A_465 : i32
      %lt3A_467 = arith.constant 628 : i32
      %lt3A_468 = arith.cmpi slt, %add3A_466, %lt3A_467 : i32
      %convert_element_type3A_469 = arith.extui %lt3A_468 : i1 to i32
      %cond3A_470 = arith.constant 0 : i32
      %cond3A_471 = arith.cmpi ne, %convert_element_type3A_469, %cond3A_470 : i32
      scf.if %cond3A_471 {
        %add3A_472 = arith.constant 2 : i32
        %add3A_473 = arith.addi %add3A_400, %add3A_472 : i32
        %dma_start3A_474 = arith.constant 0 : i32
        %dma_start3A_475 = arith.constant 0 : i32
        %dma_start3A_476 = tpu.memref_slice %arg6[%dma_start3A_474, %dma_start3A_475] : memref<20480x128xf32, #tpu.memory_space<hbm>> -> memref<20480x128xf32, #tpu.memory_space<hbm>>
        tpu.enqueue_indirect_dma source(%dma_start3A_476 : memref<20480x128xf32, #tpu.memory_space<hbm>>) target(%arg21 : memref<32x128xf32, #tpu.memory_space<vmem>>) offsets(%arg12 : memref<32xi32, #tpu.memory_space<vmem>>) semaphore(%arg29 : memref<!tpu.dma_semaphore, #tpu.memory_space<semaphore_mem>>)
        %dma_start3A_477 = arith.constant 0 : i32
        %dma_start3A_478 = arith.constant 0 : i32
        %dma_start3A_479 = tpu.memref_slice %arg7[%dma_start3A_477, %dma_start3A_478] : memref<512x128xf32, #tpu.memory_space<hbm>> -> memref<512x128xf32, #tpu.memory_space<hbm>>
        tpu.enqueue_indirect_dma source(%dma_start3A_479 : memref<512x128xf32, #tpu.memory_space<hbm>>) target(%arg22 : memref<32x128xf32, #tpu.memory_space<vmem>>) offsets(%arg14 : memref<32xi32, #tpu.memory_space<vmem>>) semaphore(%arg29 : memref<!tpu.dma_semaphore, #tpu.memory_space<semaphore_mem>>)
        %mul3A_480 = arith.constant 320000 : i32
        %mul3A_481 = arith.muli %arg0, %mul3A_480 : i32
        %mul3A_482 = arith.constant 20096 : i32
        %mul3A_483 = arith.muli %arg1, %mul3A_482 : i32
        %mul3A_484 = arith.constant 32 : i32
        %mul3A_485 = arith.muli %add3A_473, %mul3A_484 : i32
        %add3A_486 = arith.addi %mul3A_483, %mul3A_485 : i32
        %min3A_487 = arith.constant 319968 : i32
        %min3A_488 = arith.minsi %add3A_486, %min3A_487 : i32
        %add3A_489 = arith.addi %mul3A_481, %min3A_488 : i32
        %dma_start3A_490 = arith.constant 0 : i32
        %dma_start3A_491 = tpu.memref_slice %arg5[%add3A_489, %dma_start3A_490] : memref<640000x128xf32, #tpu.memory_space<hbm>> -> memref<32x128xf32, #tpu.memory_space<hbm>>
        %dma_start3A_492 = arith.constant 0 : i32
        %dma_start3A_493 = tpu.memref_slice %arg5[%add3A_489, %dma_start3A_492] : memref<640000x128xf32, #tpu.memory_space<hbm>> -> memref<32x128xf32, #tpu.memory_space<hbm>>
        tpu.enqueue_dma source(%dma_start3A_493 : memref<32x128xf32, #tpu.memory_space<hbm>>) target(%arg23 : memref<32x128xf32, #tpu.memory_space<vmem>>) target_semaphore(%arg29 : memref<!tpu.dma_semaphore, #tpu.memory_space<semaphore_mem>>)
      } else {
      }
    }
    %scan3A_175 = arith.constant 314 : i32
    %dma_wait3A_176 = arith.constant 0 : i32
    %dma_wait3A_177 = arith.constant 0 : i32
    %dma_wait3A_178 = tpu.memref_slice %arg25[%dma_wait3A_176, %dma_wait3A_177] : memref<10240x128xf32, #tpu.memory_space<vmem_shared>> -> memref<10240x128xf32, #tpu.memory_space<vmem_shared>>
    tpu.wait_indirect_dma semaphore(%arg30 : memref<!tpu.dma_semaphore, #tpu.memory_space<semaphore_mem>>) src(%arg20 : memref<32x128xf32, #tpu.memory_space<vmem>>) dst(%dma_wait3A_178 : memref<10240x128xf32, #tpu.memory_space<vmem_shared>>)
    %dma_wait3A_179 = arith.constant 0 : i32
    %dma_wait3A_180 = arith.constant 0 : i32
    %dma_wait3A_181 = tpu.memref_slice %arg25[%dma_wait3A_179, %dma_wait3A_180] : memref<10240x128xf32, #tpu.memory_space<vmem_shared>> -> memref<10240x128xf32, #tpu.memory_space<vmem_shared>>
    tpu.wait_indirect_dma semaphore(%arg31 : memref<!tpu.dma_semaphore, #tpu.memory_space<semaphore_mem>>) src(%arg24 : memref<32x128xf32, #tpu.memory_space<vmem>>) dst(%dma_wait3A_181 : memref<10240x128xf32, #tpu.memory_space<vmem_shared>>)
    %barrier3A_182 = arith.constant 0 : index
    tpu.barrier barrier_id(%barrier3A_182)
    %mul3A_183 = arith.constant 640 : i32
    %mul3A_184 = arith.muli %arg1, %mul3A_183 : i32
    %add3A_185 = arith.constant 0 : i32
    %add3A_186 = arith.addi %mul3A_184, %add3A_185 : i32
    %mul3A_187 = arith.constant 10240 : i32
    %mul3A_188 = arith.muli %arg0, %mul3A_187 : i32
    %add3A_189 = arith.addi %mul3A_188, %add3A_186 : i32
    "tpu.region"() ({
      %run_scoped3A = tpu.sem_alloc : memref<!tpu.dma_semaphore, #tpu.memory_space<semaphore_mem>>
      %dma_start3A_323 = arith.constant 0 : i32
      %dma_start3A_324 = tpu.memref_slice %arg8[%add3A_189, %dma_start3A_323] : memref<20480x128xf32, #tpu.memory_space<hbm>> -> memref<32x128xf32, #tpu.memory_space<hbm>>
      %dma_start3A_325 = arith.constant 0 : i32
      %dma_start3A_326 = tpu.memref_slice %arg25[%add3A_186, %dma_start3A_325] : memref<10240x128xf32, #tpu.memory_space<vmem_shared>> -> memref<32x128xf32, #tpu.memory_space<vmem_shared>>
      tpu.enqueue_dma source(%dma_start3A_326 : memref<32x128xf32, #tpu.memory_space<vmem_shared>>) target(%dma_start3A_324 : memref<32x128xf32, #tpu.memory_space<hbm>>) target_semaphore(%run_scoped3A : memref<!tpu.dma_semaphore, #tpu.memory_space<semaphore_mem>>)
      %dma_wait3A_327 = arith.constant 0 : i32
      %dma_wait3A_328 = tpu.memref_slice %arg8[%add3A_189, %dma_wait3A_327] : memref<20480x128xf32, #tpu.memory_space<hbm>> -> memref<32x128xf32, #tpu.memory_space<hbm>>
      %dma_wait3A_329 = arith.constant 0 : i32
      %dma_wait3A_330 = tpu.memref_slice %arg25[%add3A_186, %dma_wait3A_329] : memref<10240x128xf32, #tpu.memory_space<vmem_shared>> -> memref<32x128xf32, #tpu.memory_space<vmem_shared>>
      tpu.wait_dma2 semaphore(%run_scoped3A : memref<!tpu.dma_semaphore, #tpu.memory_space<semaphore_mem>>) src(%dma_wait3A_330 : memref<32x128xf32, #tpu.memory_space<vmem_shared>>) dst(%dma_wait3A_328 : memref<32x128xf32, #tpu.memory_space<hbm>>)
      tpu.yield
    }) : () -> ()
    %mul3A_190 = arith.constant 640 : i32
    %mul3A_191 = arith.muli %arg1, %mul3A_190 : i32
    %add3A_192 = arith.constant 32 : i32
    %add3A_193 = arith.addi %mul3A_191, %add3A_192 : i32
    %mul3A_194 = arith.constant 10240 : i32
    %mul3A_195 = arith.muli %arg0, %mul3A_194 : i32
    %add3A_196 = arith.addi %mul3A_195, %add3A_193 : i32
    "tpu.region"() ({
      %run_scoped3A = tpu.sem_alloc : memref<!tpu.dma_semaphore, #tpu.memory_space<semaphore_mem>>
      %dma_start3A_323 = arith.constant 0 : i32
      %dma_start3A_324 = tpu.memref_slice %arg8[%add3A_196, %dma_start3A_323] : memref<20480x128xf32, #tpu.memory_space<hbm>> -> memref<32x128xf32, #tpu.memory_space<hbm>>
      %dma_start3A_325 = arith.constant 0 : i32
      %dma_start3A_326 = tpu.memref_slice %arg25[%add3A_193, %dma_start3A_325] : memref<10240x128xf32, #tpu.memory_space<vmem_shared>> -> memref<32x128xf32, #tpu.memory_space<vmem_shared>>
      tpu.enqueue_dma source(%dma_start3A_326 : memref<32x128xf32, #tpu.memory_space<vmem_shared>>) target(%dma_start3A_324 : memref<32x128xf32, #tpu.memory_space<hbm>>) target_semaphore(%run_scoped3A : memref<!tpu.dma_semaphore, #tpu.memory_space<semaphore_mem>>)
      %dma_wait3A_327 = arith.constant 0 : i32
      %dma_wait3A_328 = tpu.memref_slice %arg8[%add3A_196, %dma_wait3A_327] : memref<20480x128xf32, #tpu.memory_space<hbm>> -> memref<32x128xf32, #tpu.memory_space<hbm>>
      %dma_wait3A_329 = arith.constant 0 : i32
      %dma_wait3A_330 = tpu.memref_slice %arg25[%add3A_193, %dma_wait3A_329] : memref<10240x128xf32, #tpu.memory_space<vmem_shared>> -> memref<32x128xf32, #tpu.memory_space<vmem_shared>>
      tpu.wait_dma2 semaphore(%run_scoped3A : memref<!tpu.dma_semaphore, #tpu.memory_space<semaphore_mem>>) src(%dma_wait3A_330 : memref<32x128xf32, #tpu.memory_space<vmem_shared>>) dst(%dma_wait3A_328 : memref<32x128xf32, #tpu.memory_space<hbm>>)
      tpu.yield
    }) : () -> ()
    %mul3A_197 = arith.constant 640 : i32
    %mul3A_198 = arith.muli %arg1, %mul3A_197 : i32
    %add3A_199 = arith.constant 64 : i32
    %add3A_200 = arith.addi %mul3A_198, %add3A_199 : i32
    %mul3A_201 = arith.constant 10240 : i32
    %mul3A_202 = arith.muli %arg0, %mul3A_201 : i32
    %add3A_203 = arith.addi %mul3A_202, %add3A_200 : i32
    "tpu.region"() ({
      %run_scoped3A = tpu.sem_alloc : memref<!tpu.dma_semaphore, #tpu.memory_space<semaphore_mem>>
      %dma_start3A_323 = arith.constant 0 : i32
      %dma_start3A_324 = tpu.memref_slice %arg8[%add3A_203, %dma_start3A_323] : memref<20480x128xf32, #tpu.memory_space<hbm>> -> memref<32x128xf32, #tpu.memory_space<hbm>>
      %dma_start3A_325 = arith.constant 0 : i32
      %dma_start3A_326 = tpu.memref_slice %arg25[%add3A_200, %dma_start3A_325] : memref<10240x128xf32, #tpu.memory_space<vmem_shared>> -> memref<32x128xf32, #tpu.memory_space<vmem_shared>>
      tpu.enqueue_dma source(%dma_start3A_326 : memref<32x128xf32, #tpu.memory_space<vmem_shared>>) target(%dma_start3A_324 : memref<32x128xf32, #tpu.memory_space<hbm>>) target_semaphore(%run_scoped3A : memref<!tpu.dma_semaphore, #tpu.memory_space<semaphore_mem>>)
      %dma_wait3A_327 = arith.constant 0 : i32
      %dma_wait3A_328 = tpu.memref_slice %arg8[%add3A_203, %dma_wait3A_327] : memref<20480x128xf32, #tpu.memory_space<hbm>> -> memref<32x128xf32, #tpu.memory_space<hbm>>
      %dma_wait3A_329 = arith.constant 0 : i32
      %dma_wait3A_330 = tpu.memref_slice %arg25[%add3A_200, %dma_wait3A_329] : memref<10240x128xf32, #tpu.memory_space<vmem_shared>> -> memref<32x128xf32, #tpu.memory_space<vmem_shared>>
      tpu.wait_dma2 semaphore(%run_scoped3A : memref<!tpu.dma_semaphore, #tpu.memory_space<semaphore_mem>>) src(%dma_wait3A_330 : memref<32x128xf32, #tpu.memory_space<vmem_shared>>) dst(%dma_wait3A_328 : memref<32x128xf32, #tpu.memory_space<hbm>>)
      tpu.yield
    }) : () -> ()
    %mul3A_204 = arith.constant 640 : i32
    %mul3A_205 = arith.muli %arg1, %mul3A_204 : i32
    %add3A_206 = arith.constant 96 : i32
    %add3A_207 = arith.addi %mul3A_205, %add3A_206 : i32
    %mul3A_208 = arith.constant 10240 : i32
    %mul3A_209 = arith.muli %arg0, %mul3A_208 : i32
    %add3A_210 = arith.addi %mul3A_209, %add3A_207 : i32
    "tpu.region"() ({
      %run_scoped3A = tpu.sem_alloc : memref<!tpu.dma_semaphore, #tpu.memory_space<semaphore_mem>>
      %dma_start3A_323 = arith.constant 0 : i32
      %dma_start3A_324 = tpu.memref_slice %arg8[%add3A_210, %dma_start3A_323] : memref<20480x128xf32, #tpu.memory_space<hbm>> -> memref<32x128xf32, #tpu.memory_space<hbm>>
      %dma_start3A_325 = arith.constant 0 : i32
      %dma_start3A_326 = tpu.memref_slice %arg25[%add3A_207, %dma_start3A_325] : memref<10240x128xf32, #tpu.memory_space<vmem_shared>> -> memref<32x128xf32, #tpu.memory_space<vmem_shared>>
      tpu.enqueue_dma source(%dma_start3A_326 : memref<32x128xf32, #tpu.memory_space<vmem_shared>>) target(%dma_start3A_324 : memref<32x128xf32, #tpu.memory_space<hbm>>) target_semaphore(%run_scoped3A : memref<!tpu.dma_semaphore, #tpu.memory_space<semaphore_mem>>)
      %dma_wait3A_327 = arith.constant 0 : i32
      %dma_wait3A_328 = tpu.memref_slice %arg8[%add3A_210, %dma_wait3A_327] : memref<20480x128xf32, #tpu.memory_space<hbm>> -> memref<32x128xf32, #tpu.memory_space<hbm>>
      %dma_wait3A_329 = arith.constant 0 : i32
      %dma_wait3A_330 = tpu.memref_slice %arg25[%add3A_207, %dma_wait3A_329] : memref<10240x128xf32, #tpu.memory_space<vmem_shared>> -> memref<32x128xf32, #tpu.memory_space<vmem_shared>>
      tpu.wait_dma2 semaphore(%run_scoped3A : memref<!tpu.dma_semaphore, #tpu.memory_space<semaphore_mem>>) src(%dma_wait3A_330 : memref<32x128xf32, #tpu.memory_space<vmem_shared>>) dst(%dma_wait3A_328 : memref<32x128xf32, #tpu.memory_space<hbm>>)
      tpu.yield
    }) : () -> ()
    %mul3A_211 = arith.constant 640 : i32
    %mul3A_212 = arith.muli %arg1, %mul3A_211 : i32
    %add3A_213 = arith.constant 128 : i32
    %add3A_214 = arith.addi %mul3A_212, %add3A_213 : i32
    %mul3A_215 = arith.constant 10240 : i32
    %mul3A_216 = arith.muli %arg0, %mul3A_215 : i32
    %add3A_217 = arith.addi %mul3A_216, %add3A_214 : i32
    "tpu.region"() ({
      %run_scoped3A = tpu.sem_alloc : memref<!tpu.dma_semaphore, #tpu.memory_space<semaphore_mem>>
      %dma_start3A_323 = arith.constant 0 : i32
      %dma_start3A_324 = tpu.memref_slice %arg8[%add3A_217, %dma_start3A_323] : memref<20480x128xf32, #tpu.memory_space<hbm>> -> memref<32x128xf32, #tpu.memory_space<hbm>>
      %dma_start3A_325 = arith.constant 0 : i32
      %dma_start3A_326 = tpu.memref_slice %arg25[%add3A_214, %dma_start3A_325] : memref<10240x128xf32, #tpu.memory_space<vmem_shared>> -> memref<32x128xf32, #tpu.memory_space<vmem_shared>>
      tpu.enqueue_dma source(%dma_start3A_326 : memref<32x128xf32, #tpu.memory_space<vmem_shared>>) target(%dma_start3A_324 : memref<32x128xf32, #tpu.memory_space<hbm>>) target_semaphore(%run_scoped3A : memref<!tpu.dma_semaphore, #tpu.memory_space<semaphore_mem>>)
      %dma_wait3A_327 = arith.constant 0 : i32
      %dma_wait3A_328 = tpu.memref_slice %arg8[%add3A_217, %dma_wait3A_327] : memref<20480x128xf32, #tpu.memory_space<hbm>> -> memref<32x128xf32, #tpu.memory_space<hbm>>
      %dma_wait3A_329 = arith.constant 0 : i32
      %dma_wait3A_330 = tpu.memref_slice %arg25[%add3A_214, %dma_wait3A_329] : memref<10240x128xf32, #tpu.memory_space<vmem_shared>> -> memref<32x128xf32, #tpu.memory_space<vmem_shared>>
      tpu.wait_dma2 semaphore(%run_scoped3A : memref<!tpu.dma_semaphore, #tpu.memory_space<semaphore_mem>>) src(%dma_wait3A_330 : memref<32x128xf32, #tpu.memory_space<vmem_shared>>) dst(%dma_wait3A_328 : memref<32x128xf32, #tpu.memory_space<hbm>>)
      tpu.yield
    }) : () -> ()
    %mul3A_218 = arith.constant 640 : i32
    %mul3A_219 = arith.muli %arg1, %mul3A_218 : i32
    %add3A_220 = arith.constant 160 : i32
    %add3A_221 = arith.addi %mul3A_219, %add3A_220 : i32
    %mul3A_222 = arith.constant 10240 : i32
    %mul3A_223 = arith.muli %arg0, %mul3A_222 : i32
    %add3A_224 = arith.addi %mul3A_223, %add3A_221 : i32
    "tpu.region"() ({
      %run_scoped3A = tpu.sem_alloc : memref<!tpu.dma_semaphore, #tpu.memory_space<semaphore_mem>>
      %dma_start3A_323 = arith.constant 0 : i32
      %dma_start3A_324 = tpu.memref_slice %arg8[%add3A_224, %dma_start3A_323] : memref<20480x128xf32, #tpu.memory_space<hbm>> -> memref<32x128xf32, #tpu.memory_space<hbm>>
      %dma_start3A_325 = arith.constant 0 : i32
      %dma_start3A_326 = tpu.memref_slice %arg25[%add3A_221, %dma_start3A_325] : memref<10240x128xf32, #tpu.memory_space<vmem_shared>> -> memref<32x128xf32, #tpu.memory_space<vmem_shared>>
      tpu.enqueue_dma source(%dma_start3A_326 : memref<32x128xf32, #tpu.memory_space<vmem_shared>>) target(%dma_start3A_324 : memref<32x128xf32, #tpu.memory_space<hbm>>) target_semaphore(%run_scoped3A : memref<!tpu.dma_semaphore, #tpu.memory_space<semaphore_mem>>)
      %dma_wait3A_327 = arith.constant 0 : i32
      %dma_wait3A_328 = tpu.memref_slice %arg8[%add3A_224, %dma_wait3A_327] : memref<20480x128xf32, #tpu.memory_space<hbm>> -> memref<32x128xf32, #tpu.memory_space<hbm>>
      %dma_wait3A_329 = arith.constant 0 : i32
      %dma_wait3A_330 = tpu.memref_slice %arg25[%add3A_221, %dma_wait3A_329] : memref<10240x128xf32, #tpu.memory_space<vmem_shared>> -> memref<32x128xf32, #tpu.memory_space<vmem_shared>>
      tpu.wait_dma2 semaphore(%run_scoped3A : memref<!tpu.dma_semaphore, #tpu.memory_space<semaphore_mem>>) src(%dma_wait3A_330 : memref<32x128xf32, #tpu.memory_space<vmem_shared>>) dst(%dma_wait3A_328 : memref<32x128xf32, #tpu.memory_space<hbm>>)
      tpu.yield
    }) : () -> ()
    %mul3A_225 = arith.constant 640 : i32
    %mul3A_226 = arith.muli %arg1, %mul3A_225 : i32
    %add3A_227 = arith.constant 192 : i32
    %add3A_228 = arith.addi %mul3A_226, %add3A_227 : i32
    %mul3A_229 = arith.constant 10240 : i32
    %mul3A_230 = arith.muli %arg0, %mul3A_229 : i32
    %add3A_231 = arith.addi %mul3A_230, %add3A_228 : i32
    "tpu.region"() ({
      %run_scoped3A = tpu.sem_alloc : memref<!tpu.dma_semaphore, #tpu.memory_space<semaphore_mem>>
      %dma_start3A_323 = arith.constant 0 : i32
      %dma_start3A_324 = tpu.memref_slice %arg8[%add3A_231, %dma_start3A_323] : memref<20480x128xf32, #tpu.memory_space<hbm>> -> memref<32x128xf32, #tpu.memory_space<hbm>>
      %dma_start3A_325 = arith.constant 0 : i32
      %dma_start3A_326 = tpu.memref_slice %arg25[%add3A_228, %dma_start3A_325] : memref<10240x128xf32, #tpu.memory_space<vmem_shared>> -> memref<32x128xf32, #tpu.memory_space<vmem_shared>>
      tpu.enqueue_dma source(%dma_start3A_326 : memref<32x128xf32, #tpu.memory_space<vmem_shared>>) target(%dma_start3A_324 : memref<32x128xf32, #tpu.memory_space<hbm>>) target_semaphore(%run_scoped3A : memref<!tpu.dma_semaphore, #tpu.memory_space<semaphore_mem>>)
      %dma_wait3A_327 = arith.constant 0 : i32
      %dma_wait3A_328 = tpu.memref_slice %arg8[%add3A_231, %dma_wait3A_327] : memref<20480x128xf32, #tpu.memory_space<hbm>> -> memref<32x128xf32, #tpu.memory_space<hbm>>
      %dma_wait3A_329 = arith.constant 0 : i32
      %dma_wait3A_330 = tpu.memref_slice %arg25[%add3A_228, %dma_wait3A_329] : memref<10240x128xf32, #tpu.memory_space<vmem_shared>> -> memref<32x128xf32, #tpu.memory_space<vmem_shared>>
      tpu.wait_dma2 semaphore(%run_scoped3A : memref<!tpu.dma_semaphore, #tpu.memory_space<semaphore_mem>>) src(%dma_wait3A_330 : memref<32x128xf32, #tpu.memory_space<vmem_shared>>) dst(%dma_wait3A_328 : memref<32x128xf32, #tpu.memory_space<hbm>>)
      tpu.yield
    }) : () -> ()
    %mul3A_232 = arith.constant 640 : i32
    %mul3A_233 = arith.muli %arg1, %mul3A_232 : i32
    %add3A_234 = arith.constant 224 : i32
    %add3A_235 = arith.addi %mul3A_233, %add3A_234 : i32
    %mul3A_236 = arith.constant 10240 : i32
    %mul3A_237 = arith.muli %arg0, %mul3A_236 : i32
    %add3A_238 = arith.addi %mul3A_237, %add3A_235 : i32
    "tpu.region"() ({
      %run_scoped3A = tpu.sem_alloc : memref<!tpu.dma_semaphore, #tpu.memory_space<semaphore_mem>>
      %dma_start3A_323 = arith.constant 0 : i32
      %dma_start3A_324 = tpu.memref_slice %arg8[%add3A_238, %dma_start3A_323] : memref<20480x128xf32, #tpu.memory_space<hbm>> -> memref<32x128xf32, #tpu.memory_space<hbm>>
      %dma_start3A_325 = arith.constant 0 : i32
      %dma_start3A_326 = tpu.memref_slice %arg25[%add3A_235, %dma_start3A_325] : memref<10240x128xf32, #tpu.memory_space<vmem_shared>> -> memref<32x128xf32, #tpu.memory_space<vmem_shared>>
      tpu.enqueue_dma source(%dma_start3A_326 : memref<32x128xf32, #tpu.memory_space<vmem_shared>>) target(%dma_start3A_324 : memref<32x128xf32, #tpu.memory_space<hbm>>) target_semaphore(%run_scoped3A : memref<!tpu.dma_semaphore, #tpu.memory_space<semaphore_mem>>)
      %dma_wait3A_327 = arith.constant 0 : i32
      %dma_wait3A_328 = tpu.memref_slice %arg8[%add3A_238, %dma_wait3A_327] : memref<20480x128xf32, #tpu.memory_space<hbm>> -> memref<32x128xf32, #tpu.memory_space<hbm>>
      %dma_wait3A_329 = arith.constant 0 : i32
      %dma_wait3A_330 = tpu.memref_slice %arg25[%add3A_235, %dma_wait3A_329] : memref<10240x128xf32, #tpu.memory_space<vmem_shared>> -> memref<32x128xf32, #tpu.memory_space<vmem_shared>>
      tpu.wait_dma2 semaphore(%run_scoped3A : memref<!tpu.dma_semaphore, #tpu.memory_space<semaphore_mem>>) src(%dma_wait3A_330 : memref<32x128xf32, #tpu.memory_space<vmem_shared>>) dst(%dma_wait3A_328 : memref<32x128xf32, #tpu.memory_space<hbm>>)
      tpu.yield
    }) : () -> ()
    %mul3A_239 = arith.constant 640 : i32
    %mul3A_240 = arith.muli %arg1, %mul3A_239 : i32
    %add3A_241 = arith.constant 256 : i32
    %add3A_242 = arith.addi %mul3A_240, %add3A_241 : i32
    %mul3A_243 = arith.constant 10240 : i32
    %mul3A_244 = arith.muli %arg0, %mul3A_243 : i32
    %add3A_245 = arith.addi %mul3A_244, %add3A_242 : i32
    "tpu.region"() ({
      %run_scoped3A = tpu.sem_alloc : memref<!tpu.dma_semaphore, #tpu.memory_space<semaphore_mem>>
      %dma_start3A_323 = arith.constant 0 : i32
      %dma_start3A_324 = tpu.memref_slice %arg8[%add3A_245, %dma_start3A_323] : memref<20480x128xf32, #tpu.memory_space<hbm>> -> memref<32x128xf32, #tpu.memory_space<hbm>>
      %dma_start3A_325 = arith.constant 0 : i32
      %dma_start3A_326 = tpu.memref_slice %arg25[%add3A_242, %dma_start3A_325] : memref<10240x128xf32, #tpu.memory_space<vmem_shared>> -> memref<32x128xf32, #tpu.memory_space<vmem_shared>>
      tpu.enqueue_dma source(%dma_start3A_326 : memref<32x128xf32, #tpu.memory_space<vmem_shared>>) target(%dma_start3A_324 : memref<32x128xf32, #tpu.memory_space<hbm>>) target_semaphore(%run_scoped3A : memref<!tpu.dma_semaphore, #tpu.memory_space<semaphore_mem>>)
      %dma_wait3A_327 = arith.constant 0 : i32
      %dma_wait3A_328 = tpu.memref_slice %arg8[%add3A_245, %dma_wait3A_327] : memref<20480x128xf32, #tpu.memory_space<hbm>> -> memref<32x128xf32, #tpu.memory_space<hbm>>
      %dma_wait3A_329 = arith.constant 0 : i32
      %dma_wait3A_330 = tpu.memref_slice %arg25[%add3A_242, %dma_wait3A_329] : memref<10240x128xf32, #tpu.memory_space<vmem_shared>> -> memref<32x128xf32, #tpu.memory_space<vmem_shared>>
      tpu.wait_dma2 semaphore(%run_scoped3A : memref<!tpu.dma_semaphore, #tpu.memory_space<semaphore_mem>>) src(%dma_wait3A_330 : memref<32x128xf32, #tpu.memory_space<vmem_shared>>) dst(%dma_wait3A_328 : memref<32x128xf32, #tpu.memory_space<hbm>>)
      tpu.yield
    }) : () -> ()
    %mul3A_246 = arith.constant 640 : i32
    %mul3A_247 = arith.muli %arg1, %mul3A_246 : i32
    %add3A_248 = arith.constant 288 : i32
    %add3A_249 = arith.addi %mul3A_247, %add3A_248 : i32
    %mul3A_250 = arith.constant 10240 : i32
    %mul3A_251 = arith.muli %arg0, %mul3A_250 : i32
    %add3A_252 = arith.addi %mul3A_251, %add3A_249 : i32
    "tpu.region"() ({
      %run_scoped3A = tpu.sem_alloc : memref<!tpu.dma_semaphore, #tpu.memory_space<semaphore_mem>>
      %dma_start3A_323 = arith.constant 0 : i32
      %dma_start3A_324 = tpu.memref_slice %arg8[%add3A_252, %dma_start3A_323] : memref<20480x128xf32, #tpu.memory_space<hbm>> -> memref<32x128xf32, #tpu.memory_space<hbm>>
      %dma_start3A_325 = arith.constant 0 : i32
      %dma_start3A_326 = tpu.memref_slice %arg25[%add3A_249, %dma_start3A_325] : memref<10240x128xf32, #tpu.memory_space<vmem_shared>> -> memref<32x128xf32, #tpu.memory_space<vmem_shared>>
      tpu.enqueue_dma source(%dma_start3A_326 : memref<32x128xf32, #tpu.memory_space<vmem_shared>>) target(%dma_start3A_324 : memref<32x128xf32, #tpu.memory_space<hbm>>) target_semaphore(%run_scoped3A : memref<!tpu.dma_semaphore, #tpu.memory_space<semaphore_mem>>)
      %dma_wait3A_327 = arith.constant 0 : i32
      %dma_wait3A_328 = tpu.memref_slice %arg8[%add3A_252, %dma_wait3A_327] : memref<20480x128xf32, #tpu.memory_space<hbm>> -> memref<32x128xf32, #tpu.memory_space<hbm>>
      %dma_wait3A_329 = arith.constant 0 : i32
      %dma_wait3A_330 = tpu.memref_slice %arg25[%add3A_249, %dma_wait3A_329] : memref<10240x128xf32, #tpu.memory_space<vmem_shared>> -> memref<32x128xf32, #tpu.memory_space<vmem_shared>>
      tpu.wait_dma2 semaphore(%run_scoped3A : memref<!tpu.dma_semaphore, #tpu.memory_space<semaphore_mem>>) src(%dma_wait3A_330 : memref<32x128xf32, #tpu.memory_space<vmem_shared>>) dst(%dma_wait3A_328 : memref<32x128xf32, #tpu.memory_space<hbm>>)
      tpu.yield
    }) : () -> ()
    %mul3A_253 = arith.constant 640 : i32
    %mul3A_254 = arith.muli %arg1, %mul3A_253 : i32
    %add3A_255 = arith.constant 320 : i32
    %add3A_256 = arith.addi %mul3A_254, %add3A_255 : i32
    %mul3A_257 = arith.constant 10240 : i32
    %mul3A_258 = arith.muli %arg0, %mul3A_257 : i32
    %add3A_259 = arith.addi %mul3A_258, %add3A_256 : i32
    "tpu.region"() ({
      %run_scoped3A = tpu.sem_alloc : memref<!tpu.dma_semaphore, #tpu.memory_space<semaphore_mem>>
      %dma_start3A_323 = arith.constant 0 : i32
      %dma_start3A_324 = tpu.memref_slice %arg8[%add3A_259, %dma_start3A_323] : memref<20480x128xf32, #tpu.memory_space<hbm>> -> memref<32x128xf32, #tpu.memory_space<hbm>>
      %dma_start3A_325 = arith.constant 0 : i32
      %dma_start3A_326 = tpu.memref_slice %arg25[%add3A_256, %dma_start3A_325] : memref<10240x128xf32, #tpu.memory_space<vmem_shared>> -> memref<32x128xf32, #tpu.memory_space<vmem_shared>>
      tpu.enqueue_dma source(%dma_start3A_326 : memref<32x128xf32, #tpu.memory_space<vmem_shared>>) target(%dma_start3A_324 : memref<32x128xf32, #tpu.memory_space<hbm>>) target_semaphore(%run_scoped3A : memref<!tpu.dma_semaphore, #tpu.memory_space<semaphore_mem>>)
      %dma_wait3A_327 = arith.constant 0 : i32
      %dma_wait3A_328 = tpu.memref_slice %arg8[%add3A_259, %dma_wait3A_327] : memref<20480x128xf32, #tpu.memory_space<hbm>> -> memref<32x128xf32, #tpu.memory_space<hbm>>
      %dma_wait3A_329 = arith.constant 0 : i32
      %dma_wait3A_330 = tpu.memref_slice %arg25[%add3A_256, %dma_wait3A_329] : memref<10240x128xf32, #tpu.memory_space<vmem_shared>> -> memref<32x128xf32, #tpu.memory_space<vmem_shared>>
      tpu.wait_dma2 semaphore(%run_scoped3A : memref<!tpu.dma_semaphore, #tpu.memory_space<semaphore_mem>>) src(%dma_wait3A_330 : memref<32x128xf32, #tpu.memory_space<vmem_shared>>) dst(%dma_wait3A_328 : memref<32x128xf32, #tpu.memory_space<hbm>>)
      tpu.yield
    }) : () -> ()
    %mul3A_260 = arith.constant 640 : i32
    %mul3A_261 = arith.muli %arg1, %mul3A_260 : i32
    %add3A_262 = arith.constant 352 : i32
    %add3A_263 = arith.addi %mul3A_261, %add3A_262 : i32
    %mul3A_264 = arith.constant 10240 : i32
    %mul3A_265 = arith.muli %arg0, %mul3A_264 : i32
    %add3A_266 = arith.addi %mul3A_265, %add3A_263 : i32
    "tpu.region"() ({
      %run_scoped3A = tpu.sem_alloc : memref<!tpu.dma_semaphore, #tpu.memory_space<semaphore_mem>>
      %dma_start3A_323 = arith.constant 0 : i32
      %dma_start3A_324 = tpu.memref_slice %arg8[%add3A_266, %dma_start3A_323] : memref<20480x128xf32, #tpu.memory_space<hbm>> -> memref<32x128xf32, #tpu.memory_space<hbm>>
      %dma_start3A_325 = arith.constant 0 : i32
      %dma_start3A_326 = tpu.memref_slice %arg25[%add3A_263, %dma_start3A_325] : memref<10240x128xf32, #tpu.memory_space<vmem_shared>> -> memref<32x128xf32, #tpu.memory_space<vmem_shared>>
      tpu.enqueue_dma source(%dma_start3A_326 : memref<32x128xf32, #tpu.memory_space<vmem_shared>>) target(%dma_start3A_324 : memref<32x128xf32, #tpu.memory_space<hbm>>) target_semaphore(%run_scoped3A : memref<!tpu.dma_semaphore, #tpu.memory_space<semaphore_mem>>)
      %dma_wait3A_327 = arith.constant 0 : i32
      %dma_wait3A_328 = tpu.memref_slice %arg8[%add3A_266, %dma_wait3A_327] : memref<20480x128xf32, #tpu.memory_space<hbm>> -> memref<32x128xf32, #tpu.memory_space<hbm>>
      %dma_wait3A_329 = arith.constant 0 : i32
      %dma_wait3A_330 = tpu.memref_slice %arg25[%add3A_263, %dma_wait3A_329] : memref<10240x128xf32, #tpu.memory_space<vmem_shared>> -> memref<32x128xf32, #tpu.memory_space<vmem_shared>>
      tpu.wait_dma2 semaphore(%run_scoped3A : memref<!tpu.dma_semaphore, #tpu.memory_space<semaphore_mem>>) src(%dma_wait3A_330 : memref<32x128xf32, #tpu.memory_space<vmem_shared>>) dst(%dma_wait3A_328 : memref<32x128xf32, #tpu.memory_space<hbm>>)
      tpu.yield
    }) : () -> ()
    %mul3A_267 = arith.constant 640 : i32
    %mul3A_268 = arith.muli %arg1, %mul3A_267 : i32
    %add3A_269 = arith.constant 384 : i32
    %add3A_270 = arith.addi %mul3A_268, %add3A_269 : i32
    %mul3A_271 = arith.constant 10240 : i32
    %mul3A_272 = arith.muli %arg0, %mul3A_271 : i32
    %add3A_273 = arith.addi %mul3A_272, %add3A_270 : i32
    "tpu.region"() ({
      %run_scoped3A = tpu.sem_alloc : memref<!tpu.dma_semaphore, #tpu.memory_space<semaphore_mem>>
      %dma_start3A_323 = arith.constant 0 : i32
      %dma_start3A_324 = tpu.memref_slice %arg8[%add3A_273, %dma_start3A_323] : memref<20480x128xf32, #tpu.memory_space<hbm>> -> memref<32x128xf32, #tpu.memory_space<hbm>>
      %dma_start3A_325 = arith.constant 0 : i32
      %dma_start3A_326 = tpu.memref_slice %arg25[%add3A_270, %dma_start3A_325] : memref<10240x128xf32, #tpu.memory_space<vmem_shared>> -> memref<32x128xf32, #tpu.memory_space<vmem_shared>>
      tpu.enqueue_dma source(%dma_start3A_326 : memref<32x128xf32, #tpu.memory_space<vmem_shared>>) target(%dma_start3A_324 : memref<32x128xf32, #tpu.memory_space<hbm>>) target_semaphore(%run_scoped3A : memref<!tpu.dma_semaphore, #tpu.memory_space<semaphore_mem>>)
      %dma_wait3A_327 = arith.constant 0 : i32
      %dma_wait3A_328 = tpu.memref_slice %arg8[%add3A_273, %dma_wait3A_327] : memref<20480x128xf32, #tpu.memory_space<hbm>> -> memref<32x128xf32, #tpu.memory_space<hbm>>
      %dma_wait3A_329 = arith.constant 0 : i32
      %dma_wait3A_330 = tpu.memref_slice %arg25[%add3A_270, %dma_wait3A_329] : memref<10240x128xf32, #tpu.memory_space<vmem_shared>> -> memref<32x128xf32, #tpu.memory_space<vmem_shared>>
      tpu.wait_dma2 semaphore(%run_scoped3A : memref<!tpu.dma_semaphore, #tpu.memory_space<semaphore_mem>>) src(%dma_wait3A_330 : memref<32x128xf32, #tpu.memory_space<vmem_shared>>) dst(%dma_wait3A_328 : memref<32x128xf32, #tpu.memory_space<hbm>>)
      tpu.yield
    }) : () -> ()
    %mul3A_274 = arith.constant 640 : i32
    %mul3A_275 = arith.muli %arg1, %mul3A_274 : i32
    %add3A_276 = arith.constant 416 : i32
    %add3A_277 = arith.addi %mul3A_275, %add3A_276 : i32
    %mul3A_278 = arith.constant 10240 : i32
    %mul3A_279 = arith.muli %arg0, %mul3A_278 : i32
    %add3A_280 = arith.addi %mul3A_279, %add3A_277 : i32
    "tpu.region"() ({
      %run_scoped3A = tpu.sem_alloc : memref<!tpu.dma_semaphore, #tpu.memory_space<semaphore_mem>>
      %dma_start3A_323 = arith.constant 0 : i32
      %dma_start3A_324 = tpu.memref_slice %arg8[%add3A_280, %dma_start3A_323] : memref<20480x128xf32, #tpu.memory_space<hbm>> -> memref<32x128xf32, #tpu.memory_space<hbm>>
      %dma_start3A_325 = arith.constant 0 : i32
      %dma_start3A_326 = tpu.memref_slice %arg25[%add3A_277, %dma_start3A_325] : memref<10240x128xf32, #tpu.memory_space<vmem_shared>> -> memref<32x128xf32, #tpu.memory_space<vmem_shared>>
      tpu.enqueue_dma source(%dma_start3A_326 : memref<32x128xf32, #tpu.memory_space<vmem_shared>>) target(%dma_start3A_324 : memref<32x128xf32, #tpu.memory_space<hbm>>) target_semaphore(%run_scoped3A : memref<!tpu.dma_semaphore, #tpu.memory_space<semaphore_mem>>)
      %dma_wait3A_327 = arith.constant 0 : i32
      %dma_wait3A_328 = tpu.memref_slice %arg8[%add3A_280, %dma_wait3A_327] : memref<20480x128xf32, #tpu.memory_space<hbm>> -> memref<32x128xf32, #tpu.memory_space<hbm>>
      %dma_wait3A_329 = arith.constant 0 : i32
      %dma_wait3A_330 = tpu.memref_slice %arg25[%add3A_277, %dma_wait3A_329] : memref<10240x128xf32, #tpu.memory_space<vmem_shared>> -> memref<32x128xf32, #tpu.memory_space<vmem_shared>>
      tpu.wait_dma2 semaphore(%run_scoped3A : memref<!tpu.dma_semaphore, #tpu.memory_space<semaphore_mem>>) src(%dma_wait3A_330 : memref<32x128xf32, #tpu.memory_space<vmem_shared>>) dst(%dma_wait3A_328 : memref<32x128xf32, #tpu.memory_space<hbm>>)
      tpu.yield
    }) : () -> ()
    %mul3A_281 = arith.constant 640 : i32
    %mul3A_282 = arith.muli %arg1, %mul3A_281 : i32
    %add3A_283 = arith.constant 448 : i32
    %add3A_284 = arith.addi %mul3A_282, %add3A_283 : i32
    %mul3A_285 = arith.constant 10240 : i32
    %mul3A_286 = arith.muli %arg0, %mul3A_285 : i32
    %add3A_287 = arith.addi %mul3A_286, %add3A_284 : i32
    "tpu.region"() ({
      %run_scoped3A = tpu.sem_alloc : memref<!tpu.dma_semaphore, #tpu.memory_space<semaphore_mem>>
      %dma_start3A_323 = arith.constant 0 : i32
      %dma_start3A_324 = tpu.memref_slice %arg8[%add3A_287, %dma_start3A_323] : memref<20480x128xf32, #tpu.memory_space<hbm>> -> memref<32x128xf32, #tpu.memory_space<hbm>>
      %dma_start3A_325 = arith.constant 0 : i32
      %dma_start3A_326 = tpu.memref_slice %arg25[%add3A_284, %dma_start3A_325] : memref<10240x128xf32, #tpu.memory_space<vmem_shared>> -> memref<32x128xf32, #tpu.memory_space<vmem_shared>>
      tpu.enqueue_dma source(%dma_start3A_326 : memref<32x128xf32, #tpu.memory_space<vmem_shared>>) target(%dma_start3A_324 : memref<32x128xf32, #tpu.memory_space<hbm>>) target_semaphore(%run_scoped3A : memref<!tpu.dma_semaphore, #tpu.memory_space<semaphore_mem>>)
      %dma_wait3A_327 = arith.constant 0 : i32
      %dma_wait3A_328 = tpu.memref_slice %arg8[%add3A_287, %dma_wait3A_327] : memref<20480x128xf32, #tpu.memory_space<hbm>> -> memref<32x128xf32, #tpu.memory_space<hbm>>
      %dma_wait3A_329 = arith.constant 0 : i32
      %dma_wait3A_330 = tpu.memref_slice %arg25[%add3A_284, %dma_wait3A_329] : memref<10240x128xf32, #tpu.memory_space<vmem_shared>> -> memref<32x128xf32, #tpu.memory_space<vmem_shared>>
      tpu.wait_dma2 semaphore(%run_scoped3A : memref<!tpu.dma_semaphore, #tpu.memory_space<semaphore_mem>>) src(%dma_wait3A_330 : memref<32x128xf32, #tpu.memory_space<vmem_shared>>) dst(%dma_wait3A_328 : memref<32x128xf32, #tpu.memory_space<hbm>>)
      tpu.yield
    }) : () -> ()
    %mul3A_288 = arith.constant 640 : i32
    %mul3A_289 = arith.muli %arg1, %mul3A_288 : i32
    %add3A_290 = arith.constant 480 : i32
    %add3A_291 = arith.addi %mul3A_289, %add3A_290 : i32
    %mul3A_292 = arith.constant 10240 : i32
    %mul3A_293 = arith.muli %arg0, %mul3A_292 : i32
    %add3A_294 = arith.addi %mul3A_293, %add3A_291 : i32
    "tpu.region"() ({
      %run_scoped3A = tpu.sem_alloc : memref<!tpu.dma_semaphore, #tpu.memory_space<semaphore_mem>>
      %dma_start3A_323 = arith.constant 0 : i32
      %dma_start3A_324 = tpu.memref_slice %arg8[%add3A_294, %dma_start3A_323] : memref<20480x128xf32, #tpu.memory_space<hbm>> -> memref<32x128xf32, #tpu.memory_space<hbm>>
      %dma_start3A_325 = arith.constant 0 : i32
      %dma_start3A_326 = tpu.memref_slice %arg25[%add3A_291, %dma_start3A_325] : memref<10240x128xf32, #tpu.memory_space<vmem_shared>> -> memref<32x128xf32, #tpu.memory_space<vmem_shared>>
      tpu.enqueue_dma source(%dma_start3A_326 : memref<32x128xf32, #tpu.memory_space<vmem_shared>>) target(%dma_start3A_324 : memref<32x128xf32, #tpu.memory_space<hbm>>) target_semaphore(%run_scoped3A : memref<!tpu.dma_semaphore, #tpu.memory_space<semaphore_mem>>)
      %dma_wait3A_327 = arith.constant 0 : i32
      %dma_wait3A_328 = tpu.memref_slice %arg8[%add3A_294, %dma_wait3A_327] : memref<20480x128xf32, #tpu.memory_space<hbm>> -> memref<32x128xf32, #tpu.memory_space<hbm>>
      %dma_wait3A_329 = arith.constant 0 : i32
      %dma_wait3A_330 = tpu.memref_slice %arg25[%add3A_291, %dma_wait3A_329] : memref<10240x128xf32, #tpu.memory_space<vmem_shared>> -> memref<32x128xf32, #tpu.memory_space<vmem_shared>>
      tpu.wait_dma2 semaphore(%run_scoped3A : memref<!tpu.dma_semaphore, #tpu.memory_space<semaphore_mem>>) src(%dma_wait3A_330 : memref<32x128xf32, #tpu.memory_space<vmem_shared>>) dst(%dma_wait3A_328 : memref<32x128xf32, #tpu.memory_space<hbm>>)
      tpu.yield
    }) : () -> ()
    %mul3A_295 = arith.constant 640 : i32
    %mul3A_296 = arith.muli %arg1, %mul3A_295 : i32
    %add3A_297 = arith.constant 512 : i32
    %add3A_298 = arith.addi %mul3A_296, %add3A_297 : i32
    %mul3A_299 = arith.constant 10240 : i32
    %mul3A_300 = arith.muli %arg0, %mul3A_299 : i32
    %add3A_301 = arith.addi %mul3A_300, %add3A_298 : i32
    "tpu.region"() ({
      %run_scoped3A = tpu.sem_alloc : memref<!tpu.dma_semaphore, #tpu.memory_space<semaphore_mem>>
      %dma_start3A_323 = arith.constant 0 : i32
      %dma_start3A_324 = tpu.memref_slice %arg8[%add3A_301, %dma_start3A_323] : memref<20480x128xf32, #tpu.memory_space<hbm>> -> memref<32x128xf32, #tpu.memory_space<hbm>>
      %dma_start3A_325 = arith.constant 0 : i32
      %dma_start3A_326 = tpu.memref_slice %arg25[%add3A_298, %dma_start3A_325] : memref<10240x128xf32, #tpu.memory_space<vmem_shared>> -> memref<32x128xf32, #tpu.memory_space<vmem_shared>>
      tpu.enqueue_dma source(%dma_start3A_326 : memref<32x128xf32, #tpu.memory_space<vmem_shared>>) target(%dma_start3A_324 : memref<32x128xf32, #tpu.memory_space<hbm>>) target_semaphore(%run_scoped3A : memref<!tpu.dma_semaphore, #tpu.memory_space<semaphore_mem>>)
      %dma_wait3A_327 = arith.constant 0 : i32
      %dma_wait3A_328 = tpu.memref_slice %arg8[%add3A_301, %dma_wait3A_327] : memref<20480x128xf32, #tpu.memory_space<hbm>> -> memref<32x128xf32, #tpu.memory_space<hbm>>
      %dma_wait3A_329 = arith.constant 0 : i32
      %dma_wait3A_330 = tpu.memref_slice %arg25[%add3A_298, %dma_wait3A_329] : memref<10240x128xf32, #tpu.memory_space<vmem_shared>> -> memref<32x128xf32, #tpu.memory_space<vmem_shared>>
      tpu.wait_dma2 semaphore(%run_scoped3A : memref<!tpu.dma_semaphore, #tpu.memory_space<semaphore_mem>>) src(%dma_wait3A_330 : memref<32x128xf32, #tpu.memory_space<vmem_shared>>) dst(%dma_wait3A_328 : memref<32x128xf32, #tpu.memory_space<hbm>>)
      tpu.yield
    }) : () -> ()
    %mul3A_302 = arith.constant 640 : i32
    %mul3A_303 = arith.muli %arg1, %mul3A_302 : i32
    %add3A_304 = arith.constant 544 : i32
    %add3A_305 = arith.addi %mul3A_303, %add3A_304 : i32
    %mul3A_306 = arith.constant 10240 : i32
    %mul3A_307 = arith.muli %arg0, %mul3A_306 : i32
    %add3A_308 = arith.addi %mul3A_307, %add3A_305 : i32
    "tpu.region"() ({
      %run_scoped3A = tpu.sem_alloc : memref<!tpu.dma_semaphore, #tpu.memory_space<semaphore_mem>>
      %dma_start3A_323 = arith.constant 0 : i32
      %dma_start3A_324 = tpu.memref_slice %arg8[%add3A_308, %dma_start3A_323] : memref<20480x128xf32, #tpu.memory_space<hbm>> -> memref<32x128xf32, #tpu.memory_space<hbm>>
      %dma_start3A_325 = arith.constant 0 : i32
      %dma_start3A_326 = tpu.memref_slice %arg25[%add3A_305, %dma_start3A_325] : memref<10240x128xf32, #tpu.memory_space<vmem_shared>> -> memref<32x128xf32, #tpu.memory_space<vmem_shared>>
      tpu.enqueue_dma source(%dma_start3A_326 : memref<32x128xf32, #tpu.memory_space<vmem_shared>>) target(%dma_start3A_324 : memref<32x128xf32, #tpu.memory_space<hbm>>) target_semaphore(%run_scoped3A : memref<!tpu.dma_semaphore, #tpu.memory_space<semaphore_mem>>)
      %dma_wait3A_327 = arith.constant 0 : i32
      %dma_wait3A_328 = tpu.memref_slice %arg8[%add3A_308, %dma_wait3A_327] : memref<20480x128xf32, #tpu.memory_space<hbm>> -> memref<32x128xf32, #tpu.memory_space<hbm>>
      %dma_wait3A_329 = arith.constant 0 : i32
      %dma_wait3A_330 = tpu.memref_slice %arg25[%add3A_305, %dma_wait3A_329] : memref<10240x128xf32, #tpu.memory_space<vmem_shared>> -> memref<32x128xf32, #tpu.memory_space<vmem_shared>>
      tpu.wait_dma2 semaphore(%run_scoped3A : memref<!tpu.dma_semaphore, #tpu.memory_space<semaphore_mem>>) src(%dma_wait3A_330 : memref<32x128xf32, #tpu.memory_space<vmem_shared>>) dst(%dma_wait3A_328 : memref<32x128xf32, #tpu.memory_space<hbm>>)
      tpu.yield
    }) : () -> ()
    %mul3A_309 = arith.constant 640 : i32
    %mul3A_310 = arith.muli %arg1, %mul3A_309 : i32
    %add3A_311 = arith.constant 576 : i32
    %add3A_312 = arith.addi %mul3A_310, %add3A_311 : i32
    %mul3A_313 = arith.constant 10240 : i32
    %mul3A_314 = arith.muli %arg0, %mul3A_313 : i32
    %add3A_315 = arith.addi %mul3A_314, %add3A_312 : i32
    "tpu.region"() ({
      %run_scoped3A = tpu.sem_alloc : memref<!tpu.dma_semaphore, #tpu.memory_space<semaphore_mem>>
      %dma_start3A_323 = arith.constant 0 : i32
      %dma_start3A_324 = tpu.memref_slice %arg8[%add3A_315, %dma_start3A_323] : memref<20480x128xf32, #tpu.memory_space<hbm>> -> memref<32x128xf32, #tpu.memory_space<hbm>>
      %dma_start3A_325 = arith.constant 0 : i32
      %dma_start3A_326 = tpu.memref_slice %arg25[%add3A_312, %dma_start3A_325] : memref<10240x128xf32, #tpu.memory_space<vmem_shared>> -> memref<32x128xf32, #tpu.memory_space<vmem_shared>>
      tpu.enqueue_dma source(%dma_start3A_326 : memref<32x128xf32, #tpu.memory_space<vmem_shared>>) target(%dma_start3A_324 : memref<32x128xf32, #tpu.memory_space<hbm>>) target_semaphore(%run_scoped3A : memref<!tpu.dma_semaphore, #tpu.memory_space<semaphore_mem>>)
      %dma_wait3A_327 = arith.constant 0 : i32
      %dma_wait3A_328 = tpu.memref_slice %arg8[%add3A_315, %dma_wait3A_327] : memref<20480x128xf32, #tpu.memory_space<hbm>> -> memref<32x128xf32, #tpu.memory_space<hbm>>
      %dma_wait3A_329 = arith.constant 0 : i32
      %dma_wait3A_330 = tpu.memref_slice %arg25[%add3A_312, %dma_wait3A_329] : memref<10240x128xf32, #tpu.memory_space<vmem_shared>> -> memref<32x128xf32, #tpu.memory_space<vmem_shared>>
      tpu.wait_dma2 semaphore(%run_scoped3A : memref<!tpu.dma_semaphore, #tpu.memory_space<semaphore_mem>>) src(%dma_wait3A_330 : memref<32x128xf32, #tpu.memory_space<vmem_shared>>) dst(%dma_wait3A_328 : memref<32x128xf32, #tpu.memory_space<hbm>>)
      tpu.yield
    }) : () -> ()
    %mul3A_316 = arith.constant 640 : i32
    %mul3A_317 = arith.muli %arg1, %mul3A_316 : i32
    %add3A_318 = arith.constant 608 : i32
    %add3A_319 = arith.addi %mul3A_317, %add3A_318 : i32
    %mul3A_320 = arith.constant 10240 : i32
    %mul3A_321 = arith.muli %arg0, %mul3A_320 : i32
    %add3A_322 = arith.addi %mul3A_321, %add3A_319 : i32
    "tpu.region"() ({
      %run_scoped3A = tpu.sem_alloc : memref<!tpu.dma_semaphore, #tpu.memory_space<semaphore_mem>>
      %dma_start3A_323 = arith.constant 0 : i32
      %dma_start3A_324 = tpu.memref_slice %arg8[%add3A_322, %dma_start3A_323] : memref<20480x128xf32, #tpu.memory_space<hbm>> -> memref<32x128xf32, #tpu.memory_space<hbm>>
      %dma_start3A_325 = arith.constant 0 : i32
      %dma_start3A_326 = tpu.memref_slice %arg25[%add3A_319, %dma_start3A_325] : memref<10240x128xf32, #tpu.memory_space<vmem_shared>> -> memref<32x128xf32, #tpu.memory_space<vmem_shared>>
      tpu.enqueue_dma source(%dma_start3A_326 : memref<32x128xf32, #tpu.memory_space<vmem_shared>>) target(%dma_start3A_324 : memref<32x128xf32, #tpu.memory_space<hbm>>) target_semaphore(%run_scoped3A : memref<!tpu.dma_semaphore, #tpu.memory_space<semaphore_mem>>)
      %dma_wait3A_327 = arith.constant 0 : i32
      %dma_wait3A_328 = tpu.memref_slice %arg8[%add3A_322, %dma_wait3A_327] : memref<20480x128xf32, #tpu.memory_space<hbm>> -> memref<32x128xf32, #tpu.memory_space<hbm>>
      %dma_wait3A_329 = arith.constant 0 : i32
      %dma_wait3A_330 = tpu.memref_slice %arg25[%add3A_319, %dma_wait3A_329] : memref<10240x128xf32, #tpu.memory_space<vmem_shared>> -> memref<32x128xf32, #tpu.memory_space<vmem_shared>>
      tpu.wait_dma2 semaphore(%run_scoped3A : memref<!tpu.dma_semaphore, #tpu.memory_space<semaphore_mem>>) src(%dma_wait3A_330 : memref<32x128xf32, #tpu.memory_space<vmem_shared>>) dst(%dma_wait3A_328 : memref<32x128xf32, #tpu.memory_space<hbm>>)
      tpu.yield
    }) : () -> ()
    return
  }
}

#map = affine_map<(d0, d1) -> (0)>
module attributes {stable_mosaic.version = 14 : i64} {
  func.func @k(%arg0: i32, %arg1: i32, %arg2: memref<643072xi32, #tpu.memory_space<hbm>>, %arg3: memref<20480xf32, #tpu.memory_space<hbm>>, %arg4: memref<128xi32, #tpu.memory_space<vmem>>, %arg5: memref<128xi32, #tpu.memory_space<vmem>>, %arg6: memref<128xi32, #tpu.memory_space<vmem>>, %arg7: memref<128xi32, #tpu.memory_space<vmem>>, %arg8: memref<128xf32, #tpu.memory_space<vmem>>, %arg9: memref<640xf32, #tpu.memory_space<vmem>>, %arg10: memref<10240xf32, #tpu.memory_space<vmem_shared>>, %arg11: memref<!tpu.dma_semaphore, #tpu.memory_space<semaphore_mem>>) attributes {dimension_semantics = [#tpu.dimension_semantics<core_parallel>, #tpu.dimension_semantics<subcore_parallel>], iteration_bounds = array<i64: 2, 16>, scalar_prefetch = 0 : i64, scratch_operands = 8 : i64, tpu.core_type = #tpu.core_type<sc_vector_subcore>, window_params = [{transform_indices = #map}, {transform_indices = #map}]} {
    %mul3A = arith.constant 321536 : i32
    %mul3A_0 = arith.muli %arg0, %mul3A : i32
    %mul3A_1 = arith.constant 20096 : i32
    %mul3A_2 = arith.muli %arg1, %mul3A_1 : i32
    %add3A = arith.addi %mul3A_0, %mul3A_2 : i32
    %broadcast_in_dim3A = arith.constant 0.000000e+00 : f32
    %broadcast_in_dim3A_3 = vector.broadcast %broadcast_in_dim3A : f32 to vector<16xf32>
    %scan3A = arith.constant 0 : i32
    %scan3A_4 = arith.constant 8 : i32
    %scan3A_5 = arith.addi %scan3A, %scan3A_4 : i32
    %scan3A_6 = arith.constant 1 : i32
    scf.for %scan3A_28 = %scan3A to %scan3A_5 step %scan3A_6  : i32 {
      %mul3A_29 = arith.constant 16 : i32
      %mul3A_30 = arith.muli %scan3A_28, %mul3A_29 : i32
      %add3A_31 = arith.constant 0 : i32
      %add3A_32 = arith.addi %add3A_31, %mul3A_30 : i32
      %broadcast_in_dim3A_33 = arith.constant 1.000000e+00 : f32
      %broadcast_in_dim3A_34 = vector.broadcast %broadcast_in_dim3A_33 : f32 to vector<16xf32>
      %swap3A = arith.index_cast %add3A_32 : i32 to index
      %swap3A_35 = tpu.vector_load %arg8[%swap3A] {strides = array<i32>} : memref<128xf32, #tpu.memory_space<vmem>>, vector<16xf32>,
      tpu.vector_store %arg8[%swap3A], %broadcast_in_dim3A_34 {strides = array<i32>} : memref<128xf32, #tpu.memory_space<vmem>>, vector<16xf32>,
    }
    %scan3A_7 = arith.constant 8 : i32
    %scan3A_8 = arith.constant 0 : i32
    %scan3A_9 = arith.constant 40 : i32
    %scan3A_10 = arith.addi %scan3A_8, %scan3A_9 : i32
    %scan3A_11 = arith.constant 1 : i32
    scf.for %scan3A_28 = %scan3A_8 to %scan3A_10 step %scan3A_11  : i32 {
      %mul3A_29 = arith.constant 16 : i32
      %mul3A_30 = arith.muli %scan3A_28, %mul3A_29 : i32
      %add3A_31 = arith.constant 0 : i32
      %add3A_32 = arith.addi %add3A_31, %mul3A_30 : i32
      %swap3A = arith.index_cast %add3A_32 : i32 to index
      %swap3A_33 = tpu.vector_load %arg9[%swap3A] {strides = array<i32>} : memref<640xf32, #tpu.memory_space<vmem>>, vector<16xf32>,
      tpu.vector_store %arg9[%swap3A], %broadcast_in_dim3A_3 {strides = array<i32>} : memref<640xf32, #tpu.memory_space<vmem>>, vector<16xf32>,
    }
    %scan3A_12 = arith.constant 40 : i32
    %mul3A_13 = arith.constant 640 : i32
    %mul3A_14 = arith.muli %arg1, %mul3A_13 : i32
    "tpu.region"() ({
      %run_scoped3A = tpu.sem_alloc : memref<!tpu.dma_semaphore, #tpu.memory_space<semaphore_mem>>
      %dma_start3A = tpu.memref_slice %arg10[%mul3A_14] : memref<10240xf32, #tpu.memory_space<vmem_shared>> -> memref<640xf32, #tpu.memory_space<vmem_shared>>
      %dma_start3A_28 = tpu.memref_slice %arg10[%mul3A_14] : memref<10240xf32, #tpu.memory_space<vmem_shared>> -> memref<640xf32, #tpu.memory_space<vmem_shared>>
      tpu.enqueue_dma source(%arg9 : memref<640xf32, #tpu.memory_space<vmem>>) target(%dma_start3A_28 : memref<640xf32, #tpu.memory_space<vmem_shared>>) target_semaphore(%run_scoped3A : memref<!tpu.dma_semaphore, #tpu.memory_space<semaphore_mem>>)
      %dma_wait3A = tpu.memref_slice %arg10[%mul3A_14] : memref<10240xf32, #tpu.memory_space<vmem_shared>> -> memref<640xf32, #tpu.memory_space<vmem_shared>>
      %dma_wait3A_29 = tpu.memref_slice %arg10[%mul3A_14] : memref<10240xf32, #tpu.memory_space<vmem_shared>> -> memref<640xf32, #tpu.memory_space<vmem_shared>>
      tpu.wait_dma2 semaphore(%run_scoped3A : memref<!tpu.dma_semaphore, #tpu.memory_space<semaphore_mem>>) src(%arg9 : memref<640xf32, #tpu.memory_space<vmem>>) dst(%dma_wait3A_29 : memref<640xf32, #tpu.memory_space<vmem_shared>>)
      tpu.yield
    }) : () -> ()
    %barrier3A = arith.constant 0 : index
    tpu.barrier barrier_id(%barrier3A)
    %scan3A_15 = arith.constant 0 : i32
    %scan3A_16 = arith.constant 40 : i32
    %scan3A_17 = arith.addi %scan3A_15, %scan3A_16 : i32
    %scan3A_18 = arith.constant 1 : i32
    scf.for %scan3A_28 = %scan3A_15 to %scan3A_17 step %scan3A_18  : i32 {
      %mul3A_29 = arith.constant 4 : i32
      %mul3A_30 = arith.muli %scan3A_28, %mul3A_29 : i32
      %add3A_31 = arith.constant 0 : i32
      %add3A_32 = arith.addi %add3A_31, %mul3A_30 : i32
      %sub3A = arith.constant 157 : i32
      %sub3A_33 = arith.subi %sub3A, %add3A_32 : i32
      %min3A = arith.constant 4 : i32
      %min3A_34 = arith.minsi %sub3A_33, %min3A : i32
      %gt3A = arith.constant 0 : i32
      %gt3A_35 = arith.cmpi sgt, %min3A_34, %gt3A : i32
      %convert_element_type3A = arith.extui %gt3A_35 : i1 to i32
      %cond3A = arith.constant 0 : i32
      %cond3A_36 = arith.cmpi ne, %convert_element_type3A, %cond3A : i32
      scf.if %cond3A_36 {
        %add3A_72 = arith.constant 0 : i32
        %add3A_73 = arith.addi %add3A_32, %add3A_72 : i32
        %mul3A_74 = arith.constant 128 : i32
        %mul3A_75 = arith.muli %add3A_73, %mul3A_74 : i32
        %add3A_76 = arith.addi %add3A, %mul3A_75 : i32
        %dma_start3A = tpu.memref_slice %arg2[%add3A_76] : memref<643072xi32, #tpu.memory_space<hbm>> -> memref<128xi32, #tpu.memory_space<hbm>>
        %dma_start3A_77 = tpu.memref_slice %arg2[%add3A_76] : memref<643072xi32, #tpu.memory_space<hbm>> -> memref<128xi32, #tpu.memory_space<hbm>>
        tpu.enqueue_dma source(%dma_start3A_77 : memref<128xi32, #tpu.memory_space<hbm>>) target(%arg4 : memref<128xi32, #tpu.memory_space<vmem>>) target_semaphore(%arg11 : memref<!tpu.dma_semaphore, #tpu.memory_space<semaphore_mem>>)
      } else {
      }
      %gt3A_37 = arith.constant 1 : i32
      %gt3A_38 = arith.cmpi sgt, %min3A_34, %gt3A_37 : i32
      %convert_element_type3A_39 = arith.extui %gt3A_38 : i1 to i32
      %cond3A_40 = arith.constant 0 : i32
      %cond3A_41 = arith.cmpi ne, %convert_element_type3A_39, %cond3A_40 : i32
      scf.if %cond3A_41 {
        %add3A_72 = arith.constant 1 : i32
        %add3A_73 = arith.addi %add3A_32, %add3A_72 : i32
        %mul3A_74 = arith.constant 128 : i32
        %mul3A_75 = arith.muli %add3A_73, %mul3A_74 : i32
        %add3A_76 = arith.addi %add3A, %mul3A_75 : i32
        %dma_start3A = tpu.memref_slice %arg2[%add3A_76] : memref<643072xi32, #tpu.memory_space<hbm>> -> memref<128xi32, #tpu.memory_space<hbm>>
        %dma_start3A_77 = tpu.memref_slice %arg2[%add3A_76] : memref<643072xi32, #tpu.memory_space<hbm>> -> memref<128xi32, #tpu.memory_space<hbm>>
        tpu.enqueue_dma source(%dma_start3A_77 : memref<128xi32, #tpu.memory_space<hbm>>) target(%arg5 : memref<128xi32, #tpu.memory_space<vmem>>) target_semaphore(%arg11 : memref<!tpu.dma_semaphore, #tpu.memory_space<semaphore_mem>>)
      } else {
      }
      %gt3A_42 = arith.constant 2 : i32
      %gt3A_43 = arith.cmpi sgt, %min3A_34, %gt3A_42 : i32
      %convert_element_type3A_44 = arith.extui %gt3A_43 : i1 to i32
      %cond3A_45 = arith.constant 0 : i32
      %cond3A_46 = arith.cmpi ne, %convert_element_type3A_44, %cond3A_45 : i32
      scf.if %cond3A_46 {
        %add3A_72 = arith.constant 2 : i32
        %add3A_73 = arith.addi %add3A_32, %add3A_72 : i32
        %mul3A_74 = arith.constant 128 : i32
        %mul3A_75 = arith.muli %add3A_73, %mul3A_74 : i32
        %add3A_76 = arith.addi %add3A, %mul3A_75 : i32
        %dma_start3A = tpu.memref_slice %arg2[%add3A_76] : memref<643072xi32, #tpu.memory_space<hbm>> -> memref<128xi32, #tpu.memory_space<hbm>>
        %dma_start3A_77 = tpu.memref_slice %arg2[%add3A_76] : memref<643072xi32, #tpu.memory_space<hbm>> -> memref<128xi32, #tpu.memory_space<hbm>>
        tpu.enqueue_dma source(%dma_start3A_77 : memref<128xi32, #tpu.memory_space<hbm>>) target(%arg6 : memref<128xi32, #tpu.memory_space<vmem>>) target_semaphore(%arg11 : memref<!tpu.dma_semaphore, #tpu.memory_space<semaphore_mem>>)
      } else {
      }
      %gt3A_47 = arith.constant 3 : i32
      %gt3A_48 = arith.cmpi sgt, %min3A_34, %gt3A_47 : i32
      %convert_element_type3A_49 = arith.extui %gt3A_48 : i1 to i32
      %cond3A_50 = arith.constant 0 : i32
      %cond3A_51 = arith.cmpi ne, %convert_element_type3A_49, %cond3A_50 : i32
      scf.if %cond3A_51 {
        %add3A_72 = arith.constant 3 : i32
        %add3A_73 = arith.addi %add3A_32, %add3A_72 : i32
        %mul3A_74 = arith.constant 128 : i32
        %mul3A_75 = arith.muli %add3A_73, %mul3A_74 : i32
        %add3A_76 = arith.addi %add3A, %mul3A_75 : i32
        %dma_start3A = tpu.memref_slice %arg2[%add3A_76] : memref<643072xi32, #tpu.memory_space<hbm>> -> memref<128xi32, #tpu.memory_space<hbm>>
        %dma_start3A_77 = tpu.memref_slice %arg2[%add3A_76] : memref<643072xi32, #tpu.memory_space<hbm>> -> memref<128xi32, #tpu.memory_space<hbm>>
        tpu.enqueue_dma source(%dma_start3A_77 : memref<128xi32, #tpu.memory_space<hbm>>) target(%arg7 : memref<128xi32, #tpu.memory_space<vmem>>) target_semaphore(%arg11 : memref<!tpu.dma_semaphore, #tpu.memory_space<semaphore_mem>>)
      } else {
      }
      %gt3A_52 = arith.constant 0 : i32
      %gt3A_53 = arith.cmpi sgt, %min3A_34, %gt3A_52 : i32
      %convert_element_type3A_54 = arith.extui %gt3A_53 : i1 to i32
      %cond3A_55 = arith.constant 0 : i32
      %cond3A_56 = arith.cmpi ne, %convert_element_type3A_54, %cond3A_55 : i32
      scf.if %cond3A_56 {
        %add3A_72 = arith.constant 0 : i32
        %add3A_73 = arith.addi %add3A_32, %add3A_72 : i32
        %mul3A_74 = arith.constant 128 : i32
        %mul3A_75 = arith.muli %add3A_73, %mul3A_74 : i32
        %add3A_76 = arith.addi %add3A, %mul3A_75 : i32
        %dma_wait3A = tpu.memref_slice %arg2[%add3A_76] : memref<643072xi32, #tpu.memory_space<hbm>> -> memref<128xi32, #tpu.memory_space<hbm>>
        %dma_wait3A_77 = tpu.memref_slice %arg2[%add3A_76] : memref<643072xi32, #tpu.memory_space<hbm>> -> memref<128xi32, #tpu.memory_space<hbm>>
        tpu.wait_dma2 semaphore(%arg11 : memref<!tpu.dma_semaphore, #tpu.memory_space<semaphore_mem>>) src(%dma_wait3A_77 : memref<128xi32, #tpu.memory_space<hbm>>) dst(%arg4 : memref<128xi32, #tpu.memory_space<vmem>>)
        "tpu.region"() ({
          %run_scoped3A = tpu.sem_alloc : memref<!tpu.dma_semaphore, #tpu.memory_space<semaphore_mem>>
          %dma_start3A = arith.constant 0 : i32
          %dma_start3A_78 = tpu.memref_slice %arg10[%dma_start3A] : memref<10240xf32, #tpu.memory_space<vmem_shared>> -> memref<10240xf32, #tpu.memory_space<vmem_shared>>
          tpu.enqueue_indirect_dma source(%arg8 : memref<128xf32, #tpu.memory_space<vmem>>) target(%dma_start3A_78 : memref<10240xf32, #tpu.memory_space<vmem_shared>>) offsets(%arg4 : memref<128xi32, #tpu.memory_space<vmem>>) semaphore(%run_scoped3A : memref<!tpu.dma_semaphore, #tpu.memory_space<semaphore_mem>>) {add = true}
          %dma_wait3A_79 = arith.constant 0 : i32
          %dma_wait3A_80 = tpu.memref_slice %arg10[%dma_wait3A_79] : memref<10240xf32, #tpu.memory_space<vmem_shared>> -> memref<10240xf32, #tpu.memory_space<vmem_shared>>
          tpu.wait_indirect_dma semaphore(%run_scoped3A : memref<!tpu.dma_semaphore, #tpu.memory_space<semaphore_mem>>) src(%arg8 : memref<128xf32, #tpu.memory_space<vmem>>) dst(%dma_wait3A_80 : memref<10240xf32, #tpu.memory_space<vmem_shared>>)
          tpu.yield
        }) : () -> ()
      } else {
      }
      %gt3A_57 = arith.constant 1 : i32
      %gt3A_58 = arith.cmpi sgt, %min3A_34, %gt3A_57 : i32
      %convert_element_type3A_59 = arith.extui %gt3A_58 : i1 to i32
      %cond3A_60 = arith.constant 0 : i32
      %cond3A_61 = arith.cmpi ne, %convert_element_type3A_59, %cond3A_60 : i32
      scf.if %cond3A_61 {
        %add3A_72 = arith.constant 1 : i32
        %add3A_73 = arith.addi %add3A_32, %add3A_72 : i32
        %mul3A_74 = arith.constant 128 : i32
        %mul3A_75 = arith.muli %add3A_73, %mul3A_74 : i32
        %add3A_76 = arith.addi %add3A, %mul3A_75 : i32
        %dma_wait3A = tpu.memref_slice %arg2[%add3A_76] : memref<643072xi32, #tpu.memory_space<hbm>> -> memref<128xi32, #tpu.memory_space<hbm>>
        %dma_wait3A_77 = tpu.memref_slice %arg2[%add3A_76] : memref<643072xi32, #tpu.memory_space<hbm>> -> memref<128xi32, #tpu.memory_space<hbm>>
        tpu.wait_dma2 semaphore(%arg11 : memref<!tpu.dma_semaphore, #tpu.memory_space<semaphore_mem>>) src(%dma_wait3A_77 : memref<128xi32, #tpu.memory_space<hbm>>) dst(%arg5 : memref<128xi32, #tpu.memory_space<vmem>>)
        "tpu.region"() ({
          %run_scoped3A = tpu.sem_alloc : memref<!tpu.dma_semaphore, #tpu.memory_space<semaphore_mem>>
          %dma_start3A = arith.constant 0 : i32
          %dma_start3A_78 = tpu.memref_slice %arg10[%dma_start3A] : memref<10240xf32, #tpu.memory_space<vmem_shared>> -> memref<10240xf32, #tpu.memory_space<vmem_shared>>
          tpu.enqueue_indirect_dma source(%arg8 : memref<128xf32, #tpu.memory_space<vmem>>) target(%dma_start3A_78 : memref<10240xf32, #tpu.memory_space<vmem_shared>>) offsets(%arg5 : memref<128xi32, #tpu.memory_space<vmem>>) semaphore(%run_scoped3A : memref<!tpu.dma_semaphore, #tpu.memory_space<semaphore_mem>>) {add = true}
          %dma_wait3A_79 = arith.constant 0 : i32
          %dma_wait3A_80 = tpu.memref_slice %arg10[%dma_wait3A_79] : memref<10240xf32, #tpu.memory_space<vmem_shared>> -> memref<10240xf32, #tpu.memory_space<vmem_shared>>
          tpu.wait_indirect_dma semaphore(%run_scoped3A : memref<!tpu.dma_semaphore, #tpu.memory_space<semaphore_mem>>) src(%arg8 : memref<128xf32, #tpu.memory_space<vmem>>) dst(%dma_wait3A_80 : memref<10240xf32, #tpu.memory_space<vmem_shared>>)
          tpu.yield
        }) : () -> ()
      } else {
      }
      %gt3A_62 = arith.constant 2 : i32
      %gt3A_63 = arith.cmpi sgt, %min3A_34, %gt3A_62 : i32
      %convert_element_type3A_64 = arith.extui %gt3A_63 : i1 to i32
      %cond3A_65 = arith.constant 0 : i32
      %cond3A_66 = arith.cmpi ne, %convert_element_type3A_64, %cond3A_65 : i32
      scf.if %cond3A_66 {
        %add3A_72 = arith.constant 2 : i32
        %add3A_73 = arith.addi %add3A_32, %add3A_72 : i32
        %mul3A_74 = arith.constant 128 : i32
        %mul3A_75 = arith.muli %add3A_73, %mul3A_74 : i32
        %add3A_76 = arith.addi %add3A, %mul3A_75 : i32
        %dma_wait3A = tpu.memref_slice %arg2[%add3A_76] : memref<643072xi32, #tpu.memory_space<hbm>> -> memref<128xi32, #tpu.memory_space<hbm>>
        %dma_wait3A_77 = tpu.memref_slice %arg2[%add3A_76] : memref<643072xi32, #tpu.memory_space<hbm>> -> memref<128xi32, #tpu.memory_space<hbm>>
        tpu.wait_dma2 semaphore(%arg11 : memref<!tpu.dma_semaphore, #tpu.memory_space<semaphore_mem>>) src(%dma_wait3A_77 : memref<128xi32, #tpu.memory_space<hbm>>) dst(%arg6 : memref<128xi32, #tpu.memory_space<vmem>>)
        "tpu.region"() ({
          %run_scoped3A = tpu.sem_alloc : memref<!tpu.dma_semaphore, #tpu.memory_space<semaphore_mem>>
          %dma_start3A = arith.constant 0 : i32
          %dma_start3A_78 = tpu.memref_slice %arg10[%dma_start3A] : memref<10240xf32, #tpu.memory_space<vmem_shared>> -> memref<10240xf32, #tpu.memory_space<vmem_shared>>
          tpu.enqueue_indirect_dma source(%arg8 : memref<128xf32, #tpu.memory_space<vmem>>) target(%dma_start3A_78 : memref<10240xf32, #tpu.memory_space<vmem_shared>>) offsets(%arg6 : memref<128xi32, #tpu.memory_space<vmem>>) semaphore(%run_scoped3A : memref<!tpu.dma_semaphore, #tpu.memory_space<semaphore_mem>>) {add = true}
          %dma_wait3A_79 = arith.constant 0 : i32
          %dma_wait3A_80 = tpu.memref_slice %arg10[%dma_wait3A_79] : memref<10240xf32, #tpu.memory_space<vmem_shared>> -> memref<10240xf32, #tpu.memory_space<vmem_shared>>
          tpu.wait_indirect_dma semaphore(%run_scoped3A : memref<!tpu.dma_semaphore, #tpu.memory_space<semaphore_mem>>) src(%arg8 : memref<128xf32, #tpu.memory_space<vmem>>) dst(%dma_wait3A_80 : memref<10240xf32, #tpu.memory_space<vmem_shared>>)
          tpu.yield
        }) : () -> ()
      } else {
      }
      %gt3A_67 = arith.constant 3 : i32
      %gt3A_68 = arith.cmpi sgt, %min3A_34, %gt3A_67 : i32
      %convert_element_type3A_69 = arith.extui %gt3A_68 : i1 to i32
      %cond3A_70 = arith.constant 0 : i32
      %cond3A_71 = arith.cmpi ne, %convert_element_type3A_69, %cond3A_70 : i32
      scf.if %cond3A_71 {
        %add3A_72 = arith.constant 3 : i32
        %add3A_73 = arith.addi %add3A_32, %add3A_72 : i32
        %mul3A_74 = arith.constant 128 : i32
        %mul3A_75 = arith.muli %add3A_73, %mul3A_74 : i32
        %add3A_76 = arith.addi %add3A, %mul3A_75 : i32
        %dma_wait3A = tpu.memref_slice %arg2[%add3A_76] : memref<643072xi32, #tpu.memory_space<hbm>> -> memref<128xi32, #tpu.memory_space<hbm>>
        %dma_wait3A_77 = tpu.memref_slice %arg2[%add3A_76] : memref<643072xi32, #tpu.memory_space<hbm>> -> memref<128xi32, #tpu.memory_space<hbm>>
        tpu.wait_dma2 semaphore(%arg11 : memref<!tpu.dma_semaphore, #tpu.memory_space<semaphore_mem>>) src(%dma_wait3A_77 : memref<128xi32, #tpu.memory_space<hbm>>) dst(%arg7 : memref<128xi32, #tpu.memory_space<vmem>>)
        "tpu.region"() ({
          %run_scoped3A = tpu.sem_alloc : memref<!tpu.dma_semaphore, #tpu.memory_space<semaphore_mem>>
          %dma_start3A = arith.constant 0 : i32
          %dma_start3A_78 = tpu.memref_slice %arg10[%dma_start3A] : memref<10240xf32, #tpu.memory_space<vmem_shared>> -> memref<10240xf32, #tpu.memory_space<vmem_shared>>
          tpu.enqueue_indirect_dma source(%arg8 : memref<128xf32, #tpu.memory_space<vmem>>) target(%dma_start3A_78 : memref<10240xf32, #tpu.memory_space<vmem_shared>>) offsets(%arg7 : memref<128xi32, #tpu.memory_space<vmem>>) semaphore(%run_scoped3A : memref<!tpu.dma_semaphore, #tpu.memory_space<semaphore_mem>>) {add = true}
          %dma_wait3A_79 = arith.constant 0 : i32
          %dma_wait3A_80 = tpu.memref_slice %arg10[%dma_wait3A_79] : memref<10240xf32, #tpu.memory_space<vmem_shared>> -> memref<10240xf32, #tpu.memory_space<vmem_shared>>
          tpu.wait_indirect_dma semaphore(%run_scoped3A : memref<!tpu.dma_semaphore, #tpu.memory_space<semaphore_mem>>) src(%arg8 : memref<128xf32, #tpu.memory_space<vmem>>) dst(%dma_wait3A_80 : memref<10240xf32, #tpu.memory_space<vmem_shared>>)
          tpu.yield
        }) : () -> ()
      } else {
      }
    }
    %scan3A_19 = arith.constant 40 : i32
    %barrier3A_20 = arith.constant 0 : index
    tpu.barrier barrier_id(%barrier3A_20)
    %mul3A_21 = arith.constant 640 : i32
    %mul3A_22 = arith.muli %arg1, %mul3A_21 : i32
    %mul3A_23 = arith.constant 10240 : i32
    %mul3A_24 = arith.muli %arg0, %mul3A_23 : i32
    %mul3A_25 = arith.constant 640 : i32
    %mul3A_26 = arith.muli %arg1, %mul3A_25 : i32
    %add3A_27 = arith.addi %mul3A_24, %mul3A_26 : i32
    "tpu.region"() ({
      %run_scoped3A = tpu.sem_alloc : memref<!tpu.dma_semaphore, #tpu.memory_space<semaphore_mem>>
      %dma_start3A = tpu.memref_slice %arg3[%add3A_27] : memref<20480xf32, #tpu.memory_space<hbm>> -> memref<640xf32, #tpu.memory_space<hbm>>
      %dma_start3A_28 = tpu.memref_slice %arg10[%mul3A_22] : memref<10240xf32, #tpu.memory_space<vmem_shared>> -> memref<640xf32, #tpu.memory_space<vmem_shared>>
      tpu.enqueue_dma source(%dma_start3A_28 : memref<640xf32, #tpu.memory_space<vmem_shared>>) target(%dma_start3A : memref<640xf32, #tpu.memory_space<hbm>>) target_semaphore(%run_scoped3A : memref<!tpu.dma_semaphore, #tpu.memory_space<semaphore_mem>>)
      %dma_wait3A = tpu.memref_slice %arg3[%add3A_27] : memref<20480xf32, #tpu.memory_space<hbm>> -> memref<640xf32, #tpu.memory_space<hbm>>
      %dma_wait3A_29 = tpu.memref_slice %arg10[%mul3A_22] : memref<10240xf32, #tpu.memory_space<vmem_shared>> -> memref<640xf32, #tpu.memory_space<vmem_shared>>
      tpu.wait_dma2 semaphore(%run_scoped3A : memref<!tpu.dma_semaphore, #tpu.memory_space<semaphore_mem>>) src(%dma_wait3A_29 : memref<640xf32, #tpu.memory_space<vmem_shared>>) dst(%dma_wait3A : memref<640xf32, #tpu.memory_space<hbm>>)
      tpu.yield
    }) : () -> ()
    return
  }
}

#map = affine_map<(d0, d1) -> (0, 0)>
#map1 = affine_map<(d0, d1) -> (0)>
module attributes {stable_mosaic.version = 14 : i64} {
  func.func @k(%arg0: i32, %arg1: i32, %arg2: memref<10240x128xf32, #tpu.memory_space<hbm>>, %arg3: memref<512x128xf32, #tpu.memory_space<hbm>>, %arg4: memref<1024xi32, #tpu.memory_space<hbm>>, %arg5: memref<1024xi32, #tpu.memory_space<hbm>>, %arg6: memref<1024x128xf32, #tpu.memory_space<hbm>>, %arg7: memref<1024x128xf32, #tpu.memory_space<hbm>>, %arg8: memref<32xi32, #tpu.memory_space<vmem>>, %arg9: memref<32x128xf32, #tpu.memory_space<vmem>>, %arg10: memref<!tpu.dma_semaphore, #tpu.memory_space<semaphore_mem>>) attributes {dimension_semantics = [#tpu.dimension_semantics<core_parallel>, #tpu.dimension_semantics<subcore_parallel>], iteration_bounds = array<i64: 2, 16>, scalar_prefetch = 0 : i64, scratch_operands = 3 : i64, tpu.core_type = #tpu.core_type<sc_vector_subcore>, window_params = [{transform_indices = #map}, {transform_indices = #map}, {transform_indices = #map1}, {transform_indices = #map1}, {transform_indices = #map}, {transform_indices = #map}]} {
    %mul3A = arith.constant 2 : i32
    %mul3A_0 = arith.muli %arg1, %mul3A : i32
    %add3A = arith.addi %mul3A_0, %arg0 : i32
    %mul3A_1 = arith.constant 32 : i32
    %mul3A_2 = arith.muli %add3A, %mul3A_1 : i32
    "tpu.region"() ({
      %run_scoped3A = tpu.sem_alloc : memref<!tpu.dma_semaphore, #tpu.memory_space<semaphore_mem>>
      %dma_start3A_13 = tpu.memref_slice %arg4[%mul3A_2] : memref<1024xi32, #tpu.memory_space<hbm>> -> memref<32xi32, #tpu.memory_space<hbm>>
      %dma_start3A_14 = tpu.memref_slice %arg4[%mul3A_2] : memref<1024xi32, #tpu.memory_space<hbm>> -> memref<32xi32, #tpu.memory_space<hbm>>
      tpu.enqueue_dma source(%dma_start3A_14 : memref<32xi32, #tpu.memory_space<hbm>>) target(%arg8 : memref<32xi32, #tpu.memory_space<vmem>>) target_semaphore(%run_scoped3A : memref<!tpu.dma_semaphore, #tpu.memory_space<semaphore_mem>>)
      %dma_wait3A_15 = tpu.memref_slice %arg4[%mul3A_2] : memref<1024xi32, #tpu.memory_space<hbm>> -> memref<32xi32, #tpu.memory_space<hbm>>
      %dma_wait3A_16 = tpu.memref_slice %arg4[%mul3A_2] : memref<1024xi32, #tpu.memory_space<hbm>> -> memref<32xi32, #tpu.memory_space<hbm>>
      tpu.wait_dma2 semaphore(%run_scoped3A : memref<!tpu.dma_semaphore, #tpu.memory_space<semaphore_mem>>) src(%dma_wait3A_16 : memref<32xi32, #tpu.memory_space<hbm>>) dst(%arg8 : memref<32xi32, #tpu.memory_space<vmem>>)
      tpu.yield
    }) : () -> ()
    %dma_start3A = arith.constant 0 : i32
    %dma_start3A_3 = arith.constant 0 : i32
    %dma_start3A_4 = tpu.memref_slice %arg2[%dma_start3A, %dma_start3A_3] : memref<10240x128xf32, #tpu.memory_space<hbm>> -> memref<10240x128xf32, #tpu.memory_space<hbm>>
    tpu.enqueue_indirect_dma source(%dma_start3A_4 : memref<10240x128xf32, #tpu.memory_space<hbm>>) target(%arg9 : memref<32x128xf32, #tpu.memory_space<vmem>>) offsets(%arg8 : memref<32xi32, #tpu.memory_space<vmem>>) semaphore(%arg10 : memref<!tpu.dma_semaphore, #tpu.memory_space<semaphore_mem>>)
    %dma_wait3A = arith.constant 0 : i32
    %dma_wait3A_5 = arith.constant 0 : i32
    %dma_wait3A_6 = tpu.memref_slice %arg2[%dma_wait3A, %dma_wait3A_5] : memref<10240x128xf32, #tpu.memory_space<hbm>> -> memref<10240x128xf32, #tpu.memory_space<hbm>>
    tpu.wait_indirect_dma semaphore(%arg10 : memref<!tpu.dma_semaphore, #tpu.memory_space<semaphore_mem>>) src(%dma_wait3A_6 : memref<10240x128xf32, #tpu.memory_space<hbm>>) dst(%arg9 : memref<32x128xf32, #tpu.memory_space<vmem>>)
    "tpu.region"() ({
      %run_scoped3A = tpu.sem_alloc : memref<!tpu.dma_semaphore, #tpu.memory_space<semaphore_mem>>
      %dma_start3A_13 = arith.constant 0 : i32
      %dma_start3A_14 = tpu.memref_slice %arg6[%mul3A_2, %dma_start3A_13] : memref<1024x128xf32, #tpu.memory_space<hbm>> -> memref<32x128xf32, #tpu.memory_space<hbm>>
      %dma_start3A_15 = arith.constant 0 : i32
      %dma_start3A_16 = tpu.memref_slice %arg6[%mul3A_2, %dma_start3A_15] : memref<1024x128xf32, #tpu.memory_space<hbm>> -> memref<32x128xf32, #tpu.memory_space<hbm>>
      tpu.enqueue_dma source(%arg9 : memref<32x128xf32, #tpu.memory_space<vmem>>) target(%dma_start3A_16 : memref<32x128xf32, #tpu.memory_space<hbm>>) target_semaphore(%run_scoped3A : memref<!tpu.dma_semaphore, #tpu.memory_space<semaphore_mem>>)
      %dma_wait3A_17 = arith.constant 0 : i32
      %dma_wait3A_18 = tpu.memref_slice %arg6[%mul3A_2, %dma_wait3A_17] : memref<1024x128xf32, #tpu.memory_space<hbm>> -> memref<32x128xf32, #tpu.memory_space<hbm>>
      %dma_wait3A_19 = arith.constant 0 : i32
      %dma_wait3A_20 = tpu.memref_slice %arg6[%mul3A_2, %dma_wait3A_19] : memref<1024x128xf32, #tpu.memory_space<hbm>> -> memref<32x128xf32, #tpu.memory_space<hbm>>
      tpu.wait_dma2 semaphore(%run_scoped3A : memref<!tpu.dma_semaphore, #tpu.memory_space<semaphore_mem>>) src(%arg9 : memref<32x128xf32, #tpu.memory_space<vmem>>) dst(%dma_wait3A_20 : memref<32x128xf32, #tpu.memory_space<hbm>>)
      tpu.yield
    }) : () -> ()
    "tpu.region"() ({
      %run_scoped3A = tpu.sem_alloc : memref<!tpu.dma_semaphore, #tpu.memory_space<semaphore_mem>>
      %dma_start3A_13 = tpu.memref_slice %arg5[%mul3A_2] : memref<1024xi32, #tpu.memory_space<hbm>> -> memref<32xi32, #tpu.memory_space<hbm>>
      %dma_start3A_14 = tpu.memref_slice %arg5[%mul3A_2] : memref<1024xi32, #tpu.memory_space<hbm>> -> memref<32xi32, #tpu.memory_space<hbm>>
      tpu.enqueue_dma source(%dma_start3A_14 : memref<32xi32, #tpu.memory_space<hbm>>) target(%arg8 : memref<32xi32, #tpu.memory_space<vmem>>) target_semaphore(%run_scoped3A : memref<!tpu.dma_semaphore, #tpu.memory_space<semaphore_mem>>)
      %dma_wait3A_15 = tpu.memref_slice %arg5[%mul3A_2] : memref<1024xi32, #tpu.memory_space<hbm>> -> memref<32xi32, #tpu.memory_space<hbm>>
      %dma_wait3A_16 = tpu.memref_slice %arg5[%mul3A_2] : memref<1024xi32, #tpu.memory_space<hbm>> -> memref<32xi32, #tpu.memory_space<hbm>>
      tpu.wait_dma2 semaphore(%run_scoped3A : memref<!tpu.dma_semaphore, #tpu.memory_space<semaphore_mem>>) src(%dma_wait3A_16 : memref<32xi32, #tpu.memory_space<hbm>>) dst(%arg8 : memref<32xi32, #tpu.memory_space<vmem>>)
      tpu.yield
    }) : () -> ()
    %dma_start3A_7 = arith.constant 0 : i32
    %dma_start3A_8 = arith.constant 0 : i32
    %dma_start3A_9 = tpu.memref_slice %arg3[%dma_start3A_7, %dma_start3A_8] : memref<512x128xf32, #tpu.memory_space<hbm>> -> memref<512x128xf32, #tpu.memory_space<hbm>>
    tpu.enqueue_indirect_dma source(%dma_start3A_9 : memref<512x128xf32, #tpu.memory_space<hbm>>) target(%arg9 : memref<32x128xf32, #tpu.memory_space<vmem>>) offsets(%arg8 : memref<32xi32, #tpu.memory_space<vmem>>) semaphore(%arg10 : memref<!tpu.dma_semaphore, #tpu.memory_space<semaphore_mem>>)
    %dma_wait3A_10 = arith.constant 0 : i32
    %dma_wait3A_11 = arith.constant 0 : i32
    %dma_wait3A_12 = tpu.memref_slice %arg3[%dma_wait3A_10, %dma_wait3A_11] : memref<512x128xf32, #tpu.memory_space<hbm>> -> memref<512x128xf32, #tpu.memory_space<hbm>>
    tpu.wait_indirect_dma semaphore(%arg10 : memref<!tpu.dma_semaphore, #tpu.memory_space<semaphore_mem>>) src(%dma_wait3A_12 : memref<512x128xf32, #tpu.memory_space<hbm>>) dst(%arg9 : memref<32x128xf32, #tpu.memory_space<vmem>>)
    "tpu.region"() ({
      %run_scoped3A = tpu.sem_alloc : memref<!tpu.dma_semaphore, #tpu.memory_space<semaphore_mem>>
      %dma_start3A_13 = arith.constant 0 : i32
      %dma_start3A_14 = tpu.memref_slice %arg7[%mul3A_2, %dma_start3A_13] : memref<1024x128xf32, #tpu.memory_space<hbm>> -> memref<32x128xf32, #tpu.memory_space<hbm>>
      %dma_start3A_15 = arith.constant 0 : i32
      %dma_start3A_16 = tpu.memref_slice %arg7[%mul3A_2, %dma_start3A_15] : memref<1024x128xf32, #tpu.memory_space<hbm>> -> memref<32x128xf32, #tpu.memory_space<hbm>>
      tpu.enqueue_dma source(%arg9 : memref<32x128xf32, #tpu.memory_space<vmem>>) target(%dma_start3A_16 : memref<32x128xf32, #tpu.memory_space<hbm>>) target_semaphore(%run_scoped3A : memref<!tpu.dma_semaphore, #tpu.memory_space<semaphore_mem>>)
      %dma_wait3A_17 = arith.constant 0 : i32
      %dma_wait3A_18 = tpu.memref_slice %arg7[%mul3A_2, %dma_wait3A_17] : memref<1024x128xf32, #tpu.memory_space<hbm>> -> memref<32x128xf32, #tpu.memory_space<hbm>>
      %dma_wait3A_19 = arith.constant 0 : i32
      %dma_wait3A_20 = tpu.memref_slice %arg7[%mul3A_2, %dma_wait3A_19] : memref<1024x128xf32, #tpu.memory_space<hbm>> -> memref<32x128xf32, #tpu.memory_space<hbm>>
      tpu.wait_dma2 semaphore(%run_scoped3A : memref<!tpu.dma_semaphore, #tpu.memory_space<semaphore_mem>>) src(%arg9 : memref<32x128xf32, #tpu.memory_space<vmem>>) dst(%dma_wait3A_20 : memref<32x128xf32, #tpu.memory_space<hbm>>)
      tpu.yield
    }) : () -> ()
    return
  }
}

module attributes {stable_mosaic.version = 14 : i64} {
  func.func @body(%arg0: i32, %arg1: memref<1024x1xf32, #tpu.memory_space<vmem>>, %arg2: memref<1024x128xf32, #tpu.memory_space<vmem>>, %arg3: memref<1024x128xf32, #tpu.memory_space<vmem>>, %arg4: memref<1024x1xf32, #tpu.memory_space<vmem>>) attributes {dimension_semantics = [#tpu.dimension_semantics<arbitrary>], iteration_bounds = array<i64: 20>, scalar_prefetch = 0 : i64, scratch_operands = 0 : i64, tpu.core_type = #tpu.core_type<tc>, window_params = [{transform_indices = @transform_0, window_bounds = array<i64: 1024, 1>}, {transform_indices = @transform_1, window_bounds = array<i64: 1024, 128>}, {transform_indices = @transform_2, window_bounds = array<i64: 1024, 128>}, {transform_indices = @transform_3, window_bounds = array<i64: 1024, 1>}]} {
    %get3A = arith.constant 0 : index
    %get3A_0 = arith.constant 0 : index
    %get3A_1 = vector.load %arg1[%get3A, %get3A_0] : memref<1024x1xf32, #tpu.memory_space<vmem>>, vector<1024x1xf32>
    %gt3A = arith.constant 5.000000e-01 : f32
    %gt3A_2 = vector.broadcast %gt3A : f32 to vector<1024x1xf32>
    %gt3A_3 = arith.cmpf ogt, %get3A_1, %gt3A_2 : vector<1024x1xf32>
    %max3A = arith.constant 9.99999996E-13 : f32
    %max3A_4 = vector.broadcast %max3A : f32 to vector<1024x1xf32>
    %max3A_5 = arith.maximumf %get3A_1, %max3A_4 : vector<1024x1xf32>
    %rsqrt3A = math.rsqrt %max3A_5 : vector<1024x1xf32>
    %jit3A = arith.constant 0.000000e+00 : f32
    %broadcast_in_dim3A = vector.broadcast %jit3A : f32 to vector<1024x1xf32>
    %select_n3A = arith.select %gt3A_3, %rsqrt3A, %broadcast_in_dim3A : vector<1024x1xi1>, vector<1024x1xf32>
    %swap3A = arith.constant 0 : index
    %swap3A_6 = arith.constant 0 : index
    %swap3A_7 = vector.load %arg4[%swap3A, %swap3A_6] : memref<1024x1xf32, #tpu.memory_space<vmem>>, vector<1024x1xf32>
    tpu.vector_store %arg4[%swap3A, %swap3A_6], %select_n3A {strides = array<i32>} : memref<1024x1xf32, #tpu.memory_space<vmem>>, vector<1024x1xf32>,
    %get3A_8 = arith.constant 0 : index
    %get3A_9 = arith.constant 0 : index
    %get3A_10 = vector.load %arg2[%get3A_8, %get3A_9] : memref<1024x128xf32, #tpu.memory_space<vmem>>, vector<1024x128xf32>
    %mul3A = vector.broadcast %select_n3A : vector<1024x1xf32> to vector<1024x128xf32>
    %mul3A_11 = arith.mulf %get3A_10, %mul3A : vector<1024x128xf32>
    %swap3A_12 = arith.constant 0 : index
    %swap3A_13 = arith.constant 0 : index
    %swap3A_14 = vector.load %arg3[%swap3A_12, %swap3A_13] : memref<1024x128xf32, #tpu.memory_space<vmem>>, vector<1024x128xf32>
    tpu.vector_store %arg3[%swap3A_12, %swap3A_13], %mul3A_11 {strides = array<i32>} : memref<1024x128xf32, #tpu.memory_space<vmem>>, vector<1024x128xf32>,
    return
  }
  func.func @transform_0(%arg0: i32) -> (i32, i32) {
    %c0_i32 = arith.constant 0 : i32
    %c0_i32_0 = arith.constant 0 : i32
    return %arg0, %c0_i32 : i32, i32
  }
  func.func @transform_1(%arg0: i32) -> (i32, i32) {
    %jit3A = arith.constant 10 : i32
    %eq3A = arith.constant 0 : i32
    %eq3A_0 = arith.cmpi eq, %jit3A, %eq3A : i32
    %jit3A_1 = arith.constant 1 : i32
    %select_n3A = arith.select %eq3A_0, %jit3A_1, %jit3A : i32
    %rem3A = arith.remsi %arg0, %select_n3A : i32
    %ne3A = arith.constant 0 : i32
    %ne3A_2 = arith.cmpi ne, %rem3A, %ne3A : i32
    %lt3A = arith.constant 0 : i32
    %lt3A_3 = arith.cmpi slt, %rem3A, %lt3A : i32
    %lt3A_4 = arith.constant 0 : i32
    %lt3A_5 = arith.cmpi slt, %select_n3A, %lt3A_4 : i32
    %ne3A_6 = arith.xori %lt3A_3, %lt3A_5 : i1
    %and3A = arith.andi %ne3A_6, %ne3A_2 : i1
    %add3A = arith.addi %rem3A, %select_n3A : i32
    %select_n3A_7 = arith.select %and3A, %add3A, %rem3A : i32
    %c0_i32 = arith.constant 0 : i32
    %c0_i32_8 = arith.constant 0 : i32
    return %select_n3A_7, %c0_i32 : i32, i32
  }
  func.func @transform_2(%arg0: i32) -> (i32, i32) {
    %c0_i32 = arith.constant 0 : i32
    %c0_i32_0 = arith.constant 0 : i32
    return %arg0, %c0_i32 : i32, i32
  }
  func.func @transform_3(%arg0: i32) -> (i32, i32) {
    %c0_i32 = arith.constant 0 : i32
    %c0_i32_0 = arith.constant 0 : i32
    return %arg0, %c0_i32 : i32, i32
  }
}

module attributes {stable_mosaic.version = 14 : i64} {
  func.func @body(%arg0: memref<512x128xf32, #tpu.memory_space<vmem>>, %arg1: memref<128x128xf32, #tpu.memory_space<vmem>>, %arg2: memref<512x128xf32, #tpu.memory_space<vmem>>) attributes {dimension_semantics = [], scalar_prefetch = 0 : i64, scratch_operands = 0 : i64, tpu.core_type = #tpu.core_type<tc>} {
    %get3A = arith.constant 0 : index
    %get3A_0 = arith.constant 0 : index
    %get3A_1 = vector.load %arg0[%get3A, %get3A_0] : memref<512x128xf32, #tpu.memory_space<vmem>>, vector<512x128xf32>
    %get3A_2 = arith.constant 0 : index
    %get3A_3 = arith.constant 0 : index
    %get3A_4 = vector.load %arg1[%get3A_2, %get3A_3] : memref<128x128xf32, #tpu.memory_space<vmem>>, vector<128x128xf32>
    %dot_general3A = arith.constant dense<0.000000e+00> : vector<512x128xf32>
    %dot_general3A_5 = tpu.matmul %get3A_1, %get3A_4, %dot_general3A {dimension_numbers = #tpu.dot_dimension_numbers<[1], [0], [0], [1], [0, 0, 1, 1], [], []>, transpose_lhs_hint = false} : vector<512x128xf32>, vector<128x128xf32>, vector<512x128xf32> -> vector<512x128xf32>
    %swap3A = arith.constant 0 : index
    %swap3A_6 = arith.constant 0 : index
    %swap3A_7 = vector.load %arg2[%swap3A, %swap3A_6] : memref<512x128xf32, #tpu.memory_space<vmem>>, vector<512x128xf32>
    tpu.vector_store %arg2[%swap3A, %swap3A_6], %dot_general3A_5 {strides = array<i32>} : memref<512x128xf32, #tpu.memory_space<vmem>>, vector<512x128xf32>,
    return
  }
}

module attributes {stable_mosaic.version = 14 : i64} {
  func.func @body(%arg0: i32, %arg1: memref<1024x128xf32, #tpu.memory_space<vmem>>, %arg2: memref<1024x128xf32, #tpu.memory_space<vmem>>, %arg3: memref<1024x1xf32, #tpu.memory_space<vmem>>, %arg4: memref<1024x1xf32, #tpu.memory_space<vmem>>, %arg5: memref<1024x128xf32, #tpu.memory_space<vmem>>, %arg6: memref<1x128xf32, #tpu.memory_space<vmem>>, %arg7: memref<128x128xf32, #tpu.memory_space<vmem>>, %arg8: memref<128x128xf32, #tpu.memory_space<vmem>>, %arg9: memref<128x128xf32, #tpu.memory_space<vmem>>, %arg10: memref<1024x128xf32, #tpu.memory_space<vmem>>, %arg11: memref<8x128xf32, #tpu.memory_space<vmem>>) attributes {dimension_semantics = [#tpu.dimension_semantics<arbitrary>], iteration_bounds = array<i64: 10>, scalar_prefetch = 0 : i64, scratch_operands = 0 : i64, tpu.core_type = #tpu.core_type<tc>, window_params = [{transform_indices = @transform_0, window_bounds = array<i64: 1024, 128>}, {transform_indices = @transform_1, window_bounds = array<i64: 1024, 128>}, {transform_indices = @transform_2, window_bounds = array<i64: 1024, 1>}, {transform_indices = @transform_3, window_bounds = array<i64: 1024, 1>}, {transform_indices = @transform_4, window_bounds = array<i64: 1024, 128>}, {pipeline_mode = #tpu.pipeline_mode<synchronous>, transform_indices = @transform_5, window_bounds = array<i64: 1, 128>}, {pipeline_mode = #tpu.pipeline_mode<synchronous>, transform_indices = @transform_6, window_bounds = array<i64: 128, 128>}, {pipeline_mode = #tpu.pipeline_mode<synchronous>, transform_indices = @transform_7, window_bounds = array<i64: 128, 128>}, {pipeline_mode = #tpu.pipeline_mode<synchronous>, transform_indices = @transform_8, window_bounds = array<i64: 128, 128>}, {transform_indices = @transform_9, window_bounds = array<i64: 1024, 128>}, {pipeline_mode = #tpu.pipeline_mode<synchronous>, transform_indices = @transform_10, window_bounds = array<i64: 8, 128>}]} {
    %get3A = arith.constant 0 : index
    %get3A_0 = arith.constant 0 : index
    %get3A_1 = vector.load %arg5[%get3A, %get3A_0] : memref<1024x128xf32, #tpu.memory_space<vmem>>, vector<1024x128xf32>
    %get3A_2 = arith.constant 0 : index
    %get3A_3 = arith.constant 0 : index
    %get3A_4 = vector.load %arg6[%get3A_2, %get3A_3] : memref<1x128xf32, #tpu.memory_space<vmem>>, vector<1x128xf32>
    %mul3A = vector.broadcast %get3A_4 : vector<1x128xf32> to vector<1024x128xf32>
    %mul3A_5 = arith.mulf %get3A_1, %mul3A : vector<1024x128xf32>
    %get3A_6 = arith.constant 0 : index
    %get3A_7 = arith.constant 0 : index
    %get3A_8 = vector.load %arg1[%get3A_6, %get3A_7] : memref<1024x128xf32, #tpu.memory_space<vmem>>, vector<1024x128xf32>
    %get3A_9 = arith.constant 0 : index
    %get3A_10 = arith.constant 0 : index
    %get3A_11 = vector.load %arg3[%get3A_9, %get3A_10] : memref<1024x1xf32, #tpu.memory_space<vmem>>, vector<1024x1xf32>
    %mul3A_12 = vector.broadcast %get3A_11 : vector<1024x1xf32> to vector<1024x128xf32>
    %mul3A_13 = arith.mulf %get3A_8, %mul3A_12 : vector<1024x128xf32>
    %get3A_14 = arith.constant 0 : index
    %get3A_15 = arith.constant 0 : index
    %get3A_16 = vector.load %arg7[%get3A_14, %get3A_15] : memref<128x128xf32, #tpu.memory_space<vmem>>, vector<128x128xf32>
    %dot_general3A = arith.constant dense<0.000000e+00> : vector<1024x128xf32>
    %dot_general3A_17 = tpu.matmul %mul3A_13, %get3A_16, %dot_general3A {dimension_numbers = #tpu.dot_dimension_numbers<[1], [0], [0], [1], [0, 0, 1, 1], [], []>, transpose_lhs_hint = false} : vector<1024x128xf32>, vector<128x128xf32>, vector<1024x128xf32> -> vector<1024x128xf32>
    %get3A_18 = arith.constant 0 : index
    %get3A_19 = arith.constant 0 : index
    %get3A_20 = vector.load %arg2[%get3A_18, %get3A_19] : memref<1024x128xf32, #tpu.memory_space<vmem>>, vector<1024x128xf32>
    %get3A_21 = arith.constant 0 : index
    %get3A_22 = arith.constant 0 : index
    %get3A_23 = vector.load %arg4[%get3A_21, %get3A_22] : memref<1024x1xf32, #tpu.memory_space<vmem>>, vector<1024x1xf32>
    %mul3A_24 = vector.broadcast %get3A_23 : vector<1024x1xf32> to vector<1024x128xf32>
    %mul3A_25 = arith.mulf %get3A_20, %mul3A_24 : vector<1024x128xf32>
    %get3A_26 = arith.constant 0 : index
    %get3A_27 = arith.constant 0 : index
    %get3A_28 = vector.load %arg8[%get3A_26, %get3A_27] : memref<128x128xf32, #tpu.memory_space<vmem>>, vector<128x128xf32>
    %dot_general3A_29 = arith.constant dense<0.000000e+00> : vector<1024x128xf32>
    %dot_general3A_30 = tpu.matmul %mul3A_25, %get3A_28, %dot_general3A_29 {dimension_numbers = #tpu.dot_dimension_numbers<[1], [0], [0], [1], [0, 0, 1, 1], [], []>, transpose_lhs_hint = false} : vector<1024x128xf32>, vector<128x128xf32>, vector<1024x128xf32> -> vector<1024x128xf32>
    %add3A = arith.addf %dot_general3A_17, %dot_general3A_30 : vector<1024x128xf32>
    %get3A_31 = arith.constant 0 : index
    %get3A_32 = arith.constant 0 : index
    %get3A_33 = vector.load %arg9[%get3A_31, %get3A_32] : memref<128x128xf32, #tpu.memory_space<vmem>>, vector<128x128xf32>
    %dot_general3A_34 = arith.constant dense<0.000000e+00> : vector<1024x128xf32>
    %dot_general3A_35 = tpu.matmul %mul3A_5, %get3A_33, %dot_general3A_34 {dimension_numbers = #tpu.dot_dimension_numbers<[1], [0], [0], [1], [0, 0, 1, 1], [], []>, transpose_lhs_hint = false} : vector<1024x128xf32>, vector<128x128xf32>, vector<1024x128xf32> -> vector<1024x128xf32>
    %add3A_36 = arith.addf %add3A, %dot_general3A_35 : vector<1024x128xf32>
    %mul3A_37 = arith.constant 0.333333343 : f32
    %mul3A_38 = vector.broadcast %mul3A_37 : f32 to vector<1024x128xf32>
    %mul3A_39 = arith.mulf %add3A_36, %mul3A_38 : vector<1024x128xf32>
    %swap3A = arith.constant 0 : index
    %swap3A_40 = arith.constant 0 : index
    %swap3A_41 = vector.load %arg10[%swap3A, %swap3A_40] : memref<1024x128xf32, #tpu.memory_space<vmem>>, vector<1024x128xf32>
    tpu.vector_store %arg10[%swap3A, %swap3A_40], %mul3A_39 {strides = array<i32>} : memref<1024x128xf32, #tpu.memory_space<vmem>>, vector<1024x128xf32>,
    %eq3A = arith.constant 0 : i32
    %eq3A_42 = arith.cmpi eq, %arg0, %eq3A : i32
    %convert_element_type3A = arith.extui %eq3A_42 : i1 to i32
    %cond3A = arith.constant 0 : i32
    %cond3A_43 = arith.cmpi ne, %convert_element_type3A, %cond3A : i32
    scf.if %cond3A_43 {
      %broadcast_in_dim3A_63 = arith.constant 0.000000e+00 : f32
      %broadcast_in_dim3A_64 = vector.broadcast %broadcast_in_dim3A_63 : f32 to vector<8x128xf32>
      %swap3A_65 = arith.constant 0 : index
      %swap3A_66 = arith.constant 0 : index
      %swap3A_67 = vector.load %arg11[%swap3A_65, %swap3A_66] : memref<8x128xf32, #tpu.memory_space<vmem>>, vector<8x128xf32>
      tpu.vector_store %arg11[%swap3A_65, %swap3A_66], %broadcast_in_dim3A_64 {strides = array<i32>} : memref<8x128xf32, #tpu.memory_space<vmem>>, vector<8x128xf32>,
    } else {
    }
    %get3A_44 = arith.constant 0 : index
    %get3A_45 = arith.constant 0 : index
    %get3A_46 = vector.load %arg11[%get3A_44, %get3A_45] : memref<8x128xf32, #tpu.memory_space<vmem>>, vector<1x128xf32>
    %reduce_sum3A = arith.constant dense<0.000000e+00> : vector<128xf32>
    %reduce_sum3A_47 = vector.multi_reduction <add>, %mul3A_39, %reduce_sum3A [0] : vector<1024x128xf32> to vector<128xf32>
    %broadcast_in_dim3A = vector.shape_cast %reduce_sum3A_47 : vector<128xf32> to vector<1x128xf32>
    %add3A_48 = arith.addf %get3A_46, %broadcast_in_dim3A : vector<1x128xf32>
    %swap3A_49 = arith.constant 0 : index
    %swap3A_50 = arith.constant 0 : index
    %swap3A_51 = vector.load %arg11[%swap3A_49, %swap3A_50] : memref<8x128xf32, #tpu.memory_space<vmem>>, vector<1x128xf32>
    tpu.vector_store %arg11[%swap3A_49, %swap3A_50], %add3A_48 {strides = array<i32>} : memref<8x128xf32, #tpu.memory_space<vmem>>, vector<1x128xf32>,
    %get3A_52 = arith.constant 1 : index
    %get3A_53 = arith.constant 0 : index
    %get3A_54 = vector.load %arg11[%get3A_52, %get3A_53] : memref<8x128xf32, #tpu.memory_space<vmem>>, vector<1x128xf32>
    %mul3A_55 = arith.mulf %mul3A_39, %mul3A_39 : vector<1024x128xf32>
    %reduce_sum3A_56 = arith.constant dense<0.000000e+00> : vector<128xf32>
    %reduce_sum3A_57 = vector.multi_reduction <add>, %mul3A_55, %reduce_sum3A_56 [0] : vector<1024x128xf32> to vector<128xf32>
    %broadcast_in_dim3A_58 = vector.shape_cast %reduce_sum3A_57 : vector<128xf32> to vector<1x128xf32>
    %add3A_59 = arith.addf %get3A_54, %broadcast_in_dim3A_58 : vector<1x128xf32>
    %swap3A_60 = arith.constant 1 : index
    %swap3A_61 = arith.constant 0 : index
    %swap3A_62 = vector.load %arg11[%swap3A_60, %swap3A_61] : memref<8x128xf32, #tpu.memory_space<vmem>>, vector<1x128xf32>
    tpu.vector_store %arg11[%swap3A_60, %swap3A_61], %add3A_59 {strides = array<i32>} : memref<8x128xf32, #tpu.memory_space<vmem>>, vector<1x128xf32>,
    return
  }
  func.func @transform_0(%arg0: i32) -> (i32, i32) {
    %c0_i32 = arith.constant 0 : i32
    %c0_i32_0 = arith.constant 0 : i32
    return %arg0, %c0_i32 : i32, i32
  }
  func.func @transform_1(%arg0: i32) -> (i32, i32) {
    %c0_i32 = arith.constant 0 : i32
    %c0_i32_0 = arith.constant 0 : i32
    return %arg0, %c0_i32 : i32, i32
  }
  func.func @transform_2(%arg0: i32) -> (i32, i32) {
    %c0_i32 = arith.constant 0 : i32
    %c0_i32_0 = arith.constant 0 : i32
    return %arg0, %c0_i32 : i32, i32
  }
  func.func @transform_3(%arg0: i32) -> (i32, i32) {
    %c0_i32 = arith.constant 0 : i32
    %c0_i32_0 = arith.constant 0 : i32
    return %arg0, %c0_i32 : i32, i32
  }
  func.func @transform_4(%arg0: i32) -> (i32, i32) {
    %c0_i32 = arith.constant 0 : i32
    %c0_i32_0 = arith.constant 0 : i32
    return %arg0, %c0_i32 : i32, i32
  }
  func.func @transform_5(%arg0: i32) -> (i32, i32) {
    %c0_i32 = arith.constant 0 : i32
    %c0_i32_0 = arith.constant 0 : i32
    %c0_i32_1 = arith.constant 0 : i32
    return %c0_i32, %c0_i32_0 : i32, i32
  }
  func.func @transform_6(%arg0: i32) -> (i32, i32) {
    %c0_i32 = arith.constant 0 : i32
    %c0_i32_0 = arith.constant 0 : i32
    %c0_i32_1 = arith.constant 0 : i32
    return %c0_i32, %c0_i32_0 : i32, i32
  }
  func.func @transform_7(%arg0: i32) -> (i32, i32) {
    %c0_i32 = arith.constant 0 : i32
    %c0_i32_0 = arith.constant 0 : i32
    %c0_i32_1 = arith.constant 0 : i32
    return %c0_i32, %c0_i32_0 : i32, i32
  }
  func.func @transform_8(%arg0: i32) -> (i32, i32) {
    %c0_i32 = arith.constant 0 : i32
    %c0_i32_0 = arith.constant 0 : i32
    %c0_i32_1 = arith.constant 0 : i32
    return %c0_i32, %c0_i32_0 : i32, i32
  }
  func.func @transform_9(%arg0: i32) -> (i32, i32) {
    %c0_i32 = arith.constant 0 : i32
    %c0_i32_0 = arith.constant 0 : i32
    return %arg0, %c0_i32 : i32, i32
  }
  func.func @transform_10(%arg0: i32) -> (i32, i32) {
    %c0_i32 = arith.constant 0 : i32
    %c0_i32_0 = arith.constant 0 : i32
    %c0_i32_1 = arith.constant 0 : i32
    return %c0_i32, %c0_i32_0 : i32, i32
  }
}

module attributes {stable_mosaic.version = 14 : i64} {
  func.func @body(%arg0: i32, %arg1: memref<1024x128xf32, #tpu.memory_space<vmem>>, %arg2: memref<8x128xf32, #tpu.memory_space<vmem>>, %arg3: memref<1024x128xf32, #tpu.memory_space<vmem>>) attributes {dimension_semantics = [#tpu.dimension_semantics<arbitrary>], iteration_bounds = array<i64: 10>, scalar_prefetch = 0 : i64, scratch_operands = 0 : i64, tpu.core_type = #tpu.core_type<tc>, window_params = [{transform_indices = @transform_0, window_bounds = array<i64: 1024, 128>}, {pipeline_mode = #tpu.pipeline_mode<synchronous>, transform_indices = @transform_1, window_bounds = array<i64: 8, 128>}, {transform_indices = @transform_2, window_bounds = array<i64: 1024, 128>}]} {
    %get3A = arith.constant 0 : index
    %get3A_0 = arith.constant 0 : index
    %get3A_1 = vector.load %arg2[%get3A, %get3A_0] : memref<8x128xf32, #tpu.memory_space<vmem>>, vector<1x128xf32>
    %get3A_2 = arith.constant 1 : index
    %get3A_3 = arith.constant 0 : index
    %get3A_4 = vector.load %arg2[%get3A_2, %get3A_3] : memref<8x128xf32, #tpu.memory_space<vmem>>, vector<1x128xf32>
    %get3A_5 = arith.constant 2 : index
    %get3A_6 = arith.constant 0 : index
    %get3A_7 = vector.load %arg2[%get3A_5, %get3A_6] : memref<8x128xf32, #tpu.memory_space<vmem>>, vector<1x128xf32>
    %get3A_8 = arith.constant 0 : index
    %get3A_9 = arith.constant 0 : index
    %get3A_10 = vector.load %arg1[%get3A_8, %get3A_9] : memref<1024x128xf32, #tpu.memory_space<vmem>>, vector<1024x128xf32>
    %sub3A = vector.broadcast %get3A_1 : vector<1x128xf32> to vector<1024x128xf32>
    %sub3A_11 = arith.subf %get3A_10, %sub3A : vector<1024x128xf32>
    %mul3A = vector.broadcast %get3A_4 : vector<1x128xf32> to vector<1024x128xf32>
    %mul3A_12 = arith.mulf %sub3A_11, %mul3A : vector<1024x128xf32>
    %add3A = vector.broadcast %get3A_7 : vector<1x128xf32> to vector<1024x128xf32>
    %add3A_13 = arith.addf %mul3A_12, %add3A : vector<1024x128xf32>
    %tanh3A = math.tanh %add3A_13 : vector<1024x128xf32>
    %swap3A = arith.constant 0 : index
    %swap3A_14 = arith.constant 0 : index
    %swap3A_15 = vector.load %arg3[%swap3A, %swap3A_14] : memref<1024x128xf32, #tpu.memory_space<vmem>>, vector<1024x128xf32>
    tpu.vector_store %arg3[%swap3A, %swap3A_14], %tanh3A {strides = array<i32>} : memref<1024x128xf32, #tpu.memory_space<vmem>>, vector<1024x128xf32>,
    return
  }
  func.func @transform_0(%arg0: i32) -> (i32, i32) {
    %c0_i32 = arith.constant 0 : i32
    %c0_i32_0 = arith.constant 0 : i32
    return %arg0, %c0_i32 : i32, i32
  }
  func.func @transform_1(%arg0: i32) -> (i32, i32) {
    %c0_i32 = arith.constant 0 : i32
    %c0_i32_0 = arith.constant 0 : i32
    %c0_i32_1 = arith.constant 0 : i32
    return %c0_i32, %c0_i32_0 : i32, i32
  }
  func.func @transform_2(%arg0: i32) -> (i32, i32) {
    %c0_i32 = arith.constant 0 : i32
    %c0_i32_0 = arith.constant 0 : i32
    return %arg0, %c0_i32 : i32, i32
  }
}

module attributes {stable_mosaic.version = 14 : i64} {
  func.func @body(%arg0: i32, %arg1: memref<1024x256xf32, #tpu.memory_space<vmem>>, %arg2: memref<256x128xf32, #tpu.memory_space<vmem>>, %arg3: memref<1024x128xf32, #tpu.memory_space<vmem>>, %arg4: memref<8x128xf32, #tpu.memory_space<vmem>>, %arg5: memref<8x256xf32, #tpu.memory_space<vmem>>) attributes {dimension_semantics = [#tpu.dimension_semantics<arbitrary>], iteration_bounds = array<i64: 160>, scalar_prefetch = 0 : i64, scratch_operands = 0 : i64, tpu.core_type = #tpu.core_type<tc>, window_params = [{pipeline_mode = #tpu.pipeline_mode<synchronous>, transform_indices = @transform_0, window_bounds = array<i64: 1024, 256>}, {transform_indices = @transform_1, window_bounds = array<i64: 256, 128>}, {transform_indices = @transform_2, window_bounds = array<i64: 1024, 128>}, {transform_indices = @transform_3, window_bounds = array<i64: 8, 128>}, {pipeline_mode = #tpu.pipeline_mode<synchronous>, transform_indices = @transform_4, window_bounds = array<i64: 8, 256>}]} {
    %get3A = arith.constant 0 : index
    %get3A_0 = arith.constant 0 : index
    %get3A_1 = vector.load %arg1[%get3A, %get3A_0] : memref<1024x256xf32, #tpu.memory_space<vmem>>, vector<1024x256xf32>
    %get3A_2 = arith.constant 0 : index
    %get3A_3 = arith.constant 0 : index
    %get3A_4 = vector.load %arg2[%get3A_2, %get3A_3] : memref<256x128xf32, #tpu.memory_space<vmem>>, vector<256x128xf32>
    %dot_general3A = arith.constant dense<0.000000e+00> : vector<1024x128xf32>
    %dot_general3A_5 = tpu.matmul %get3A_1, %get3A_4, %dot_general3A {dimension_numbers = #tpu.dot_dimension_numbers<[1], [0], [0], [1], [0, 0, 1, 1], [], []>, transpose_lhs_hint = false} : vector<1024x256xf32>, vector<256x128xf32>, vector<1024x128xf32> -> vector<1024x128xf32>
    %swap3A = arith.constant 0 : index
    %swap3A_6 = arith.constant 0 : index
    %swap3A_7 = vector.load %arg3[%swap3A, %swap3A_6] : memref<1024x128xf32, #tpu.memory_space<vmem>>, vector<1024x128xf32>
    tpu.vector_store %arg3[%swap3A, %swap3A_6], %dot_general3A_5 {strides = array<i32>} : memref<1024x128xf32, #tpu.memory_space<vmem>>, vector<1024x128xf32>,
    %reduce_sum3A = arith.constant dense<0.000000e+00> : vector<128xf32>
    %reduce_sum3A_8 = vector.multi_reduction <add>, %dot_general3A_5, %reduce_sum3A [0] : vector<1024x128xf32> to vector<128xf32>
    %broadcast_in_dim3A = vector.shape_cast %reduce_sum3A_8 : vector<128xf32> to vector<1x128xf32>
    %mul3A = arith.mulf %dot_general3A_5, %dot_general3A_5 : vector<1024x128xf32>
    %reduce_sum3A_9 = arith.constant dense<0.000000e+00> : vector<128xf32>
    %reduce_sum3A_10 = vector.multi_reduction <add>, %mul3A, %reduce_sum3A_9 [0] : vector<1024x128xf32> to vector<128xf32>
    %broadcast_in_dim3A_11 = vector.shape_cast %reduce_sum3A_10 : vector<128xf32> to vector<1x128xf32>
    %broadcast_in_dim3A_12 = arith.constant 0.000000e+00 : f32
    %broadcast_in_dim3A_13 = vector.broadcast %broadcast_in_dim3A_12 : f32 to vector<6x128xf32>
    %concatenate3A = tpu.concatenate %broadcast_in_dim3A, %broadcast_in_dim3A_11, %broadcast_in_dim3A_13 in 0 : vector<1x128xf32>, vector<1x128xf32>, vector<6x128xf32> -> vector<8x128xf32>
    %swap3A_14 = arith.constant 0 : index
    %swap3A_15 = arith.constant 0 : index
    %swap3A_16 = vector.load %arg4[%swap3A_14, %swap3A_15] : memref<8x128xf32, #tpu.memory_space<vmem>>, vector<8x128xf32>
    tpu.vector_store %arg4[%swap3A_14, %swap3A_15], %concatenate3A {strides = array<i32>} : memref<8x128xf32, #tpu.memory_space<vmem>>, vector<8x128xf32>,
    %eq3A = arith.constant 0 : i32
    %eq3A_17 = arith.cmpi eq, %arg0, %eq3A : i32
    %convert_element_type3A = arith.extui %eq3A_17 : i1 to i32
    %cond3A = arith.constant 0 : i32
    %cond3A_18 = arith.cmpi ne, %convert_element_type3A, %cond3A : i32
    scf.if %cond3A_18 {
      %reduce_sum3A_19 = arith.constant dense<0.000000e+00> : vector<256xf32>
      %reduce_sum3A_20 = vector.multi_reduction <add>, %get3A_1, %reduce_sum3A_19 [0] : vector<1024x256xf32> to vector<256xf32>
      %broadcast_in_dim3A_21 = vector.shape_cast %reduce_sum3A_20 : vector<256xf32> to vector<1x256xf32>
      %mul3A_22 = arith.mulf %get3A_1, %get3A_1 : vector<1024x256xf32>
      %reduce_sum3A_23 = arith.constant dense<0.000000e+00> : vector<256xf32>
      %reduce_sum3A_24 = vector.multi_reduction <add>, %mul3A_22, %reduce_sum3A_23 [0] : vector<1024x256xf32> to vector<256xf32>
      %broadcast_in_dim3A_25 = vector.shape_cast %reduce_sum3A_24 : vector<256xf32> to vector<1x256xf32>
      %broadcast_in_dim3A_26 = arith.constant 0.000000e+00 : f32
      %broadcast_in_dim3A_27 = vector.broadcast %broadcast_in_dim3A_26 : f32 to vector<6x256xf32>
      %concatenate3A_28 = tpu.concatenate %broadcast_in_dim3A_21, %broadcast_in_dim3A_25, %broadcast_in_dim3A_27 in 0 : vector<1x256xf32>, vector<1x256xf32>, vector<6x256xf32> -> vector<8x256xf32>
      %swap3A_29 = arith.constant 0 : index
      %swap3A_30 = arith.constant 0 : index
      %swap3A_31 = vector.load %arg5[%swap3A_29, %swap3A_30] : memref<8x256xf32, #tpu.memory_space<vmem>>, vector<8x256xf32>
      tpu.vector_store %arg5[%swap3A_29, %swap3A_30], %concatenate3A_28 {strides = array<i32>} : memref<8x256xf32, #tpu.memory_space<vmem>>, vector<8x256xf32>,
    } else {
    }
    return
  }
  func.func @transform_0(%arg0: i32) -> (i32, i32) {
    %c0_i32 = arith.constant 0 : i32
    %c0_i32_0 = arith.constant 0 : i32
    %c0_i32_1 = arith.constant 0 : i32
    return %c0_i32, %c0_i32_0 : i32, i32
  }
  func.func @transform_1(%arg0: i32) -> (i32, i32) {
    %c0_i32 = arith.constant 0 : i32
    %c0_i32_0 = arith.constant 0 : i32
    return %c0_i32, %arg0 : i32, i32
  }
  func.func @transform_2(%arg0: i32) -> (i32, i32) {
    %c0_i32 = arith.constant 0 : i32
    %c0_i32_0 = arith.constant 0 : i32
    return %c0_i32, %arg0 : i32, i32
  }
  func.func @transform_3(%arg0: i32) -> (i32, i32) {
    %c0_i32 = arith.constant 0 : i32
    %c0_i32_0 = arith.constant 0 : i32
    return %c0_i32, %arg0 : i32, i32
  }
  func.func @transform_4(%arg0: i32) -> (i32, i32) {
    %c0_i32 = arith.constant 0 : i32
    %c0_i32_0 = arith.constant 0 : i32
    %c0_i32_1 = arith.constant 0 : i32
    return %c0_i32, %c0_i32_0 : i32, i32
  }
}

module attributes {stable_mosaic.version = 14 : i64} {
  func.func @body(%arg0: i32, %arg1: memref<1024x128xf32, #tpu.memory_space<vmem>>, %arg2: memref<8x128xf32, #tpu.memory_space<vmem>>, %arg3: memref<128x128xf32, #tpu.memory_space<vmem>>, %arg4: memref<1x128xf32, #tpu.memory_space<vmem>>, %arg5: memref<1024x128xf32, #tpu.memory_space<vmem>>, %arg6: memref<8x128xf32, #tpu.memory_space<vmem>>) attributes {dimension_semantics = [#tpu.dimension_semantics<arbitrary>], iteration_bounds = array<i64: 160>, scalar_prefetch = 0 : i64, scratch_operands = 0 : i64, tpu.core_type = #tpu.core_type<tc>, window_params = [{transform_indices = @transform_0, window_bounds = array<i64: 1024, 128>}, {transform_indices = @transform_1, window_bounds = array<i64: 8, 128>}, {transform_indices = @transform_2, window_bounds = array<i64: 128, 128>}, {pipeline_mode = #tpu.pipeline_mode<synchronous>, transform_indices = @transform_3, window_bounds = array<i64: 1, 128>}, {pipeline_mode = #tpu.pipeline_mode<synchronous>, transform_indices = @transform_4, window_bounds = array<i64: 1024, 128>}, {pipeline_mode = #tpu.pipeline_mode<synchronous>, transform_indices = @transform_5, window_bounds = array<i64: 8, 128>}]} {
    %get3A = arith.constant 0 : index
    %get3A_0 = arith.constant 0 : index
    %get3A_1 = vector.load %arg1[%get3A, %get3A_0] : memref<1024x128xf32, #tpu.memory_space<vmem>>, vector<1024x128xf32>
    %get3A_2 = arith.constant 0 : index
    %get3A_3 = arith.constant 0 : index
    %get3A_4 = vector.load %arg2[%get3A_2, %get3A_3] : memref<8x128xf32, #tpu.memory_space<vmem>>, vector<1x128xf32>
    %mul3A = vector.broadcast %get3A_4 : vector<1x128xf32> to vector<1024x128xf32>
    %mul3A_5 = arith.mulf %get3A_1, %mul3A : vector<1024x128xf32>
    %get3A_6 = arith.constant 1 : index
    %get3A_7 = arith.constant 0 : index
    %get3A_8 = vector.load %arg2[%get3A_6, %get3A_7] : memref<8x128xf32, #tpu.memory_space<vmem>>, vector<1x128xf32>
    %add3A = vector.broadcast %get3A_8 : vector<1x128xf32> to vector<1024x128xf32>
    %add3A_9 = arith.addf %mul3A_5, %add3A : vector<1024x128xf32>
    %max3A = arith.constant 0.000000e+00 : f32
    %max3A_10 = vector.broadcast %max3A : f32 to vector<1024x128xf32>
    %max3A_11 = arith.maximumf %add3A_9, %max3A_10 : vector<1024x128xf32>
    %eq3A = arith.constant 0 : i32
    %eq3A_12 = arith.cmpi eq, %arg0, %eq3A : i32
    %convert_element_type3A = arith.extui %eq3A_12 : i1 to i32
    %cond3A = arith.constant 0 : i32
    %cond3A_13 = arith.cmpi ne, %convert_element_type3A, %cond3A : i32
    scf.if %cond3A_13 {
      %get3A_29 = arith.constant 0 : index
      %get3A_30 = arith.constant 0 : index
      %get3A_31 = vector.load %arg4[%get3A_29, %get3A_30] : memref<1x128xf32, #tpu.memory_space<vmem>>, vector<1x128xf32>
      %broadcast_in_dim3A = vector.shape_cast %get3A_31 : vector<1x128xf32> to vector<1x128xf32>
      %broadcast_in_dim3A_32 = vector.broadcast %broadcast_in_dim3A : vector<1x128xf32> to vector<1024x128xf32>
      %swap3A_33 = arith.constant 0 : index
      %swap3A_34 = arith.constant 0 : index
      %swap3A_35 = vector.load %arg5[%swap3A_33, %swap3A_34] : memref<1024x128xf32, #tpu.memory_space<vmem>>, vector<1024x128xf32>
      tpu.vector_store %arg5[%swap3A_33, %swap3A_34], %broadcast_in_dim3A_32 {strides = array<i32>} : memref<1024x128xf32, #tpu.memory_space<vmem>>, vector<1024x128xf32>,
    } else {
    }
    %get3A_14 = arith.constant 0 : index
    %get3A_15 = arith.constant 0 : index
    %get3A_16 = vector.load %arg5[%get3A_14, %get3A_15] : memref<1024x128xf32, #tpu.memory_space<vmem>>, vector<1024x128xf32>
    %get3A_17 = arith.constant 0 : index
    %get3A_18 = arith.constant 0 : index
    %get3A_19 = vector.load %arg3[%get3A_17, %get3A_18] : memref<128x128xf32, #tpu.memory_space<vmem>>, vector<128x128xf32>
    %dot_general3A = arith.constant dense<0.000000e+00> : vector<1024x128xf32>
    %dot_general3A_20 = tpu.matmul %max3A_11, %get3A_19, %dot_general3A {dimension_numbers = #tpu.dot_dimension_numbers<[1], [0], [0], [1], [0, 0, 1, 1], [], []>, transpose_lhs_hint = false} : vector<1024x128xf32>, vector<128x128xf32>, vector<1024x128xf32> -> vector<1024x128xf32>
    %add3A_21 = arith.addf %get3A_16, %dot_general3A_20 : vector<1024x128xf32>
    %swap3A = arith.constant 0 : index
    %swap3A_22 = arith.constant 0 : index
    %swap3A_23 = vector.load %arg5[%swap3A, %swap3A_22] : memref<1024x128xf32, #tpu.memory_space<vmem>>, vector<1024x128xf32>
    tpu.vector_store %arg5[%swap3A, %swap3A_22], %add3A_21 {strides = array<i32>} : memref<1024x128xf32, #tpu.memory_space<vmem>>, vector<1024x128xf32>,
    %eq3A_24 = arith.constant 159 : i32
    %eq3A_25 = arith.cmpi eq, %arg0, %eq3A_24 : i32
    %convert_element_type3A_26 = arith.extui %eq3A_25 : i1 to i32
    %cond3A_27 = arith.constant 0 : i32
    %cond3A_28 = arith.cmpi ne, %convert_element_type3A_26, %cond3A_27 : i32
    scf.if %cond3A_28 {
      %get3A_29 = arith.constant 0 : index
      %get3A_30 = arith.constant 0 : index
      %get3A_31 = vector.load %arg5[%get3A_29, %get3A_30] : memref<1024x128xf32, #tpu.memory_space<vmem>>, vector<1024x128xf32>
      %reduce_sum3A = arith.constant dense<0.000000e+00> : vector<128xf32>
      %reduce_sum3A_32 = vector.multi_reduction <add>, %get3A_31, %reduce_sum3A [0] : vector<1024x128xf32> to vector<128xf32>
      %broadcast_in_dim3A = vector.shape_cast %reduce_sum3A_32 : vector<128xf32> to vector<1x128xf32>
      %mul3A_33 = arith.mulf %get3A_31, %get3A_31 : vector<1024x128xf32>
      %reduce_sum3A_34 = arith.constant dense<0.000000e+00> : vector<128xf32>
      %reduce_sum3A_35 = vector.multi_reduction <add>, %mul3A_33, %reduce_sum3A_34 [0] : vector<1024x128xf32> to vector<128xf32>
      %broadcast_in_dim3A_36 = vector.shape_cast %reduce_sum3A_35 : vector<128xf32> to vector<1x128xf32>
      %broadcast_in_dim3A_37 = arith.constant 0.000000e+00 : f32
      %broadcast_in_dim3A_38 = vector.broadcast %broadcast_in_dim3A_37 : f32 to vector<6x128xf32>
      %concatenate3A = tpu.concatenate %broadcast_in_dim3A, %broadcast_in_dim3A_36, %broadcast_in_dim3A_38 in 0 : vector<1x128xf32>, vector<1x128xf32>, vector<6x128xf32> -> vector<8x128xf32>
      %swap3A_39 = arith.constant 0 : index
      %swap3A_40 = arith.constant 0 : index
      %swap3A_41 = vector.load %arg6[%swap3A_39, %swap3A_40] : memref<8x128xf32, #tpu.memory_space<vmem>>, vector<8x128xf32>
      tpu.vector_store %arg6[%swap3A_39, %swap3A_40], %concatenate3A {strides = array<i32>} : memref<8x128xf32, #tpu.memory_space<vmem>>, vector<8x128xf32>,
    } else {
    }
    return
  }
  func.func @transform_0(%arg0: i32) -> (i32, i32) {
    %c0_i32 = arith.constant 0 : i32
    %c0_i32_0 = arith.constant 0 : i32
    return %c0_i32, %arg0 : i32, i32
  }
  func.func @transform_1(%arg0: i32) -> (i32, i32) {
    %c0_i32 = arith.constant 0 : i32
    %c0_i32_0 = arith.constant 0 : i32
    return %c0_i32, %arg0 : i32, i32
  }
  func.func @transform_2(%arg0: i32) -> (i32, i32) {
    %c0_i32 = arith.constant 0 : i32
    %c0_i32_0 = arith.constant 0 : i32
    return %arg0, %c0_i32 : i32, i32
  }
  func.func @transform_3(%arg0: i32) -> (i32, i32) {
    %c0_i32 = arith.constant 0 : i32
    %c0_i32_0 = arith.constant 0 : i32
    %c0_i32_1 = arith.constant 0 : i32
    return %c0_i32, %c0_i32_0 : i32, i32
  }
  func.func @transform_4(%arg0: i32) -> (i32, i32) {
    %c0_i32 = arith.constant 0 : i32
    %c0_i32_0 = arith.constant 0 : i32
    %c0_i32_1 = arith.constant 0 : i32
    return %c0_i32, %c0_i32_0 : i32, i32
  }
  func.func @transform_5(%arg0: i32) -> (i32, i32) {
    %c0_i32 = arith.constant 0 : i32
    %c0_i32_0 = arith.constant 0 : i32
    %c0_i32_1 = arith.constant 0 : i32
    return %c0_i32, %c0_i32_0 : i32, i32
  }
}

module attributes {stable_mosaic.version = 14 : i64} {
  func.func @body(%arg0: i32, %arg1: memref<1024x128xf32, #tpu.memory_space<vmem>>, %arg2: memref<8x128xf32, #tpu.memory_space<vmem>>, %arg3: memref<1024x128xf32, #tpu.memory_space<vmem>>, %arg4: memref<1x1024xf32, #tpu.memory_space<vmem>>, %arg5: memref<1024x1024xf32, #tpu.memory_space<vmem>>) attributes {dimension_semantics = [#tpu.dimension_semantics<arbitrary>], iteration_bounds = array<i64: 10>, scalar_prefetch = 0 : i64, scratch_operands = 0 : i64, tpu.core_type = #tpu.core_type<tc>, window_params = [{pipeline_mode = #tpu.pipeline_mode<synchronous>, transform_indices = @transform_0, window_bounds = array<i64: 1024, 128>}, {pipeline_mode = #tpu.pipeline_mode<synchronous>, transform_indices = @transform_1, window_bounds = array<i64: 8, 128>}, {transform_indices = @transform_2, window_bounds = array<i64: 1024, 128>}, {transform_indices = @transform_3, window_bounds = array<i64: 1, 1024>}, {transform_indices = @transform_4, window_bounds = array<i64: 1024, 1024>}]} {
    %get3A = arith.constant 0 : index
    %get3A_0 = arith.constant 0 : index
    %get3A_1 = vector.load %arg1[%get3A, %get3A_0] : memref<1024x128xf32, #tpu.memory_space<vmem>>, vector<1024x128xf32>
    %get3A_2 = arith.constant 0 : index
    %get3A_3 = arith.constant 0 : index
    %get3A_4 = vector.load %arg2[%get3A_2, %get3A_3] : memref<8x128xf32, #tpu.memory_space<vmem>>, vector<1x128xf32>
    %sub3A = vector.broadcast %get3A_4 : vector<1x128xf32> to vector<1024x128xf32>
    %sub3A_5 = arith.subf %get3A_1, %sub3A : vector<1024x128xf32>
    %get3A_6 = arith.constant 1 : index
    %get3A_7 = arith.constant 0 : index
    %get3A_8 = vector.load %arg2[%get3A_6, %get3A_7] : memref<8x128xf32, #tpu.memory_space<vmem>>, vector<1x128xf32>
    %mul3A = vector.broadcast %get3A_8 : vector<1x128xf32> to vector<1024x128xf32>
    %mul3A_9 = arith.mulf %sub3A_5, %mul3A : vector<1024x128xf32>
    %get3A_10 = arith.constant 2 : index
    %get3A_11 = arith.constant 0 : index
    %get3A_12 = vector.load %arg2[%get3A_10, %get3A_11] : memref<8x128xf32, #tpu.memory_space<vmem>>, vector<1x128xf32>
    %add3A = vector.broadcast %get3A_12 : vector<1x128xf32> to vector<1024x128xf32>
    %add3A_13 = arith.addf %mul3A_9, %add3A : vector<1024x128xf32>
    %max3A = arith.constant 0.000000e+00 : f32
    %max3A_14 = vector.broadcast %max3A : f32 to vector<1024x128xf32>
    %max3A_15 = arith.maximumf %add3A_13, %max3A_14 : vector<1024x128xf32>
    %get3A_16 = arith.constant 0 : index
    %get3A_17 = arith.constant 0 : index
    %get3A_18 = vector.load %arg3[%get3A_16, %get3A_17] : memref<1024x128xf32, #tpu.memory_space<vmem>>, vector<1024x128xf32>
    %dot_general3A = arith.constant dense<0.000000e+00> : vector<1024x1024xf32>
    %dot_general3A_19 = tpu.matmul %max3A_15, %get3A_18, %dot_general3A {dimension_numbers = #tpu.dot_dimension_numbers<[1], [1], [0], [0], [0, 0, 1, 0], [], []>, transpose_lhs_hint = false} : vector<1024x128xf32>, vector<1024x128xf32>, vector<1024x1024xf32> -> vector<1024x1024xf32>
    %get3A_20 = arith.constant 0 : index
    %get3A_21 = arith.constant 0 : index
    %get3A_22 = vector.load %arg4[%get3A_20, %get3A_21] : memref<1x1024xf32, #tpu.memory_space<vmem>>, vector<1x1024xf32>
    %add3A_23 = vector.broadcast %get3A_22 : vector<1x1024xf32> to vector<1024x1024xf32>
    %add3A_24 = arith.addf %dot_general3A_19, %add3A_23 : vector<1024x1024xf32>
    %logistic3A = arith.negf %add3A_24 : vector<1024x1024xf32>
    %logistic3A_25 = math.exp %logistic3A : vector<1024x1024xf32>
    %logistic3A_26 = arith.constant 1.000000e+00 : f32
    %logistic3A_27 = vector.broadcast %logistic3A_26 : f32 to vector<1024x1024xf32>
    %logistic3A_28 = arith.addf %logistic3A_27, %logistic3A_25 : vector<1024x1024xf32>
    %logistic3A_29 = arith.divf %logistic3A_27, %logistic3A_28 : vector<1024x1024xf32>
    %swap3A = arith.constant 0 : index
    %swap3A_30 = arith.constant 0 : index
    %swap3A_31 = vector.load %arg5[%swap3A, %swap3A_30] : memref<1024x1024xf32, #tpu.memory_space<vmem>>, vector<1024x1024xf32>
    tpu.vector_store %arg5[%swap3A, %swap3A_30], %logistic3A_29 {strides = array<i32>} : memref<1024x1024xf32, #tpu.memory_space<vmem>>, vector<1024x1024xf32>,
    return
  }
  func.func @transform_0(%arg0: i32) -> (i32, i32) {
    %c0_i32 = arith.constant 0 : i32
    %c0_i32_0 = arith.constant 0 : i32
    %c0_i32_1 = arith.constant 0 : i32
    return %c0_i32, %c0_i32_0 : i32, i32
  }
  func.func @transform_1(%arg0: i32) -> (i32, i32) {
    %c0_i32 = arith.constant 0 : i32
    %c0_i32_0 = arith.constant 0 : i32
    %c0_i32_1 = arith.constant 0 : i32
    return %c0_i32, %c0_i32_0 : i32, i32
  }
  func.func @transform_2(%arg0: i32) -> (i32, i32) {
    %c0_i32 = arith.constant 0 : i32
    %c0_i32_0 = arith.constant 0 : i32
    return %arg0, %c0_i32 : i32, i32
  }
  func.func @transform_3(%arg0: i32) -> (i32, i32) {
    %c0_i32 = arith.constant 0 : i32
    %c0_i32_0 = arith.constant 0 : i32
    return %c0_i32, %arg0 : i32, i32
  }
  func.func @transform_4(%arg0: i32) -> (i32, i32) {
    %c0_i32 = arith.constant 0 : i32
    %c0_i32_0 = arith.constant 0 : i32
    return %c0_i32, %arg0 : i32, i32
  }
}

</mosaic_0001>

<sc_bundles>
// kernel: kernel.12.cloned.1.call-start
scs
__scs_entry_jumppad:
0x0: {  	(pc) =	sbr.rel $0x88, $3  }
0x1: {  	(tag) =	ssettag $0x0;
	lr =	simm.s32 $0x1  }
0x2: {  	[smem:$0x3F88] =	sst lr;
	_ =	strace $0xD0000000  }
0x3: {  	_ = 	snop  }
0x4: {  	_ = 	snop  }
0x5: {  	_ = 	snop  }
0x6: {  	_ = 	snop  }
0x7: {  	_ = 	snop  }
__scs_overlays_trampoline_lowered:
0x8: {  	[smem:$0x3F97] =	sst s0  }
0x9: {  	[smem:$0x3F98] =	sst s1  }
0xa: {  	[smem:$0x3F99] =	sst s2  }
0xb: {  	[smem:$0x3F9A] =	sst s3  }
0xc: {  	[smem:$0x3F9B] =	sst s4  }
0xd: {  	[smem:$0x3F9C] =	sst s5  }
0xe: {  	[smem:$0x3F9D] =	sst s6  }
0xf: {  	[smem:$0x3F9E] =	sst s7  }
0x10: {  	[smem:$0x3F9F] =	sst s8  }
0x11: {  	[smem:$0x3FA0] =	sst s9;
	s0 =	simm.s32 @!p0 $0x0  }
0x12: {  	s1 =	sld [smem:$0x3F86];
	s0 =	simm.s32 @p0 $0x1  }
0x13: {  	[smem:$0x3FA1] =	sst s0;
	s0 =	simm.s32 @!p1 $0x0  }
0x14: {  	s2 =	sld [smem:$0x3F85];
	s0 =	simm.s32 @p1 $0x1  }
0x15: {  	[smem:$0x3FA2] =	sst s0;
	s0 =	simm.s32 @!p2 $0x0  }
0x16: {  	s3 =	sld [smem:$0x3FDB];
	s0 =	simm.s32 @p2 $0x1  }
0x17: {  	s4 =	simm.s32 $0x1BF5;
	[smem:$0x3FA4] =	sst s0  }
0x18: {  	s0 =	sld [smem:$0x3F87];
	_ =	swait.ge [sflag:s4], $0x0  }
0x19: {  	s7 =	sld [smem:$0x3F88]  }
0x1a: {  	s8 =	sadd.s32 $0xFFFFE003, lr  }
0x1b: {  	s9 =	sadd.s32 $0xFFFFFEF7, lr;
	s5 =	simm.s32 $0xFFFFFFFF;
	p2 =	slt.u32 s8, $0xFFFFF086  }
0x1c: {  	p1 =	slt.u32 s9, $0xF7A;
	s5 =	simm.s32 @!p2 $0x0  }
0x1d: {  	s5 =	simm.s32 @p1 $0x1;
	p0 =	seq.s32 s7, s2  }
0x1e: {  	s7 =	smul.u32 @!p0 $0xF7A, s2;
	p2 =	seq.s32 @!p0 s5, $0x0  }
0x1f: {  	s9 =	smul.u32 $0xF7A, s1;
	s8 =	simm.s32 @!p0 $0x1BF5;
	p2 =	por !p2, p0  }
0x20: {  	[sflag:s8] =	ssyncset.s32 @!p0 $0xFFFFF086;
	s6 =	sadd.s32 @!p0 s3, s7;
	s7 =	simm.s32 @!p0 $0x108  }
0x21: {  	s3 =	sadd.s32 s3, s9;
	s6 =	sadd.s32 @!p0 $0x88, s6;
	s7 =	simm.s32 @p2 $0x1082  }
0x22: {  	[simem:s7], [sflag:s8] =	dma.local @!p0 [hbm:s6], $0xF7A  }
0x23: {  	s9 =	sor.u32 $0xD0000000, s2;
	s6 =	simm.s32 $0x108;
	_ =	swait.ge @!p0 [sflag:s8], $0x0  }
0x24: {  	s3 =	sadd.s32 $0x88, s3;
	s6 =	simm.s32 @!p1 $0x1082;
	[sflag:s4] =	ssyncset.s32 $0xFFFFF086  }
0x25: {  	[simem:s6], [sflag:s4] =	dma.local [hbm:s3], $0xF7A  }
0x26: {  	[smem:$0x3F88] =	sst s1;
	(tag) =	ssettag s2;
	_ =	strace s9  }
0x27: {  	s1 =	sld [smem:$0x3F98]  }
0x28: {  	s2 =	sld [smem:$0x3F99]  }
0x29: {  	s4 =	sld [smem:$0x3F9B]  }
0x2a: {  	p0 =	seq.s32 s5, $0x0;
	s5 =	sld [smem:$0x3F9C]  }
0x2b: {  	s6 =	sld [smem:$0x3F9D]  }
0x2c: {  	s7 =	sld [smem:$0x3F9E]  }
0x2d: {  	s3 =	simm.s32 $0x108;
	s8 =	sld [smem:$0x3F9F]  }
0x2e: {  	s3 =	simm.s32 @!p0 $0x1082;
	s9 =	sld [smem:$0x3FA0]  }
0x2f: {  	lr =	sadd.s32 s0, s3;
	s0 =	sld [smem:$0x3F97]  }
0x30: {  	s3 =	sld [smem:$0x3F9A]  }
0x31: {  	[smem:$0x3FA3] =	sst s10  }
0x32: {  	s10 =	sld [smem:$0x3FA1];
	_ =	sdelay $0x3  }
0x33: {  	p0 =	seq.s32 s10, $0x1;
	s10 =	sld [smem:$0x3FA3];
	_ =	sdelay $0x3  }
0x34: {  	[smem:$0x3FA3] =	sst s10  }
0x35: {  	s10 =	sld [smem:$0x3FA2];
	_ =	sdelay $0x3  }
0x36: {  	p1 =	seq.s32 s10, $0x1;
	s10 =	sld [smem:$0x3FA3];
	_ =	sdelay $0x3  }
0x37: {  	[smem:$0x3FA3] =	sst s10  }
0x38: {  	s10 =	sld [smem:$0x3FA4]  }
0x39: {  	_ = 	snop;
	(pc) =	sbr.ind lr, $3  }
0x3a: {  	_ = 	snop  }
0x3b: {  	_ = 	snop  }
0x3c: {  	p2 =	seq.s32 s10, $0x1;
	s10 =	sld [smem:$0x3FA3]  }
0x3d: {  	_ =	shalt  }
0x3e: {  	_ =	shalt  }
0x3f: {  	_ =	shalt  }
0x40: {  	_ =	shalt  }
0x41: {  	_ =	shalt  }
0x42: {  	_ =	shalt  }
0x43: {  	_ =	shalt  }
0x44: {  	_ =	shalt  }
0x45: {  	_ =	shalt  }
0x46: {  	_ =	shalt  }
0x47: {  	_ =	shalt  }
0x48: {  	_ =	shalt  }
0x49: {  	_ =	shalt  }
0x4a: {  	_ =	shalt  }
0x4b: {  	_ =	shalt  }
0x4c: {  	_ =	shalt  }
0x4d: {  	_ =	shalt  }
0x4e: {  	_ =	shalt  }
0x4f: {  	_ =	shalt  }
0x50: {  	_ =	shalt  }
0x51: {  	_ =	shalt  }
0x52: {  	_ =	shalt  }
0x53: {  	_ =	shalt  }
0x54: {  	_ =	shalt  }
0x55: {  	_ =	shalt  }
0x56: {  	_ =	shalt  }
0x57: {  	_ =	shalt  }
0x58: {  	_ =	shalt  }
0x59: {  	_ =	shalt  }
0x5a: {  	_ =	shalt  }
0x5b: {  	_ =	shalt  }
0x5c: {  	_ =	shalt  }
0x5d: {  	_ =	shalt  }
0x5e: {  	_ =	shalt  }
0x5f: {  	_ =	shalt  }
0x60: {  	_ =	shalt  }
0x61: {  	_ =	shalt  }
0x62: {  	_ =	shalt  }
0x63: {  	_ =	shalt  }
0x64: {  	_ =	shalt  }
0x65: {  	_ =	shalt  }
0x66: {  	_ =	shalt  }
0x67: {  	_ =	shalt  }
0x68: {  	_ =	shalt  }
0x69: {  	_ =	shalt  }
0x6a: {  	_ =	shalt  }
0x6b: {  	_ =	shalt  }
0x6c: {  	_ =	shalt  }
0x6d: {  	_ =	shalt  }
0x6e: {  	_ =	shalt  }
0x6f: {  	_ =	shalt  }
0x70: {  	_ =	shalt  }
0x71: {  	_ =	shalt  }
0x72: {  	_ =	shalt  }
0x73: {  	_ =	shalt  }
0x74: {  	_ =	shalt  }
0x75: {  	_ =	shalt  }
0x76: {  	_ =	shalt  }
0x77: {  	_ =	shalt  }
0x78: {  	_ =	shalt  }
0x79: {  	_ =	shalt  }
0x7a: {  	_ =	shalt  }
0x7b: {  	_ =	shalt  }
0x7c: {  	_ =	shalt  }
0x7d: {  	_ =	shalt  }
0x7e: {  	_ =	shalt  }
0x7f: {  	_ =	shalt  }
0x80: {  	_ =	shalt  }
0x81: {  	_ =	shalt  }
0x82: {  	_ =	shalt  }
0x83: {  	_ =	shalt  }
0x84: {  	_ =	shalt  }
0x85: {  	_ =	shalt  }
0x86: {  	_ =	shalt  }
0x87: {  	_ =	shalt  }
.Lfunc_end0:
.L_simem_size_0:
called_computation.1_lowered:
.L_overlay_start_0:
0x88: {  	s2 =	sld [smem:$0x3FD9]  }
0x89: {  	s3 =	sld [smem:$0x3FFE];
	_ =	sdelay $0x1  }
0x8a: {  	s1 =	srdreg.scid  }
0x8b: {  	s0 =	sand.u32 $0x1, s1  }
0x8c: {  	s17 =	sshll.u32 s0, $0xA;
	s2 =	sadd.s32 s3, s2  }
0x8d: {  	s2 =	sadd.s32 s2, s17  }
0x8e: {  	[smem:$0x3FAF] =	sst s2  }
0x8f: {  	_ = 	snop  }
0x90: {  	s2 =	sld [smem:$0x3FD0];
	(tm) =	ssettm $0x1  }
0x91: {  	s18 =	sld [smem:$0x3FFB];
	_ =	sdelay $0x3  }
0x92: {  	_ =	strace s18  }
0x93: {  	s3 =	sld [smem:$0x3FFC];
	_ =	sdelay $0x3  }
0x94: {  	_ =	strace s3  }
0x95: {  	s3 =	sld [smem:$0x3FFD];
	_ =	sdelay $0x3  }
0x96: {  	_ =	strace s3  }
0x97: {  	_ =	strace $0x8FFFFFFF  }
0x98: {  	s19 =	sld [smem:$0x3FDB];
	_ =	sdelay $0x1  }
0x99: {  	s4 =	simm.s32 $_scs_section_size  }
0x9a: {  	s5 =	simm.s32 $_size__tile_overlayer_lowered;
	s6 =	simm.s32 $_tile_overlayer_lowered  }
0x9b: {  	s22 =	simm.s32 $0x1BFF;
	s21 =	sshll.u32 s6, $0x1;
	s3 =	sadd.s32 s4, s19  }
0x9c: {  	s7 =	simm.s32 $0x0;
	s20 =	sshll.u32 s5, $0x1;
	s5 =	sadd.s32 s21, s3  }
0x9d: {  	[timem:s7], [sflag:s22] =	dma.local [hbm:s5], s20  }
0x9e: {  	_ =	swait.ge [sflag:s22], s20  }
0x9f: {  	s4 =	ssub.s32 $0x0, s20;
	[sflag:s22] =	ssyncset.done $0x0  }
0xa0: {  	[sflag:s22] =	ssyncadd.s32 s4;
	_ =	sdelay $0x1  }
0xa1: {  	s23 =	simm.s32 $0x1B8B  }
0xa2: {  	_ =	swait.ge [sflag:s23], $0x1  }
0xa3: {  	[sflag:s23] =	ssyncset.done $0x0  }
0xa4: {  	s25 =	simm.s32 $0x1B8E;
	s24 =	sld [smem:$0x3FFE];
	[sflag:s23] =	ssyncadd.s32 $0xFFFFFFFF  }
0xa5: {  	s26 =	simm.s32 $execute0_lowered;
	[smem:$0x3FD2] =	sst s25  }
0xa6: {  	s5 =	sshll.u32 s26, $0x1;
	_ =	strace $0x80000046;
	[dreg:$0x1] =	wrdreg $0xFFFFFFFF  }
0xa7: {  	s28 =	simm.s32 $_size_execute0_lowered;
	s3 =	sadd.s32 s3, s5;
	[dreg:$0x0] =	wrdreg $0x0  }
0xa8: {  	s5 =	sshll.u32 s28, $0x1;
	[dreg:$0x2] =	wrdreg s3  }
0xa9: {  	[dreg:$0x3] =	wrdreg s5  }
0xaa: {  	[dreg:$0x4] =	wrdreg $0xC0  }
0xab: {  	_ =	task [dreg:s7], $0x5FFFF  }
0xac: {  	[dreg:$0x1] =	wrdreg $0xFFFFFFFF  }
0xad: {  	[dreg:$0x0] =	wrdreg $0x60  }
0xae: {  	[dreg:$0x2] =	wrdreg s2  }
0xaf: {  	[dreg:$0x3] =	wrdreg s24  }
0xb0: {  	[dreg:$0x4] =	wrdreg $0x5000  }
0xb1: {  	[dreg:$0x5] =	wrdreg $0x9  }
0xb2: {  	_ =	task.clear_ibuf [dreg:s7], $0x6FFFF;
	_ =	strace $0x90000046  }
0xb3: {  	s29 =	simm.s32 $0x9;
	_ =	strace $0x80000048  }
0xb4: {  	_ =	swait.ge [sflag:s29], $0x1  }
0xb5: {  	[sflag:s29] =	ssyncadd.s32 $0xFFFFFFFF  }
0xb6: {  	_ =	strace $0x90000048  }
0xb7: {  	_ =	sfence  }
0xb8: {  	s30 =	sld [smem:$0x0];
	_ =	sdelay $0x2  }
0xb9: {  	s31 =	sshll.u32 s1, $0xD;
	s1 =	sshrl.u32 s1, $0x2  }
0xba: {  	s3 =	sand.u32 $0x4000, s31;
	s1 =	sadd.s32 s1, s30  }
0xbb: {  	s0 =	sor.u32 s3, s0;
	s1 =	sshll.u32 s1, $0x11  }
0xbc: {  	s0 =	sor.u32 s1, s0  }
0xbd: {  	s0 =	sadd.s32 $0x8F2B, s0  }
0xbe: {  	[sflag:s0] =	ssyncadd.remote.s32 $0x1  }
0xbf: {  	_ =	sfence.sel $0xFFFF  }
0xc0: {  	[dreg:$0x0] =	wrdreg $0xFFFFFFFF;
	(pc) =	sbr.abs _section_cstart, $3  }
0xc1: {  	[dreg:$0x1] =	wrdreg $0xFFFFFFFF  }
0xc2: {  	_ =	task.clear_ibuf [dreg:s7], $0x2FFFF;
	_ =	strace $0x9FFFFFFF  }
0xc3: {  	(tm) =	ssettm $0x7FFFFFFF  }
tec
execute0_lowered:
.L_overlay_start_1:
0x0: {  	(tag) =	ssettag $0x1  }
0x1: {  	s11 =	rddreg [dreg:$0x0]  }
0x2: {  	s1 =	srdreg.scid;
	s4 =	rddreg [dreg:$0x1]  }
0x3: {  	s0 =	stileid.u32;
	s2 =	rddreg [dreg:$0x2];
	s3 =	simm.s32 $0x0  }
0x4: {  	s14 =	simm.s32 $0x80;
	s15 =	simm.s32 $0x100;
	s16 =	simm.s32 $0x180  }
0x5: {  	s17 =	simm.s32 $0x1;
	s18 =	simm.s32 $0x200;
	s6 =	smul.u32 $0x280, s0  }
0x6: {  	s19 =	simm.s32 $0x3;
	s5 =	sand.u32 $0x1, s1;
	s9 =	smul.u32 $0x4E80, s0  }
0x7: {  	s22 =	simm.s32 $0x0;
	s1 =	rddreg [dreg:$0x3];
	s7 =	smul.u32 $0x2800, s5  }
0x8: {  	[smem:$0x7FF] =	sst s3;
	s20 =	sshll.u32 s0, $0x6;
	s8 =	smul.u32 $0x4E800, s5  }
0x9: {  	_ =	strace $0x80000047;
	s5 =	ssub.s32 $0x2, s5;
	s20 =	sor.u32 $0x1C02, s20  }
0xa: {  	s30 =	sshrl.u32 s5, $0x1;
	s7 =	sadd.s32 s6, s7;
	s9 =	sadd.s32 s9, s8  }
0xb: {  	s10 =	ssub.s32 s5, s30;
	s7 =	sshrl.u32 s7, $0x3;
	s8 =	sshrl.u32 s9, $0x3  }
0xc: {  	s31 =	sadd.s32 $0x180, s9;
	s12 =	sadd.s32 $0x100, s9;
	s9 =	sadd.s32 $0x80, s9  }
0xd: {  	s7 =	sadd.s32 s7, s4;
	s4 =	sadd.s32 s6, s2;
	s5 =	sadd.s32 s8, s11  }
0xe: {  	s12 =	sshrl.u32 s12, $0x3;
	s13 =	sshrl.u32 s9, $0x3;
	s6 =	sadd.s32 $0x17600, s7  }
0xf: {  	s7 =	smax.u32 s10, $0x1;
	s8 =	sadd.s32 $0x9C0, s5;
	s10 =	sshrl.u32 s31, $0x3  }
0x10: {  	s21 =	sshrl.u32 s4, $0x3;
	s9 =	sadd.s32 s10, s11;
	s10 =	sadd.s32 s12, s11  }
0x11: {  	v0 =	vimm.f32 $1.000000000e+00;
	v1 =	vimm.f32 $0.0e+00;
	s11 =	sadd.s32 s13, s11;
	s12 =	simm.s32 $0x280;
	s13 =	simm.s32 $0x2  }
.LBB2_1:
0x12: {  	[tilespmem:$0x200] =	vst v0  }
0x13: {  	[tilespmem:$0x210] =	vst v0  }
0x14: {  	[tilespmem:$0x220] =	vst v0  }
0x15: {  	[tilespmem:$0x230] =	vst v0  }
0x16: {  	[tilespmem:$0x240] =	vst v0  }
0x17: {  	[tilespmem:$0x250] =	vst v0  }
0x18: {  	[tilespmem:$0x260] =	vst v0  }
0x19: {  	[tilespmem:$0x270] =	vst v0  }
0x1a: {  	[tilespmem:$0x280] =	vst v1  }
0x1b: {  	[tilespmem:$0x290] =	vst v1  }
0x1c: {  	[tilespmem:$0x2A0] =	vst v1  }
0x1d: {  	[tilespmem:$0x2B0] =	vst v1  }
0x1e: {  	[tilespmem:$0x2C0] =	vst v1  }
0x1f: {  	[tilespmem:$0x2D0] =	vst v1  }
0x20: {  	[tilespmem:$0x2E0] =	vst v1  }
0x21: {  	[tilespmem:$0x2F0] =	vst v1  }
0x22: {  	[tilespmem:$0x300] =	vst v1  }
0x23: {  	[tilespmem:$0x310] =	vst v1  }
0x24: {  	[tilespmem:$0x320] =	vst v1  }
0x25: {  	[tilespmem:$0x330] =	vst v1  }
0x26: {  	[tilespmem:$0x340] =	vst v1  }
0x27: {  	[tilespmem:$0x350] =	vst v1  }
0x28: {  	[tilespmem:$0x360] =	vst v1  }
0x29: {  	[tilespmem:$0x370] =	vst v1  }
0x2a: {  	[tilespmem:$0x380] =	vst v1  }
0x2b: {  	[tilespmem:$0x390] =	vst v1  }
0x2c: {  	[tilespmem:$0x3A0] =	vst v1  }
0x2d: {  	[tilespmem:$0x3B0] =	vst v1  }
0x2e: {  	[tilespmem:$0x3C0] =	vst v1  }
0x2f: {  	[tilespmem:$0x3D0] =	vst v1  }
0x30: {  	[tilespmem:$0x3E0] =	vst v1  }
0x31: {  	[tilespmem:$0x3F0] =	vst v1  }
0x32: {  	[tilespmem:$0x400] =	vst v1  }
0x33: {  	[tilespmem:$0x410] =	vst v1  }
0x34: {  	[tilespmem:$0x420] =	vst v1  }
0x35: {  	[tilespmem:$0x430] =	vst v1  }
0x36: {  	[tilespmem:$0x440] =	vst v1  }
0x37: {  	[tilespmem:$0x450] =	vst v1  }
0x38: {  	[tilespmem:$0x460] =	vst v1  }
0x39: {  	[tilespmem:$0x470] =	vst v1  }
0x3a: {  	[tilespmem:$0x480] =	vst v1  }
0x3b: {  	[tilespmem:$0x490] =	vst v1  }
0x3c: {  	[tilespmem:$0x4A0] =	vst v1  }
0x3d: {  	[tilespmem:$0x4B0] =	vst v1  }
0x3e: {  	[tilespmem:$0x4C0] =	vst v1  }
0x3f: {  	[tilespmem:$0x4D0] =	vst v1  }
0x40: {  	[tilespmem:$0x4E0] =	vst v1  }
0x41: {  	[tilespmem:$0x4F0] =	vst v1  }
0x42: {  	[spmem:s4] =	stream.linear.scatter [tilespmem:s12], [sflag:$0x2], $0x280, $0x38;
	[tilespmem:$0x780] =	vst v63  }
0x43: {  	_ =	swait.ge [sflag:s13], $0x280  }
0x44: {  	[sflag:s13] =	ssyncset.done $0x0  }
0x45: {  	[sflag:s13] =	ssyncadd.s32 $0xFFFFFD80  }
0x46: {  	s23 =	sadd.s32 $0x0, s5;
	[bflag:$0x0] =	sbarrier.arrive $0xFFFF  }
0x47: {  	[tilespmem:s3], [sflag:$0x1] =	stream.linear.gather [hbm4b:s23+s3], $0x80, $0x38;
	[tilespmem:$0x780] =	vst v63  }
0x48: {  	s29 =	sadd.s32 $0x0, s11  }
0x49: {  	[tilespmem:s14], [sflag:$0x1] =	stream.linear.gather [hbm4b:s29+s3], $0x80, $0x38;
	[tilespmem:$0x780] =	vst v63  }
0x4a: {  	s30 =	sadd.s32 $0x0, s10  }
0x4b: {  	[tilespmem:s15], [sflag:$0x1] =	stream.linear.gather [hbm4b:s30+s3], $0x80, $0x38;
	[tilespmem:$0x780] =	vst v63  }
0x4c: {  	s31 =	sadd.s32 $0x0, s9  }
0x4d: {  	[tilespmem:s16], [sflag:$0x1] =	stream.linear.gather [hbm4b:s31+s3], $0x80, $0x38;
	[tilespmem:$0x780] =	vst v63  }
0x4e: {  	_ =	swait.ge [sflag:s17], $0x80  }
0x4f: {  	[sflag:s17] =	ssyncset.done $0x0  }
0x50: {  	[sflag:s17] =	ssyncadd.s32 $0xFFFFFF80  }
0x51: {  	[spmem:s2] =	stream.indirect.scatter.add.f32 [tilespmem:s18], [sflag:$0x3], $0x1, s3, s14, $0xb8;
	[tilespmem:$0x780] =	vst v63  }
0x52: {  	_ =	swait.ge [sflag:s19], $0x80  }
0x53: {  	[sflag:s19] =	ssyncset.done $0x0  }
0x54: {  	[sflag:s19] =	ssyncadd.s32 $0xFFFFFF80  }
0x55: {  	_ =	swait.ge [sflag:s17], $0x80  }
0x56: {  	[sflag:s17] =	ssyncset.done $0x0  }
0x57: {  	[sflag:s17] =	ssyncadd.s32 $0xFFFFFF80  }
0x58: {  	[spmem:s2] =	stream.indirect.scatter.add.f32 [tilespmem:s18], [sflag:$0x3], $0x1, s14, s14, $0xb8;
	[tilespmem:$0x780] =	vst v63  }
0x59: {  	_ =	swait.ge [sflag:s19], $0x80  }
0x5a: {  	[sflag:s19] =	ssyncset.done $0x0  }
0x5b: {  	[sflag:s19] =	ssyncadd.s32 $0xFFFFFF80  }
0x5c: {  	_ =	swait.ge [sflag:s17], $0x80  }
0x5d: {  	[sflag:s17] =	ssyncset.done $0x0  }
0x5e: {  	[sflag:s17] =	ssyncadd.s32 $0xFFFFFF80  }
0x5f: {  	[spmem:s2] =	stream.indirect.scatter.add.f32 [tilespmem:s18], [sflag:$0x3], $0x1, s15, s14, $0xb8;
	[tilespmem:$0x780] =	vst v63  }
0x60: {  	_ =	swait.ge [sflag:s19], $0x80  }
0x61: {  	[sflag:s19] =	ssyncset.done $0x0  }
0x62: {  	[sflag:s19] =	ssyncadd.s32 $0xFFFFFF80  }
0x63: {  	_ =	swait.ge [sflag:s17], $0x80  }
0x64: {  	[sflag:s17] =	ssyncset.done $0x0  }
0x65: {  	[sflag:s17] =	ssyncadd.s32 $0xFFFFFF80  }
0x66: {  	[spmem:s2] =	stream.indirect.scatter.add.f32 [tilespmem:s18], [sflag:$0x2], $0x1, s16, s14, $0xb8;
	[tilespmem:$0x780] =	vst v63  }
0x67: {  	_ =	swait.ge [sflag:s13], $0x80  }
0x68: {  	s25 =	simm.s32 $0x80;
	s23 =	simm.s32 $0x40;
	[sflag:s13] =	ssyncset.done $0x0  }
.LBB2_2:
0x69: {  	s26 =	sadd.s32 s23, s5  }
0x6a: {  	[sflag:s13] =	ssyncadd.s32 $0xFFFFFF80;
	s28 =	smov.u32 s25;
	s24 =	sadd.s32 $0x40, s25  }
0x6b: {  	[tilespmem:s3], [sflag:$0x1] =	stream.linear.gather [hbm4b:s26+s3], $0x80, $0x38;
	[tilespmem:$0x780] =	vst v63  }
0x6c: {  	p0 =	sne.s32 s25, $0x980;
	s25 =	sadd.s32 s23, s11  }
0x6d: {  	[tilespmem:s14], [sflag:$0x1] =	stream.linear.gather [hbm4b:s25+s3], $0x80, $0x38;
	[tilespmem:$0x780] =	vst v63  }
0x6e: {  	s25 =	sadd.s32 s23, s10  }
0x6f: {  	[tilespmem:s15], [sflag:$0x1] =	stream.linear.gather [hbm4b:s25+s3], $0x80, $0x38;
	[tilespmem:$0x780] =	vst v63  }
0x70: {  	s25 =	sadd.s32 s23, s9;
	s23 =	smov.u32 s28  }
0x71: {  	[tilespmem:s16], [sflag:$0x1] =	stream.linear.gather [hbm4b:s25+s3], $0x80, $0x38;
	[tilespmem:$0x780] =	vst v63  }
0x72: {  	_ =	swait.ge [sflag:s17], $0x80  }
0x73: {  	[sflag:s17] =	ssyncset.done $0x0  }
0x74: {  	[sflag:s17] =	ssyncadd.s32 $0xFFFFFF80  }
0x75: {  	[spmem:s2] =	stream.indirect.scatter.add.f32 [tilespmem:s18], [sflag:$0x3], $0x1, s3, s14, $0xb8;
	[tilespmem:$0x780] =	vst v63  }
0x76: {  	_ =	swait.ge [sflag:s19], $0x80  }
0x77: {  	[sflag:s19] =	ssyncset.done $0x0  }
0x78: {  	[sflag:s19] =	ssyncadd.s32 $0xFFFFFF80  }
0x79: {  	_ =	swait.ge [sflag:s17], $0x80  }
0x7a: {  	[sflag:s17] =	ssyncset.done $0x0  }
0x7b: {  	[sflag:s17] =	ssyncadd.s32 $0xFFFFFF80  }
0x7c: {  	[spmem:s2] =	stream.indirect.scatter.add.f32 [tilespmem:s18], [sflag:$0x3], $0x1, s14, s14, $0xb8;
	[tilespmem:$0x780] =	vst v63  }
0x7d: {  	_ =	swait.ge [sflag:s19], $0x80  }
0x7e: {  	[sflag:s19] =	ssyncset.done $0x0  }
0x7f: {  	[sflag:s19] =	ssyncadd.s32 $0xFFFFFF80  }
0x80: {  	_ =	swait.ge [sflag:s17], $0x80  }
0x81: {  	[sflag:s17] =	ssyncset.done $0x0  }
0x82: {  	[sflag:s17] =	ssyncadd.s32 $0xFFFFFF80  }
0x83: {  	[spmem:s2] =	stream.indirect.scatter.add.f32 [tilespmem:s18], [sflag:$0x3], $0x1, s15, s14, $0xb8;
	[tilespmem:$0x780] =	vst v63  }
0x84: {  	_ =	swait.ge [sflag:s19], $0x80  }
0x85: {  	[sflag:s19] =	ssyncset.done $0x0  }
0x86: {  	[sflag:s19] =	ssyncadd.s32 $0xFFFFFF80  }
0x87: {  	_ =	swait.ge [sflag:s17], $0x80  }
.Ltmp0:
0x88: {  	[sflag:s17] =	ssyncset.done $0x0;
	(pc) =	sbr.rel @p0 .LBB2_2-.Ltmp0, $4  }
0x89: {  	[sflag:s17] =	ssyncadd.s32 $0xFFFFFF80  }
0x8a: {  	[spmem:s2] =	stream.indirect.scatter.add.f32 [tilespmem:s18], [sflag:$0x2], $0x1, s16, s14, $0xb8;
	[tilespmem:$0x780] =	vst v63  }
0x8b: {  	_ =	swait.ge [sflag:s13], $0x80  }
0x8c: {  	s25 =	smov.u32 s24;
	[sflag:s13] =	ssyncset.done $0x0  }
0x8d: {  	s24 =	sadd.s32 s23, s5;
	[sflag:s13] =	ssyncadd.s32 $0xFFFFFF80  }
0x8e: {  	[tilespmem:s3], [sflag:$0x1] =	stream.linear.gather [hbm4b:s24+s3], $0x80, $0x38;
	[tilespmem:$0x780] =	vst v63  }
0x8f: {  	s29 =	sadd.s32 s23, s11  }
0x90: {  	[tilespmem:s14], [sflag:$0x1] =	stream.linear.gather [hbm4b:s29+s3], $0x80, $0x38;
	[tilespmem:$0x780] =	vst v63  }
0x91: {  	s30 =	sadd.s32 s23, s10  }
0x92: {  	[tilespmem:s15], [sflag:$0x1] =	stream.linear.gather [hbm4b:s30+s3], $0x80, $0x38;
	[tilespmem:$0x780] =	vst v63  }
0x93: {  	s31 =	sadd.s32 s23, s9  }
0x94: {  	[tilespmem:s16], [sflag:$0x1] =	stream.linear.gather [hbm4b:s31+s3], $0x80, $0x38;
	[tilespmem:$0x780] =	vst v63  }
0x95: {  	_ =	swait.ge [sflag:s17], $0x80  }
0x96: {  	[sflag:s17] =	ssyncset.done $0x0  }
0x97: {  	[sflag:s17] =	ssyncadd.s32 $0xFFFFFF80  }
0x98: {  	[spmem:s2] =	stream.indirect.scatter.add.f32 [tilespmem:s18], [sflag:$0x3], $0x1, s3, s14, $0xb8;
	[tilespmem:$0x780] =	vst v63  }
0x99: {  	_ =	swait.ge [sflag:s19], $0x80  }
0x9a: {  	[sflag:s19] =	ssyncset.done $0x0  }
0x9b: {  	[sflag:s19] =	ssyncadd.s32 $0xFFFFFF80  }
0x9c: {  	_ =	swait.ge [sflag:s17], $0x80  }
0x9d: {  	[sflag:s17] =	ssyncset.done $0x0  }
0x9e: {  	[sflag:s17] =	ssyncadd.s32 $0xFFFFFF80  }
0x9f: {  	[spmem:s2] =	stream.indirect.scatter.add.f32 [tilespmem:s18], [sflag:$0x3], $0x1, s14, s14, $0xb8;
	[tilespmem:$0x780] =	vst v63  }
0xa0: {  	_ =	swait.ge [sflag:s19], $0x80  }
0xa1: {  	[sflag:s19] =	ssyncset.done $0x0  }
0xa2: {  	[sflag:s19] =	ssyncadd.s32 $0xFFFFFF80  }
0xa3: {  	_ =	swait.ge [sflag:s17], $0x80  }
0xa4: {  	[sflag:s17] =	ssyncset.done $0x0  }
0xa5: {  	[sflag:s17] =	ssyncadd.s32 $0xFFFFFF80  }
0xa6: {  	[spmem:s2] =	stream.indirect.scatter.add.f32 [tilespmem:s18], [sflag:$0x3], $0x1, s15, s14, $0xb8;
	[tilespmem:$0x780] =	vst v63  }
0xa7: {  	_ =	swait.ge [sflag:s19], $0x80  }
0xa8: {  	[sflag:s19] =	ssyncset.done $0x0  }
0xa9: {  	[sflag:s19] =	ssyncadd.s32 $0xFFFFFF80  }
0xaa: {  	_ =	swait.ge [sflag:s17], $0x80  }
0xab: {  	[sflag:s17] =	ssyncset.done $0x0  }
0xac: {  	[sflag:s17] =	ssyncadd.s32 $0xFFFFFF80  }
0xad: {  	[spmem:s2] =	stream.indirect.scatter.add.f32 [tilespmem:s18], [sflag:$0x2], $0x1, s16, s14, $0xb8;
	[tilespmem:$0x780] =	vst v63  }
0xae: {  	_ =	swait.ge [sflag:s13], $0x80  }
0xaf: {  	[sflag:s13] =	ssyncset.done $0x0  }
0xb0: {  	[sflag:s13] =	ssyncadd.s32 $0xFFFFFF80  }
0xb1: {  	[tilespmem:s3], [sflag:$0x1] =	stream.linear.gather [hbm4b:s8+s3], $0x80, $0x38;
	[tilespmem:$0x780] =	vst v63  }
0xb2: {  	_ =	swait.ge [sflag:s17], $0x80  }
0xb3: {  	[sflag:s17] =	ssyncset.done $0x0  }
0xb4: {  	[sflag:s17] =	ssyncadd.s32 $0xFFFFFF80  }
0xb5: {  	[spmem:s2] =	stream.indirect.scatter.add.f32 [tilespmem:s18], [sflag:$0x3], $0x1, s3, s14, $0xb8;
	[tilespmem:$0x780] =	vst v63  }
0xb6: {  	_ =	swait.ge [sflag:s19], $0x80  }
0xb7: {  	s22 =	sadd.s32 $0x1, s22;
	[sflag:s19] =	ssyncset.done $0x0  }
0xb8: {  	p0 =	sne.s32 s22, s7;
	[sflag:s19] =	ssyncadd.s32 $0xFFFFFF80  }
.Ltmp1:
0xb9: {  	[bflag:$0x0] =	sbarrier.arrive $0xFFFF;
	(pc) =	sbr.rel @p0 .LBB2_1-.Ltmp1, $4  }
0xba: {  	[hbm:s6], [sflag:s20] =	dma.local [spmem:s21], $0x50  }
0xbb: {  	_ =	swait.ge [sflag:s13], $0x50  }
0xbc: {  	[sflag:s13] =	ssyncset.done $0x0  }
0xbd: {  	[sflag:s13] =	ssyncadd.s32 $0xFFFFFFB0  }
0xbe: {  	_ =	sfence.sel $0x180000  }
0xbf: {  	[bflag:$0x0] =	sbarrier.arrive $0xFFFF  }
0xc0: {  	p0 =	sne.s32 s0, $0x0;
	_ =	strace $0x90000047  }
0xc1: {  	s0 =	sadd.s32 @!p0 $0x100000, s1;
	[bflag:$0x2] =	sbarrier.arrive $0xFFFF  }
0xc2: {  	[sflag:s0] =	ssyncadd.tile.s32 @!p0 $0x1;
	_ =	shalt  }
.Lfunc_end2:
_tile_overlayer_lowered:
.L_overlay_start_2:
0xc3: {  	(tag) =	ssettag $0x2  }
0xc4: {  	s0 =	rddreg [dreg:$0x0];
	s2 =	stileid.u32  }
0xc5: {  	s1 =	rddreg [dreg:$0x1];
	p0 =	sne.s32 s2, $0x0  }
0xc6: {  	s3 =	rddreg [dreg:$0x2];
	[bflag:$0x3] =	sbarrier.arrive $0xFFFF;
	s2 =	simm.s32 @!p0 $0x1C02  }
0xc7: {  	[timem:s3], [sflag:s2] =	dma.local @!p0 [hbm:s0], s1  }
0xc8: {  	s0 =	simm.s32 @!p0 $0x2  }
0xc9: {  	_ =	swait.ge @!p0 [sflag:s0], s1  }
0xca: {  	s1 =	ssub.s32 @!p0 $0x0, s1;
	[sflag:s0] =	ssyncset.done @!p0 $0x0  }
0xcb: {  	[sflag:s0] =	ssyncadd.s32 @!p0 s1  }
0xcc: {  	[bflag:$0x3] =	sbarrier.arrive $0xFFFF  }
0xcd: {  	_ =	shalt  }

// kernel: kernel.15.cloned.1.call-start
scs
__scs_entry_jumppad:
0x0: {  	(pc) =	sbr.rel $0x88, $3  }
0x1: {  	(tag) =	ssettag $0x0;
	lr =	simm.s32 $0x1  }
0x2: {  	[smem:$0x3F88] =	sst lr;
	_ =	strace $0xD0000000  }
0x3: {  	_ = 	snop  }
0x4: {  	_ = 	snop  }
0x5: {  	_ = 	snop  }
0x6: {  	_ = 	snop  }
0x7: {  	_ = 	snop  }
__scs_overlays_trampoline_lowered:
0x8: {  	[smem:$0x3F97] =	sst s0  }
0x9: {  	[smem:$0x3F98] =	sst s1  }
0xa: {  	[smem:$0x3F99] =	sst s2  }
0xb: {  	[smem:$0x3F9A] =	sst s3  }
0xc: {  	[smem:$0x3F9B] =	sst s4  }
0xd: {  	[smem:$0x3F9C] =	sst s5  }
0xe: {  	[smem:$0x3F9D] =	sst s6  }
0xf: {  	[smem:$0x3F9E] =	sst s7  }
0x10: {  	[smem:$0x3F9F] =	sst s8  }
0x11: {  	[smem:$0x3FA0] =	sst s9;
	s0 =	simm.s32 @!p0 $0x0  }
0x12: {  	s1 =	sld [smem:$0x3F86];
	s0 =	simm.s32 @p0 $0x1  }
0x13: {  	[smem:$0x3FA1] =	sst s0;
	s0 =	simm.s32 @!p1 $0x0  }
0x14: {  	s2 =	sld [smem:$0x3F85];
	s0 =	simm.s32 @p1 $0x1  }
0x15: {  	[smem:$0x3FA2] =	sst s0;
	s0 =	simm.s32 @!p2 $0x0  }
0x16: {  	s3 =	sld [smem:$0x3FDB];
	s0 =	simm.s32 @p2 $0x1  }
0x17: {  	s4 =	simm.s32 $0x1BF5;
	[smem:$0x3FA4] =	sst s0  }
0x18: {  	s0 =	sld [smem:$0x3F87];
	_ =	swait.ge [sflag:s4], $0x0  }
0x19: {  	s7 =	sld [smem:$0x3F88]  }
0x1a: {  	s8 =	sadd.s32 $0xFFFFE003, lr  }
0x1b: {  	s9 =	sadd.s32 $0xFFFFFEF7, lr;
	s5 =	simm.s32 $0xFFFFFFFF;
	p2 =	slt.u32 s8, $0xFFFFF086  }
0x1c: {  	p1 =	slt.u32 s9, $0xF7A;
	s5 =	simm.s32 @!p2 $0x0  }
0x1d: {  	s5 =	simm.s32 @p1 $0x1;
	p0 =	seq.s32 s7, s2  }
0x1e: {  	s7 =	smul.u32 @!p0 $0xF7A, s2;
	p2 =	seq.s32 @!p0 s5, $0x0  }
0x1f: {  	s9 =	smul.u32 $0xF7A, s1;
	s8 =	simm.s32 @!p0 $0x1BF5;
	p2 =	por !p2, p0  }
0x20: {  	[sflag:s8] =	ssyncset.s32 @!p0 $0xFFFFF086;
	s6 =	sadd.s32 @!p0 s3, s7;
	s7 =	simm.s32 @!p0 $0x108  }
0x21: {  	s3 =	sadd.s32 s3, s9;
	s6 =	sadd.s32 @!p0 $0x88, s6;
	s7 =	simm.s32 @p2 $0x1082  }
0x22: {  	[simem:s7], [sflag:s8] =	dma.local @!p0 [hbm:s6], $0xF7A  }
0x23: {  	s9 =	sor.u32 $0xD0000000, s2;
	s6 =	simm.s32 $0x108;
	_ =	swait.ge @!p0 [sflag:s8], $0x0  }
0x24: {  	s3 =	sadd.s32 $0x88, s3;
	s6 =	simm.s32 @!p1 $0x1082;
	[sflag:s4] =	ssyncset.s32 $0xFFFFF086  }
0x25: {  	[simem:s6], [sflag:s4] =	dma.local [hbm:s3], $0xF7A  }
0x26: {  	[smem:$0x3F88] =	sst s1;
	(tag) =	ssettag s2;
	_ =	strace s9  }
0x27: {  	s1 =	sld [smem:$0x3F98]  }
0x28: {  	s2 =	sld [smem:$0x3F99]  }
0x29: {  	s4 =	sld [smem:$0x3F9B]  }
0x2a: {  	p0 =	seq.s32 s5, $0x0;
	s5 =	sld [smem:$0x3F9C]  }
0x2b: {  	s6 =	sld [smem:$0x3F9D]  }
0x2c: {  	s7 =	sld [smem:$0x3F9E]  }
0x2d: {  	s3 =	simm.s32 $0x108;
	s8 =	sld [smem:$0x3F9F]  }
0x2e: {  	s3 =	simm.s32 @!p0 $0x1082;
	s9 =	sld [smem:$0x3FA0]  }
0x2f: {  	lr =	sadd.s32 s0, s3;
	s0 =	sld [smem:$0x3F97]  }
0x30: {  	s3 =	sld [smem:$0x3F9A]  }
0x31: {  	[smem:$0x3FA3] =	sst s10  }
0x32: {  	s10 =	sld [smem:$0x3FA1];
	_ =	sdelay $0x3  }
0x33: {  	p0 =	seq.s32 s10, $0x1;
	s10 =	sld [smem:$0x3FA3];
	_ =	sdelay $0x3  }
0x34: {  	[smem:$0x3FA3] =	sst s10  }
0x35: {  	s10 =	sld [smem:$0x3FA2];
	_ =	sdelay $0x3  }
0x36: {  	p1 =	seq.s32 s10, $0x1;
	s10 =	sld [smem:$0x3FA3];
	_ =	sdelay $0x3  }
0x37: {  	[smem:$0x3FA3] =	sst s10  }
0x38: {  	s10 =	sld [smem:$0x3FA4]  }
0x39: {  	_ = 	snop;
	(pc) =	sbr.ind lr, $3  }
0x3a: {  	_ = 	snop  }
0x3b: {  	_ = 	snop  }
0x3c: {  	p2 =	seq.s32 s10, $0x1;
	s10 =	sld [smem:$0x3FA3]  }
0x3d: {  	_ =	shalt  }
0x3e: {  	_ =	shalt  }
0x3f: {  	_ =	shalt  }
0x40: {  	_ =	shalt  }
0x41: {  	_ =	shalt  }
0x42: {  	_ =	shalt  }
0x43: {  	_ =	shalt  }
0x44: {  	_ =	shalt  }
0x45: {  	_ =	shalt  }
0x46: {  	_ =	shalt  }
0x47: {  	_ =	shalt  }
0x48: {  	_ =	shalt  }
0x49: {  	_ =	shalt  }
0x4a: {  	_ =	shalt  }
0x4b: {  	_ =	shalt  }
0x4c: {  	_ =	shalt  }
0x4d: {  	_ =	shalt  }
0x4e: {  	_ =	shalt  }
0x4f: {  	_ =	shalt  }
0x50: {  	_ =	shalt  }
0x51: {  	_ =	shalt  }
0x52: {  	_ =	shalt  }
0x53: {  	_ =	shalt  }
0x54: {  	_ =	shalt  }
0x55: {  	_ =	shalt  }
0x56: {  	_ =	shalt  }
0x57: {  	_ =	shalt  }
0x58: {  	_ =	shalt  }
0x59: {  	_ =	shalt  }
0x5a: {  	_ =	shalt  }
0x5b: {  	_ =	shalt  }
0x5c: {  	_ =	shalt  }
0x5d: {  	_ =	shalt  }
0x5e: {  	_ =	shalt  }
0x5f: {  	_ =	shalt  }
0x60: {  	_ =	shalt  }
0x61: {  	_ =	shalt  }
0x62: {  	_ =	shalt  }
0x63: {  	_ =	shalt  }
0x64: {  	_ =	shalt  }
0x65: {  	_ =	shalt  }
0x66: {  	_ =	shalt  }
0x67: {  	_ =	shalt  }
0x68: {  	_ =	shalt  }
0x69: {  	_ =	shalt  }
0x6a: {  	_ =	shalt  }
0x6b: {  	_ =	shalt  }
0x6c: {  	_ =	shalt  }
0x6d: {  	_ =	shalt  }
0x6e: {  	_ =	shalt  }
0x6f: {  	_ =	shalt  }
0x70: {  	_ =	shalt  }
0x71: {  	_ =	shalt  }
0x72: {  	_ =	shalt  }
0x73: {  	_ =	shalt  }
0x74: {  	_ =	shalt  }
0x75: {  	_ =	shalt  }
0x76: {  	_ =	shalt  }
0x77: {  	_ =	shalt  }
0x78: {  	_ =	shalt  }
0x79: {  	_ =	shalt  }
0x7a: {  	_ =	shalt  }
0x7b: {  	_ =	shalt  }
0x7c: {  	_ =	shalt  }
0x7d: {  	_ =	shalt  }
0x7e: {  	_ =	shalt  }
0x7f: {  	_ =	shalt  }
0x80: {  	_ =	shalt  }
0x81: {  	_ =	shalt  }
0x82: {  	_ =	shalt  }
0x83: {  	_ =	shalt  }
0x84: {  	_ =	shalt  }
0x85: {  	_ =	shalt  }
0x86: {  	_ =	shalt  }
0x87: {  	_ =	shalt  }
.Lfunc_end0:
.L_simem_size_0:
called_computation.2_lowered:
.L_overlay_start_0:
0x88: {  	s2 =	sld [smem:$0x3FD9]  }
0x89: {  	s3 =	sld [smem:$0x3FFE];
	_ =	sdelay $0x1  }
0x8a: {  	s1 =	srdreg.scid  }
0x8b: {  	s0 =	sand.u32 $0x1, s1  }
0x8c: {  	s17 =	sshll.u32 s0, $0xA;
	s2 =	sadd.s32 s3, s2  }
0x8d: {  	s2 =	sadd.s32 s2, s17  }
0x8e: {  	[smem:$0x3FAF] =	sst s2  }
0x8f: {  	_ = 	snop  }
0x90: {  	s2 =	sld [smem:$0x3FC3]  }
0x91: {  	s18 =	sld [smem:$0x3FD0];
	(tm) =	ssettm $0x1  }
0x92: {  	s4 =	sld [smem:$0x3FFB];
	_ =	sdelay $0x3  }
0x93: {  	_ =	strace s4  }
0x94: {  	s4 =	sld [smem:$0x3FFC];
	_ =	sdelay $0x3  }
0x95: {  	_ =	strace s4  }
0x96: {  	s4 =	sld [smem:$0x3FFD];
	_ =	sdelay $0x3  }
0x97: {  	_ =	strace s4  }
0x98: {  	_ =	strace $0x8FFFFFFF  }
0x99: {  	s19 =	sld [smem:$0x3FDB];
	_ =	sdelay $0x1  }
0x9a: {  	s5 =	simm.s32 $_scs_section_size  }
0x9b: {  	s6 =	simm.s32 $_size__tile_overlayer_lowered;
	s7 =	simm.s32 $_tile_overlayer_lowered  }
0x9c: {  	s22 =	simm.s32 $0x1BFF;
	s21 =	sshll.u32 s7, $0x1;
	s4 =	sadd.s32 s5, s19  }
0x9d: {  	s8 =	simm.s32 $0x0;
	s20 =	sshll.u32 s6, $0x1;
	s6 =	sadd.s32 s21, s4  }
0x9e: {  	[timem:s8], [sflag:s22] =	dma.local [hbm:s6], s20  }
0x9f: {  	_ =	swait.ge [sflag:s22], s20  }
0xa0: {  	s5 =	ssub.s32 $0x0, s20;
	[sflag:s22] =	ssyncset.done $0x0  }
0xa1: {  	[sflag:s22] =	ssyncadd.s32 s5;
	_ =	sdelay $0x1  }
0xa2: {  	s23 =	simm.s32 $0x1B8B  }
0xa3: {  	_ =	swait.ge [sflag:s23], $0x1  }
0xa4: {  	[sflag:s23] =	ssyncset.done $0x0  }
0xa5: {  	s25 =	simm.s32 $0x1B8E;
	s24 =	sld [smem:$0x3FFE];
	[sflag:s23] =	ssyncadd.s32 $0xFFFFFFFF  }
0xa6: {  	s26 =	simm.s32 $execute0_lowered;
	[smem:$0x3FD2] =	sst s25  }
0xa7: {  	s6 =	sshll.u32 s26, $0x1;
	_ =	strace $0x80000049;
	[dreg:$0x1] =	wrdreg $0xFFFFFFFF  }
0xa8: {  	s28 =	simm.s32 $_size_execute0_lowered;
	s4 =	sadd.s32 s4, s6;
	[dreg:$0x0] =	wrdreg $0x0  }
0xa9: {  	s6 =	sshll.u32 s28, $0x1;
	[dreg:$0x2] =	wrdreg s4  }
0xaa: {  	[dreg:$0x3] =	wrdreg s6  }
0xab: {  	[dreg:$0x4] =	wrdreg $0xC0  }
0xac: {  	_ =	task [dreg:s8], $0x5FFFF  }
0xad: {  	[dreg:$0x1] =	wrdreg $0xFFFFFFFF  }
0xae: {  	[dreg:$0x0] =	wrdreg $0x60  }
0xaf: {  	[dreg:$0x2] =	wrdreg s24  }
0xb0: {  	[dreg:$0x3] =	wrdreg s2  }
0xb1: {  	[dreg:$0x4] =	wrdreg s18  }
0xb2: {  	[dreg:$0x5] =	wrdreg $0x84000  }
0xb3: {  	[dreg:$0x6] =	wrdreg $0x9  }
0xb4: {  	_ =	task.clear_ibuf [dreg:s8], $0x7FFFF;
	_ =	strace $0x90000049  }
0xb5: {  	s29 =	simm.s32 $0x9;
	_ =	strace $0x8000004B  }
0xb6: {  	_ =	swait.ge [sflag:s29], $0x1  }
0xb7: {  	[sflag:s29] =	ssyncadd.s32 $0xFFFFFFFF  }
0xb8: {  	_ =	strace $0x9000004B  }
0xb9: {  	_ =	sfence  }
0xba: {  	s30 =	sld [smem:$0x0];
	_ =	sdelay $0x2  }
0xbb: {  	s31 =	sshll.u32 s1, $0xD;
	s1 =	sshrl.u32 s1, $0x2  }
0xbc: {  	s3 =	sand.u32 $0x4000, s31;
	s1 =	sadd.s32 s1, s30  }
0xbd: {  	s0 =	sor.u32 s3, s0;
	s1 =	sshll.u32 s1, $0x11  }
0xbe: {  	s0 =	sor.u32 s1, s0  }
0xbf: {  	s0 =	sadd.s32 $0x8F2B, s0  }
0xc0: {  	[sflag:s0] =	ssyncadd.remote.s32 $0x1  }
0xc1: {  	_ =	sfence.sel $0xFFFF  }
0xc2: {  	[dreg:$0x0] =	wrdreg $0xFFFFFFFF;
	(pc) =	sbr.abs _section_cstart, $3  }
0xc3: {  	[dreg:$0x1] =	wrdreg $0xFFFFFFFF  }
0xc4: {  	_ =	task.clear_ibuf [dreg:s8], $0x2FFFF;
	_ =	strace $0x9FFFFFFF  }
0xc5: {  	(tm) =	ssettm $0x7FFFFFFF  }
tec
execute0_lowered:
.L_overlay_start_1:
0x0: {  	(tag) =	ssettag $0x1  }
0x1: {  	s0 =	srdreg.scid  }
0x2: {  	s29 =	stileid.u32;
	s18 =	rddreg [dreg:$0x0];
	s3 =	simm.s32 $0x0  }
0x3: {  	s1 =	sand.u32 $0x1, s0;
	s19 =	smul.u32 $0x280, s29;
	[smem:$0x7FF] =	sst s3  }
0x4: {  	s26 =	sadd.s32 $0xB9400, s18;
	s28 =	sadd.s32 $0x55A00, s18;
	s30 =	sadd.s32 $0x42000, s18  }
0x5: {  	s31 =	sadd.s32 $0x40000, s18;
	s0 =	ssub.s32 $0x2, s1;
	s21 =	smul.u32 $0x2800, s1  }
0x6: {  	s2 =	sshrl.u32 s0, $0x1;
	s25 =	sor.u32 $0x20, s19;
	s20 =	sor.u32 $0x40, s19  }
0x7: {  	s23 =	sor.u32 $0x60, s19;
	s17 =	sadd.s32 $0x80, s19;
	s15 =	sadd.s32 $0xA0, s19  }
0x8: {  	s16 =	sadd.s32 $0xC0, s19;
	s14 =	sadd.s32 $0xE0, s19;
	s12 =	sadd.s32 $0x100, s19  }
0x9: {  	s13 =	sadd.s32 $0x120, s19;
	s11 =	sadd.s32 $0x140, s19;
	s9 =	sadd.s32 $0x160, s19  }
0xa: {  	s10 =	sadd.s32 $0x180, s19;
	s8 =	sadd.s32 $0x1A0, s19;
	s6 =	sadd.s32 $0x1C0, s19  }
0xb: {  	s7 =	sadd.s32 $0x1E0, s19;
	s3 =	sadd.s32 $0x200, s19;
	s4 =	sadd.s32 $0x220, s19  }
0xc: {  	s5 =	sadd.s32 $0x240, s19;
	s0 =	ssub.s32 s0, s2;
	s2 =	sadd.s32 $0x260, s19  }
0xd: {  	s19 =	sadd.s32 s19, s21;
	s22 =	sadd.s32 s21, s25;
	[smem:$0x7F9] =	sst s0  }
0xe: {  	s19 =	sshll.u32 s19, $0x4;
	s22 =	sshll.u32 s22, $0x4;
	s0 =	sadd.s32 s21, s20  }
0xf: {  	s20 =	sshll.u32 s20, $0x7;
	s19 =	sadd.s32 s26, s19;
	s24 =	sadd.s32 s26, s22  }
0x10: {  	s22 =	sadd.s32 s21, s23;
	s23 =	sshll.u32 s23, $0x7;
	[dreg:$0x5] =	wrdreg s19  }
0x11: {  	[dreg:$0x6] =	wrdreg s24;
	s19 =	sshll.u32 s0, $0x4;
	s24 =	sadd.s32 s21, s17  }
0x12: {  	s22 =	sshll.u32 s22, $0x4;
	s0 =	sadd.s32 s21, s15;
	s19 =	sadd.s32 s26, s19  }
0x13: {  	s24 =	sshll.u32 s24, $0x4;
	[dreg:$0x7] =	wrdreg s19;
	s19 =	sadd.s32 s26, s22  }
0x14: {  	s15 =	sshll.u32 s15, $0x7;
	s24 =	sadd.s32 s26, s24;
	[dreg:$0x8] =	wrdreg s19  }
0x15: {  	s22 =	sadd.s32 s21, s16;
	[dreg:$0x9] =	wrdreg s24;
	s19 =	sshll.u32 s0, $0x4  }
0x16: {  	s24 =	sadd.s32 s21, s14;
	s22 =	sshll.u32 s22, $0x4;
	s19 =	sadd.s32 s26, s19  }
0x17: {  	s24 =	sshll.u32 s24, $0x4;
	[dreg:$0xa] =	wrdreg s19;
	s19 =	sadd.s32 s26, s22  }
0x18: {  	s0 =	sadd.s32 s21, s12;
	s24 =	sadd.s32 s26, s24;
	[dreg:$0xb] =	wrdreg s19  }
0x19: {  	s22 =	sadd.s32 s21, s13;
	[dreg:$0xc] =	wrdreg s24;
	s19 =	sshll.u32 s0, $0x4  }
0x1a: {  	s24 =	sadd.s32 s21, s11;
	s22 =	sshll.u32 s22, $0x4;
	s19 =	sadd.s32 s26, s19  }
0x1b: {  	s24 =	sshll.u32 s24, $0x4;
	[dreg:$0xd] =	wrdreg s19;
	s19 =	sadd.s32 s26, s22  }
0x1c: {  	s0 =	sadd.s32 s21, s9;
	s24 =	sadd.s32 s26, s24;
	[dreg:$0xe] =	wrdreg s19  }
0x1d: {  	s22 =	sadd.s32 s21, s10;
	[dreg:$0xf] =	wrdreg s24;
	s19 =	sshll.u32 s0, $0x4  }
0x1e: {  	s24 =	sadd.s32 s21, s8;
	s22 =	sshll.u32 s22, $0x4;
	s19 =	sadd.s32 s26, s19  }
0x1f: {  	s24 =	sshll.u32 s24, $0x4;
	[dreg:$0x10] =	wrdreg s19;
	s19 =	sadd.s32 s26, s22  }
0x20: {  	s0 =	sadd.s32 s21, s6;
	s24 =	sadd.s32 s26, s24;
	[dreg:$0x11] =	wrdreg s19  }
0x21: {  	s22 =	sadd.s32 s21, s7;
	[dreg:$0x12] =	wrdreg s24;
	s19 =	sshll.u32 s0, $0x4  }
0x22: {  	s24 =	sadd.s32 s21, s3;
	s22 =	sshll.u32 s22, $0x4;
	s19 =	sadd.s32 s26, s19  }
0x23: {  	s24 =	sshll.u32 s24, $0x4;
	[dreg:$0x13] =	wrdreg s19;
	s19 =	sadd.s32 s26, s22  }
0x24: {  	s16 =	sshll.u32 s16, $0x7;
	s22 =	sadd.s32 s26, s24;
	[dreg:$0x14] =	wrdreg s19  }
0x25: {  	s11 =	sshll.u32 s11, $0x7;
	s24 =	sadd.s32 s21, s4;
	[dreg:$0x15] =	wrdreg s22  }
0x26: {  	s3 =	sshll.u32 s3, $0x7;
	s0 =	sshll.u32 s24, $0x4;
	s19 =	rddreg [dreg:$0x1]  }
0x27: {  	s24 =	sadd.s32 s21, s5;
	s21 =	sadd.s32 s21, s2;
	s22 =	sadd.s32 s26, s0  }
0x28: {  	s24 =	sshll.u32 s24, $0x4;
	s21 =	sshll.u32 s21, $0x4;
	[dreg:$0x16] =	wrdreg s22  }
0x29: {  	s0 =	smul.u32 $0x4E800, s1;
	s22 =	rddreg [dreg:$0x2];
	s21 =	sadd.s32 s26, s21  }
0x2a: {  	s24 =	sadd.s32 s26, s24;
	[dreg:$0x18] =	wrdreg s21;
	s21 =	smul.u32 $0x50000, s29  }
0x2b: {  	s4 =	sshll.u32 s4, $0x7;
	[dreg:$0x17] =	wrdreg s24;
	s29 =	smul.u32 $0x4E80, s29  }
0x2c: {  	s5 =	sshll.u32 s5, $0x7;
	s26 =	sadd.s32 $0x3C00, s18;
	s24 =	rddreg [dreg:$0x3]  }
0x2d: {  	s18 =	sshrl.u32 s21, $0x2;
	s21 =	sadd.s32 s29, s0;
	s0 =	sadd.s32 s20, s24  }
0x2e: {  	_ =	strace $0x8000004A;
	s20 =	sadd.s32 s23, s24;
	[dreg:$0x1b] =	wrdreg s0  }
0x2f: {  	s23 =	sshll.u32 s17, $0x7;
	s18 =	sadd.s32 s18, s24;
	[dreg:$0x1c] =	wrdreg s20  }
0x30: {  	s17 =	sshll.u32 s14, $0x7;
	s0 =	sadd.s32 s23, s24;
	[dreg:$0x19] =	wrdreg s18  }
0x31: {  	s20 =	sshll.u32 s13, $0x7;
	[dreg:$0x1d] =	wrdreg s0;
	s0 =	sadd.s32 s15, s24  }
0x32: {  	s14 =	sshll.u32 s10, $0x7;
	s23 =	sadd.s32 s20, s24;
	[dreg:$0x1e] =	wrdreg s0  }
0x33: {  	s15 =	sadd.s32 s16, s24;
	s16 =	sadd.s32 s14, s24;
	[smem:$0x7E8] =	sst s23  }
0x34: {  	s20 =	sshll.u32 s7, $0x7;
	s7 =	sadd.s32 s5, s24;
	[smem:$0x7EB] =	sst s16  }
0x35: {  	s18 =	sshll.u32 s25, $0x7;
	s5 =	simm.s32 $0x1;
	[smem:$0x7F1] =	sst s7  }
0x36: {  	s25 =	sadd.s32 s18, s24;
	s0 =	sadd.s32 s17, s24;
	[dreg:$0x1f] =	wrdreg s15  }
0x37: {  	s18 =	sshll.u32 s12, $0x7;
	s23 =	sadd.s32 s20, s24;
	[smem:$0x7E7] =	sst s0  }
0x38: {  	s12 =	sshll.u32 s9, $0x7;
	s17 =	sshll.u32 s8, $0x7;
	[smem:$0x7EE] =	sst s23  }
0x39: {  	s8 =	sshll.u32 s2, $0x7;
	s9 =	sshrl.u32 s21, $0x3;
	s23 =	sld [smem:$0x7F9]  }
0x3a: {  	s13 =	sadd.s32 s18, s24;
	s0 =	sadd.s32 s11, s24;
	[dreg:$0x1a] =	wrdreg s25  }
0x3b: {  	s18 =	sshll.u32 s6, $0x7;
	s6 =	sadd.s32 s4, s24;
	[smem:$0x7E9] =	sst s0  }
0x3c: {  	s2 =	simm.s32 $0x7;
	s14 =	sadd.s32 s28, s9;
	[smem:$0x7F0] =	sst s6  }
0x3d: {  	s7 =	simm.s32 $0x180;
	s16 =	sadd.s32 s30, s9;
	[smem:$0x7F4] =	sst s14  }
0x3e: {  	s4 =	simm.s32 $0x100;
	s0 =	sadd.s32 s12, s24;
	[smem:$0x7F5] =	sst s16  }
0x3f: {  	s12 =	sadd.s32 s26, s9;
	s6 =	simm.s32 $0x20;
	[smem:$0x7FD] =	sst s13  }
0x40: {  	s14 =	simm.s32 $0x3;
	s16 =	simm.s32 $0x4;
	[smem:$0x7EA] =	sst s0  }
0x41: {  	s0 =	sadd.s32 s17, s24;
	s17 =	smul.u32 $0x4E200, s1;
	[smem:$0x7F3] =	sst s12  }
0x42: {  	s1 =	sor.u32 $0x4, s9;
	[smem:$0x7EC] =	sst s0;
	s0 =	sadd.s32 s18, s24  }
0x43: {  	s9 =	simm.s32 $0x280;
	s18 =	sadd.s32 s26, s1;
	[smem:$0x7ED] =	sst s0  }
0x44: {  	s20 =	sadd.s32 s28, s1;
	s1 =	sadd.s32 s30, s1;
	[smem:$0x7F6] =	sst s18  }
0x45: {  	s0 =	sadd.s32 s3, s24;
	s10 =	sadd.s32 s17, s29;
	[smem:$0x7F7] =	sst s20  }
0x46: {  	[smem:$0x7F8] =	sst s1;
	s1 =	smax.u32 s23, $0x1;
	s3 =	simm.s32 $0x80  }
.Ltmp0:
0x47: {  	s23 =	simm.s32 $0x6;
	[smem:$0x7EF] =	sst s0;
	(pc) =	sbr.rel .LBB2_1-.Ltmp0, $4  }
0x48: {  	s0 =	sadd.s32 s8, s24;
	s11 =	sshll.u32 s10, $0x4;
	[smem:$0x7FA] =	sst s1  }
0x49: {  	s8 =	simm.s32 $0x200;
	[smem:$0x7F2] =	sst s0;
	s0 =	sadd.s32 s19, s11  }
0x4a: {  	s10 =	simm.s32 $0x2;
	[smem:$0x7FB] =	sst s0;
	s0 =	sadd.s32 $0x200, s0  }
0x4b: {  	v0 =	vimm.f32 $0.0e+00;
	s11 =	simm.s32 $0x0;
	[smem:$0x7FC] =	sst s0;
	s0 =	simm.s32 $0x3400  }
.LBB2_10:
0x4c: {  	s1 =	simm.s32 $0x5  }
0x4d: {  	_ =	swait.ge [sflag:s1], $0x1000  }
0x4e: {  	[sflag:s1] =	ssyncset.done $0x0  }
0x4f: {  	[sflag:s1] =	ssyncadd.s32 $0xFFFFF000  }
0x50: {  	_ =	swait.ge [sflag:s23], $0x1000  }
0x51: {  	[sflag:s23] =	ssyncset.done $0x0  }
0x52: {  	[sflag:s23] =	ssyncadd.s32 $0xFFFFF000  }
0x53: {  	s12 =	stileid.u32;
	[bflag:$0x0] =	sbarrier.arrive $0xFFFF  }
0x54: {  	s1 =	sshll.u32 s12, $0x6;
	s11 =	rddreg [dreg:$0x19]  }
0x55: {  	s1 =	sor.u32 $0x1C07, s1;
	s12 =	rddreg [dreg:$0x5];
	s11 =	sshrl.u32 s11, $0x3  }
0x56: {  	[hbm:s12], [sflag:s1] =	dma.local [spmem:s11], $0x200  }
0x57: {  	_ =	swait.ge [sflag:s2], $0x200  }
0x58: {  	[sflag:s2] =	ssyncset.done $0x0;
	s25 =	rddreg [dreg:$0x1a]  }
0x59: {  	s15 =	rddreg [dreg:$0x6];
	[sflag:s2] =	ssyncadd.s32 $0xFFFFFE00;
	s13 =	sshrl.u32 s25, $0x3  }
0x5a: {  	[hbm:s15], [sflag:s1] =	dma.local [spmem:s13], $0x200  }
0x5b: {  	_ =	swait.ge [sflag:s2], $0x200  }
0x5c: {  	[sflag:s2] =	ssyncset.done $0x0;
	s18 =	rddreg [dreg:$0x1b]  }
0x5d: {  	s20 =	rddreg [dreg:$0x7];
	[sflag:s2] =	ssyncadd.s32 $0xFFFFFE00;
	s11 =	sshrl.u32 s18, $0x3  }
0x5e: {  	[hbm:s20], [sflag:s1] =	dma.local [spmem:s11], $0x200  }
0x5f: {  	_ =	swait.ge [sflag:s2], $0x200  }
0x60: {  	[sflag:s2] =	ssyncset.done $0x0;
	s13 =	rddreg [dreg:$0x1c]  }
0x61: {  	s15 =	rddreg [dreg:$0x8];
	[sflag:s2] =	ssyncadd.s32 $0xFFFFFE00;
	s11 =	sshrl.u32 s13, $0x3  }
0x62: {  	[hbm:s15], [sflag:s1] =	dma.local [spmem:s11], $0x200  }
0x63: {  	_ =	swait.ge [sflag:s2], $0x200  }
0x64: {  	[sflag:s2] =	ssyncset.done $0x0;
	s18 =	rddreg [dreg:$0x1d]  }
0x65: {  	s20 =	rddreg [dreg:$0x9];
	[sflag:s2] =	ssyncadd.s32 $0xFFFFFE00;
	s11 =	sshrl.u32 s18, $0x3  }
0x66: {  	[hbm:s20], [sflag:s1] =	dma.local [spmem:s11], $0x200  }
0x67: {  	_ =	swait.ge [sflag:s2], $0x200  }
0x68: {  	[sflag:s2] =	ssyncset.done $0x0;
	s13 =	rddreg [dreg:$0x1e]  }
0x69: {  	s15 =	rddreg [dreg:$0xa];
	[sflag:s2] =	ssyncadd.s32 $0xFFFFFE00;
	s11 =	sshrl.u32 s13, $0x3  }
0x6a: {  	[hbm:s15], [sflag:s1] =	dma.local [spmem:s11], $0x200  }
0x6b: {  	_ =	swait.ge [sflag:s2], $0x200  }
0x6c: {  	[sflag:s2] =	ssyncset.done $0x0;
	s15 =	rddreg [dreg:$0x1f]  }
0x6d: {  	s20 =	rddreg [dreg:$0xb];
	[sflag:s2] =	ssyncadd.s32 $0xFFFFFE00;
	s18 =	sshrl.u32 s15, $0x3  }
0x6e: {  	[hbm:s20], [sflag:s1] =	dma.local [spmem:s18], $0x200  }
0x6f: {  	_ =	swait.ge [sflag:s2], $0x200  }
0x70: {  	s12 =	sld [smem:$0x7E7];
	_ =	sdelay $0x1  }
0x71: {  	[sflag:s2] =	ssyncset.done $0x0  }
0x72: {  	s13 =	rddreg [dreg:$0xc];
	[sflag:s2] =	ssyncadd.s32 $0xFFFFFE00;
	s11 =	sshrl.u32 s12, $0x3  }
0x73: {  	[hbm:s13], [sflag:s1] =	dma.local [spmem:s11], $0x200  }
0x74: {  	_ =	swait.ge [sflag:s2], $0x200  }
0x75: {  	s13 =	sld [smem:$0x7FD];
	_ =	sdelay $0x1  }
0x76: {  	[sflag:s2] =	ssyncset.done $0x0  }
0x77: {  	s20 =	rddreg [dreg:$0xd];
	[sflag:s2] =	ssyncadd.s32 $0xFFFFFE00;
	s18 =	sshrl.u32 s13, $0x3  }
0x78: {  	[hbm:s20], [sflag:s1] =	dma.local [spmem:s18], $0x200  }
0x79: {  	_ =	swait.ge [sflag:s2], $0x200  }
0x7a: {  	s18 =	sld [smem:$0x7E8];
	_ =	sdelay $0x1  }
0x7b: {  	[sflag:s2] =	ssyncset.done $0x0  }
0x7c: {  	s20 =	rddreg [dreg:$0xe];
	[sflag:s2] =	ssyncadd.s32 $0xFFFFFE00;
	s11 =	sshrl.u32 s18, $0x3  }
0x7d: {  	[hbm:s20], [sflag:s1] =	dma.local [spmem:s11], $0x200  }
0x7e: {  	_ =	swait.ge [sflag:s2], $0x200  }
0x7f: {  	s18 =	sld [smem:$0x7E9];
	_ =	sdelay $0x1  }
0x80: {  	[sflag:s2] =	ssyncset.done $0x0  }
0x81: {  	s20 =	rddreg [dreg:$0xf];
	[sflag:s2] =	ssyncadd.s32 $0xFFFFFE00;
	s11 =	sshrl.u32 s18, $0x3  }
0x82: {  	[hbm:s20], [sflag:s1] =	dma.local [spmem:s11], $0x200  }
0x83: {  	_ =	swait.ge [sflag:s2], $0x200  }
0x84: {  	s18 =	sld [smem:$0x7EA];
	_ =	sdelay $0x1  }
0x85: {  	[sflag:s2] =	ssyncset.done $0x0  }
0x86: {  	s20 =	rddreg [dreg:$0x10];
	[sflag:s2] =	ssyncadd.s32 $0xFFFFFE00;
	s11 =	sshrl.u32 s18, $0x3  }
0x87: {  	[hbm:s20], [sflag:s1] =	dma.local [spmem:s11], $0x200  }
0x88: {  	_ =	swait.ge [sflag:s2], $0x200  }
0x89: {  	s18 =	sld [smem:$0x7EB];
	_ =	sdelay $0x1  }
0x8a: {  	[sflag:s2] =	ssyncset.done $0x0  }
0x8b: {  	s20 =	rddreg [dreg:$0x11];
	[sflag:s2] =	ssyncadd.s32 $0xFFFFFE00;
	s11 =	sshrl.u32 s18, $0x3  }
0x8c: {  	[hbm:s20], [sflag:s1] =	dma.local [spmem:s11], $0x200  }
0x8d: {  	_ =	swait.ge [sflag:s2], $0x200  }
0x8e: {  	s18 =	sld [smem:$0x7EC];
	_ =	sdelay $0x1  }
0x8f: {  	[sflag:s2] =	ssyncset.done $0x0  }
0x90: {  	s20 =	rddreg [dreg:$0x12];
	[sflag:s2] =	ssyncadd.s32 $0xFFFFFE00;
	s11 =	sshrl.u32 s18, $0x3  }
0x91: {  	[hbm:s20], [sflag:s1] =	dma.local [spmem:s11], $0x200  }
0x92: {  	_ =	swait.ge [sflag:s2], $0x200  }
0x93: {  	s18 =	sld [smem:$0x7ED];
	_ =	sdelay $0x1  }
0x94: {  	[sflag:s2] =	ssyncset.done $0x0  }
0x95: {  	s20 =	rddreg [dreg:$0x13];
	[sflag:s2] =	ssyncadd.s32 $0xFFFFFE00;
	s11 =	sshrl.u32 s18, $0x3  }
0x96: {  	[hbm:s20], [sflag:s1] =	dma.local [spmem:s11], $0x200  }
0x97: {  	_ =	swait.ge [sflag:s2], $0x200  }
0x98: {  	s18 =	sld [smem:$0x7EE];
	_ =	sdelay $0x1  }
0x99: {  	[sflag:s2] =	ssyncset.done $0x0  }
0x9a: {  	s20 =	rddreg [dreg:$0x14];
	[sflag:s2] =	ssyncadd.s32 $0xFFFFFE00;
	s11 =	sshrl.u32 s18, $0x3  }
0x9b: {  	[hbm:s20], [sflag:s1] =	dma.local [spmem:s11], $0x200  }
0x9c: {  	_ =	swait.ge [sflag:s2], $0x200  }
0x9d: {  	s18 =	sld [smem:$0x7EF];
	_ =	sdelay $0x1  }
0x9e: {  	[sflag:s2] =	ssyncset.done $0x0  }
0x9f: {  	s20 =	rddreg [dreg:$0x15];
	[sflag:s2] =	ssyncadd.s32 $0xFFFFFE00;
	s11 =	sshrl.u32 s18, $0x3  }
0xa0: {  	[hbm:s20], [sflag:s1] =	dma.local [spmem:s11], $0x200  }
0xa1: {  	_ =	swait.ge [sflag:s2], $0x200  }
0xa2: {  	s18 =	sld [smem:$0x7F0];
	_ =	sdelay $0x1  }
0xa3: {  	[sflag:s2] =	ssyncset.done $0x0  }
0xa4: {  	s20 =	rddreg [dreg:$0x16];
	[sflag:s2] =	ssyncadd.s32 $0xFFFFFE00;
	s11 =	sshrl.u32 s18, $0x3  }
0xa5: {  	[hbm:s20], [sflag:s1] =	dma.local [spmem:s11], $0x200  }
0xa6: {  	_ =	swait.ge [sflag:s2], $0x200  }
0xa7: {  	s18 =	sld [smem:$0x7F1];
	_ =	sdelay $0x1  }
0xa8: {  	[sflag:s2] =	ssyncset.done $0x0  }
0xa9: {  	s20 =	rddreg [dreg:$0x17];
	[sflag:s2] =	ssyncadd.s32 $0xFFFFFE00;
	s11 =	sshrl.u32 s18, $0x3  }
0xaa: {  	[hbm:s20], [sflag:s1] =	dma.local [spmem:s11], $0x200  }
0xab: {  	_ =	swait.ge [sflag:s2], $0x200  }
0xac: {  	s18 =	sld [smem:$0x7F2];
	_ =	sdelay $0x1  }
0xad: {  	[sflag:s2] =	ssyncset.done $0x0  }
0xae: {  	s20 =	rddreg [dreg:$0x18];
	[sflag:s2] =	ssyncadd.s32 $0xFFFFFE00;
	s11 =	sshrl.u32 s18, $0x3  }
0xaf: {  	[hbm:s20], [sflag:s1] =	dma.local [spmem:s11], $0x200  }
0xb0: {  	_ =	swait.ge [sflag:s2], $0x200  }
0xb1: {  	s18 =	sld [smem:$0x7E6]  }
0xb2: {  	s20 =	sld [smem:$0x7FA];
	_ =	sdelay $0x1  }
0xb3: {  	s11 =	sadd.s32 $0x1, s18  }
0xb4: {  	p0 =	sne.s32 s11, s20  }
.Ltmp1:
0xb5: {  	_ = 	snop;
	(pc) =	sbr.rel @!p0 .LBB2_11-.Ltmp1, $3  }
0xb6: {  	_ =	sdelay $0x1  }
0xb7: {  	[sflag:s2] =	ssyncset.done $0x0  }
0xb8: {  	[sflag:s2] =	ssyncadd.s32 $0xFFFFFE00  }
.LBB2_1:
0xb9: {  	[smem:$0x7E6] =	sst s11;
	s1 =	simm.s32 $0x0;
	s11 =	simm.s32 $0x200  }
.LBB2_2:
0xba: {  	p0 =	sne.s32 s11, $0x3E00;
	[tilespmem:s1+$0x3470] =	vst v0  }
0xbb: {  	[tilespmem:s1+$0x3400] =	vst v0  }
0xbc: {  	[tilespmem:s1+$0x3410] =	vst v0  }
.Ltmp2:
0xbd: {  	[tilespmem:s1+$0x3420] =	vst v0;
	(pc) =	sbr.rel @p0 .LBB2_2-.Ltmp2, $4  }
0xbe: {  	[tilespmem:s1+$0x3430] =	vst v0  }
0xbf: {  	[tilespmem:s1+$0x3440] =	vst v0  }
0xc0: {  	[tilespmem:s1+$0x3450] =	vst v0  }
0xc1: {  	[tilespmem:s1+$0x3460] =	vst v0;
	s1 =	sshra.s32 s11, $0x2;
	s11 =	sadd.s32 $0x200, s11  }
0xc2: {  	[tilespmem:s1+$0x3470] =	vst v0  }
0xc3: {  	[tilespmem:s1+$0x3400] =	vst v0  }
0xc4: {  	[tilespmem:s1+$0x3410] =	vst v0  }
0xc5: {  	[tilespmem:s1+$0x3420] =	vst v0  }
0xc6: {  	[tilespmem:s1+$0x3430] =	vst v0  }
0xc7: {  	[tilespmem:s1+$0x3440] =	vst v0  }
0xc8: {  	[tilespmem:s1+$0x3450] =	vst v0  }
0xc9: {  	[tilespmem:s1+$0x3460] =	vst v0;
	s11 =	rddreg [dreg:$0x19]  }
0xca: {  	[spmem:s11] =	stream.linear.scatter [tilespmem:s0], [sflag:$0x7], $0x1000, $0x38;
	[tilespmem:$0x1C400] =	vst v63  }
0xcb: {  	_ =	swait.ge [sflag:s2], $0x1000  }
0xcc: {  	[sflag:s2] =	ssyncset.done $0x0  }
0xcd: {  	[sflag:s2] =	ssyncadd.s32 $0xFFFFF000  }
0xce: {  	[spmem:s25] =	stream.linear.scatter [tilespmem:s0], [sflag:$0x7], $0x1000, $0x38;
	[tilespmem:$0x1C400] =	vst v63  }
0xcf: {  	_ =	swait.ge [sflag:s2], $0x1000  }
0xd0: {  	[sflag:s2] =	ssyncset.done $0x0  }
0xd1: {  	s12 =	rddreg [dreg:$0x1b];
	[sflag:s2] =	ssyncadd.s32 $0xFFFFF000  }
0xd2: {  	[spmem:s12] =	stream.linear.scatter [tilespmem:s0], [sflag:$0x7], $0x1000, $0x38;
	[tilespmem:$0x1C400] =	vst v63  }
0xd3: {  	_ =	swait.ge [sflag:s2], $0x1000  }
0xd4: {  	[sflag:s2] =	ssyncset.done $0x0  }
0xd5: {  	s18 =	rddreg [dreg:$0x1c];
	[sflag:s2] =	ssyncadd.s32 $0xFFFFF000  }
0xd6: {  	[spmem:s18] =	stream.linear.scatter [tilespmem:s0], [sflag:$0x7], $0x1000, $0x38;
	[tilespmem:$0x1C400] =	vst v63  }
0xd7: {  	_ =	swait.ge [sflag:s2], $0x1000  }
0xd8: {  	[sflag:s2] =	ssyncset.done $0x0  }
0xd9: {  	s20 =	rddreg [dreg:$0x1d];
	[sflag:s2] =	ssyncadd.s32 $0xFFFFF000  }
0xda: {  	[spmem:s20] =	stream.linear.scatter [tilespmem:s0], [sflag:$0x7], $0x1000, $0x38;
	[tilespmem:$0x1C400] =	vst v63  }
0xdb: {  	_ =	swait.ge [sflag:s2], $0x1000  }
0xdc: {  	[sflag:s2] =	ssyncset.done $0x0  }
0xdd: {  	s25 =	rddreg [dreg:$0x1e];
	[sflag:s2] =	ssyncadd.s32 $0xFFFFF000  }
0xde: {  	[spmem:s25] =	stream.linear.scatter [tilespmem:s0], [sflag:$0x7], $0x1000, $0x38;
	[tilespmem:$0x1C400] =	vst v63  }
0xdf: {  	_ =	swait.ge [sflag:s2], $0x1000  }
0xe0: {  	[sflag:s2] =	ssyncset.done $0x0  }
0xe1: {  	[sflag:s2] =	ssyncadd.s32 $0xFFFFF000  }
0xe2: {  	[spmem:s15] =	stream.linear.scatter [tilespmem:s0], [sflag:$0x7], $0x1000, $0x38;
	[tilespmem:$0x1C400] =	vst v63  }
0xe3: {  	_ =	swait.ge [sflag:s2], $0x1000  }
0xe4: {  	s11 =	sld [smem:$0x7E7]  }
0xe5: {  	[sflag:s2] =	ssyncset.done $0x0  }
0xe6: {  	[sflag:s2] =	ssyncadd.s32 $0xFFFFF000  }
0xe7: {  	[spmem:s11] =	stream.linear.scatter [tilespmem:s0], [sflag:$0x7], $0x1000, $0x38;
	[tilespmem:$0x1C400] =	vst v63  }
0xe8: {  	_ =	swait.ge [sflag:s2], $0x1000  }
0xe9: {  	[sflag:s2] =	ssyncset.done $0x0  }
0xea: {  	[sflag:s2] =	ssyncadd.s32 $0xFFFFF000  }
0xeb: {  	[spmem:s13] =	stream.linear.scatter [tilespmem:s0], [sflag:$0x7], $0x1000, $0x38;
	[tilespmem:$0x1C400] =	vst v63  }
0xec: {  	_ =	swait.ge [sflag:s2], $0x1000  }
0xed: {  	s12 =	sld [smem:$0x7E8]  }
0xee: {  	[sflag:s2] =	ssyncset.done $0x0  }
0xef: {  	[sflag:s2] =	ssyncadd.s32 $0xFFFFF000  }
0xf0: {  	[spmem:s12] =	stream.linear.scatter [tilespmem:s0], [sflag:$0x7], $0x1000, $0x38;
	[tilespmem:$0x1C400] =	vst v63  }
0xf1: {  	_ =	swait.ge [sflag:s2], $0x1000  }
0xf2: {  	s13 =	sld [smem:$0x7E9]  }
0xf3: {  	[sflag:s2] =	ssyncset.done $0x0  }
0xf4: {  	[sflag:s2] =	ssyncadd.s32 $0xFFFFF000  }
0xf5: {  	[spmem:s13] =	stream.linear.scatter [tilespmem:s0], [sflag:$0x7], $0x1000, $0x38;
	[tilespmem:$0x1C400] =	vst v63  }
0xf6: {  	_ =	swait.ge [sflag:s2], $0x1000  }
0xf7: {  	s15 =	sld [smem:$0x7EA]  }
0xf8: {  	[sflag:s2] =	ssyncset.done $0x0  }
0xf9: {  	[sflag:s2] =	ssyncadd.s32 $0xFFFFF000  }
0xfa: {  	[spmem:s15] =	stream.linear.scatter [tilespmem:s0], [sflag:$0x7], $0x1000, $0x38;
	[tilespmem:$0x1C400] =	vst v63  }
0xfb: {  	_ =	swait.ge [sflag:s2], $0x1000  }
0xfc: {  	s18 =	sld [smem:$0x7EB]  }
0xfd: {  	[sflag:s2] =	ssyncset.done $0x0  }
0xfe: {  	[sflag:s2] =	ssyncadd.s32 $0xFFFFF000  }
0xff: {  	[spmem:s18] =	stream.linear.scatter [tilespmem:s0], [sflag:$0x7], $0x1000, $0x38;
	[tilespmem:$0x1C400] =	vst v63  }
0x100: {  	_ =	swait.ge [sflag:s2], $0x1000  }
0x101: {  	s20 =	sld [smem:$0x7EC]  }
0x102: {  	[sflag:s2] =	ssyncset.done $0x0  }
0x103: {  	[sflag:s2] =	ssyncadd.s32 $0xFFFFF000  }
0x104: {  	[spmem:s20] =	stream.linear.scatter [tilespmem:s0], [sflag:$0x7], $0x1000, $0x38;
	[tilespmem:$0x1C400] =	vst v63  }
0x105: {  	_ =	swait.ge [sflag:s2], $0x1000  }
0x106: {  	s25 =	sld [smem:$0x7ED]  }
0x107: {  	[sflag:s2] =	ssyncset.done $0x0  }
0x108: {  	[sflag:s2] =	ssyncadd.s32 $0xFFFFF000  }
0x109: {  	[spmem:s25] =	stream.linear.scatter [tilespmem:s0], [sflag:$0x7], $0x1000, $0x38;
	[tilespmem:$0x1C400] =	vst v63  }
0x10a: {  	_ =	swait.ge [sflag:s2], $0x1000  }
0x10b: {  	s11 =	sld [smem:$0x7EE]  }
0x10c: {  	[sflag:s2] =	ssyncset.done $0x0  }
0x10d: {  	[sflag:s2] =	ssyncadd.s32 $0xFFFFF000  }
0x10e: {  	[spmem:s11] =	stream.linear.scatter [tilespmem:s0], [sflag:$0x7], $0x1000, $0x38;
	[tilespmem:$0x1C400] =	vst v63  }
0x10f: {  	_ =	swait.ge [sflag:s2], $0x1000  }
0x110: {  	s12 =	sld [smem:$0x7EF]  }
0x111: {  	[sflag:s2] =	ssyncset.done $0x0  }
0x112: {  	[sflag:s2] =	ssyncadd.s32 $0xFFFFF000  }
0x113: {  	[spmem:s12] =	stream.linear.scatter [tilespmem:s0], [sflag:$0x7], $0x1000, $0x38;
	[tilespmem:$0x1C400] =	vst v63  }
0x114: {  	_ =	swait.ge [sflag:s2], $0x1000  }
0x115: {  	s13 =	sld [smem:$0x7F0]  }
0x116: {  	[sflag:s2] =	ssyncset.done $0x0  }
0x117: {  	[sflag:s2] =	ssyncadd.s32 $0xFFFFF000  }
0x118: {  	[spmem:s13] =	stream.linear.scatter [tilespmem:s0], [sflag:$0x7], $0x1000, $0x38;
	[tilespmem:$0x1C400] =	vst v63  }
0x119: {  	_ =	swait.ge [sflag:s2], $0x1000  }
0x11a: {  	s15 =	sld [smem:$0x7F1]  }
0x11b: {  	[sflag:s2] =	ssyncset.done $0x0  }
0x11c: {  	[sflag:s2] =	ssyncadd.s32 $0xFFFFF000  }
0x11d: {  	[spmem:s15] =	stream.linear.scatter [tilespmem:s0], [sflag:$0x7], $0x1000, $0x38;
	[tilespmem:$0x1C400] =	vst v63  }
0x11e: {  	_ =	swait.ge [sflag:s2], $0x1000  }
0x11f: {  	s18 =	sld [smem:$0x7F2]  }
0x120: {  	[sflag:s2] =	ssyncset.done $0x0  }
0x121: {  	[sflag:s2] =	ssyncadd.s32 $0xFFFFF000  }
0x122: {  	[spmem:s18] =	stream.linear.scatter [tilespmem:s0], [sflag:$0x7], $0x1000, $0x38;
	[tilespmem:$0x1C400] =	vst v63  }
0x123: {  	_ =	swait.ge [sflag:s2], $0x1000  }
0x124: {  	[sflag:s2] =	ssyncset.done $0x0  }
0x125: {  	[sflag:s2] =	ssyncadd.s32 $0xFFFFF000  }
0x126: {  	[bflag:$0x0] =	sbarrier.arrive $0xFFFF  }
0x127: {  	s20 =	sld [smem:$0x7F3];
	_ =	sdelay $0x1  }
0x128: {  	s25 =	simm.s32 $0x0;
	s11 =	sld [smem:$0x7F4]  }
0x129: {  	[tilespmem:s25], [sflag:$0x1] =	stream.linear.gather [hbm4b:s20+s25], $0x20, $0x38;
	[tilespmem:$0x1C400] =	vst v63  }
0x12a: {  	s12 =	sld [smem:$0x7F5]  }
0x12b: {  	[tilespmem:s3], [sflag:$0x1] =	stream.linear.gather [hbm4b:s11+s25], $0x20, $0x38;
	[tilespmem:$0x1C400] =	vst v63  }
0x12c: {  	_ = 	snop  }
0x12d: {  	[tilespmem:s4], [sflag:$0x1] =	stream.linear.gather [hbm4b:s12+s25], $0x20, $0x38;
	[tilespmem:$0x1C400] =	vst v63  }
0x12e: {  	_ =	swait.ge [sflag:s5], $0x20  }
0x12f: {  	[sflag:s5] =	ssyncset.done $0x0  }
0x130: {  	[sflag:s5] =	ssyncadd.s32 $0xFFFFFFE0  }
0x131: {  	_ =	swait.ge [sflag:s5], $0x20  }
0x132: {  	[sflag:s5] =	ssyncset.done $0x0  }
0x133: {  	[sflag:s5] =	ssyncadd.s32 $0xFFFFFFE0  }
0x134: {  	_ =	swait.ge [sflag:s5], $0x20  }
0x135: {  	[sflag:s5] =	ssyncset.done $0x0  }
0x136: {  	s13 =	simm.s32 $0x400;
	[sflag:s5] =	ssyncadd.s32 $0xFFFFFFE0  }
0x137: {  	[tilespmem:s13], [sflag:$0x3] =	stream.indirect.gather [hbm4b:s22+s6], $0x80, s25, s6, $0xb8;
	[tilespmem:$0x1C400] =	vst v63  }
0x138: {  	s15 =	simm.s32 $0x1400;
	s18 =	sld [smem:$0x7FB]  }
0x139: {  	[tilespmem:s15], [sflag:$0x3] =	stream.indirect.gather [hbm4b:s31+s6], $0x80, s4, s6, $0xb8;
	[tilespmem:$0x1C400] =	vst v63  }
0x13a: {  	s11 =	simm.s32 $0x2400;
	s20 =	sld [smem:$0x7F6]  }
0x13b: {  	[tilespmem:s11], [sflag:$0x3] =	stream.linear.gather [hbm4b:s18+s25], $0x1000, $0x38;
	[tilespmem:$0x1C400] =	vst v63  }
0x13c: {  	s11 =	sld [smem:$0x7F7]  }
0x13d: {  	[tilespmem:s7], [sflag:$0x2] =	stream.linear.gather [hbm4b:s20+s25], $0x20, $0x38;
	[tilespmem:$0x1C400] =	vst v63  }
0x13e: {  	s12 =	sld [smem:$0x7F8]  }
0x13f: {  	[tilespmem:s8], [sflag:$0x2] =	stream.linear.gather [hbm4b:s11+s25], $0x20, $0x38;
	[tilespmem:$0x1C400] =	vst v63  }
0x140: {  	_ = 	snop  }
0x141: {  	[tilespmem:s9], [sflag:$0x2] =	stream.linear.gather [hbm4b:s12+s25], $0x20, $0x38;
	[tilespmem:$0x1C400] =	vst v63  }
0x142: {  	_ =	swait.ge [sflag:s10], $0x20  }
0x143: {  	[sflag:s10] =	ssyncset.done $0x0  }
0x144: {  	[sflag:s10] =	ssyncadd.s32 $0xFFFFFFE0  }
0x145: {  	_ =	swait.ge [sflag:s10], $0x20  }
0x146: {  	[sflag:s10] =	ssyncset.done $0x0  }
0x147: {  	[sflag:s10] =	ssyncadd.s32 $0xFFFFFFE0  }
0x148: {  	_ =	swait.ge [sflag:s10], $0x20  }
0x149: {  	[sflag:s10] =	ssyncset.done $0x0  }
0x14a: {  	s13 =	simm.s32 $0x4400;
	[sflag:s10] =	ssyncadd.s32 $0xFFFFFFE0  }
0x14b: {  	[tilespmem:s13], [sflag:$0x4] =	stream.indirect.gather [hbm4b:s22+s6], $0x80, s7, s6, $0xb8;
	[tilespmem:$0x1C400] =	vst v63  }
0x14c: {  	s15 =	simm.s32 $0x5400;
	s18 =	sld [smem:$0x7FC]  }
0x14d: {  	[tilespmem:s15], [sflag:$0x4] =	stream.indirect.gather [hbm4b:s31+s6], $0x80, s9, s6, $0xb8;
	[tilespmem:$0x1C400] =	vst v63  }
0x14e: {  	s1 =	simm.s32 $0x0;
	s20 =	simm.s32 $0x6400  }
0x14f: {  	[tilespmem:s20], [sflag:$0x4] =	stream.linear.gather [hbm4b:s18+s25], $0x1000, $0x38;
	[tilespmem:$0x1C400] =	vst v63  }
.LBB2_4:
0x150: {  	p0 =	seq.s32 s1, $0x0  }
0x151: {  	s11 =	simm.s32 @!p0 $0x5  }
0x152: {  	_ =	swait.ge @!p0 [sflag:s11], $0x1000  }
0x153: {  	[sflag:s11] =	ssyncset.done @!p0 $0x0  }
0x154: {  	[sflag:s11] =	ssyncadd.s32 @!p0 $0xFFFFF000  }
0x155: {  	v1 =	vld [tilespmem:$0x80]  }
0x156: {  	v2 =	vld [tilespmem:$0x90];
	_ =	sdelay $0x3  }
0x157: {  	[tilespmem:$0x300] =	vst v1  }
0x158: {  	[tilespmem:$0x310] =	vst v2  }
0x159: {  	_ =	swait.ge [sflag:s14], $0x1000  }
0x15a: {  	[sflag:s14] =	ssyncset.done $0x0  }
0x15b: {  	s11 =	sshll.u32 s1, $0x1;
	[sflag:s14] =	ssyncadd.s32 $0xFFFFF000  }
0x15c: {  	s12 =	sadd.s32 $0x2, s11;
	_ =	swait.ge [sflag:s14], $0x1000  }
0x15d: {  	s13 =	smin.u32 s12, $0x273;
	[sflag:s14] =	ssyncset.done $0x0  }
0x15e: {  	s13 =	sshll.u32 s13, $0x5;
	[sflag:s14] =	ssyncadd.s32 $0xFFFFF000  }
0x15f: {  	s13 =	sadd.s32 s21, s13;
	_ =	swait.ge [sflag:s14], $0x1000  }
0x160: {  	s13 =	sshrl.u32 s13, $0x3;
	[sflag:s14] =	ssyncset.done $0x0  }
0x161: {  	s15 =	sadd.s32 s26, s13;
	[sflag:s14] =	ssyncadd.s32 $0xFFFFF000  }
0x162: {  	[tilespmem:s25], [sflag:$0x1] =	stream.linear.gather [hbm4b:s15+s25], $0x20, $0x38;
	[tilespmem:$0x1C400] =	vst v63  }
0x163: {  	s20 =	sadd.s32 s28, s13  }
0x164: {  	[tilespmem:s3], [sflag:$0x1] =	stream.linear.gather [hbm4b:s20+s25], $0x20, $0x38;
	[tilespmem:$0x1C400] =	vst v63  }
0x165: {  	s13 =	sadd.s32 s30, s13  }
0x166: {  	[tilespmem:s4], [sflag:$0x1] =	stream.linear.gather [hbm4b:s13+s25], $0x20, $0x38;
	[tilespmem:$0x1C400] =	vst v63  }
0x167: {  	s13 =	simm.s32 $0x0  }
0x168: {  	v1 =	vld [tilespmem:s13+$0x470]  }
0x169: {  	v2 =	vld [tilespmem:s13+$0x1470]  }
0x16a: {  	v3 =	vld [tilespmem:s13+$0x400]  }
0x16b: {  	v4 =	vld [tilespmem:s13+$0x2470]  }
0x16c: {  	v5 =	vld [tilespmem:s13+$0x1400]  }
0x16d: {  	v6 =	vld [tilespmem:s13+$0x410]  }
0x16e: {  	v7 =	vld [tilespmem:s13+$0x1410]  }
0x16f: {  	v8 =	vld [tilespmem:s13+$0x1420]  }
0x170: {  	v10 =	vld [tilespmem:s13+$0x1430]  }
0x171: {  	v11 =	vld [tilespmem:s13+$0x440]  }
0x172: {  	v12 =	vld [tilespmem:s13+$0x1440]  }
0x173: {  	v13 =	vld [tilespmem:s13+$0x450]  }
0x174: {  	v14 =	vld [tilespmem:s13+$0x1450]  }
0x175: {  	v15 =	vld [tilespmem:s13+$0x460]  }
0x176: {  	v16 =	vld [tilespmem:s13+$0x1460]  }
0x177: {  	v17 =	vld [tilespmem:s13+$0x2400]  }
0x178: {  	v1 =	vmul.f32 v2, v1;
	v2 =	vld [tilespmem:s13+$0x420]  }
0x179: {  	v18 =	vld [tilespmem:s13+$0x2410]  }
0x17a: {  	v1 =	vmul.f32 v4, v1;
	v4 =	vld [tilespmem:s13+$0x430]  }
0x17b: {  	v19 =	vld [tilespmem:s13+$0x2420]  }
0x17c: {  	v9 =	vld [tilespmem:s13+$0x2430];
	v3 =	vmul.f32 v5, v3;
	v20 =	vmul.f32 v7, v6  }
0x17d: {  	v6 =	vld [tilespmem:s13+$0x2440];
	v5 =	vmul.f32 v14, v13;
	v21 =	vmul.f32 v8, v2  }
0x17e: {  	v7 =	vld [tilespmem:s13+$0x2450];
	v2 =	vmul.f32 v12, v11;
	v11 =	vmul.f32 v17, v3  }
0x17f: {  	s15 =	simm.s32 $0x80;
	[tilespmem:s13+$0x3470] =	vst v1;
	v8 =	vld [tilespmem:s13+$0x2460];
	v1 =	vmul.f32 v10, v4;
	v10 =	vmul.f32 v18, v20  }
0x180: {  	s18 =	simm.s32 $0x400;
	v3 =	vmul.f32 v16, v15;
	v4 =	vld [tilespmem:s15+$0x470];
	[tilespmem:s13+$0x3400] =	vst v11;
	v11 =	vmul.f32 v19, v21  }
.LBB2_5:
0x181: {  	p0 =	sne.s32 s18, $0x3E00;
	v12 =	vld [tilespmem:s15+$0x1470];
	[tilespmem:s13+$0x3410] =	vst v10;
	v1 =	vmul.f32 v9, v1  }
0x182: {  	v9 =	vld [tilespmem:s15+$0x400];
	[tilespmem:s13+$0x3420] =	vst v11;
	v2 =	vmul.f32 v6, v2  }
0x183: {  	v6 =	vld [tilespmem:s15+$0x2470];
	[tilespmem:s13+$0x3430] =	vst v1;
	v1 =	vmul.f32 v7, v5  }
0x184: {  	v5 =	vld [tilespmem:s15+$0x1400];
	[tilespmem:s13+$0x3440] =	vst v2;
	v2 =	vmul.f32 v8, v3  }
0x185: {  	v3 =	vld [tilespmem:s15+$0x410];
	[tilespmem:s13+$0x3450] =	vst v1  }
0x186: {  	v1 =	vld [tilespmem:s15+$0x1410];
	v4 =	vmul.f32 v12, v4;
	[tilespmem:s13+$0x3460] =	vst v2;
	s13 =	smov.u32 s15  }
0x187: {  	v2 =	vld [tilespmem:s13+$0x420]  }
0x188: {  	v7 =	vld [tilespmem:s13+$0x1420];
	v4 =	vmul.f32 v6, v4  }
0x189: {  	v8 =	vmul.f32 v5, v9;
	v5 =	vld [tilespmem:s13+$0x430]  }
0x18a: {  	v6 =	vld [tilespmem:s13+$0x1430];
	[tilespmem:s13+$0x3470] =	vst v4  }
0x18b: {  	v4 =	vmul.f32 v1, v3;
	v3 =	vld [tilespmem:s13+$0x440]  }
0x18c: {  	v9 =	vld [tilespmem:s13+$0x1440]  }
0x18d: {  	v11 =	vmul.f32 v7, v2;
	v7 =	vld [tilespmem:s13+$0x450]  }
0x18e: {  	v10 =	vld [tilespmem:s13+$0x1450]  }
0x18f: {  	v1 =	vmul.f32 v6, v5;
	v12 =	vld [tilespmem:s13+$0x460]  }
0x190: {  	v13 =	vld [tilespmem:s13+$0x1460]  }
0x191: {  	v14 =	vld [tilespmem:s13+$0x2400];
	v2 =	vmul.f32 v9, v3  }
0x192: {  	v15 =	vld [tilespmem:s13+$0x2410]  }
0x193: {  	v16 =	vld [tilespmem:s13+$0x2420];
	v5 =	vmul.f32 v10, v7  }
.Ltmp3:
0x194: {  	v9 =	vld [tilespmem:s13+$0x2430];
	(pc) =	sbr.rel @p0 .LBB2_5-.Ltmp3, $4  }
0x195: {  	v6 =	vld [tilespmem:s13+$0x2440];
	v3 =	vmul.f32 v13, v12  }
0x196: {  	v12 =	vmul.f32 v14, v8;
	v7 =	vld [tilespmem:s13+$0x2450]  }
0x197: {  	s15 =	sshra.s32 s18, $0x2;
	v10 =	vmul.f32 v15, v4;
	v8 =	vld [tilespmem:s13+$0x2460]  }
0x198: {  	s18 =	sadd.s32 $0x200, s18;
	v4 =	vld [tilespmem:s15+$0x470];
	[tilespmem:s13+$0x3400] =	vst v12;
	v11 =	vmul.f32 v16, v11  }
0x199: {  	v12 =	vld [tilespmem:s15+$0x1470];
	[tilespmem:s13+$0x3410] =	vst v10;
	v1 =	vmul.f32 v9, v1  }
0x19a: {  	v10 =	vld [tilespmem:s15+$0x400];
	[tilespmem:s13+$0x3420] =	vst v11;
	v2 =	vmul.f32 v6, v2  }
0x19b: {  	v9 =	vld [tilespmem:s15+$0x2470];
	[tilespmem:s13+$0x3430] =	vst v1;
	v5 =	vmul.f32 v7, v5  }
0x19c: {  	v1 =	vld [tilespmem:s15+$0x1400];
	[tilespmem:s13+$0x3440] =	vst v2;
	v3 =	vmul.f32 v8, v3  }
0x19d: {  	v2 =	vld [tilespmem:s15+$0x410];
	[tilespmem:s13+$0x3450] =	vst v5  }
0x19e: {  	v5 =	vld [tilespmem:s15+$0x1410];
	[tilespmem:s13+$0x3460] =	vst v3  }
0x19f: {  	v3 =	vmul.f32 v12, v4;
	v4 =	vld [tilespmem:s15+$0x420]  }
0x1a0: {  	v6 =	vld [tilespmem:s15+$0x1420]  }
0x1a1: {  	v7 =	vld [tilespmem:s15+$0x430]  }
0x1a2: {  	v8 =	vld [tilespmem:s15+$0x1430]  }
0x1a3: {  	v11 =	vld [tilespmem:s15+$0x450]  }
0x1a4: {  	v57 =	vld [tilespmem:s15+$0x1450]  }
0x1a5: {  	v13 =	vld [tilespmem:s15+$0x460]  }
0x1a6: {  	v14 =	vld [tilespmem:s15+$0x1460]  }
0x1a7: {  	v15 =	vld [tilespmem:s15+$0x2400]  }
0x1a8: {  	v16 =	vld [tilespmem:s15+$0x2410]  }
0x1a9: {  	v17 =	vld [tilespmem:s15+$0x2420];
	v3 =	vmul.f32 v9, v3  }
0x1aa: {  	v9 =	vld [tilespmem:s15+$0x1440]  }
0x1ab: {  	[tilespmem:s15+$0x3470] =	vst v3;
	v3 =	vld [tilespmem:s15+$0x440]  }
0x1ac: {  	v1 =	vmul.f32 v1, v10;
	v10 =	vld [tilespmem:s15+$0x2430]  }
0x1ad: {  	v2 =	vmul.f32 v5, v2;
	v5 =	vld [tilespmem:s15+$0x2440]  }
0x1ae: {  	v4 =	vmul.f32 v6, v4;
	v1 =	vmul.f32 v15, v1;
	v6 =	vld [tilespmem:s15+$0x2450]  }
0x1af: {  	v7 =	vmul.f32 v8, v7;
	v8 =	vld [tilespmem:s15+$0x2460];
	v2 =	vmul.f32 v16, v2  }
0x1b0: {  	[tilespmem:s15+$0x3400] =	vst v1;
	v1 =	vmul.f32 v17, v4;
	v3 =	vmul.f32 v9, v3  }
0x1b1: {  	v4 =	vmul.f32 v57, v11;
	[tilespmem:s15+$0x3410] =	vst v2;
	v2 =	vmul.f32 v10, v7  }
0x1b2: {  	v7 =	vmul.f32 v14, v13;
	[tilespmem:s15+$0x3420] =	vst v1;
	v1 =	vmul.f32 v5, v3  }
0x1b3: {  	[tilespmem:s15+$0x3430] =	vst v2;
	v2 =	vmul.f32 v6, v4  }
0x1b4: {  	[tilespmem:s15+$0x3440] =	vst v1;
	v1 =	vmul.f32 v8, v7  }
0x1b5: {  	[tilespmem:s15+$0x3450] =	vst v2  }
0x1b6: {  	s20 =	simm.s32 $0x300;
	[tilespmem:s15+$0x3460] =	vst v1  }
0x1b7: {  	[spmem:s24] =	stream.indirect.scatter.add.f32 [tilespmem:s0], [sflag:$0x5], $0x80, s20, s6, $0xb8;
	[tilespmem:$0x1C400] =	vst v63  }
0x1b8: {  	_ =	swait.ge [sflag:s5], $0x20  }
0x1b9: {  	[sflag:s5] =	ssyncset.done $0x0  }
0x1ba: {  	[sflag:s5] =	ssyncadd.s32 $0xFFFFFFE0  }
0x1bb: {  	p0 =	seq.s32 s1, $0x139;
	_ =	swait.ge [sflag:s5], $0x20  }
0x1bc: {  	s12 =	sshll.u32 @!p0 s12, $0x5;
	[sflag:s5] =	ssyncset.done $0x0  }
0x1bd: {  	s12 =	sadd.s32 @!p0 s29, s12;
	[sflag:s5] =	ssyncadd.s32 $0xFFFFFFE0  }
0x1be: {  	s18 =	simm.s32 @!p0 $0x400;
	s12 =	smin.u32 @!p0 s12, $0x4E1E0;
	_ =	swait.ge [sflag:s5], $0x20  }
0x1bf: {  	p1 =	seq.s32 @!p0 s1, $0x0;
	s12 =	sadd.s32 @!p0 s17, s12;
	[sflag:s5] =	ssyncset.done $0x0  }
0x1c0: {  	s13 =	simm.s32 @!p0 $0x20;
	s15 =	simm.s32 @!p0 $0x0;
	[sflag:s5] =	ssyncadd.s32 $0xFFFFFFE0  }
0x1c1: {  	[tilespmem:s18], [sflag:$0x3] =	stream.indirect.gather @!p0 [hbm4b:s22+s13], $0x80, s15, s13, $0xb8;
	[tilespmem:$0x1C400] =	vst v63  }
0x1c2: {  	s12 =	sshll.u32 @!p0 s12, $0x4;
	s20 =	simm.s32 @!p0 $0x1400;
	s18 =	simm.s32 @!p0 $0x100  }
0x1c3: {  	[tilespmem:s20], [sflag:$0x3] =	stream.indirect.gather @!p0 [hbm4b:s31+s13], $0x80, s18, s13, $0xb8;
	[tilespmem:$0x1C400] =	vst v63  }
0x1c4: {  	p1 =	por p0, !p1;
	s12 =	sadd.s32 @!p0 s19, s12;
	s13 =	simm.s32 @!p0 $0x2400  }
0x1c5: {  	[tilespmem:s13], [sflag:$0x3] =	stream.linear.gather @!p0 [hbm4b:s12+s15], $0x1000, $0x38;
	[tilespmem:$0x1C400] =	vst v63  }
0x1c6: {  	_ =	swait.ge @p1 [sflag:s23], $0x1000  }
0x1c7: {  	[sflag:s23] =	ssyncset.done @p1 $0x0  }
0x1c8: {  	[sflag:s23] =	ssyncadd.s32 @p1 $0xFFFFF000  }
0x1c9: {  	v1 =	vld [tilespmem:$0x200]  }
0x1ca: {  	v2 =	vld [tilespmem:$0x210];
	_ =	sdelay $0x3  }
0x1cb: {  	[tilespmem:$0x380] =	vst v1  }
0x1cc: {  	[tilespmem:$0x390] =	vst v2  }
0x1cd: {  	_ =	swait.ge [sflag:s16], $0x1000  }
0x1ce: {  	[sflag:s16] =	ssyncset.done $0x0  }
0x1cf: {  	[sflag:s16] =	ssyncadd.s32 $0xFFFFF000  }
0x1d0: {  	s11 =	sadd.s32 $0x3, s11;
	_ =	swait.ge [sflag:s16], $0x1000  }
0x1d1: {  	s13 =	smin.u32 s11, $0x273;
	[sflag:s16] =	ssyncset.done $0x0  }
0x1d2: {  	s12 =	sshll.u32 s13, $0x5;
	[sflag:s16] =	ssyncadd.s32 $0xFFFFF000  }
0x1d3: {  	s12 =	sadd.s32 s21, s12;
	_ =	swait.ge [sflag:s16], $0x1000  }
0x1d4: {  	s12 =	sshrl.u32 s12, $0x3;
	[sflag:s16] =	ssyncset.done $0x0  }
0x1d5: {  	s18 =	simm.s32 $0x0;
	s15 =	sadd.s32 s26, s12;
	[sflag:s16] =	ssyncadd.s32 $0xFFFFF000  }
0x1d6: {  	[tilespmem:s7], [sflag:$0x2] =	stream.linear.gather [hbm4b:s15+s18], $0x20, $0x38;
	[tilespmem:$0x1C400] =	vst v63  }
0x1d7: {  	s20 =	sadd.s32 s28, s12  }
0x1d8: {  	[tilespmem:s8], [sflag:$0x2] =	stream.linear.gather [hbm4b:s20+s18], $0x20, $0x38;
	[tilespmem:$0x1C400] =	vst v63  }
0x1d9: {  	s12 =	sadd.s32 s30, s12  }
0x1da: {  	[tilespmem:s9], [sflag:$0x2] =	stream.linear.gather [hbm4b:s12+s18], $0x20, $0x38;
	[tilespmem:$0x1C400] =	vst v63  }
0x1db: {  	s12 =	simm.s32 $0x0  }
0x1dc: {  	v1 =	vld [tilespmem:s12+$0x4470]  }
0x1dd: {  	v2 =	vld [tilespmem:s12+$0x5470]  }
0x1de: {  	v3 =	vld [tilespmem:s12+$0x4400]  }
0x1df: {  	v4 =	vld [tilespmem:s12+$0x6470]  }
0x1e0: {  	v5 =	vld [tilespmem:s12+$0x5400]  }
0x1e1: {  	v6 =	vld [tilespmem:s12+$0x4410]  }
0x1e2: {  	v7 =	vld [tilespmem:s12+$0x5410]  }
0x1e3: {  	v8 =	vld [tilespmem:s12+$0x5420]  }
0x1e4: {  	v10 =	vld [tilespmem:s12+$0x5430]  }
0x1e5: {  	v11 =	vld [tilespmem:s12+$0x4440]  }
0x1e6: {  	v58 =	vld [tilespmem:s12+$0x5440]  }
0x1e7: {  	v59 =	vld [tilespmem:s12+$0x4450]  }
0x1e8: {  	v60 =	vld [tilespmem:s12+$0x5450]  }
0x1e9: {  	v61 =	vld [tilespmem:s12+$0x4460]  }
0x1ea: {  	v62 =	vld [tilespmem:s12+$0x5460]  }
0x1eb: {  	v63 =	vld [tilespmem:s12+$0x6400]  }
0x1ec: {  	v1 =	vmul.f32 v2, v1;
	v2 =	vld [tilespmem:s12+$0x4420]  }
0x1ed: {  	v18 =	vld [tilespmem:s12+$0x6410]  }
0x1ee: {  	v1 =	vmul.f32 v4, v1;
	v4 =	vld [tilespmem:s12+$0x4430]  }
0x1ef: {  	v19 =	vld [tilespmem:s12+$0x6420]  }
0x1f0: {  	v9 =	vld [tilespmem:s12+$0x6430];
	v3 =	vmul.f32 v5, v3;
	v20 =	vmul.f32 v7, v6  }
0x1f1: {  	v6 =	vld [tilespmem:s12+$0x6440];
	v5 =	vmul.f32 v60, v59;
	v21 =	vmul.f32 v8, v2  }
0x1f2: {  	v7 =	vld [tilespmem:s12+$0x6450];
	v2 =	vmul.f32 v58, v11;
	v11 =	vmul.f32 v63, v3  }
0x1f3: {  	s13 =	simm.s32 $0x80;
	[tilespmem:s12+$0x7470] =	vst v1;
	v8 =	vld [tilespmem:s12+$0x6460];
	v1 =	vmul.f32 v10, v4;
	v10 =	vmul.f32 v18, v20  }
0x1f4: {  	s15 =	simm.s32 $0x400;
	v3 =	vmul.f32 v62, v61;
	v4 =	vld [tilespmem:s13+$0x4470];
	[tilespmem:s12+$0x7400] =	vst v11;
	v11 =	vmul.f32 v19, v21  }
.LBB2_7:
0x1f5: {  	p1 =	sne.s32 s15, $0x3E00;
	v12 =	vld [tilespmem:s13+$0x5470];
	[tilespmem:s12+$0x7410] =	vst v10;
	v1 =	vmul.f32 v9, v1  }
0x1f6: {  	v9 =	vld [tilespmem:s13+$0x4400];
	[tilespmem:s12+$0x7420] =	vst v11;
	v2 =	vmul.f32 v6, v2  }
0x1f7: {  	v6 =	vld [tilespmem:s13+$0x6470];
	[tilespmem:s12+$0x7430] =	vst v1;
	v1 =	vmul.f32 v7, v5  }
0x1f8: {  	v5 =	vld [tilespmem:s13+$0x5400];
	[tilespmem:s12+$0x7440] =	vst v2;
	v2 =	vmul.f32 v8, v3  }
0x1f9: {  	v3 =	vld [tilespmem:s13+$0x4410];
	[tilespmem:s12+$0x7450] =	vst v1  }
0x1fa: {  	v1 =	vld [tilespmem:s13+$0x5410];
	v4 =	vmul.f32 v12, v4;
	[tilespmem:s12+$0x7460] =	vst v2;
	s12 =	smov.u32 s13  }
0x1fb: {  	v2 =	vld [tilespmem:s12+$0x4420]  }
0x1fc: {  	v7 =	vld [tilespmem:s12+$0x5420];
	v4 =	vmul.f32 v6, v4  }
0x1fd: {  	v8 =	vmul.f32 v5, v9;
	v5 =	vld [tilespmem:s12+$0x4430]  }
0x1fe: {  	v6 =	vld [tilespmem:s12+$0x5430];
	[tilespmem:s12+$0x7470] =	vst v4  }
0x1ff: {  	v4 =	vmul.f32 v1, v3;
	v3 =	vld [tilespmem:s12+$0x4440]  }
0x200: {  	v9 =	vld [tilespmem:s12+$0x5440]  }
0x201: {  	v11 =	vmul.f32 v7, v2;
	v7 =	vld [tilespmem:s12+$0x4450]  }
0x202: {  	v10 =	vld [tilespmem:s12+$0x5450]  }
0x203: {  	v1 =	vmul.f32 v6, v5;
	v12 =	vld [tilespmem:s12+$0x4460]  }
0x204: {  	v13 =	vld [tilespmem:s12+$0x5460]  }
0x205: {  	v14 =	vld [tilespmem:s12+$0x6400];
	v2 =	vmul.f32 v9, v3  }
0x206: {  	v15 =	vld [tilespmem:s12+$0x6410]  }
0x207: {  	v16 =	vld [tilespmem:s12+$0x6420];
	v5 =	vmul.f32 v10, v7  }
.Ltmp4:
0x208: {  	v9 =	vld [tilespmem:s12+$0x6430];
	(pc) =	sbr.rel @p1 .LBB2_7-.Ltmp4, $4  }
0x209: {  	v6 =	vld [tilespmem:s12+$0x6440];
	v3 =	vmul.f32 v13, v12  }
0x20a: {  	v12 =	vmul.f32 v14, v8;
	v7 =	vld [tilespmem:s12+$0x6450]  }
0x20b: {  	s13 =	sshra.s32 s15, $0x2;
	v10 =	vmul.f32 v15, v4;
	v8 =	vld [tilespmem:s12+$0x6460]  }
0x20c: {  	s15 =	sadd.s32 $0x200, s15;
	v4 =	vld [tilespmem:s13+$0x4470];
	[tilespmem:s12+$0x7400] =	vst v12;
	v11 =	vmul.f32 v16, v11  }
0x20d: {  	v12 =	vld [tilespmem:s13+$0x5470];
	[tilespmem:s12+$0x7410] =	vst v10;
	v1 =	vmul.f32 v9, v1  }
0x20e: {  	v10 =	vld [tilespmem:s13+$0x4400];
	[tilespmem:s12+$0x7420] =	vst v11;
	v2 =	vmul.f32 v6, v2  }
0x20f: {  	v51 =	vld [tilespmem:s13+$0x6470];
	[tilespmem:s12+$0x7430] =	vst v1;
	v5 =	vmul.f32 v7, v5  }
0x210: {  	v1 =	vld [tilespmem:s13+$0x5400];
	[tilespmem:s12+$0x7440] =	vst v2;
	v3 =	vmul.f32 v8, v3  }
0x211: {  	v2 =	vld [tilespmem:s13+$0x4410];
	[tilespmem:s12+$0x7450] =	vst v5  }
0x212: {  	v5 =	vld [tilespmem:s13+$0x5410];
	[tilespmem:s12+$0x7460] =	vst v3  }
0x213: {  	v52 =	vld [tilespmem:s13+$0x4420]  }
0x214: {  	v53 =	vld [tilespmem:s13+$0x5420]  }
0x215: {  	v54 =	vld [tilespmem:s13+$0x4430]  }
0x216: {  	v55 =	vld [tilespmem:s13+$0x5430]  }
0x217: {  	v56 =	vld [tilespmem:s13+$0x5440]  }
0x218: {  	v11 =	vld [tilespmem:s13+$0x4450]  }
0x219: {  	v57 =	vld [tilespmem:s13+$0x5450]  }
0x21a: {  	v13 =	vld [tilespmem:s13+$0x4460]  }
0x21b: {  	v3 =	vmul.f32 v12, v4;
	v14 =	vld [tilespmem:s13+$0x5460]  }
0x21c: {  	v15 =	vld [tilespmem:s13+$0x6400]  }
0x21d: {  	v16 =	vld [tilespmem:s13+$0x6410];
	v3 =	vmul.f32 v51, v3  }
0x21e: {  	v17 =	vld [tilespmem:s13+$0x6420]  }
0x21f: {  	[tilespmem:s13+$0x7470] =	vst v3;
	v3 =	vld [tilespmem:s13+$0x4440]  }
0x220: {  	v58 =	vld [tilespmem:s13+$0x6430];
	v1 =	vmul.f32 v1, v10  }
0x221: {  	v59 =	vld [tilespmem:s13+$0x6440];
	v2 =	vmul.f32 v5, v2  }
0x222: {  	v60 =	vld [tilespmem:s13+$0x6450];
	v4 =	vmul.f32 v53, v52;
	v1 =	vmul.f32 v15, v1  }
0x223: {  	v61 =	vld [tilespmem:s13+$0x6460];
	v7 =	vmul.f32 v55, v54;
	v2 =	vmul.f32 v16, v2  }
0x224: {  	[tilespmem:s13+$0x7400] =	vst v1;
	v1 =	vmul.f32 v17, v4;
	v3 =	vmul.f32 v56, v3  }
0x225: {  	v62 =	vmul.f32 v57, v11;
	[tilespmem:s13+$0x7410] =	vst v2;
	v2 =	vmul.f32 v58, v7  }
0x226: {  	v63 =	vmul.f32 v14, v13;
	[tilespmem:s13+$0x7420] =	vst v1;
	v1 =	vmul.f32 v59, v3  }
0x227: {  	[tilespmem:s13+$0x7430] =	vst v2;
	v2 =	vmul.f32 v60, v62  }
0x228: {  	[tilespmem:s13+$0x7440] =	vst v1;
	v1 =	vmul.f32 v61, v63  }
0x229: {  	[tilespmem:s13+$0x7450] =	vst v2  }
0x22a: {  	s18 =	simm.s32 $0x380;
	s20 =	simm.s32 $0x7400;
	[tilespmem:s13+$0x7460] =	vst v1  }
0x22b: {  	[spmem:s24] =	stream.indirect.scatter.add.f32 [tilespmem:s20], [sflag:$0x6], $0x80, s18, s6, $0xb8;
	[tilespmem:$0x1C400] =	vst v63  }
0x22c: {  	_ =	swait.ge [sflag:s10], $0x20  }
0x22d: {  	[sflag:s10] =	ssyncset.done $0x0  }
0x22e: {  	[sflag:s10] =	ssyncadd.s32 $0xFFFFFFE0  }
0x22f: {  	_ =	swait.ge [sflag:s10], $0x20  }
.Ltmp5:
0x230: {  	[sflag:s10] =	ssyncset.done $0x0;
	(pc) =	sbr.rel @p0 .LBB2_10-.Ltmp5, $4  }
0x231: {  	[sflag:s10] =	ssyncadd.s32 $0xFFFFFFE0  }
0x232: {  	_ =	swait.ge [sflag:s10], $0x20  }
0x233: {  	[sflag:s10] =	ssyncset.done $0x0  }
0x234: {  	[sflag:s10] =	ssyncadd.s32 $0xFFFFFFE0  }
0x235: {  	s12 =	simm.s32 $0x4400;
	s11 =	sshll.u32 s11, $0x5  }
0x236: {  	[tilespmem:s12], [sflag:$0x4] =	stream.indirect.gather [hbm4b:s22+s6], $0x80, s7, s6, $0xb8;
	[tilespmem:$0x1C400] =	vst v63  }
0x237: {  	s18 =	simm.s32 $0x5400;
	s11 =	sadd.s32 s29, s11  }
0x238: {  	[tilespmem:s18], [sflag:$0x4] =	stream.indirect.gather [hbm4b:s31+s6], $0x80, s9, s6, $0xb8;
	[tilespmem:$0x1C400] =	vst v63  }
.Ltmp6:
0x239: {  	s11 =	smin.u32 s11, $0x4E1E0;
	(pc) =	sbr.rel .LBB2_4-.Ltmp6, $4  }
0x23a: {  	s11 =	sadd.s32 s17, s11  }
0x23b: {  	s20 =	simm.s32 $0x0;
	s11 =	sshll.u32 s11, $0x4  }
0x23c: {  	s13 =	simm.s32 $0x6400;
	s1 =	sadd.s32 $0x1, s1;
	s11 =	sadd.s32 s19, s11  }
0x23d: {  	[tilespmem:s13], [sflag:$0x4] =	stream.linear.gather [hbm4b:s11+s20], $0x1000, $0x38;
	[tilespmem:$0x1C400] =	vst v63  }
.LBB2_11:
0x23e: {  	_ =	sfence.sel $0x180000  }
0x23f: {  	[bflag:$0x0] =	sbarrier.arrive $0xFFFF  }
0x240: {  	_ =	strace $0x9000004A  }
0x241: {  	s0 =	stileid.u32;
	[bflag:$0x2] =	sbarrier.arrive $0xFFFF  }
0x242: {  	p0 =	sne.s32 s0, $0x0;
	s0 =	rddreg [dreg:$0x4]  }
0x243: {  	s0 =	sadd.s32 @!p0 $0x100000, s0  }
0x244: {  	[sflag:s0] =	ssyncadd.tile.s32 @!p0 $0x1;
	_ =	shalt  }
.Lfunc_end2:
_tile_overlayer_lowered:
.L_overlay_start_2:
0x245: {  	(tag) =	ssettag $0x2  }
0x246: {  	s0 =	rddreg [dreg:$0x0];
	s2 =	stileid.u32  }
0x247: {  	s1 =	rddreg [dreg:$0x1];
	p0 =	sne.s32 s2, $0x0  }
0x248: {  	s3 =	rddreg [dreg:$0x2];
	[bflag:$0x3] =	sbarrier.arrive $0xFFFF;
	s2 =	simm.s32 @!p0 $0x1C07  }
0x249: {  	[timem:s3], [sflag:s2] =	dma.local @!p0 [hbm:s0], s1  }
0x24a: {  	s0 =	simm.s32 @!p0 $0x7  }
0x24b: {  	_ =	swait.ge @!p0 [sflag:s0], s1  }
0x24c: {  	s1 =	ssub.s32 @!p0 $0x0, s1;
	[sflag:s0] =	ssyncset.done @!p0 $0x0  }
0x24d: {  	[sflag:s0] =	ssyncadd.s32 @!p0 s1  }
0x24e: {  	[bflag:$0x3] =	sbarrier.arrive $0xFFFF  }
0x24f: {  	_ =	shalt  }

// kernel: kernel.18.cloned.1.call-start
scs
__scs_entry_jumppad:
0x0: {  	(pc) =	sbr.rel $0x88, $3  }
0x1: {  	(tag) =	ssettag $0x0;
	lr =	simm.s32 $0x1  }
0x2: {  	[smem:$0x3F88] =	sst lr;
	_ =	strace $0xD0000000  }
0x3: {  	_ = 	snop  }
0x4: {  	_ = 	snop  }
0x5: {  	_ = 	snop  }
0x6: {  	_ = 	snop  }
0x7: {  	_ = 	snop  }
__scs_overlays_trampoline_lowered:
0x8: {  	[smem:$0x3F97] =	sst s0  }
0x9: {  	[smem:$0x3F98] =	sst s1  }
0xa: {  	[smem:$0x3F99] =	sst s2  }
0xb: {  	[smem:$0x3F9A] =	sst s3  }
0xc: {  	[smem:$0x3F9B] =	sst s4  }
0xd: {  	[smem:$0x3F9C] =	sst s5  }
0xe: {  	[smem:$0x3F9D] =	sst s6  }
0xf: {  	[smem:$0x3F9E] =	sst s7  }
0x10: {  	[smem:$0x3F9F] =	sst s8  }
0x11: {  	[smem:$0x3FA0] =	sst s9;
	s0 =	simm.s32 @!p0 $0x0  }
0x12: {  	s1 =	sld [smem:$0x3F86];
	s0 =	simm.s32 @p0 $0x1  }
0x13: {  	[smem:$0x3FA1] =	sst s0;
	s0 =	simm.s32 @!p1 $0x0  }
0x14: {  	s2 =	sld [smem:$0x3F85];
	s0 =	simm.s32 @p1 $0x1  }
0x15: {  	[smem:$0x3FA2] =	sst s0;
	s0 =	simm.s32 @!p2 $0x0  }
0x16: {  	s3 =	sld [smem:$0x3FDB];
	s0 =	simm.s32 @p2 $0x1  }
0x17: {  	s4 =	simm.s32 $0x1BF5;
	[smem:$0x3FA4] =	sst s0  }
0x18: {  	s0 =	sld [smem:$0x3F87];
	_ =	swait.ge [sflag:s4], $0x0  }
0x19: {  	s7 =	sld [smem:$0x3F88]  }
0x1a: {  	s8 =	sadd.s32 $0xFFFFE003, lr  }
0x1b: {  	s9 =	sadd.s32 $0xFFFFFEF7, lr;
	s5 =	simm.s32 $0xFFFFFFFF;
	p2 =	slt.u32 s8, $0xFFFFF086  }
0x1c: {  	p1 =	slt.u32 s9, $0xF7A;
	s5 =	simm.s32 @!p2 $0x0  }
0x1d: {  	s5 =	simm.s32 @p1 $0x1;
	p0 =	seq.s32 s7, s2  }
0x1e: {  	s7 =	smul.u32 @!p0 $0xF7A, s2;
	p2 =	seq.s32 @!p0 s5, $0x0  }
0x1f: {  	s9 =	smul.u32 $0xF7A, s1;
	s8 =	simm.s32 @!p0 $0x1BF5;
	p2 =	por !p2, p0  }
0x20: {  	[sflag:s8] =	ssyncset.s32 @!p0 $0xFFFFF086;
	s6 =	sadd.s32 @!p0 s3, s7;
	s7 =	simm.s32 @!p0 $0x108  }
0x21: {  	s3 =	sadd.s32 s3, s9;
	s6 =	sadd.s32 @!p0 $0x88, s6;
	s7 =	simm.s32 @p2 $0x1082  }
0x22: {  	[simem:s7], [sflag:s8] =	dma.local @!p0 [hbm:s6], $0xF7A  }
0x23: {  	s9 =	sor.u32 $0xD0000000, s2;
	s6 =	simm.s32 $0x108;
	_ =	swait.ge @!p0 [sflag:s8], $0x0  }
0x24: {  	s3 =	sadd.s32 $0x88, s3;
	s6 =	simm.s32 @!p1 $0x1082;
	[sflag:s4] =	ssyncset.s32 $0xFFFFF086  }
0x25: {  	[simem:s6], [sflag:s4] =	dma.local [hbm:s3], $0xF7A  }
0x26: {  	[smem:$0x3F88] =	sst s1;
	(tag) =	ssettag s2;
	_ =	strace s9  }
0x27: {  	s1 =	sld [smem:$0x3F98]  }
0x28: {  	s2 =	sld [smem:$0x3F99]  }
0x29: {  	s4 =	sld [smem:$0x3F9B]  }
0x2a: {  	p0 =	seq.s32 s5, $0x0;
	s5 =	sld [smem:$0x3F9C]  }
0x2b: {  	s6 =	sld [smem:$0x3F9D]  }
0x2c: {  	s7 =	sld [smem:$0x3F9E]  }
0x2d: {  	s3 =	simm.s32 $0x108;
	s8 =	sld [smem:$0x3F9F]  }
0x2e: {  	s3 =	simm.s32 @!p0 $0x1082;
	s9 =	sld [smem:$0x3FA0]  }
0x2f: {  	lr =	sadd.s32 s0, s3;
	s0 =	sld [smem:$0x3F97]  }
0x30: {  	s3 =	sld [smem:$0x3F9A]  }
0x31: {  	[smem:$0x3FA3] =	sst s10  }
0x32: {  	s10 =	sld [smem:$0x3FA1];
	_ =	sdelay $0x3  }
0x33: {  	p0 =	seq.s32 s10, $0x1;
	s10 =	sld [smem:$0x3FA3];
	_ =	sdelay $0x3  }
0x34: {  	[smem:$0x3FA3] =	sst s10  }
0x35: {  	s10 =	sld [smem:$0x3FA2];
	_ =	sdelay $0x3  }
0x36: {  	p1 =	seq.s32 s10, $0x1;
	s10 =	sld [smem:$0x3FA3];
	_ =	sdelay $0x3  }
0x37: {  	[smem:$0x3FA3] =	sst s10  }
0x38: {  	s10 =	sld [smem:$0x3FA4]  }
0x39: {  	_ = 	snop;
	(pc) =	sbr.ind lr, $3  }
0x3a: {  	_ = 	snop  }
0x3b: {  	_ = 	snop  }
0x3c: {  	p2 =	seq.s32 s10, $0x1;
	s10 =	sld [smem:$0x3FA3]  }
0x3d: {  	_ =	shalt  }
0x3e: {  	_ =	shalt  }
0x3f: {  	_ =	shalt  }
0x40: {  	_ =	shalt  }
0x41: {  	_ =	shalt  }
0x42: {  	_ =	shalt  }
0x43: {  	_ =	shalt  }
0x44: {  	_ =	shalt  }
0x45: {  	_ =	shalt  }
0x46: {  	_ =	shalt  }
0x47: {  	_ =	shalt  }
0x48: {  	_ =	shalt  }
0x49: {  	_ =	shalt  }
0x4a: {  	_ =	shalt  }
0x4b: {  	_ =	shalt  }
0x4c: {  	_ =	shalt  }
0x4d: {  	_ =	shalt  }
0x4e: {  	_ =	shalt  }
0x4f: {  	_ =	shalt  }
0x50: {  	_ =	shalt  }
0x51: {  	_ =	shalt  }
0x52: {  	_ =	shalt  }
0x53: {  	_ =	shalt  }
0x54: {  	_ =	shalt  }
0x55: {  	_ =	shalt  }
0x56: {  	_ =	shalt  }
0x57: {  	_ =	shalt  }
0x58: {  	_ =	shalt  }
0x59: {  	_ =	shalt  }
0x5a: {  	_ =	shalt  }
0x5b: {  	_ =	shalt  }
0x5c: {  	_ =	shalt  }
0x5d: {  	_ =	shalt  }
0x5e: {  	_ =	shalt  }
0x5f: {  	_ =	shalt  }
0x60: {  	_ =	shalt  }
0x61: {  	_ =	shalt  }
0x62: {  	_ =	shalt  }
0x63: {  	_ =	shalt  }
0x64: {  	_ =	shalt  }
0x65: {  	_ =	shalt  }
0x66: {  	_ =	shalt  }
0x67: {  	_ =	shalt  }
0x68: {  	_ =	shalt  }
0x69: {  	_ =	shalt  }
0x6a: {  	_ =	shalt  }
0x6b: {  	_ =	shalt  }
0x6c: {  	_ =	shalt  }
0x6d: {  	_ =	shalt  }
0x6e: {  	_ =	shalt  }
0x6f: {  	_ =	shalt  }
0x70: {  	_ =	shalt  }
0x71: {  	_ =	shalt  }
0x72: {  	_ =	shalt  }
0x73: {  	_ =	shalt  }
0x74: {  	_ =	shalt  }
0x75: {  	_ =	shalt  }
0x76: {  	_ =	shalt  }
0x77: {  	_ =	shalt  }
0x78: {  	_ =	shalt  }
0x79: {  	_ =	shalt  }
0x7a: {  	_ =	shalt  }
0x7b: {  	_ =	shalt  }
0x7c: {  	_ =	shalt  }
0x7d: {  	_ =	shalt  }
0x7e: {  	_ =	shalt  }
0x7f: {  	_ =	shalt  }
0x80: {  	_ =	shalt  }
0x81: {  	_ =	shalt  }
0x82: {  	_ =	shalt  }
0x83: {  	_ =	shalt  }
0x84: {  	_ =	shalt  }
0x85: {  	_ =	shalt  }
0x86: {  	_ =	shalt  }
0x87: {  	_ =	shalt  }
.Lfunc_end0:
.L_simem_size_0:
called_computation.3_lowered:
.L_overlay_start_0:
0x88: {  	s2 =	sld [smem:$0x3FD9]  }
0x89: {  	s3 =	sld [smem:$0x3FFE];
	_ =	sdelay $0x1  }
0x8a: {  	s1 =	srdreg.scid  }
0x8b: {  	s0 =	sand.u32 $0x1, s1  }
0x8c: {  	s17 =	sshll.u32 s0, $0xA;
	s2 =	sadd.s32 s3, s2  }
0x8d: {  	s2 =	sadd.s32 s2, s17  }
0x8e: {  	[smem:$0x3FAF] =	sst s2  }
0x8f: {  	_ = 	snop  }
0x90: {  	s2 =	sld [smem:$0x3FC9]  }
0x91: {  	s18 =	sld [smem:$0x3FC8];
	(tm) =	ssettm $0x1  }
0x92: {  	s4 =	sld [smem:$0x3FFB];
	_ =	sdelay $0x3  }
0x93: {  	_ =	strace s4  }
0x94: {  	s4 =	sld [smem:$0x3FFC];
	_ =	sdelay $0x3  }
0x95: {  	_ =	strace s4  }
0x96: {  	s4 =	sld [smem:$0x3FFD];
	_ =	sdelay $0x3  }
0x97: {  	_ =	strace s4  }
0x98: {  	_ =	strace $0x8FFFFFFF  }
0x99: {  	s19 =	sld [smem:$0x3FDB];
	_ =	sdelay $0x1  }
0x9a: {  	s5 =	simm.s32 $_scs_section_size  }
0x9b: {  	s6 =	simm.s32 $_size__tile_overlayer_lowered;
	s7 =	simm.s32 $_tile_overlayer_lowered  }
0x9c: {  	s22 =	simm.s32 $0x1BFF;
	s21 =	sshll.u32 s7, $0x1;
	s4 =	sadd.s32 s5, s19  }
0x9d: {  	s8 =	simm.s32 $0x0;
	s20 =	sshll.u32 s6, $0x1;
	s6 =	sadd.s32 s21, s4  }
0x9e: {  	[timem:s8], [sflag:s22] =	dma.local [hbm:s6], s20  }
0x9f: {  	_ =	swait.ge [sflag:s22], s20  }
0xa0: {  	s5 =	ssub.s32 $0x0, s20;
	[sflag:s22] =	ssyncset.done $0x0  }
0xa1: {  	[sflag:s22] =	ssyncadd.s32 s5;
	_ =	sdelay $0x1  }
0xa2: {  	s23 =	simm.s32 $0x1B8B  }
0xa3: {  	_ =	swait.ge [sflag:s23], $0x1  }
0xa4: {  	[sflag:s23] =	ssyncset.done $0x0  }
0xa5: {  	s25 =	simm.s32 $0x1B8E;
	s24 =	sld [smem:$0x3FFE];
	[sflag:s23] =	ssyncadd.s32 $0xFFFFFFFF  }
0xa6: {  	s26 =	simm.s32 $execute0_lowered;
	[smem:$0x3FD2] =	sst s25  }
0xa7: {  	s6 =	sshll.u32 s26, $0x1;
	_ =	strace $0x8000004C;
	[dreg:$0x1] =	wrdreg $0xFFFFFFFF  }
0xa8: {  	s28 =	simm.s32 $_size_execute0_lowered;
	s4 =	sadd.s32 s4, s6;
	[dreg:$0x0] =	wrdreg $0x0  }
0xa9: {  	s6 =	sshll.u32 s28, $0x1;
	[dreg:$0x2] =	wrdreg s4  }
0xaa: {  	[dreg:$0x3] =	wrdreg s6  }
0xab: {  	[dreg:$0x4] =	wrdreg $0xC0  }
0xac: {  	_ =	task [dreg:s8], $0x5FFFF  }
0xad: {  	[dreg:$0x1] =	wrdreg $0xFFFFFFFF  }
0xae: {  	[dreg:$0x0] =	wrdreg $0x60  }
0xaf: {  	[dreg:$0x2] =	wrdreg s24  }
0xb0: {  	[dreg:$0x3] =	wrdreg s2  }
0xb1: {  	[dreg:$0x4] =	wrdreg s18  }
0xb2: {  	[dreg:$0x5] =	wrdreg $0x9  }
0xb3: {  	_ =	task.clear_ibuf [dreg:s8], $0x6FFFF;
	_ =	strace $0x9000004C  }
0xb4: {  	s29 =	simm.s32 $0x9;
	_ =	strace $0x8000004E  }
0xb5: {  	_ =	swait.ge [sflag:s29], $0x1  }
0xb6: {  	[sflag:s29] =	ssyncadd.s32 $0xFFFFFFFF  }
0xb7: {  	_ =	strace $0x9000004E  }
0xb8: {  	_ =	sfence  }
0xb9: {  	s30 =	sld [smem:$0x0];
	_ =	sdelay $0x2  }
0xba: {  	s31 =	sshll.u32 s1, $0xD;
	s1 =	sshrl.u32 s1, $0x2  }
0xbb: {  	s3 =	sand.u32 $0x4000, s31;
	s1 =	sadd.s32 s1, s30  }
0xbc: {  	s0 =	sor.u32 s3, s0;
	s1 =	sshll.u32 s1, $0x11  }
0xbd: {  	s0 =	sor.u32 s1, s0  }
0xbe: {  	s0 =	sadd.s32 $0x8F2B, s0  }
0xbf: {  	[sflag:s0] =	ssyncadd.remote.s32 $0x1  }
0xc0: {  	_ =	sfence.sel $0xFFFF  }
0xc1: {  	[dreg:$0x0] =	wrdreg $0xFFFFFFFF;
	(pc) =	sbr.abs _section_cstart, $3  }
0xc2: {  	[dreg:$0x1] =	wrdreg $0xFFFFFFFF  }
0xc3: {  	_ =	task.clear_ibuf [dreg:s8], $0x2FFFF;
	_ =	strace $0x9FFFFFFF  }
0xc4: {  	(tm) =	ssettm $0x7FFFFFFF  }
0xc5: {  	_ =	shalt  }
tec
execute0_lowered:
.L_overlay_start_1:
0x0: {  	(tag) =	ssettag $0x1  }
0x1: {  	s11 =	rddreg [dreg:$0x0];
	s1 =	srdreg.scid  }
0x2: {  	s3 =	rddreg [dreg:$0x1];
	s0 =	stileid.u32;
	s12 =	sand.u32 $0x1, s1  }
0x3: {  	s10 =	rddreg [dreg:$0x2];
	s4 =	sshll.u32 s0, $0x6;
	s5 =	sshll.u32 s12, $0x5  }
0x4: {  	s2 =	simm.s32 $0x0;
	s1 =	rddreg [dreg:$0x3];
	s9 =	sor.u32 s5, s4  }
0x5: {  	[smem:$0x7FF] =	sst s2;
	s13 =	sshrl.u32 s9, $0x3  }
0x6: {  	_ =	strace $0x8000004D;
	s4 =	sadd.s32 s3, s13;
	s3 =	simm.s32 $0x2  }
0x7: {  	[tilespmem:s2], [sflag:$0x2] =	stream.linear.gather [hbm4b:s4+s2], $0x20, $0x38;
	[tilespmem:$0x1080] =	vst v63  }
0x8: {  	_ =	swait.ge [sflag:s3], $0x20  }
0x9: {  	s6 =	simm.s32 $0x20;
	s7 =	simm.s32 $0x80;
	[sflag:s3] =	ssyncset.done $0x0  }
0xa: {  	s8 =	simm.s32 $0x1;
	s5 =	sadd.s32 $0x3C00, s11;
	[sflag:s3] =	ssyncadd.s32 $0xFFFFFFE0  }
0xb: {  	[tilespmem:s7], [sflag:$0x1] =	stream.indirect.gather [hbm4b:s5+s6], $0x80, s2, s6, $0xb8;
	[tilespmem:$0x1080] =	vst v63  }
0xc: {  	s9 =	sshll.u32 s9, $0x4;
	_ =	swait.ge [sflag:s8], $0x1000  }
0xd: {  	s14 =	sadd.s32 s9, s11;
	[sflag:s8] =	ssyncset.done $0x0  }
0xe: {  	s9 =	sadd.s32 $0x2BC00, s14;
	[sflag:s8] =	ssyncadd.s32 $0xFFFFF000  }
0xf: {  	[hbm4b:s9+s2] =	stream.linear.scatter [tilespmem:s7], [sflag:$0x2], $0x1000, $0x38;
	[tilespmem:$0x1080] =	vst v63  }
0x10: {  	_ =	swait.ge [sflag:s3], $0x1000  }
0x11: {  	[sflag:s3] =	ssyncset.done $0x0  }
0x12: {  	s12 =	ssub.s32 $0x2, s12;
	s10 =	sadd.s32 s10, s13;
	[sflag:s3] =	ssyncadd.s32 $0xFFFFF000  }
0x13: {  	[tilespmem:s2], [sflag:$0x2] =	stream.linear.gather [hbm4b:s10+s2], $0x20, $0x38;
	[tilespmem:$0x1080] =	vst v63  }
0x14: {  	s31 =	sshrl.u32 s12, $0x1;
	_ =	swait.ge [sflag:s3], $0x20  }
0x15: {  	s13 =	ssub.s32 s12, s31;
	[sflag:s3] =	ssyncset.done $0x0  }
0x16: {  	s11 =	sadd.s32 $0x109400, s11;
	s13 =	smax.u32 s13, $0x1;
	[sflag:s3] =	ssyncadd.s32 $0xFFFFFFE0  }
0x17: {  	[tilespmem:s7], [sflag:$0x1] =	stream.indirect.gather [hbm4b:s11+s6], $0x80, s2, s6, $0xb8;
	[tilespmem:$0x1080] =	vst v63  }
0x18: {  	p0 =	sne.s32 s13, $0x1;
	_ =	swait.ge [sflag:s8], $0x1000  }
.Ltmp0:
0x19: {  	[sflag:s8] =	ssyncset.done $0x0;
	(pc) =	sbr.rel @!p0 .LBB2_2-.Ltmp0, $4  }
0x1a: {  	s12 =	sadd.s32 $0x2FC00, s14;
	[sflag:s8] =	ssyncadd.s32 $0xFFFFF000  }
0x1b: {  	[hbm4b:s12+s2] =	stream.linear.scatter [tilespmem:s7], [sflag:$0x2], $0x1000, $0x38;
	[tilespmem:$0x1080] =	vst v63  }
0x1c: {  	_ =	swait.ge [sflag:s3], $0x1000  }
0x1d: {  	s13 =	sadd.s32 $0xFFFFFFFF, s13;
	[sflag:s3] =	ssyncset.done $0x0  }
.LBB2_1:
0x1e: {  	p0 =	sne.s32 s13, $0x1;
	s13 =	sadd.s32 $0xFFFFFFFF, s13;
	[sflag:s3] =	ssyncadd.s32 $0xFFFFF000  }
0x1f: {  	[tilespmem:s2], [sflag:$0x2] =	stream.linear.gather [hbm4b:s4+s2], $0x20, $0x38;
	[tilespmem:$0x1080] =	vst v63  }
0x20: {  	_ =	swait.ge [sflag:s3], $0x20  }
0x21: {  	[sflag:s3] =	ssyncset.done $0x0  }
0x22: {  	[sflag:s3] =	ssyncadd.s32 $0xFFFFFFE0  }
0x23: {  	[tilespmem:s7], [sflag:$0x1] =	stream.indirect.gather [hbm4b:s5+s6], $0x80, s2, s6, $0xb8;
	[tilespmem:$0x1080] =	vst v63  }
0x24: {  	_ =	swait.ge [sflag:s8], $0x1000  }
0x25: {  	[sflag:s8] =	ssyncset.done $0x0  }
0x26: {  	[sflag:s8] =	ssyncadd.s32 $0xFFFFF000  }
0x27: {  	[hbm4b:s9+s2] =	stream.linear.scatter [tilespmem:s7], [sflag:$0x2], $0x1000, $0x38;
	[tilespmem:$0x1080] =	vst v63  }
0x28: {  	_ =	swait.ge [sflag:s3], $0x1000  }
0x29: {  	[sflag:s3] =	ssyncset.done $0x0  }
0x2a: {  	[sflag:s3] =	ssyncadd.s32 $0xFFFFF000  }
0x2b: {  	[tilespmem:s2], [sflag:$0x2] =	stream.linear.gather [hbm4b:s10+s2], $0x20, $0x38;
	[tilespmem:$0x1080] =	vst v63  }
0x2c: {  	_ =	swait.ge [sflag:s3], $0x20  }
0x2d: {  	[sflag:s3] =	ssyncset.done $0x0  }
0x2e: {  	[sflag:s3] =	ssyncadd.s32 $0xFFFFFFE0  }
0x2f: {  	[tilespmem:s7], [sflag:$0x1] =	stream.indirect.gather [hbm4b:s11+s6], $0x80, s2, s6, $0xb8;
	[tilespmem:$0x1080] =	vst v63  }
0x30: {  	_ =	swait.ge [sflag:s8], $0x1000  }
.Ltmp1:
0x31: {  	[sflag:s8] =	ssyncset.done $0x0;
	(pc) =	sbr.rel @p0 .LBB2_1-.Ltmp1, $4  }
0x32: {  	[sflag:s8] =	ssyncadd.s32 $0xFFFFF000  }
0x33: {  	[hbm4b:s12+s2] =	stream.linear.scatter [tilespmem:s7], [sflag:$0x2], $0x1000, $0x38;
	[tilespmem:$0x1080] =	vst v63  }
0x34: {  	_ =	swait.ge [sflag:s3], $0x1000  }
0x35: {  	[sflag:s3] =	ssyncset.done $0x0  }
.LBB2_2:
0x36: {  	[sflag:s3] =	ssyncadd.s32 $0xFFFFF000  }
0x37: {  	_ =	sfence.sel $0x180000  }
0x38: {  	[bflag:$0x0] =	sbarrier.arrive $0xFFFF  }
0x39: {  	p0 =	sne.s32 s0, $0x0;
	_ =	strace $0x9000004D  }
0x3a: {  	s0 =	sadd.s32 @!p0 $0x100000, s1;
	[bflag:$0x2] =	sbarrier.arrive $0xFFFF  }
0x3b: {  	[sflag:s0] =	ssyncadd.tile.s32 @!p0 $0x1;
	_ =	shalt  }
.Lfunc_end2:
_tile_overlayer_lowered:
.L_overlay_start_2:
0x3c: {  	(tag) =	ssettag $0x2  }
0x3d: {  	s0 =	rddreg [dreg:$0x0];
	s2 =	stileid.u32  }
0x3e: {  	s1 =	rddreg [dreg:$0x1];
	p0 =	sne.s32 s2, $0x0  }
0x3f: {  	s3 =	rddreg [dreg:$0x2];
	[bflag:$0x3] =	sbarrier.arrive $0xFFFF;
	s2 =	simm.s32 @!p0 $0x1C02  }
0x40: {  	[timem:s3], [sflag:s2] =	dma.local @!p0 [hbm:s0], s1  }
0x41: {  	s0 =	simm.s32 @!p0 $0x2  }
0x42: {  	_ =	swait.ge @!p0 [sflag:s0], s1  }
0x43: {  	s1 =	ssub.s32 @!p0 $0x0, s1;
	[sflag:s0] =	ssyncset.done @!p0 $0x0  }
0x44: {  	[sflag:s0] =	ssyncadd.s32 @!p0 s1  }
0x45: {  	[bflag:$0x3] =	sbarrier.arrive $0xFFFF  }
0x46: {  	_ =	shalt  }

// kernel: sparse-core-data-format-call.cloned.1.call-start
scs
called_computation_lowered:
.L_overlay_start_0:
0x0: {  	s2 =	sld [smem:$0x3FD9]  }
0x1: {  	s3 =	sld [smem:$0x3FFE];
	_ =	sdelay $0x1  }
0x2: {  	s1 =	srdreg.scid  }
0x3: {  	s0 =	sand.u32 $0x1, s1  }
0x4: {  	s18 =	sshll.u32 s0, $0xA;
	s2 =	sadd.s32 s3, s2  }
0x5: {  	s2 =	sadd.s32 s2, s18  }
0x6: {  	[smem:$0x3FAF] =	sst s2  }
0x7: {  	_ = 	snop  }
0x8: {  	s2 =	sld [smem:$0x3FD0];
	(tm) =	ssettm $0x1  }
0x9: {  	s19 =	sld [smem:$0x3FFB];
	_ =	sdelay $0x3  }
0xa: {  	_ =	strace s19  }
0xb: {  	s3 =	sld [smem:$0x3FFC];
	_ =	sdelay $0x3  }
0xc: {  	_ =	strace s3  }
0xd: {  	s3 =	sld [smem:$0x3FFD];
	_ =	sdelay $0x3  }
0xe: {  	_ =	strace s3  }
0xf: {  	_ =	strace $0x8FFFFFFF  }
0x10: {  	s20 =	sld [smem:$0x3FDB];
	_ =	sdelay $0x1  }
0x11: {  	s4 =	simm.s32 $_scs_section_size  }
0x12: {  	s5 =	simm.s32 $_size__tile_overlayer_lowered;
	s6 =	simm.s32 $_tile_overlayer_lowered  }
0x13: {  	s23 =	simm.s32 $0x1BFF;
	s22 =	sshll.u32 s6, $0x1;
	s3 =	sadd.s32 s4, s20  }
0x14: {  	s7 =	simm.s32 $0x0;
	s21 =	sshll.u32 s5, $0x1;
	s5 =	sadd.s32 s22, s3  }
0x15: {  	[timem:s7], [sflag:s23] =	dma.local [hbm:s5], s21  }
0x16: {  	_ =	swait.ge [sflag:s23], s21  }
0x17: {  	s4 =	ssub.s32 $0x0, s21;
	[sflag:s23] =	ssyncset.done $0x0  }
0x18: {  	[sflag:s23] =	ssyncadd.s32 s4;
	_ =	sdelay $0x1  }
0x19: {  	s24 =	simm.s32 $0x1B8B  }
0x1a: {  	_ =	swait.ge [sflag:s24], $0x1  }
0x1b: {  	[sflag:s24] =	ssyncset.done $0x0  }
0x1c: {  	s26 =	simm.s32 $0x1B8E;
	s25 =	sld [smem:$0x3FFE];
	[sflag:s24] =	ssyncadd.s32 $0xFFFFFFFF  }
0x1d: {  	s27 =	simm.s32 $execute0_lowered;
	[smem:$0x3FD2] =	sst s26  }
0x1e: {  	s5 =	sshll.u32 s27, $0x1;
	_ =	strace $0x8000004F;
	[dreg:$0x1] =	wrdreg $0xFFFFFFFF  }
0x1f: {  	s28 =	simm.s32 $_size_execute0_lowered;
	s3 =	sadd.s32 s3, s5;
	[dreg:$0x0] =	wrdreg $0x0  }
0x20: {  	s5 =	sshll.u32 s28, $0x1;
	[dreg:$0x2] =	wrdreg s3  }
0x21: {  	[dreg:$0x3] =	wrdreg s5  }
0x22: {  	[dreg:$0x4] =	wrdreg $0xC0  }
0x23: {  	_ =	task [dreg:s7], $0x5FFFF  }
0x24: {  	[dreg:$0x1] =	wrdreg $0xFFFFFFFF  }
0x25: {  	[dreg:$0x0] =	wrdreg $0x60  }
0x26: {  	[dreg:$0x2] =	wrdreg s25  }
0x27: {  	[dreg:$0x3] =	wrdreg s2  }
0x28: {  	[dreg:$0x4] =	wrdreg $0x9  }
0x29: {  	_ =	task.clear_ibuf [dreg:s7], $0x5FFFF;
	_ =	strace $0x9000004F  }
0x2a: {  	s29 =	simm.s32 $0x9;
	_ =	strace $0x80000051  }
0x2b: {  	_ =	swait.ge [sflag:s29], $0x1  }
0x2c: {  	[sflag:s29] =	ssyncadd.s32 $0xFFFFFFFF  }
0x2d: {  	_ =	strace $0x90000051  }
0x2e: {  	_ =	sfence  }
0x2f: {  	s30 =	sld [smem:$0x0];
	_ =	sdelay $0x2  }
0x30: {  	s31 =	sshll.u32 s1, $0xD;
	s1 =	sshrl.u32 s1, $0x2  }
0x31: {  	s3 =	sand.u32 $0x4000, s31;
	s1 =	sadd.s32 s1, s30  }
0x32: {  	s0 =	sor.u32 s3, s0;
	s1 =	sshll.u32 s1, $0x11  }
0x33: {  	s0 =	sor.u32 s1, s0  }
0x34: {  	s0 =	sadd.s32 $0x8F2B, s0  }
0x35: {  	[sflag:s0] =	ssyncadd.remote.s32 $0x1  }
0x36: {  	_ =	sfence.sel $0xFFFF  }
0x37: {  	[dreg:$0x0] =	wrdreg $0xFFFFFFFF;
	(pc) =	sbr.abs _section_cstart, $3  }
0x38: {  	[dreg:$0x1] =	wrdreg $0xFFFFFFFF  }
0x39: {  	_ =	task.clear_ibuf [dreg:s7], $0x2FFFF;
	_ =	strace $0x9FFFFFFF  }
0x3a: {  	(tm) =	ssettm $0x7FFFFFFF  }
0x3b: {  	_ =	shalt  }
tec
execute0_lowered:
.L_overlay_start_1:
0x0: {  	(tag) =	ssettag $0x1  }
0x1: {  	s0 =	stileid.u32  }
0x2: {  	s2 =	srdreg.scid;
	s7 =	rddreg [dreg:$0x0]  }
0x3: {  	s6 =	simm.s32 $0x1;
	s31 =	simm.s32 $0x2;
	s16 =	simm.s32 $0x0  }
0x4: {  	s9 =	simm.s32 $0x2000;
	s15 =	simm.s32 $0x0;
	s10 =	simm.s32 $0x0  }
0x5: {  	s11 =	simm.s32 $0x0;
	s14 =	simm.s32 $0x0;
	s1 =	sshll.u32 s0, $0x7  }
0x6: {  	s3 =	sshll.u32 s0, $0x4;
	s2 =	sshll.u32 s2, $0x8;
	s1 =	sand.u32 $0x380, s1  }
0x7: {  	s7 =	sadd.s32 $0x143C00, s7;
	s2 =	sor.u32 s3, s2;
	s5 =	ssub.s32 $0x400, s1  }
0x8: {  	s3 =	rddreg [dreg:$0x1];
	s4 =	sand.u32 $0x180, s2;
	s29 =	sand.u32 $0x380, s5  }
0x9: {  	s30 =	ssub.s32 $0x2700, s4;
	s5 =	sshrl.u32 s5, $0xA;
	p0 =	sne.s32 s29, $0x0  }
.Ltmp0:
0xa: {  	s8 =	sshrl.u32 s30, $0x9;
	s6 =	simm.s32 @!p0 $0x0;
	(pc) =	sbr.rel .LBB1_1-.Ltmp0, $4  }
0xb: {  	s2 =	rddreg [dreg:$0x2];
	s8 =	sadd.s32 $0x1, s8;
	s6 =	sadd.s32 s6, s5  }
0xc: {  	_ =	strace $0x80000050;
	s5 =	simm.s32 $0x1;
	s6 =	smul.u32 s6, s8  }
0xd: {  	s13 =	smov.u32 s1;
	s12 =	smov.u32 s4;
	[sflag:s5] =	ssyncpa.u1 $0x0  }
0xe: {  	p0 =	por $0x0, $0x0;
	[sflag:s31] =	ssyncpa.u1 $0x0;
	s8 =	sadd.s32 $0x1, s6  }
.LBB1_4:
0xf: {  	s21 =	sshra.s32 s21, $0x2;
	s27 =	sshll.u32 s10, $0xA;
	s22 =	sshll.u32 s11, $0x3  }
0x10: {  	s23 =	sshll.u32 s10, $0x7;
	s24 =	sand.u32 $0x78, s11;
	p1 =	sgt.s32 s10, $0x2690  }
0x11: {  	s25 =	sshra.s32 s10, $0x1F;
	s26 =	sshra.s32 s11, $0x1F;
	s20 =	sadd.s32 s21, s20  }
0x12: {  	v5 =	vld [tilespmem:s18+$0xFFFFFFD0];
	[tilespmem:s19+$0x2040 ss:$0x81] =	vst.msk $0xffff, v4;
	s21 =	sand.u32 $0xFFFFE000, s27;
	s22 =	sand.u32 $0xFFFFFC00, s22;
	s28 =	sand.u32 $0x380, s23  }
0x13: {  	v58 =	vld [tilespmem:s18+$0xFFFFFFE0];
	[tilespmem:s19+$0x2850 ss:$0x81] =	vst.msk $0xffff, v3;
	s23 =	smov.u32 s10;
	s30 =	sand.u32 s25, s10;
	s25 =	smov.u32 s11  }
0x14: {  	v59 =	vld [tilespmem:s18+$0xFFFFFFF0];
	[tilespmem:s19+$0x3060 ss:$0x81] =	vst.msk $0xffff, v2;
	s31 =	sand.u32 s26, s11;
	s21 =	sadd.s32 s22, s21;
	s22 =	sor.u32 s24, s28  }
0x15: {  	v60 =	vld [tilespmem:s18+$0x0];
	[tilespmem:s19+$0x0 ss:$0x81] =	vst.msk $0xffff, v1;
	s23 =	simm.s32 @!p1 $0x2690;
	p1 =	sgt.s32 s11, $0x380;
	s21 =	sshrl.u32 s21, $0xA  }
0x16: {  	v61 =	vld [tilespmem:s18+$0x10];
	[tilespmem:s20+$0x3870 ss:$0x81] =	vst.msk $0xffff, v0;
	s19 =	ssub.s32 s23, s30;
	s25 =	simm.s32 @!p1 $0x380;
	s29 =	smulhi.u32 $0x1A36E3, s21  }
0x17: {  	v62 =	vld [tilespmem:s18+$0x20];
	s23 =	ssub.s32 s25, s31;
	s26 =	sadd.s32 $0xFFFFD970, s19;
	s19 =	ssub.s32 $0x2710, s19;
	[tilespmem:s20+$0x810 ss:$0x81] =	vst.msk $0xffff, v5  }
0x18: {  	v63 =	vld [tilespmem:s18+$0xFFFFFFC0];
	[tilespmem:s20+$0x1020 ss:$0x81] =	vst.msk $0xffff, v58;
	p1 =	sgt.s32 s26, $0x7F;
	s28 =	sadd.s32 $0xFFFFFC80, s23;
	s24 =	sshrl.u32 s29, $0x2  }
0x19: {  	[tilespmem:s20+$0x1830 ss:$0x81] =	vst.msk $0xffff, v59;
	s23 =	ssub.s32 $0x400, s23;
	p2 =	sgt.s32 s28, $0x7F;
	s27 =	smul.u32 $0x2710, s24  }
0x1a: {  	s30 =	sand.u32 $0x7, s11;
	[tilespmem:s20+$0x2040 ss:$0x81] =	vst.msk $0xffff, v60;
	s19 =	simm.s32 @p1 $0x0;
	s23 =	simm.s32 @p2 $0x0  }
0x1b: {  	[tilespmem:s20+$0x2850 ss:$0x81] =	vst.msk $0xffff, v61;
	s29 =	sshrl.u32 s22, $0x3;
	s19 =	smul.u32 s23, s19;
	s18 =	ssub.s32 s21, s27  }
0x1c: {  	[tilespmem:s20+$0x3060 ss:$0x81] =	vst.msk $0xffff, v62;
	s22 =	sshll.u32 s30, $0x12;
	s21 =	sadd.s32 s3, s29;
	s18 =	sshll.u32 s18, $0x7  }
0x1d: {  	[tilespmem:s20+$0x0 ss:$0x81] =	vst.msk $0xffff, v63;
	s31 =	sor.u32 $0x400, s22;
	s19 =	sand.u32 $0x3FFFFFFF, s19;
	s18 =	sadd.s32 s18, s21  }
0x1e: {  	[hbm4b:s18+s31] =	stream.strided.scatter [tilespmem:s17], [sflag:$0x2], s19, s9, s31, $0x20;
	[tilespmem:$0x10100] =	vst v63  }
.LBB1_5:
0x1f: {  	p1 =	slt.u32 s14, $0x2  }
0x20: {  	s18 =	smov.u32 s16;
	p2 =	sgt.s32 @!p1 s16, $0x2690;
	s17 =	sshra.s32 @!p1 s16, $0x1F  }
0x21: {  	p3 =	sgt.s32 @!p1 s15, $0x380;
	s19 =	sshra.s32 @!p1 s15, $0x1F;
	p2 =	por !p2, p1  }
0x22: {  	s16 =	sand.u32 @!p1 s17, s16;
	p3 =	por !p3, p1;
	s17 =	smov.u32 s15  }
0x23: {  	s15 =	sand.u32 @!p1 s19, s15;
	s18 =	simm.s32 @p2 $0x2690;
	s17 =	simm.s32 @p3 $0x380  }
0x24: {  	s16 =	ssub.s32 @!p1 s18, s16;
	s15 =	ssub.s32 @!p1 s17, s15  }
0x25: {  	s19 =	smov.u32 s13;
	s17 =	sadd.s32 @!p1 $0xFFFFD970, s16;
	s18 =	sadd.s32 @!p1 $0xFFFFFC80, s15  }
0x26: {  	s16 =	ssub.s32 @!p1 $0x2710, s16;
	p2 =	sgt.s32 @!p1 s17, $0x7F;
	p3 =	sgt.s32 @!p1 s18, $0x7F  }
0x27: {  	s15 =	ssub.s32 @!p1 $0x400, s15;
	p2 =	por !p2, p1;
	p3 =	por !p3, p1  }
0x28: {  	s17 =	sadd.s32 $0x200, s12;
	s16 =	simm.s32 @!p2 $0x0;
	s15 =	simm.s32 @!p3 $0x0  }
0x29: {  	p2 =	sgt.s32 s17, $0x270F;
	s15 =	smul.u32 @!p1 s15, s16;
	s16 =	sadd.s32 $0x400, s13  }
0x2a: {  	s19 =	smov.u32 @p2 s16  }
0x2b: {  	s17 =	smov.u32 @p2 s4;
	p2 =	sgt.s32 s19, $0x3FF  }
0x2c: {  	s19 =	smov.u32 @p2 s1;
	p2 =	sne.s32 s14, s8  }
.Ltmp1:
0x2d: {  	p0 =	por !p0, !p0;
	s18 =	simm.s32 @!p1 $0x2;
	(pc) =	sbr.rel @!p2 .LBB1_6-.Ltmp1, $4  }
0x2e: {  	s16 =	smov.u32 s10;
	s10 =	smov.u32 s12;
	s15 =	sand.u32 @!p1 $0x3FFFFFFF, s15  }
0x2f: {  	s12 =	smov.u32 s17;
	_ =	swait.ge @!p1 [sflag:s18], s15;
	s20 =	ssub.s32 @!p1 $0x0, s15  }
0x30: {  	s15 =	smov.u32 s11;
	s14 =	sadd.s32 $0x1, s14;
	[sflag:s18] =	ssyncset.done @!p1 $0x0  }
0x31: {  	s11 =	smov.u32 s13;
	s13 =	smov.u32 s19;
	[sflag:s18] =	ssyncadd.s32 @!p1 s20  }
.LBB1_1:
0x32: {  	p1 =	sge.u32 s14, s6  }
0x33: {  	s17 =	sshrl.u32 @!p1 s13, $0x3  }
0x34: {  	s18 =	sshll.u32 @!p1 s12, $0x3;
	s17 =	smul.u32 @!p1 $0x13C00, s17  }
0x35: {  	s19 =	sshll.u32 @!p1 s13, $0x7;
	s18 =	sand.u32 @!p1 $0xFFFFFC00, s18  }
0x36: {  	s17 =	sadd.s32 @!p1 s17, s18;
	s18 =	sand.u32 @!p1 $0x380, s19  }
0x37: {  	s19 =	sand.u32 @!p1 $0x7F, s12;
	s17 =	sor.u32 @!p1 s18, s17  }
0x38: {  	s18 =	sor.u32 @!p1 s19, s17  }
0x39: {  	s19 =	smulhi.u32 @!p1 $0xCF6474A9, s18;
	_ =	sdelay $0x1  }
0x3a: {  	s17 =	smulhi.u32 @!p1 $0xCF6474A9, s17;
	s19 =	sshrl.u32 @!p1 s19, $0xD  }
0x3b: {  	s19 =	smul.u32 @!p1 $0x2780, s19  }
0x3c: {  	s31 =	sadd.s32 $0xFFFFFFFF, s14;
	s20 =	sxor.u32 @!p1 $0xFFFFFFFF, s14;
	s17 =	sshrl.u32 @!p1 s17, $0xD  }
0x3d: {  	s20 =	sshll.u32 @!p1 s20, $0xE;
	s17 =	sand.u32 @!p1 $0x3FF, s17;
	s18 =	ssub.s32 @!p1 s18, s19  }
0x3e: {  	s17 =	smul.u32 @!p1 $0x4F0, s17;
	s19 =	sshrl.u32 @!p1 s18, $0x3;
	s18 =	sand.u32 @!p1 $0x7, s18  }
0x3f: {  	s20 =	sand.u32 @!p1 $0x4000, s20;
	s19 =	sadd.s32 @!p1 s7, s19;
	s18 =	sshll.u32 @!p1 s18, $0x12  }
0x40: {  	s17 =	sadd.s32 @!p1 s17, s19;
	s18 =	sor.u32 @!p1 $0x400, s18;
	s19 =	simm.s32 @!p1 $0x13C00  }
0x41: {  	[tilespmem:s20], [sflag:$0x1] =	stream.strided.gather @!p1 [hbm4b:s17+s18], $0x4000, s19, s18, $0x38;
	[tilespmem:$0x10100] =	vst v63  }
0x42: {  	p1 =	sge.u32 s31, s6  }
.Ltmp2:
0x43: {  	_ = 	snop;
	(pc) =	sbr.rel @p1 .LBB1_5-.Ltmp2, $1  }
0x44: {  	_ =	sdelay $0x3  }
0x45: {  	s17 =	simm.s32 $0x1  }
0x46: {  	_ =	swait.ge [sflag:s5], $0x4000;
	s17 =	simm.s32 @!p0 $0x0  }
0x47: {  	[sflag:s5] =	ssyncset.done $0x0;
	s18 =	sshll.u32 s17, $0xE  }
0x48: {  	[sflag:s5] =	ssyncadd.s32 $0xFFFFC000;
	s18 =	sor.u32 $0x40, s18  }
0x49: {  	s17 =	smul.u32 $0x10200, s17;
	v0 =	vld [tilespmem:s18+$0x30]  }
0x4a: {  	v1 =	vld [tilespmem:s18+$0xFFFFFFD0]  }
0x4b: {  	s17 =	sshrl.u32 s17, $0x2;
	v5 =	vld [tilespmem:s18+$0xFFFFFFE0]  }
0x4c: {  	v6 =	vld [tilespmem:s18+$0xFFFFFFF0];
	s20 =	sor.u32 $0x8000, s17  }
0x4d: {  	s31 =	sand.u32 $0x1, s14;
	v4 =	vld [tilespmem:s18+$0x0];
	s19 =	sadd.s32 $0x0, s20  }
0x4e: {  	v3 =	vld [tilespmem:s18+$0x10];
	s17 =	smul.u32 $0x10200, s31;
	[tilespmem:s19+$0x3870 ss:$0x81] =	vst.msk $0xffff, v0  }
0x4f: {  	v2 =	vld [tilespmem:s18+$0x20];
	[tilespmem:s19+$0x810 ss:$0x81] =	vst.msk $0xffff, v1  }
0x50: {  	s17 =	sshrl.u32 s17, $0x2;
	v1 =	vld [tilespmem:s18+$0xFFFFFFC0];
	[tilespmem:s19+$0x1020 ss:$0x81] =	vst.msk $0xffff, v5;
	s18 =	sadd.s32 $0x80, s18  }
0x51: {  	s21 =	simm.s32 $0x4;
	s22 =	simm.s32 $0x8;
	s17 =	sor.u32 $0x8000, s17;
	[tilespmem:s19+$0x1830 ss:$0x81] =	vst.msk $0xffff, v6;
	v0 =	vld [tilespmem:s18+$0x30]  }
.LBB1_3:
0x52: {  	p1 =	sne.s32 s22, $0x1FC;
	v5 =	vld [tilespmem:s18+$0xFFFFFFD0];
	[tilespmem:s19+$0x2040 ss:$0x81] =	vst.msk $0xffff, v4  }
0x53: {  	v6 =	vld [tilespmem:s18+$0xFFFFFFE0];
	[tilespmem:s19+$0x2850 ss:$0x81] =	vst.msk $0xffff, v3  }
0x54: {  	s23 =	sshra.s32 s21, $0x2;
	s21 =	smov.u32 s22;
	v7 =	vld [tilespmem:s18+$0xFFFFFFF0];
	[tilespmem:s19+$0x3060 ss:$0x81] =	vst.msk $0xffff, v2  }
.Ltmp3:
0x55: {  	v4 =	vld [tilespmem:s18+$0x0];
	[tilespmem:s19+$0x0 ss:$0x81] =	vst.msk $0xffff, v1;
	s19 =	sadd.s32 s23, s20;
	(pc) =	sbr.rel @p1 .LBB1_3-.Ltmp3, $4  }
0x56: {  	v3 =	vld [tilespmem:s18+$0x10];
	[tilespmem:s19+$0x3870 ss:$0x81] =	vst.msk $0xffff, v0  }
0x57: {  	[tilespmem:s19+$0x810 ss:$0x81] =	vst.msk $0xffff, v5;
	v2 =	vld [tilespmem:s18+$0x20]  }
0x58: {  	v1 =	vld [tilespmem:s18+$0xFFFFFFC0];
	[tilespmem:s19+$0x1020 ss:$0x81] =	vst.msk $0xffff, v6;
	s18 =	sadd.s32 $0x80, s18  }
0x59: {  	s22 =	sadd.s32 $0x4, s22;
	v0 =	vld [tilespmem:s18+$0x30];
	[tilespmem:s19+$0x1830 ss:$0x81] =	vst.msk $0xffff, v7  }
.Ltmp4:
0x5a: {  	_ = 	snop;
	(pc) =	sbr.rel .LBB1_4-.Ltmp4, $1  }
0x5b: {  	_ =	sdelay $0x3  }
.LBB1_6:
0x5c: {  	_ =	sfence.sel $0x180000  }
0x5d: {  	s1 =	simm.s32 $0x1;
	[bflag:$0x0] =	sbarrier.arrive $0xFFFF  }
0x5e: {  	s31 =	simm.s32 $0x2;
	[sflag:s1] =	ssyncpa.u1 $0x1  }
0x5f: {  	[sflag:s31] =	ssyncpa.u1 $0x1  }
0x60: {  	p0 =	sne.s32 s0, $0x0;
	_ =	strace $0x90000050  }
0x61: {  	s0 =	sadd.s32 @!p0 $0x100000, s2;
	[bflag:$0x2] =	sbarrier.arrive $0xFFFF  }
0x62: {  	[sflag:s0] =	ssyncadd.tile.s32 @!p0 $0x1;
	_ =	shalt  }
.Lfunc_end1:
_tile_overlayer_lowered:
.L_overlay_start_2:
0x63: {  	(tag) =	ssettag $0x2  }
0x64: {  	s0 =	rddreg [dreg:$0x0];
	s2 =	stileid.u32  }
0x65: {  	s1 =	rddreg [dreg:$0x1];
	p0 =	sne.s32 s2, $0x0  }
0x66: {  	s3 =	rddreg [dreg:$0x2];
	[bflag:$0x3] =	sbarrier.arrive $0xFFFF;
	s2 =	simm.s32 @!p0 $0x1C01  }
0x67: {  	[timem:s3], [sflag:s2] =	dma.local @!p0 [hbm:s0], s1  }
0x68: {  	s0 =	simm.s32 @!p0 $0x1  }
0x69: {  	_ =	swait.ge @!p0 [sflag:s0], s1  }
0x6a: {  	s1 =	ssub.s32 @!p0 $0x0, s1;
	[sflag:s0] =	ssyncset.done @!p0 $0x0  }
0x6b: {  	[sflag:s0] =	ssyncadd.s32 @!p0 s1  }
0x6c: {  	[bflag:$0x3] =	sbarrier.arrive $0xFFFF  }
0x6d: {  	_ =	shalt  }

</sc_bundles>
